<compile_context>
chip_gen: v7x
topology: tpu7x:2x2x1
jax: 0.10.2.dev20260603
libtpu: 0.0.44.dev20260713+nightly
codegen_flags: <defaults>
</compile_context>

<pallas_src>
import functools

import jax
import jax.numpy as jnp
from jax import lax
from jax.experimental import pallas as pl
from jax.experimental.pallas import tpu as pltpu
from jax.experimental.pallas import tpu_sc as plsc

N_EXPERTS = 256
N_GROUP = 8
GROUP_SIZE = N_EXPERTS // N_GROUP
TOPK_GROUP = 4
TOP_K = 8
ROUTED_SCALING = 2.5
NUM_TOKENS = 8192

NC = 2
NS = 16
L = 16
NW = NC * NS

SC_TOKENS = 5632
TC_TOKENS = NUM_TOKENS - SC_TOKENS
TPW = SC_TOKENS // NW
NBLK = TPW // L

BT = 256

_NEG = float("-inf")


def _sig(x):
    return 1.0 / (1.0 + jnp.exp(-x))



def _sc_body(x_hbm, oi_hbm, ow_hbm, xv, oi_v, ow_v):
    wid = lax.axis_index("s") * NC + lax.axis_index("c")
    base = wid * TPW
    pltpu.sync_copy(x_hbm.at[pl.ds(base, TPW), :], xv)

    lane = lax.broadcasted_iota(jnp.int32, (L,), 0)

    def block_body(b, blk_carry):
        rows = b * L + lane

        gs = []
        for g in range(N_GROUP):
            def g_body(e, mm, g=g, rows=rows):
                m1, m2 = mm
                col = jnp.full((L,), g * GROUP_SIZE, jnp.int32) + jnp.full(
                    (L,), e, jnp.int32)
                v = plsc.load_gather(xv, [rows, col])
                new_m1 = jnp.maximum(m1, v)
                new_m2 = jnp.maximum(m2, jnp.minimum(m1, v))
                return (new_m1, new_m2)

            m1, m2 = plsc.parallel_loop(
                0, GROUP_SIZE, unroll=8,
                carry=(jnp.full((L,), _NEG, jnp.float32),
                       jnp.full((L,), _NEG, jnp.float32)))(g_body)
            gs.append(_sig(m1) + _sig(m2))

        chosen = []
        for g in range(N_GROUP):
            rank = jnp.zeros((L,), jnp.float32)
            for h in range(N_GROUP):
                if h == g:
                    continue
                beat = (gs[h] >= gs[g]) if h < g else (gs[h] > gs[g])
                rank = rank + jnp.where(beat, 1.0, 0.0)
            chosen.append(rank < float(TOPK_GROUP))

        t = [jnp.full((L,), _NEG, jnp.float32) for _ in range(TOP_K)]
        ix = [jnp.zeros((L,), jnp.int32) for _ in range(TOP_K)]
        for g in range(N_GROUP):
            def ins_body(e, carry, g=g, rows=rows, ch=chosen[g]):
                t = list(carry[:TOP_K])
                ix = list(carry[TOP_K:])
                col = jnp.full((L,), g * GROUP_SIZE, jnp.int32) + jnp.full(
                    (L,), e, jnp.int32)
                v = plsc.load_gather(xv, [rows, col])
                vm = jnp.where(ch, v, _NEG)
                c = [vm > t[p] for p in range(TOP_K)]
                nt = [jnp.where(c[0], vm, t[0])]
                ni = [jnp.where(c[0], col, ix[0])]
                for p in range(1, TOP_K):
                    nt.append(jnp.where(
                        c[p], jnp.where(c[p - 1], t[p - 1], vm), t[p]))
                    ni.append(jnp.where(
                        c[p], jnp.where(c[p - 1], ix[p - 1], col), ix[p]))
                return tuple(nt) + tuple(ni)

            carry = plsc.parallel_loop(
                0, GROUP_SIZE, unroll=4,
                carry=tuple(t) + tuple(ix))(ins_body)
            t = list(carry[:TOP_K])
            ix = list(carry[TOP_K:])

        sv = [_sig(t[p]) for p in range(TOP_K)]
        ssum = sv[0]
        for p in range(1, TOP_K):
            ssum = ssum + sv[p]
        scale = ROUTED_SCALING / (ssum + 1e-20)
        for p in range(TOP_K):
            colp = jnp.full((L,), p, jnp.int32)
            plsc.store_scatter(oi_v, [rows, colp], ix[p])
            plsc.store_scatter(ow_v, [rows, colp], sv[p] * scale)
        return blk_carry

    lax.fori_loop(0, NBLK, block_body, 0)

    pltpu.sync_copy(oi_v, oi_hbm.at[pl.ds(base, TPW), :])
    pltpu.sync_copy(ow_v, ow_hbm.at[pl.ds(base, TPW), :])


_sc_router = functools.partial(
    pl.kernel,
    out_type=[
        jax.ShapeDtypeStruct((SC_TOKENS, TOP_K), jnp.int32),
        jax.ShapeDtypeStruct((SC_TOKENS, TOP_K), jnp.float32),
    ],
    mesh=plsc.VectorSubcoreMesh(core_axis_name="c", subcore_axis_name="s",
                                num_cores=NC, num_subcores=NS),
    compiler_params=pltpu.CompilerParams(use_tc_tiling_on_sc=True,
                                         needs_layout_passes=False),
    scratch_types=[
        pltpu.VMEM((TPW, N_EXPERTS), jnp.float32),
        pltpu.VMEM((TPW, TOP_K), jnp.int32),
        pltpu.VMEM((TPW, TOP_K), jnp.float32),
    ],
)(_sc_body)



def _tc_block(x_ref, b_ref, idx_ref, w_ref):
    x = x_ref[...]
    s = 1.0 / (1.0 + jnp.exp(-x))
    bias = jnp.broadcast_to(b_ref[0:1, :], (BT, N_EXPERTS))
    sc = s + bias

    e_iota = lax.broadcasted_iota(jnp.int32, (BT, N_EXPERTS), 1)
    g_of_e = lax.shift_right_logical(e_iota, 5)

    neg_inf = jnp.float32(-jnp.inf)
    gs_cols = []
    for g in range(N_GROUP):
        xg = jnp.where(g_of_e == g, sc, neg_inf)
        m1 = jnp.max(xg, axis=-1, keepdims=True)
        im = jnp.where(xg == m1, e_iota, N_EXPERTS)
        l1 = jnp.min(im, axis=-1, keepdims=True)
        xg2 = jnp.where(e_iota == l1, neg_inf, xg)
        m2 = jnp.max(xg2, axis=-1, keepdims=True)
        gs_cols.append(m1 + m2)
    gs = jnp.concatenate(gs_cols, axis=1)

    a = gs[:, None, :]
    b = gs[:, :, None]
    h_iota = lax.broadcasted_iota(jnp.int32, (BT, N_GROUP, N_GROUP), 2)
    g_iota = lax.broadcasted_iota(jnp.int32, (BT, N_GROUP, N_GROUP), 1)
    beats = (a > b) | ((a == b) & (h_iota < g_iota))
    rank = jnp.sum(jnp.where(beats, 1.0, 0.0), axis=2)

    rk = jnp.zeros((BT, N_EXPERTS), dtype=jnp.float32)
    for g in range(N_GROUP):
        rg = jnp.broadcast_to(rank[:, g:g + 1], (BT, N_EXPERTS))
        rk = jnp.where(g_of_e == g, rg, rk)
    work = jnp.where(rk < float(TOPK_GROUP), sc, 0.0)

    idx_cols, sv_cols = [], []
    for _ in range(TOP_K):
        m = jnp.max(work, axis=-1, keepdims=True)
        im = jnp.where(work == m, e_iota, N_EXPERTS)
        l = jnp.min(im, axis=-1, keepdims=True)
        onehot = e_iota == l
        sv = jnp.sum(jnp.where(onehot, s, 0.0), axis=-1, keepdims=True)
        idx_cols.append(l)
        sv_cols.append(sv)
        work = jnp.where(onehot, neg_inf, work)
    idx = jnp.concatenate(idx_cols, axis=1)
    w = jnp.concatenate(sv_cols, axis=1)
    w = w / (jnp.sum(w, axis=-1, keepdims=True) + 1e-20) * ROUTED_SCALING

    idx_ref[...] = idx
    w_ref[...] = w


def _tc_router(router_logits, bias2d):
    grid = (TC_TOKENS // BT,)
    off = SC_TOKENS // BT
    return pl.pallas_call(
        _tc_block,
        grid=grid,
        in_specs=[
            pl.BlockSpec((BT, N_EXPERTS), lambda i: (i + off, 0)),
            pl.BlockSpec((8, N_EXPERTS), lambda i: (0, 0)),
        ],
        out_specs=[
            pl.BlockSpec((BT, TOP_K), lambda i: (i, 0)),
            pl.BlockSpec((BT, TOP_K), lambda i: (i, 0)),
        ],
        out_shape=[
            jax.ShapeDtypeStruct((TC_TOKENS, TOP_K), jnp.int32),
            jax.ShapeDtypeStruct((TC_TOKENS, TOP_K), jnp.float32),
        ],
    )(router_logits, bias2d)


@jax.jit
def kernel(router_logits, correction_bias):
    bias2d = jnp.broadcast_to(correction_bias[None, :], (8, N_EXPERTS))
    i_sc, w_sc = _sc_router(router_logits)
    i_tc, w_tc = _tc_router(router_logits, bias2d)
    idx = jnp.concatenate([i_sc, i_tc], axis=0)
    w = jnp.concatenate([w_sc, w_tc], axis=0)
    return idx, w

# --- scband reference (transcript-rebuilt; emitter-appended) ---
"""Pipeline reference for scband-deepseek-v3-topk-router-88106959110535 (READ-ONLY COPY).

The authoritative reference and input builder live on the scoring server;
editing this copy changes nothing except your own understanding.
"""

import jax, jax.numpy as jnp
import numpy as np

N_EXPERTS = 256
N_GROUP = 8
TOPK_GROUP = 4
TOP_K = 8
ROUTED_SCALING = 2.5
NUM_TOKENS = 8192


def setup_inputs(seed: int = 0):
    key = jax.random.key(seed)
    router_logits = jax.random.normal(key, (NUM_TOKENS, N_EXPERTS), dtype=jnp.float32)
    correction_bias = jnp.zeros((N_EXPERTS,), dtype=jnp.float32)
    return {"router_logits": router_logits, "correction_bias": correction_bias}


def _get_topk_indices(scores, correction_bias):
    # scores: [T, 256]; correction bias added only for expert choice
    scores_for_choice = scores.reshape(-1, N_EXPERTS) + correction_bias[None, :]
    grp = scores_for_choice.reshape(-1, N_GROUP, N_EXPERTS // N_GROUP)
    top2_vals, _ = jax.lax.top_k(grp, 2)
    group_scores = top2_vals.sum(axis=-1)  # [T, n_group]
    _, group_idx = jax.lax.top_k(group_scores, TOPK_GROUP)
    rows = jnp.arange(group_scores.shape[0])[:, None]
    group_mask = jnp.zeros_like(group_scores).at[rows, group_idx].set(1.0)
    # torch expand(-1, n_group, E//g).reshape == repeat each group flag E//g times
    score_mask = jnp.repeat(group_mask, N_EXPERTS // N_GROUP, axis=-1)
    masked = jnp.where(score_mask.astype(bool), scores_for_choice, 0.0)
    _, topk_indices = jax.lax.top_k(masked, TOP_K)
    return topk_indices


def reference(router_logits, correction_bias):
    scores = jax.nn.sigmoid(router_logits).astype(jnp.float32)
    # get_topk_indices runs under torch.no_grad -> stop_gradient on index path
    topk_indices = _get_topk_indices(jax.lax.stop_gradient(scores), correction_bias)
    topk_weights = jnp.take_along_axis(scores, topk_indices, axis=1)
    denominator = jnp.sum(topk_weights, axis=-1, keepdims=True) + 1e-20
    topk_weights = topk_weights / denominator
    topk_weights = topk_weights * ROUTED_SCALING
    return (topk_indices, topk_weights)

if __name__ == "__main__":
    import jax
    _d = setup_inputs()
    print(jax.jit(kernel)(*tuple(_d.values())))

</pallas_src>

<mosaic_0001>
#map = affine_map<(d0, d1) -> (0, 0)>
module attributes {stable_mosaic.version = 14 : i64} {
  func.func @_sc_body(%arg0: i32, %arg1: i32, %arg2: memref<8192x256xf32, #tpu.memory_space<hbm>>, %arg3: memref<5632x8xi32, #tpu.memory_space<hbm>>, %arg4: memref<5632x8xf32, #tpu.memory_space<hbm>>, %arg5: memref<176x256xf32, #tpu.memory_space<vmem>>, %arg6: memref<176x8xi32, #tpu.memory_space<vmem>>, %arg7: memref<176x8xf32, #tpu.memory_space<vmem>>) attributes {dimension_semantics = [#tpu.dimension_semantics<core_parallel>, #tpu.dimension_semantics<subcore_parallel>], iteration_bounds = array<i64: 2, 16>, scalar_prefetch = 0 : i64, scratch_operands = 3 : i64, tpu.core_type = #tpu.core_type<sc_vector_subcore>, window_params = [{transform_indices = #map}, {transform_indices = #map}, {transform_indices = #map}]} {
    %mul3A = arith.constant 2 : i32
    %mul3A_0 = arith.muli %arg1, %mul3A : i32
    %add3A = arith.addi %mul3A_0, %arg0 : i32
    %mul3A_1 = arith.constant 176 : i32
    %mul3A_2 = arith.muli %add3A, %mul3A_1 : i32
    "tpu.region"() ({
      %run_scoped3A = tpu.sem_alloc : memref<!tpu.dma_semaphore, #tpu.memory_space<semaphore_mem>>
      %dma_start3A = arith.constant 0 : i32
      %dma_start3A_8 = tpu.memref_slice %arg2[%mul3A_2, %dma_start3A] : memref<8192x256xf32, #tpu.memory_space<hbm>> -> memref<176x256xf32, #tpu.memory_space<hbm>>
      %dma_start3A_9 = arith.constant 0 : i32
      %dma_start3A_10 = tpu.memref_slice %arg2[%mul3A_2, %dma_start3A_9] : memref<8192x256xf32, #tpu.memory_space<hbm>> -> memref<176x256xf32, #tpu.memory_space<hbm>>
      tpu.enqueue_dma source(%dma_start3A_10 : memref<176x256xf32, #tpu.memory_space<hbm>>) target(%arg5 : memref<176x256xf32, #tpu.memory_space<vmem>>) target_semaphore(%run_scoped3A : memref<!tpu.dma_semaphore, #tpu.memory_space<semaphore_mem>>)
      %dma_wait3A = arith.constant 0 : i32
      %dma_wait3A_11 = tpu.memref_slice %arg2[%mul3A_2, %dma_wait3A] : memref<8192x256xf32, #tpu.memory_space<hbm>> -> memref<176x256xf32, #tpu.memory_space<hbm>>
      %dma_wait3A_12 = arith.constant 0 : i32
      %dma_wait3A_13 = tpu.memref_slice %arg2[%mul3A_2, %dma_wait3A_12] : memref<8192x256xf32, #tpu.memory_space<hbm>> -> memref<176x256xf32, #tpu.memory_space<hbm>>
      tpu.wait_dma2 semaphore(%run_scoped3A : memref<!tpu.dma_semaphore, #tpu.memory_space<semaphore_mem>>) src(%dma_wait3A_13 : memref<176x256xf32, #tpu.memory_space<hbm>>) dst(%arg5 : memref<176x256xf32, #tpu.memory_space<vmem>>)
      tpu.yield
    }) : () -> ()
    %iota3A = tpu.iota {dimensions = array<i32: 0>} : vector<16xi32>
    %scan3A = arith.constant 0 : i32
    %scan3A_3 = arith.constant 0 : i32
    %scan3A_4 = arith.constant 11 : i32
    %scan3A_5 = arith.addi %scan3A_3, %scan3A_4 : i32
    %scan3A_6 = arith.constant 1 : i32
    scf.for %scan3A_8 = %scan3A_3 to %scan3A_5 step %scan3A_6  : i32 {
      %mul3A_9 = arith.constant 16 : i32
      %mul3A_10 = arith.muli %scan3A_8, %mul3A_9 : i32
      %add3A_11 = vector.broadcast %mul3A_10 : i32 to vector<16xi32>
      %add3A_12 = arith.addi %add3A_11, %iota3A : vector<16xi32>
      %broadcast_in_dim3A = arith.constant 0xFF800000 : f32
      %broadcast_in_dim3A_13 = vector.broadcast %broadcast_in_dim3A : f32 to vector<16xf32>
      %broadcast_in_dim3A_14 = arith.constant 0xFF800000 : f32
      %broadcast_in_dim3A_15 = vector.broadcast %broadcast_in_dim3A_14 : f32 to vector<16xf32>
      %parallel_loop3A = arith.constant 0 : i32
      %parallel_loop3A_16 = arith.constant 32 : i32
      %parallel_loop3A_17 = arith.constant 1 : i32
      %parallel_loop3A_18:2 = scf.for %parallel_loop3A_848 = %parallel_loop3A to %parallel_loop3A_16 step %parallel_loop3A_17 iter_args(%parallel_loop3A_849 = %broadcast_in_dim3A_13, %parallel_loop3A_850 = %broadcast_in_dim3A_15) -> (vector<16xf32>, vector<16xf32>)  : i32 {
        %parallel_loop3A_851 = arith.constant 0 : i32
        %parallel_loop3A_852 = vector.broadcast %parallel_loop3A_851 : i32 to vector<16xi32>
        %parallel_loop3A_853 = vector.broadcast %parallel_loop3A_848 : i32 to vector<16xi32>
        %parallel_loop3A_854 = arith.addi %parallel_loop3A_852, %parallel_loop3A_853 : vector<16xi32>
        %parallel_loop3A_855 = tpu.vector_load_idx %arg5[%add3A_12, %parallel_loop3A_854] : memref<176x256xf32, #tpu.memory_space<vmem>>[vector<16xi32>, vector<16xi32>], vector<16xf32>,
        %parallel_loop3A_856 = arith.maximumf %parallel_loop3A_849, %parallel_loop3A_855 : vector<16xf32>
        %parallel_loop3A_857 = arith.minimumf %parallel_loop3A_849, %parallel_loop3A_855 : vector<16xf32>
        %parallel_loop3A_858 = arith.maximumf %parallel_loop3A_850, %parallel_loop3A_857 : vector<16xf32>
        scf.yield %parallel_loop3A_856, %parallel_loop3A_858 : vector<16xf32>, vector<16xf32>
      } {sc.loop_unroll_factor = 8 : i64, sc.parallel_access}
      %neg3A = arith.constant 0.000000e+00 : f32
      %neg3A_19 = vector.broadcast %neg3A : f32 to vector<16xf32>
      %neg3A_20 = arith.subf %neg3A_19, %parallel_loop3A_18#0 : vector<16xf32>
      %exp3A = math.exp %neg3A_20 : vector<16xf32>
      %add3A_21 = arith.constant 1.000000e+00 : f32
      %add3A_22 = vector.broadcast %add3A_21 : f32 to vector<16xf32>
      %add3A_23 = arith.addf %add3A_22, %exp3A : vector<16xf32>
      %div3A = arith.constant 1.000000e+00 : f32
      %div3A_24 = vector.broadcast %div3A : f32 to vector<16xf32>
      %div3A_25 = arith.divf %div3A_24, %add3A_23 : vector<16xf32>
      %neg3A_26 = arith.constant 0.000000e+00 : f32
      %neg3A_27 = vector.broadcast %neg3A_26 : f32 to vector<16xf32>
      %neg3A_28 = arith.subf %neg3A_27, %parallel_loop3A_18#1 : vector<16xf32>
      %exp3A_29 = math.exp %neg3A_28 : vector<16xf32>
      %add3A_30 = arith.constant 1.000000e+00 : f32
      %add3A_31 = vector.broadcast %add3A_30 : f32 to vector<16xf32>
      %add3A_32 = arith.addf %add3A_31, %exp3A_29 : vector<16xf32>
      %div3A_33 = arith.constant 1.000000e+00 : f32
      %div3A_34 = vector.broadcast %div3A_33 : f32 to vector<16xf32>
      %div3A_35 = arith.divf %div3A_34, %add3A_32 : vector<16xf32>
      %add3A_36 = arith.addf %div3A_25, %div3A_35 : vector<16xf32>
      %broadcast_in_dim3A_37 = arith.constant 0xFF800000 : f32
      %broadcast_in_dim3A_38 = vector.broadcast %broadcast_in_dim3A_37 : f32 to vector<16xf32>
      %broadcast_in_dim3A_39 = arith.constant 0xFF800000 : f32
      %broadcast_in_dim3A_40 = vector.broadcast %broadcast_in_dim3A_39 : f32 to vector<16xf32>
      %parallel_loop3A_41 = arith.constant 0 : i32
      %parallel_loop3A_42 = arith.constant 32 : i32
      %parallel_loop3A_43 = arith.constant 1 : i32
      %parallel_loop3A_44:2 = scf.for %parallel_loop3A_848 = %parallel_loop3A_41 to %parallel_loop3A_42 step %parallel_loop3A_43 iter_args(%parallel_loop3A_849 = %broadcast_in_dim3A_38, %parallel_loop3A_850 = %broadcast_in_dim3A_40) -> (vector<16xf32>, vector<16xf32>)  : i32 {
        %parallel_loop3A_851 = arith.constant 32 : i32
        %parallel_loop3A_852 = vector.broadcast %parallel_loop3A_851 : i32 to vector<16xi32>
        %parallel_loop3A_853 = vector.broadcast %parallel_loop3A_848 : i32 to vector<16xi32>
        %parallel_loop3A_854 = arith.addi %parallel_loop3A_852, %parallel_loop3A_853 : vector<16xi32>
        %parallel_loop3A_855 = tpu.vector_load_idx %arg5[%add3A_12, %parallel_loop3A_854] : memref<176x256xf32, #tpu.memory_space<vmem>>[vector<16xi32>, vector<16xi32>], vector<16xf32>,
        %parallel_loop3A_856 = arith.maximumf %parallel_loop3A_849, %parallel_loop3A_855 : vector<16xf32>
        %parallel_loop3A_857 = arith.minimumf %parallel_loop3A_849, %parallel_loop3A_855 : vector<16xf32>
        %parallel_loop3A_858 = arith.maximumf %parallel_loop3A_850, %parallel_loop3A_857 : vector<16xf32>
        scf.yield %parallel_loop3A_856, %parallel_loop3A_858 : vector<16xf32>, vector<16xf32>
      } {sc.loop_unroll_factor = 8 : i64, sc.parallel_access}
      %neg3A_45 = arith.constant 0.000000e+00 : f32
      %neg3A_46 = vector.broadcast %neg3A_45 : f32 to vector<16xf32>
      %neg3A_47 = arith.subf %neg3A_46, %parallel_loop3A_44#0 : vector<16xf32>
      %exp3A_48 = math.exp %neg3A_47 : vector<16xf32>
      %add3A_49 = arith.constant 1.000000e+00 : f32
      %add3A_50 = vector.broadcast %add3A_49 : f32 to vector<16xf32>
      %add3A_51 = arith.addf %add3A_50, %exp3A_48 : vector<16xf32>
      %div3A_52 = arith.constant 1.000000e+00 : f32
      %div3A_53 = vector.broadcast %div3A_52 : f32 to vector<16xf32>
      %div3A_54 = arith.divf %div3A_53, %add3A_51 : vector<16xf32>
      %neg3A_55 = arith.constant 0.000000e+00 : f32
      %neg3A_56 = vector.broadcast %neg3A_55 : f32 to vector<16xf32>
      %neg3A_57 = arith.subf %neg3A_56, %parallel_loop3A_44#1 : vector<16xf32>
      %exp3A_58 = math.exp %neg3A_57 : vector<16xf32>
      %add3A_59 = arith.constant 1.000000e+00 : f32
      %add3A_60 = vector.broadcast %add3A_59 : f32 to vector<16xf32>
      %add3A_61 = arith.addf %add3A_60, %exp3A_58 : vector<16xf32>
      %div3A_62 = arith.constant 1.000000e+00 : f32
      %div3A_63 = vector.broadcast %div3A_62 : f32 to vector<16xf32>
      %div3A_64 = arith.divf %div3A_63, %add3A_61 : vector<16xf32>
      %add3A_65 = arith.addf %div3A_54, %div3A_64 : vector<16xf32>
      %broadcast_in_dim3A_66 = arith.constant 0xFF800000 : f32
      %broadcast_in_dim3A_67 = vector.broadcast %broadcast_in_dim3A_66 : f32 to vector<16xf32>
      %broadcast_in_dim3A_68 = arith.constant 0xFF800000 : f32
      %broadcast_in_dim3A_69 = vector.broadcast %broadcast_in_dim3A_68 : f32 to vector<16xf32>
      %parallel_loop3A_70 = arith.constant 0 : i32
      %parallel_loop3A_71 = arith.constant 32 : i32
      %parallel_loop3A_72 = arith.constant 1 : i32
      %parallel_loop3A_73:2 = scf.for %parallel_loop3A_848 = %parallel_loop3A_70 to %parallel_loop3A_71 step %parallel_loop3A_72 iter_args(%parallel_loop3A_849 = %broadcast_in_dim3A_67, %parallel_loop3A_850 = %broadcast_in_dim3A_69) -> (vector<16xf32>, vector<16xf32>)  : i32 {
        %parallel_loop3A_851 = arith.constant 64 : i32
        %parallel_loop3A_852 = vector.broadcast %parallel_loop3A_851 : i32 to vector<16xi32>
        %parallel_loop3A_853 = vector.broadcast %parallel_loop3A_848 : i32 to vector<16xi32>
        %parallel_loop3A_854 = arith.addi %parallel_loop3A_852, %parallel_loop3A_853 : vector<16xi32>
        %parallel_loop3A_855 = tpu.vector_load_idx %arg5[%add3A_12, %parallel_loop3A_854] : memref<176x256xf32, #tpu.memory_space<vmem>>[vector<16xi32>, vector<16xi32>], vector<16xf32>,
        %parallel_loop3A_856 = arith.maximumf %parallel_loop3A_849, %parallel_loop3A_855 : vector<16xf32>
        %parallel_loop3A_857 = arith.minimumf %parallel_loop3A_849, %parallel_loop3A_855 : vector<16xf32>
        %parallel_loop3A_858 = arith.maximumf %parallel_loop3A_850, %parallel_loop3A_857 : vector<16xf32>
        scf.yield %parallel_loop3A_856, %parallel_loop3A_858 : vector<16xf32>, vector<16xf32>
      } {sc.loop_unroll_factor = 8 : i64, sc.parallel_access}
      %neg3A_74 = arith.constant 0.000000e+00 : f32
      %neg3A_75 = vector.broadcast %neg3A_74 : f32 to vector<16xf32>
      %neg3A_76 = arith.subf %neg3A_75, %parallel_loop3A_73#0 : vector<16xf32>
      %exp3A_77 = math.exp %neg3A_76 : vector<16xf32>
      %add3A_78 = arith.constant 1.000000e+00 : f32
      %add3A_79 = vector.broadcast %add3A_78 : f32 to vector<16xf32>
      %add3A_80 = arith.addf %add3A_79, %exp3A_77 : vector<16xf32>
      %div3A_81 = arith.constant 1.000000e+00 : f32
      %div3A_82 = vector.broadcast %div3A_81 : f32 to vector<16xf32>
      %div3A_83 = arith.divf %div3A_82, %add3A_80 : vector<16xf32>
      %neg3A_84 = arith.constant 0.000000e+00 : f32
      %neg3A_85 = vector.broadcast %neg3A_84 : f32 to vector<16xf32>
      %neg3A_86 = arith.subf %neg3A_85, %parallel_loop3A_73#1 : vector<16xf32>
      %exp3A_87 = math.exp %neg3A_86 : vector<16xf32>
      %add3A_88 = arith.constant 1.000000e+00 : f32
      %add3A_89 = vector.broadcast %add3A_88 : f32 to vector<16xf32>
      %add3A_90 = arith.addf %add3A_89, %exp3A_87 : vector<16xf32>
      %div3A_91 = arith.constant 1.000000e+00 : f32
      %div3A_92 = vector.broadcast %div3A_91 : f32 to vector<16xf32>
      %div3A_93 = arith.divf %div3A_92, %add3A_90 : vector<16xf32>
      %add3A_94 = arith.addf %div3A_83, %div3A_93 : vector<16xf32>
      %broadcast_in_dim3A_95 = arith.constant 0xFF800000 : f32
      %broadcast_in_dim3A_96 = vector.broadcast %broadcast_in_dim3A_95 : f32 to vector<16xf32>
      %broadcast_in_dim3A_97 = arith.constant 0xFF800000 : f32
      %broadcast_in_dim3A_98 = vector.broadcast %broadcast_in_dim3A_97 : f32 to vector<16xf32>
      %parallel_loop3A_99 = arith.constant 0 : i32
      %parallel_loop3A_100 = arith.constant 32 : i32
      %parallel_loop3A_101 = arith.constant 1 : i32
      %parallel_loop3A_102:2 = scf.for %parallel_loop3A_848 = %parallel_loop3A_99 to %parallel_loop3A_100 step %parallel_loop3A_101 iter_args(%parallel_loop3A_849 = %broadcast_in_dim3A_96, %parallel_loop3A_850 = %broadcast_in_dim3A_98) -> (vector<16xf32>, vector<16xf32>)  : i32 {
        %parallel_loop3A_851 = arith.constant 96 : i32
        %parallel_loop3A_852 = vector.broadcast %parallel_loop3A_851 : i32 to vector<16xi32>
        %parallel_loop3A_853 = vector.broadcast %parallel_loop3A_848 : i32 to vector<16xi32>
        %parallel_loop3A_854 = arith.addi %parallel_loop3A_852, %parallel_loop3A_853 : vector<16xi32>
        %parallel_loop3A_855 = tpu.vector_load_idx %arg5[%add3A_12, %parallel_loop3A_854] : memref<176x256xf32, #tpu.memory_space<vmem>>[vector<16xi32>, vector<16xi32>], vector<16xf32>,
        %parallel_loop3A_856 = arith.maximumf %parallel_loop3A_849, %parallel_loop3A_855 : vector<16xf32>
        %parallel_loop3A_857 = arith.minimumf %parallel_loop3A_849, %parallel_loop3A_855 : vector<16xf32>
        %parallel_loop3A_858 = arith.maximumf %parallel_loop3A_850, %parallel_loop3A_857 : vector<16xf32>
        scf.yield %parallel_loop3A_856, %parallel_loop3A_858 : vector<16xf32>, vector<16xf32>
      } {sc.loop_unroll_factor = 8 : i64, sc.parallel_access}
      %neg3A_103 = arith.constant 0.000000e+00 : f32
      %neg3A_104 = vector.broadcast %neg3A_103 : f32 to vector<16xf32>
      %neg3A_105 = arith.subf %neg3A_104, %parallel_loop3A_102#0 : vector<16xf32>
      %exp3A_106 = math.exp %neg3A_105 : vector<16xf32>
      %add3A_107 = arith.constant 1.000000e+00 : f32
      %add3A_108 = vector.broadcast %add3A_107 : f32 to vector<16xf32>
      %add3A_109 = arith.addf %add3A_108, %exp3A_106 : vector<16xf32>
      %div3A_110 = arith.constant 1.000000e+00 : f32
      %div3A_111 = vector.broadcast %div3A_110 : f32 to vector<16xf32>
      %div3A_112 = arith.divf %div3A_111, %add3A_109 : vector<16xf32>
      %neg3A_113 = arith.constant 0.000000e+00 : f32
      %neg3A_114 = vector.broadcast %neg3A_113 : f32 to vector<16xf32>
      %neg3A_115 = arith.subf %neg3A_114, %parallel_loop3A_102#1 : vector<16xf32>
      %exp3A_116 = math.exp %neg3A_115 : vector<16xf32>
      %add3A_117 = arith.constant 1.000000e+00 : f32
      %add3A_118 = vector.broadcast %add3A_117 : f32 to vector<16xf32>
      %add3A_119 = arith.addf %add3A_118, %exp3A_116 : vector<16xf32>
      %div3A_120 = arith.constant 1.000000e+00 : f32
      %div3A_121 = vector.broadcast %div3A_120 : f32 to vector<16xf32>
      %div3A_122 = arith.divf %div3A_121, %add3A_119 : vector<16xf32>
      %add3A_123 = arith.addf %div3A_112, %div3A_122 : vector<16xf32>
      %broadcast_in_dim3A_124 = arith.constant 0xFF800000 : f32
      %broadcast_in_dim3A_125 = vector.broadcast %broadcast_in_dim3A_124 : f32 to vector<16xf32>
      %broadcast_in_dim3A_126 = arith.constant 0xFF800000 : f32
      %broadcast_in_dim3A_127 = vector.broadcast %broadcast_in_dim3A_126 : f32 to vector<16xf32>
      %parallel_loop3A_128 = arith.constant 0 : i32
      %parallel_loop3A_129 = arith.constant 32 : i32
      %parallel_loop3A_130 = arith.constant 1 : i32
      %parallel_loop3A_131:2 = scf.for %parallel_loop3A_848 = %parallel_loop3A_128 to %parallel_loop3A_129 step %parallel_loop3A_130 iter_args(%parallel_loop3A_849 = %broadcast_in_dim3A_125, %parallel_loop3A_850 = %broadcast_in_dim3A_127) -> (vector<16xf32>, vector<16xf32>)  : i32 {
        %parallel_loop3A_851 = arith.constant 128 : i32
        %parallel_loop3A_852 = vector.broadcast %parallel_loop3A_851 : i32 to vector<16xi32>
        %parallel_loop3A_853 = vector.broadcast %parallel_loop3A_848 : i32 to vector<16xi32>
        %parallel_loop3A_854 = arith.addi %parallel_loop3A_852, %parallel_loop3A_853 : vector<16xi32>
        %parallel_loop3A_855 = tpu.vector_load_idx %arg5[%add3A_12, %parallel_loop3A_854] : memref<176x256xf32, #tpu.memory_space<vmem>>[vector<16xi32>, vector<16xi32>], vector<16xf32>,
        %parallel_loop3A_856 = arith.maximumf %parallel_loop3A_849, %parallel_loop3A_855 : vector<16xf32>
        %parallel_loop3A_857 = arith.minimumf %parallel_loop3A_849, %parallel_loop3A_855 : vector<16xf32>
        %parallel_loop3A_858 = arith.maximumf %parallel_loop3A_850, %parallel_loop3A_857 : vector<16xf32>
        scf.yield %parallel_loop3A_856, %parallel_loop3A_858 : vector<16xf32>, vector<16xf32>
      } {sc.loop_unroll_factor = 8 : i64, sc.parallel_access}
      %neg3A_132 = arith.constant 0.000000e+00 : f32
      %neg3A_133 = vector.broadcast %neg3A_132 : f32 to vector<16xf32>
      %neg3A_134 = arith.subf %neg3A_133, %parallel_loop3A_131#0 : vector<16xf32>
      %exp3A_135 = math.exp %neg3A_134 : vector<16xf32>
      %add3A_136 = arith.constant 1.000000e+00 : f32
      %add3A_137 = vector.broadcast %add3A_136 : f32 to vector<16xf32>
      %add3A_138 = arith.addf %add3A_137, %exp3A_135 : vector<16xf32>
      %div3A_139 = arith.constant 1.000000e+00 : f32
      %div3A_140 = vector.broadcast %div3A_139 : f32 to vector<16xf32>
      %div3A_141 = arith.divf %div3A_140, %add3A_138 : vector<16xf32>
      %neg3A_142 = arith.constant 0.000000e+00 : f32
      %neg3A_143 = vector.broadcast %neg3A_142 : f32 to vector<16xf32>
      %neg3A_144 = arith.subf %neg3A_143, %parallel_loop3A_131#1 : vector<16xf32>
      %exp3A_145 = math.exp %neg3A_144 : vector<16xf32>
      %add3A_146 = arith.constant 1.000000e+00 : f32
      %add3A_147 = vector.broadcast %add3A_146 : f32 to vector<16xf32>
      %add3A_148 = arith.addf %add3A_147, %exp3A_145 : vector<16xf32>
      %div3A_149 = arith.constant 1.000000e+00 : f32
      %div3A_150 = vector.broadcast %div3A_149 : f32 to vector<16xf32>
      %div3A_151 = arith.divf %div3A_150, %add3A_148 : vector<16xf32>
      %add3A_152 = arith.addf %div3A_141, %div3A_151 : vector<16xf32>
      %broadcast_in_dim3A_153 = arith.constant 0xFF800000 : f32
      %broadcast_in_dim3A_154 = vector.broadcast %broadcast_in_dim3A_153 : f32 to vector<16xf32>
      %broadcast_in_dim3A_155 = arith.constant 0xFF800000 : f32
      %broadcast_in_dim3A_156 = vector.broadcast %broadcast_in_dim3A_155 : f32 to vector<16xf32>
      %parallel_loop3A_157 = arith.constant 0 : i32
      %parallel_loop3A_158 = arith.constant 32 : i32
      %parallel_loop3A_159 = arith.constant 1 : i32
      %parallel_loop3A_160:2 = scf.for %parallel_loop3A_848 = %parallel_loop3A_157 to %parallel_loop3A_158 step %parallel_loop3A_159 iter_args(%parallel_loop3A_849 = %broadcast_in_dim3A_154, %parallel_loop3A_850 = %broadcast_in_dim3A_156) -> (vector<16xf32>, vector<16xf32>)  : i32 {
        %parallel_loop3A_851 = arith.constant 160 : i32
        %parallel_loop3A_852 = vector.broadcast %parallel_loop3A_851 : i32 to vector<16xi32>
        %parallel_loop3A_853 = vector.broadcast %parallel_loop3A_848 : i32 to vector<16xi32>
        %parallel_loop3A_854 = arith.addi %parallel_loop3A_852, %parallel_loop3A_853 : vector<16xi32>
        %parallel_loop3A_855 = tpu.vector_load_idx %arg5[%add3A_12, %parallel_loop3A_854] : memref<176x256xf32, #tpu.memory_space<vmem>>[vector<16xi32>, vector<16xi32>], vector<16xf32>,
        %parallel_loop3A_856 = arith.maximumf %parallel_loop3A_849, %parallel_loop3A_855 : vector<16xf32>
        %parallel_loop3A_857 = arith.minimumf %parallel_loop3A_849, %parallel_loop3A_855 : vector<16xf32>
        %parallel_loop3A_858 = arith.maximumf %parallel_loop3A_850, %parallel_loop3A_857 : vector<16xf32>
        scf.yield %parallel_loop3A_856, %parallel_loop3A_858 : vector<16xf32>, vector<16xf32>
      } {sc.loop_unroll_factor = 8 : i64, sc.parallel_access}
      %neg3A_161 = arith.constant 0.000000e+00 : f32
      %neg3A_162 = vector.broadcast %neg3A_161 : f32 to vector<16xf32>
      %neg3A_163 = arith.subf %neg3A_162, %parallel_loop3A_160#0 : vector<16xf32>
      %exp3A_164 = math.exp %neg3A_163 : vector<16xf32>
      %add3A_165 = arith.constant 1.000000e+00 : f32
      %add3A_166 = vector.broadcast %add3A_165 : f32 to vector<16xf32>
      %add3A_167 = arith.addf %add3A_166, %exp3A_164 : vector<16xf32>
      %div3A_168 = arith.constant 1.000000e+00 : f32
      %div3A_169 = vector.broadcast %div3A_168 : f32 to vector<16xf32>
      %div3A_170 = arith.divf %div3A_169, %add3A_167 : vector<16xf32>
      %neg3A_171 = arith.constant 0.000000e+00 : f32
      %neg3A_172 = vector.broadcast %neg3A_171 : f32 to vector<16xf32>
      %neg3A_173 = arith.subf %neg3A_172, %parallel_loop3A_160#1 : vector<16xf32>
      %exp3A_174 = math.exp %neg3A_173 : vector<16xf32>
      %add3A_175 = arith.constant 1.000000e+00 : f32
      %add3A_176 = vector.broadcast %add3A_175 : f32 to vector<16xf32>
      %add3A_177 = arith.addf %add3A_176, %exp3A_174 : vector<16xf32>
      %div3A_178 = arith.constant 1.000000e+00 : f32
      %div3A_179 = vector.broadcast %div3A_178 : f32 to vector<16xf32>
      %div3A_180 = arith.divf %div3A_179, %add3A_177 : vector<16xf32>
      %add3A_181 = arith.addf %div3A_170, %div3A_180 : vector<16xf32>
      %broadcast_in_dim3A_182 = arith.constant 0xFF800000 : f32
      %broadcast_in_dim3A_183 = vector.broadcast %broadcast_in_dim3A_182 : f32 to vector<16xf32>
      %broadcast_in_dim3A_184 = arith.constant 0xFF800000 : f32
      %broadcast_in_dim3A_185 = vector.broadcast %broadcast_in_dim3A_184 : f32 to vector<16xf32>
      %parallel_loop3A_186 = arith.constant 0 : i32
      %parallel_loop3A_187 = arith.constant 32 : i32
      %parallel_loop3A_188 = arith.constant 1 : i32
      %parallel_loop3A_189:2 = scf.for %parallel_loop3A_848 = %parallel_loop3A_186 to %parallel_loop3A_187 step %parallel_loop3A_188 iter_args(%parallel_loop3A_849 = %broadcast_in_dim3A_183, %parallel_loop3A_850 = %broadcast_in_dim3A_185) -> (vector<16xf32>, vector<16xf32>)  : i32 {
        %parallel_loop3A_851 = arith.constant 192 : i32
        %parallel_loop3A_852 = vector.broadcast %parallel_loop3A_851 : i32 to vector<16xi32>
        %parallel_loop3A_853 = vector.broadcast %parallel_loop3A_848 : i32 to vector<16xi32>
        %parallel_loop3A_854 = arith.addi %parallel_loop3A_852, %parallel_loop3A_853 : vector<16xi32>
        %parallel_loop3A_855 = tpu.vector_load_idx %arg5[%add3A_12, %parallel_loop3A_854] : memref<176x256xf32, #tpu.memory_space<vmem>>[vector<16xi32>, vector<16xi32>], vector<16xf32>,
        %parallel_loop3A_856 = arith.maximumf %parallel_loop3A_849, %parallel_loop3A_855 : vector<16xf32>
        %parallel_loop3A_857 = arith.minimumf %parallel_loop3A_849, %parallel_loop3A_855 : vector<16xf32>
        %parallel_loop3A_858 = arith.maximumf %parallel_loop3A_850, %parallel_loop3A_857 : vector<16xf32>
        scf.yield %parallel_loop3A_856, %parallel_loop3A_858 : vector<16xf32>, vector<16xf32>
      } {sc.loop_unroll_factor = 8 : i64, sc.parallel_access}
      %neg3A_190 = arith.constant 0.000000e+00 : f32
      %neg3A_191 = vector.broadcast %neg3A_190 : f32 to vector<16xf32>
      %neg3A_192 = arith.subf %neg3A_191, %parallel_loop3A_189#0 : vector<16xf32>
      %exp3A_193 = math.exp %neg3A_192 : vector<16xf32>
      %add3A_194 = arith.constant 1.000000e+00 : f32
      %add3A_195 = vector.broadcast %add3A_194 : f32 to vector<16xf32>
      %add3A_196 = arith.addf %add3A_195, %exp3A_193 : vector<16xf32>
      %div3A_197 = arith.constant 1.000000e+00 : f32
      %div3A_198 = vector.broadcast %div3A_197 : f32 to vector<16xf32>
      %div3A_199 = arith.divf %div3A_198, %add3A_196 : vector<16xf32>
      %neg3A_200 = arith.constant 0.000000e+00 : f32
      %neg3A_201 = vector.broadcast %neg3A_200 : f32 to vector<16xf32>
      %neg3A_202 = arith.subf %neg3A_201, %parallel_loop3A_189#1 : vector<16xf32>
      %exp3A_203 = math.exp %neg3A_202 : vector<16xf32>
      %add3A_204 = arith.constant 1.000000e+00 : f32
      %add3A_205 = vector.broadcast %add3A_204 : f32 to vector<16xf32>
      %add3A_206 = arith.addf %add3A_205, %exp3A_203 : vector<16xf32>
      %div3A_207 = arith.constant 1.000000e+00 : f32
      %div3A_208 = vector.broadcast %div3A_207 : f32 to vector<16xf32>
      %div3A_209 = arith.divf %div3A_208, %add3A_206 : vector<16xf32>
      %add3A_210 = arith.addf %div3A_199, %div3A_209 : vector<16xf32>
      %broadcast_in_dim3A_211 = arith.constant 0xFF800000 : f32
      %broadcast_in_dim3A_212 = vector.broadcast %broadcast_in_dim3A_211 : f32 to vector<16xf32>
      %broadcast_in_dim3A_213 = arith.constant 0xFF800000 : f32
      %broadcast_in_dim3A_214 = vector.broadcast %broadcast_in_dim3A_213 : f32 to vector<16xf32>
      %parallel_loop3A_215 = arith.constant 0 : i32
      %parallel_loop3A_216 = arith.constant 32 : i32
      %parallel_loop3A_217 = arith.constant 1 : i32
      %parallel_loop3A_218:2 = scf.for %parallel_loop3A_848 = %parallel_loop3A_215 to %parallel_loop3A_216 step %parallel_loop3A_217 iter_args(%parallel_loop3A_849 = %broadcast_in_dim3A_212, %parallel_loop3A_850 = %broadcast_in_dim3A_214) -> (vector<16xf32>, vector<16xf32>)  : i32 {
        %parallel_loop3A_851 = arith.constant 224 : i32
        %parallel_loop3A_852 = vector.broadcast %parallel_loop3A_851 : i32 to vector<16xi32>
        %parallel_loop3A_853 = vector.broadcast %parallel_loop3A_848 : i32 to vector<16xi32>
        %parallel_loop3A_854 = arith.addi %parallel_loop3A_852, %parallel_loop3A_853 : vector<16xi32>
        %parallel_loop3A_855 = tpu.vector_load_idx %arg5[%add3A_12, %parallel_loop3A_854] : memref<176x256xf32, #tpu.memory_space<vmem>>[vector<16xi32>, vector<16xi32>], vector<16xf32>,
        %parallel_loop3A_856 = arith.maximumf %parallel_loop3A_849, %parallel_loop3A_855 : vector<16xf32>
        %parallel_loop3A_857 = arith.minimumf %parallel_loop3A_849, %parallel_loop3A_855 : vector<16xf32>
        %parallel_loop3A_858 = arith.maximumf %parallel_loop3A_850, %parallel_loop3A_857 : vector<16xf32>
        scf.yield %parallel_loop3A_856, %parallel_loop3A_858 : vector<16xf32>, vector<16xf32>
      } {sc.loop_unroll_factor = 8 : i64, sc.parallel_access}
      %neg3A_219 = arith.constant 0.000000e+00 : f32
      %neg3A_220 = vector.broadcast %neg3A_219 : f32 to vector<16xf32>
      %neg3A_221 = arith.subf %neg3A_220, %parallel_loop3A_218#0 : vector<16xf32>
      %exp3A_222 = math.exp %neg3A_221 : vector<16xf32>
      %add3A_223 = arith.constant 1.000000e+00 : f32
      %add3A_224 = vector.broadcast %add3A_223 : f32 to vector<16xf32>
      %add3A_225 = arith.addf %add3A_224, %exp3A_222 : vector<16xf32>
      %div3A_226 = arith.constant 1.000000e+00 : f32
      %div3A_227 = vector.broadcast %div3A_226 : f32 to vector<16xf32>
      %div3A_228 = arith.divf %div3A_227, %add3A_225 : vector<16xf32>
      %neg3A_229 = arith.constant 0.000000e+00 : f32
      %neg3A_230 = vector.broadcast %neg3A_229 : f32 to vector<16xf32>
      %neg3A_231 = arith.subf %neg3A_230, %parallel_loop3A_218#1 : vector<16xf32>
      %exp3A_232 = math.exp %neg3A_231 : vector<16xf32>
      %add3A_233 = arith.constant 1.000000e+00 : f32
      %add3A_234 = vector.broadcast %add3A_233 : f32 to vector<16xf32>
      %add3A_235 = arith.addf %add3A_234, %exp3A_232 : vector<16xf32>
      %div3A_236 = arith.constant 1.000000e+00 : f32
      %div3A_237 = vector.broadcast %div3A_236 : f32 to vector<16xf32>
      %div3A_238 = arith.divf %div3A_237, %add3A_235 : vector<16xf32>
      %add3A_239 = arith.addf %div3A_228, %div3A_238 : vector<16xf32>
      %broadcast_in_dim3A_240 = arith.constant 0.000000e+00 : f32
      %broadcast_in_dim3A_241 = vector.broadcast %broadcast_in_dim3A_240 : f32 to vector<16xf32>
      %gt3A = arith.cmpf ogt, %add3A_65, %add3A_36 : vector<16xf32>
      %jit3A = arith.constant 1.000000e+00 : f32
      %jit3A_242 = arith.constant 0.000000e+00 : f32
      %broadcast_in_dim3A_243 = vector.broadcast %jit3A : f32 to vector<16xf32>
      %broadcast_in_dim3A_244 = vector.broadcast %jit3A_242 : f32 to vector<16xf32>
      %select_n3A = arith.select %gt3A, %broadcast_in_dim3A_243, %broadcast_in_dim3A_244 : vector<16xi1>, vector<16xf32>
      %add3A_245 = arith.addf %broadcast_in_dim3A_241, %select_n3A : vector<16xf32>
      %gt3A_246 = arith.cmpf ogt, %add3A_94, %add3A_36 : vector<16xf32>
      %jit3A_247 = arith.constant 1.000000e+00 : f32
      %jit3A_248 = arith.constant 0.000000e+00 : f32
      %broadcast_in_dim3A_249 = vector.broadcast %jit3A_247 : f32 to vector<16xf32>
      %broadcast_in_dim3A_250 = vector.broadcast %jit3A_248 : f32 to vector<16xf32>
      %select_n3A_251 = arith.select %gt3A_246, %broadcast_in_dim3A_249, %broadcast_in_dim3A_250 : vector<16xi1>, vector<16xf32>
      %add3A_252 = arith.addf %add3A_245, %select_n3A_251 : vector<16xf32>
      %gt3A_253 = arith.cmpf ogt, %add3A_123, %add3A_36 : vector<16xf32>
      %jit3A_254 = arith.constant 1.000000e+00 : f32
      %jit3A_255 = arith.constant 0.000000e+00 : f32
      %broadcast_in_dim3A_256 = vector.broadcast %jit3A_254 : f32 to vector<16xf32>
      %broadcast_in_dim3A_257 = vector.broadcast %jit3A_255 : f32 to vector<16xf32>
      %select_n3A_258 = arith.select %gt3A_253, %broadcast_in_dim3A_256, %broadcast_in_dim3A_257 : vector<16xi1>, vector<16xf32>
      %add3A_259 = arith.addf %add3A_252, %select_n3A_258 : vector<16xf32>
      %gt3A_260 = arith.cmpf ogt, %add3A_152, %add3A_36 : vector<16xf32>
      %jit3A_261 = arith.constant 1.000000e+00 : f32
      %jit3A_262 = arith.constant 0.000000e+00 : f32
      %broadcast_in_dim3A_263 = vector.broadcast %jit3A_261 : f32 to vector<16xf32>
      %broadcast_in_dim3A_264 = vector.broadcast %jit3A_262 : f32 to vector<16xf32>
      %select_n3A_265 = arith.select %gt3A_260, %broadcast_in_dim3A_263, %broadcast_in_dim3A_264 : vector<16xi1>, vector<16xf32>
      %add3A_266 = arith.addf %add3A_259, %select_n3A_265 : vector<16xf32>
      %gt3A_267 = arith.cmpf ogt, %add3A_181, %add3A_36 : vector<16xf32>
      %jit3A_268 = arith.constant 1.000000e+00 : f32
      %jit3A_269 = arith.constant 0.000000e+00 : f32
      %broadcast_in_dim3A_270 = vector.broadcast %jit3A_268 : f32 to vector<16xf32>
      %broadcast_in_dim3A_271 = vector.broadcast %jit3A_269 : f32 to vector<16xf32>
      %select_n3A_272 = arith.select %gt3A_267, %broadcast_in_dim3A_270, %broadcast_in_dim3A_271 : vector<16xi1>, vector<16xf32>
      %add3A_273 = arith.addf %add3A_266, %select_n3A_272 : vector<16xf32>
      %gt3A_274 = arith.cmpf ogt, %add3A_210, %add3A_36 : vector<16xf32>
      %jit3A_275 = arith.constant 1.000000e+00 : f32
      %jit3A_276 = arith.constant 0.000000e+00 : f32
      %broadcast_in_dim3A_277 = vector.broadcast %jit3A_275 : f32 to vector<16xf32>
      %broadcast_in_dim3A_278 = vector.broadcast %jit3A_276 : f32 to vector<16xf32>
      %select_n3A_279 = arith.select %gt3A_274, %broadcast_in_dim3A_277, %broadcast_in_dim3A_278 : vector<16xi1>, vector<16xf32>
      %add3A_280 = arith.addf %add3A_273, %select_n3A_279 : vector<16xf32>
      %gt3A_281 = arith.cmpf ogt, %add3A_239, %add3A_36 : vector<16xf32>
      %jit3A_282 = arith.constant 1.000000e+00 : f32
      %jit3A_283 = arith.constant 0.000000e+00 : f32
      %broadcast_in_dim3A_284 = vector.broadcast %jit3A_282 : f32 to vector<16xf32>
      %broadcast_in_dim3A_285 = vector.broadcast %jit3A_283 : f32 to vector<16xf32>
      %select_n3A_286 = arith.select %gt3A_281, %broadcast_in_dim3A_284, %broadcast_in_dim3A_285 : vector<16xi1>, vector<16xf32>
      %add3A_287 = arith.addf %add3A_280, %select_n3A_286 : vector<16xf32>
      %lt3A = arith.constant 4.000000e+00 : f32
      %lt3A_288 = vector.broadcast %lt3A : f32 to vector<16xf32>
      %lt3A_289 = arith.cmpf olt, %add3A_287, %lt3A_288 : vector<16xf32>
      %broadcast_in_dim3A_290 = arith.constant 0.000000e+00 : f32
      %broadcast_in_dim3A_291 = vector.broadcast %broadcast_in_dim3A_290 : f32 to vector<16xf32>
      %ge3A = arith.cmpf oge, %add3A_36, %add3A_65 : vector<16xf32>
      %jit3A_292 = arith.constant 1.000000e+00 : f32
      %jit3A_293 = arith.constant 0.000000e+00 : f32
      %broadcast_in_dim3A_294 = vector.broadcast %jit3A_292 : f32 to vector<16xf32>
      %broadcast_in_dim3A_295 = vector.broadcast %jit3A_293 : f32 to vector<16xf32>
      %select_n3A_296 = arith.select %ge3A, %broadcast_in_dim3A_294, %broadcast_in_dim3A_295 : vector<16xi1>, vector<16xf32>
      %add3A_297 = arith.addf %broadcast_in_dim3A_291, %select_n3A_296 : vector<16xf32>
      %gt3A_298 = arith.cmpf ogt, %add3A_94, %add3A_65 : vector<16xf32>
      %jit3A_299 = arith.constant 1.000000e+00 : f32
      %jit3A_300 = arith.constant 0.000000e+00 : f32
      %broadcast_in_dim3A_301 = vector.broadcast %jit3A_299 : f32 to vector<16xf32>
      %broadcast_in_dim3A_302 = vector.broadcast %jit3A_300 : f32 to vector<16xf32>
      %select_n3A_303 = arith.select %gt3A_298, %broadcast_in_dim3A_301, %broadcast_in_dim3A_302 : vector<16xi1>, vector<16xf32>
      %add3A_304 = arith.addf %add3A_297, %select_n3A_303 : vector<16xf32>
      %gt3A_305 = arith.cmpf ogt, %add3A_123, %add3A_65 : vector<16xf32>
      %jit3A_306 = arith.constant 1.000000e+00 : f32
      %jit3A_307 = arith.constant 0.000000e+00 : f32
      %broadcast_in_dim3A_308 = vector.broadcast %jit3A_306 : f32 to vector<16xf32>
      %broadcast_in_dim3A_309 = vector.broadcast %jit3A_307 : f32 to vector<16xf32>
      %select_n3A_310 = arith.select %gt3A_305, %broadcast_in_dim3A_308, %broadcast_in_dim3A_309 : vector<16xi1>, vector<16xf32>
      %add3A_311 = arith.addf %add3A_304, %select_n3A_310 : vector<16xf32>
      %gt3A_312 = arith.cmpf ogt, %add3A_152, %add3A_65 : vector<16xf32>
      %jit3A_313 = arith.constant 1.000000e+00 : f32
      %jit3A_314 = arith.constant 0.000000e+00 : f32
      %broadcast_in_dim3A_315 = vector.broadcast %jit3A_313 : f32 to vector<16xf32>
      %broadcast_in_dim3A_316 = vector.broadcast %jit3A_314 : f32 to vector<16xf32>
      %select_n3A_317 = arith.select %gt3A_312, %broadcast_in_dim3A_315, %broadcast_in_dim3A_316 : vector<16xi1>, vector<16xf32>
      %add3A_318 = arith.addf %add3A_311, %select_n3A_317 : vector<16xf32>
      %gt3A_319 = arith.cmpf ogt, %add3A_181, %add3A_65 : vector<16xf32>
      %jit3A_320 = arith.constant 1.000000e+00 : f32
      %jit3A_321 = arith.constant 0.000000e+00 : f32
      %broadcast_in_dim3A_322 = vector.broadcast %jit3A_320 : f32 to vector<16xf32>
      %broadcast_in_dim3A_323 = vector.broadcast %jit3A_321 : f32 to vector<16xf32>
      %select_n3A_324 = arith.select %gt3A_319, %broadcast_in_dim3A_322, %broadcast_in_dim3A_323 : vector<16xi1>, vector<16xf32>
      %add3A_325 = arith.addf %add3A_318, %select_n3A_324 : vector<16xf32>
      %gt3A_326 = arith.cmpf ogt, %add3A_210, %add3A_65 : vector<16xf32>
      %jit3A_327 = arith.constant 1.000000e+00 : f32
      %jit3A_328 = arith.constant 0.000000e+00 : f32
      %broadcast_in_dim3A_329 = vector.broadcast %jit3A_327 : f32 to vector<16xf32>
      %broadcast_in_dim3A_330 = vector.broadcast %jit3A_328 : f32 to vector<16xf32>
      %select_n3A_331 = arith.select %gt3A_326, %broadcast_in_dim3A_329, %broadcast_in_dim3A_330 : vector<16xi1>, vector<16xf32>
      %add3A_332 = arith.addf %add3A_325, %select_n3A_331 : vector<16xf32>
      %gt3A_333 = arith.cmpf ogt, %add3A_239, %add3A_65 : vector<16xf32>
      %jit3A_334 = arith.constant 1.000000e+00 : f32
      %jit3A_335 = arith.constant 0.000000e+00 : f32
      %broadcast_in_dim3A_336 = vector.broadcast %jit3A_334 : f32 to vector<16xf32>
      %broadcast_in_dim3A_337 = vector.broadcast %jit3A_335 : f32 to vector<16xf32>
      %select_n3A_338 = arith.select %gt3A_333, %broadcast_in_dim3A_336, %broadcast_in_dim3A_337 : vector<16xi1>, vector<16xf32>
      %add3A_339 = arith.addf %add3A_332, %select_n3A_338 : vector<16xf32>
      %lt3A_340 = arith.constant 4.000000e+00 : f32
      %lt3A_341 = vector.broadcast %lt3A_340 : f32 to vector<16xf32>
      %lt3A_342 = arith.cmpf olt, %add3A_339, %lt3A_341 : vector<16xf32>
      %broadcast_in_dim3A_343 = arith.constant 0.000000e+00 : f32
      %broadcast_in_dim3A_344 = vector.broadcast %broadcast_in_dim3A_343 : f32 to vector<16xf32>
      %ge3A_345 = arith.cmpf oge, %add3A_36, %add3A_94 : vector<16xf32>
      %jit3A_346 = arith.constant 1.000000e+00 : f32
      %jit3A_347 = arith.constant 0.000000e+00 : f32
      %broadcast_in_dim3A_348 = vector.broadcast %jit3A_346 : f32 to vector<16xf32>
      %broadcast_in_dim3A_349 = vector.broadcast %jit3A_347 : f32 to vector<16xf32>
      %select_n3A_350 = arith.select %ge3A_345, %broadcast_in_dim3A_348, %broadcast_in_dim3A_349 : vector<16xi1>, vector<16xf32>
      %add3A_351 = arith.addf %broadcast_in_dim3A_344, %select_n3A_350 : vector<16xf32>
      %ge3A_352 = arith.cmpf oge, %add3A_65, %add3A_94 : vector<16xf32>
      %jit3A_353 = arith.constant 1.000000e+00 : f32
      %jit3A_354 = arith.constant 0.000000e+00 : f32
      %broadcast_in_dim3A_355 = vector.broadcast %jit3A_353 : f32 to vector<16xf32>
      %broadcast_in_dim3A_356 = vector.broadcast %jit3A_354 : f32 to vector<16xf32>
      %select_n3A_357 = arith.select %ge3A_352, %broadcast_in_dim3A_355, %broadcast_in_dim3A_356 : vector<16xi1>, vector<16xf32>
      %add3A_358 = arith.addf %add3A_351, %select_n3A_357 : vector<16xf32>
      %gt3A_359 = arith.cmpf ogt, %add3A_123, %add3A_94 : vector<16xf32>
      %jit3A_360 = arith.constant 1.000000e+00 : f32
      %jit3A_361 = arith.constant 0.000000e+00 : f32
      %broadcast_in_dim3A_362 = vector.broadcast %jit3A_360 : f32 to vector<16xf32>
      %broadcast_in_dim3A_363 = vector.broadcast %jit3A_361 : f32 to vector<16xf32>
      %select_n3A_364 = arith.select %gt3A_359, %broadcast_in_dim3A_362, %broadcast_in_dim3A_363 : vector<16xi1>, vector<16xf32>
      %add3A_365 = arith.addf %add3A_358, %select_n3A_364 : vector<16xf32>
      %gt3A_366 = arith.cmpf ogt, %add3A_152, %add3A_94 : vector<16xf32>
      %jit3A_367 = arith.constant 1.000000e+00 : f32
      %jit3A_368 = arith.constant 0.000000e+00 : f32
      %broadcast_in_dim3A_369 = vector.broadcast %jit3A_367 : f32 to vector<16xf32>
      %broadcast_in_dim3A_370 = vector.broadcast %jit3A_368 : f32 to vector<16xf32>
      %select_n3A_371 = arith.select %gt3A_366, %broadcast_in_dim3A_369, %broadcast_in_dim3A_370 : vector<16xi1>, vector<16xf32>
      %add3A_372 = arith.addf %add3A_365, %select_n3A_371 : vector<16xf32>
      %gt3A_373 = arith.cmpf ogt, %add3A_181, %add3A_94 : vector<16xf32>
      %jit3A_374 = arith.constant 1.000000e+00 : f32
      %jit3A_375 = arith.constant 0.000000e+00 : f32
      %broadcast_in_dim3A_376 = vector.broadcast %jit3A_374 : f32 to vector<16xf32>
      %broadcast_in_dim3A_377 = vector.broadcast %jit3A_375 : f32 to vector<16xf32>
      %select_n3A_378 = arith.select %gt3A_373, %broadcast_in_dim3A_376, %broadcast_in_dim3A_377 : vector<16xi1>, vector<16xf32>
      %add3A_379 = arith.addf %add3A_372, %select_n3A_378 : vector<16xf32>
      %gt3A_380 = arith.cmpf ogt, %add3A_210, %add3A_94 : vector<16xf32>
      %jit3A_381 = arith.constant 1.000000e+00 : f32
      %jit3A_382 = arith.constant 0.000000e+00 : f32
      %broadcast_in_dim3A_383 = vector.broadcast %jit3A_381 : f32 to vector<16xf32>
      %broadcast_in_dim3A_384 = vector.broadcast %jit3A_382 : f32 to vector<16xf32>
      %select_n3A_385 = arith.select %gt3A_380, %broadcast_in_dim3A_383, %broadcast_in_dim3A_384 : vector<16xi1>, vector<16xf32>
      %add3A_386 = arith.addf %add3A_379, %select_n3A_385 : vector<16xf32>
      %gt3A_387 = arith.cmpf ogt, %add3A_239, %add3A_94 : vector<16xf32>
      %jit3A_388 = arith.constant 1.000000e+00 : f32
      %jit3A_389 = arith.constant 0.000000e+00 : f32
      %broadcast_in_dim3A_390 = vector.broadcast %jit3A_388 : f32 to vector<16xf32>
      %broadcast_in_dim3A_391 = vector.broadcast %jit3A_389 : f32 to vector<16xf32>
      %select_n3A_392 = arith.select %gt3A_387, %broadcast_in_dim3A_390, %broadcast_in_dim3A_391 : vector<16xi1>, vector<16xf32>
      %add3A_393 = arith.addf %add3A_386, %select_n3A_392 : vector<16xf32>
      %lt3A_394 = arith.constant 4.000000e+00 : f32
      %lt3A_395 = vector.broadcast %lt3A_394 : f32 to vector<16xf32>
      %lt3A_396 = arith.cmpf olt, %add3A_393, %lt3A_395 : vector<16xf32>
      %broadcast_in_dim3A_397 = arith.constant 0.000000e+00 : f32
      %broadcast_in_dim3A_398 = vector.broadcast %broadcast_in_dim3A_397 : f32 to vector<16xf32>
      %ge3A_399 = arith.cmpf oge, %add3A_36, %add3A_123 : vector<16xf32>
      %jit3A_400 = arith.constant 1.000000e+00 : f32
      %jit3A_401 = arith.constant 0.000000e+00 : f32
      %broadcast_in_dim3A_402 = vector.broadcast %jit3A_400 : f32 to vector<16xf32>
      %broadcast_in_dim3A_403 = vector.broadcast %jit3A_401 : f32 to vector<16xf32>
      %select_n3A_404 = arith.select %ge3A_399, %broadcast_in_dim3A_402, %broadcast_in_dim3A_403 : vector<16xi1>, vector<16xf32>
      %add3A_405 = arith.addf %broadcast_in_dim3A_398, %select_n3A_404 : vector<16xf32>
      %ge3A_406 = arith.cmpf oge, %add3A_65, %add3A_123 : vector<16xf32>
      %jit3A_407 = arith.constant 1.000000e+00 : f32
      %jit3A_408 = arith.constant 0.000000e+00 : f32
      %broadcast_in_dim3A_409 = vector.broadcast %jit3A_407 : f32 to vector<16xf32>
      %broadcast_in_dim3A_410 = vector.broadcast %jit3A_408 : f32 to vector<16xf32>
      %select_n3A_411 = arith.select %ge3A_406, %broadcast_in_dim3A_409, %broadcast_in_dim3A_410 : vector<16xi1>, vector<16xf32>
      %add3A_412 = arith.addf %add3A_405, %select_n3A_411 : vector<16xf32>
      %ge3A_413 = arith.cmpf oge, %add3A_94, %add3A_123 : vector<16xf32>
      %jit3A_414 = arith.constant 1.000000e+00 : f32
      %jit3A_415 = arith.constant 0.000000e+00 : f32
      %broadcast_in_dim3A_416 = vector.broadcast %jit3A_414 : f32 to vector<16xf32>
      %broadcast_in_dim3A_417 = vector.broadcast %jit3A_415 : f32 to vector<16xf32>
      %select_n3A_418 = arith.select %ge3A_413, %broadcast_in_dim3A_416, %broadcast_in_dim3A_417 : vector<16xi1>, vector<16xf32>
      %add3A_419 = arith.addf %add3A_412, %select_n3A_418 : vector<16xf32>
      %gt3A_420 = arith.cmpf ogt, %add3A_152, %add3A_123 : vector<16xf32>
      %jit3A_421 = arith.constant 1.000000e+00 : f32
      %jit3A_422 = arith.constant 0.000000e+00 : f32
      %broadcast_in_dim3A_423 = vector.broadcast %jit3A_421 : f32 to vector<16xf32>
      %broadcast_in_dim3A_424 = vector.broadcast %jit3A_422 : f32 to vector<16xf32>
      %select_n3A_425 = arith.select %gt3A_420, %broadcast_in_dim3A_423, %broadcast_in_dim3A_424 : vector<16xi1>, vector<16xf32>
      %add3A_426 = arith.addf %add3A_419, %select_n3A_425 : vector<16xf32>
      %gt3A_427 = arith.cmpf ogt, %add3A_181, %add3A_123 : vector<16xf32>
      %jit3A_428 = arith.constant 1.000000e+00 : f32
      %jit3A_429 = arith.constant 0.000000e+00 : f32
      %broadcast_in_dim3A_430 = vector.broadcast %jit3A_428 : f32 to vector<16xf32>
      %broadcast_in_dim3A_431 = vector.broadcast %jit3A_429 : f32 to vector<16xf32>
      %select_n3A_432 = arith.select %gt3A_427, %broadcast_in_dim3A_430, %broadcast_in_dim3A_431 : vector<16xi1>, vector<16xf32>
      %add3A_433 = arith.addf %add3A_426, %select_n3A_432 : vector<16xf32>
      %gt3A_434 = arith.cmpf ogt, %add3A_210, %add3A_123 : vector<16xf32>
      %jit3A_435 = arith.constant 1.000000e+00 : f32
      %jit3A_436 = arith.constant 0.000000e+00 : f32
      %broadcast_in_dim3A_437 = vector.broadcast %jit3A_435 : f32 to vector<16xf32>
      %broadcast_in_dim3A_438 = vector.broadcast %jit3A_436 : f32 to vector<16xf32>
      %select_n3A_439 = arith.select %gt3A_434, %broadcast_in_dim3A_437, %broadcast_in_dim3A_438 : vector<16xi1>, vector<16xf32>
      %add3A_440 = arith.addf %add3A_433, %select_n3A_439 : vector<16xf32>
      %gt3A_441 = arith.cmpf ogt, %add3A_239, %add3A_123 : vector<16xf32>
      %jit3A_442 = arith.constant 1.000000e+00 : f32
      %jit3A_443 = arith.constant 0.000000e+00 : f32
      %broadcast_in_dim3A_444 = vector.broadcast %jit3A_442 : f32 to vector<16xf32>
      %broadcast_in_dim3A_445 = vector.broadcast %jit3A_443 : f32 to vector<16xf32>
      %select_n3A_446 = arith.select %gt3A_441, %broadcast_in_dim3A_444, %broadcast_in_dim3A_445 : vector<16xi1>, vector<16xf32>
      %add3A_447 = arith.addf %add3A_440, %select_n3A_446 : vector<16xf32>
      %lt3A_448 = arith.constant 4.000000e+00 : f32
      %lt3A_449 = vector.broadcast %lt3A_448 : f32 to vector<16xf32>
      %lt3A_450 = arith.cmpf olt, %add3A_447, %lt3A_449 : vector<16xf32>
      %broadcast_in_dim3A_451 = arith.constant 0.000000e+00 : f32
      %broadcast_in_dim3A_452 = vector.broadcast %broadcast_in_dim3A_451 : f32 to vector<16xf32>
      %ge3A_453 = arith.cmpf oge, %add3A_36, %add3A_152 : vector<16xf32>
      %jit3A_454 = arith.constant 1.000000e+00 : f32
      %jit3A_455 = arith.constant 0.000000e+00 : f32
      %broadcast_in_dim3A_456 = vector.broadcast %jit3A_454 : f32 to vector<16xf32>
      %broadcast_in_dim3A_457 = vector.broadcast %jit3A_455 : f32 to vector<16xf32>
      %select_n3A_458 = arith.select %ge3A_453, %broadcast_in_dim3A_456, %broadcast_in_dim3A_457 : vector<16xi1>, vector<16xf32>
      %add3A_459 = arith.addf %broadcast_in_dim3A_452, %select_n3A_458 : vector<16xf32>
      %ge3A_460 = arith.cmpf oge, %add3A_65, %add3A_152 : vector<16xf32>
      %jit3A_461 = arith.constant 1.000000e+00 : f32
      %jit3A_462 = arith.constant 0.000000e+00 : f32
      %broadcast_in_dim3A_463 = vector.broadcast %jit3A_461 : f32 to vector<16xf32>
      %broadcast_in_dim3A_464 = vector.broadcast %jit3A_462 : f32 to vector<16xf32>
      %select_n3A_465 = arith.select %ge3A_460, %broadcast_in_dim3A_463, %broadcast_in_dim3A_464 : vector<16xi1>, vector<16xf32>
      %add3A_466 = arith.addf %add3A_459, %select_n3A_465 : vector<16xf32>
      %ge3A_467 = arith.cmpf oge, %add3A_94, %add3A_152 : vector<16xf32>
      %jit3A_468 = arith.constant 1.000000e+00 : f32
      %jit3A_469 = arith.constant 0.000000e+00 : f32
      %broadcast_in_dim3A_470 = vector.broadcast %jit3A_468 : f32 to vector<16xf32>
      %broadcast_in_dim3A_471 = vector.broadcast %jit3A_469 : f32 to vector<16xf32>
      %select_n3A_472 = arith.select %ge3A_467, %broadcast_in_dim3A_470, %broadcast_in_dim3A_471 : vector<16xi1>, vector<16xf32>
      %add3A_473 = arith.addf %add3A_466, %select_n3A_472 : vector<16xf32>
      %ge3A_474 = arith.cmpf oge, %add3A_123, %add3A_152 : vector<16xf32>
      %jit3A_475 = arith.constant 1.000000e+00 : f32
      %jit3A_476 = arith.constant 0.000000e+00 : f32
      %broadcast_in_dim3A_477 = vector.broadcast %jit3A_475 : f32 to vector<16xf32>
      %broadcast_in_dim3A_478 = vector.broadcast %jit3A_476 : f32 to vector<16xf32>
      %select_n3A_479 = arith.select %ge3A_474, %broadcast_in_dim3A_477, %broadcast_in_dim3A_478 : vector<16xi1>, vector<16xf32>
      %add3A_480 = arith.addf %add3A_473, %select_n3A_479 : vector<16xf32>
      %gt3A_481 = arith.cmpf ogt, %add3A_181, %add3A_152 : vector<16xf32>
      %jit3A_482 = arith.constant 1.000000e+00 : f32
      %jit3A_483 = arith.constant 0.000000e+00 : f32
      %broadcast_in_dim3A_484 = vector.broadcast %jit3A_482 : f32 to vector<16xf32>
      %broadcast_in_dim3A_485 = vector.broadcast %jit3A_483 : f32 to vector<16xf32>
      %select_n3A_486 = arith.select %gt3A_481, %broadcast_in_dim3A_484, %broadcast_in_dim3A_485 : vector<16xi1>, vector<16xf32>
      %add3A_487 = arith.addf %add3A_480, %select_n3A_486 : vector<16xf32>
      %gt3A_488 = arith.cmpf ogt, %add3A_210, %add3A_152 : vector<16xf32>
      %jit3A_489 = arith.constant 1.000000e+00 : f32
      %jit3A_490 = arith.constant 0.000000e+00 : f32
      %broadcast_in_dim3A_491 = vector.broadcast %jit3A_489 : f32 to vector<16xf32>
      %broadcast_in_dim3A_492 = vector.broadcast %jit3A_490 : f32 to vector<16xf32>
      %select_n3A_493 = arith.select %gt3A_488, %broadcast_in_dim3A_491, %broadcast_in_dim3A_492 : vector<16xi1>, vector<16xf32>
      %add3A_494 = arith.addf %add3A_487, %select_n3A_493 : vector<16xf32>
      %gt3A_495 = arith.cmpf ogt, %add3A_239, %add3A_152 : vector<16xf32>
      %jit3A_496 = arith.constant 1.000000e+00 : f32
      %jit3A_497 = arith.constant 0.000000e+00 : f32
      %broadcast_in_dim3A_498 = vector.broadcast %jit3A_496 : f32 to vector<16xf32>
      %broadcast_in_dim3A_499 = vector.broadcast %jit3A_497 : f32 to vector<16xf32>
      %select_n3A_500 = arith.select %gt3A_495, %broadcast_in_dim3A_498, %broadcast_in_dim3A_499 : vector<16xi1>, vector<16xf32>
      %add3A_501 = arith.addf %add3A_494, %select_n3A_500 : vector<16xf32>
      %lt3A_502 = arith.constant 4.000000e+00 : f32
      %lt3A_503 = vector.broadcast %lt3A_502 : f32 to vector<16xf32>
      %lt3A_504 = arith.cmpf olt, %add3A_501, %lt3A_503 : vector<16xf32>
      %broadcast_in_dim3A_505 = arith.constant 0.000000e+00 : f32
      %broadcast_in_dim3A_506 = vector.broadcast %broadcast_in_dim3A_505 : f32 to vector<16xf32>
      %ge3A_507 = arith.cmpf oge, %add3A_36, %add3A_181 : vector<16xf32>
      %jit3A_508 = arith.constant 1.000000e+00 : f32
      %jit3A_509 = arith.constant 0.000000e+00 : f32
      %broadcast_in_dim3A_510 = vector.broadcast %jit3A_508 : f32 to vector<16xf32>
      %broadcast_in_dim3A_511 = vector.broadcast %jit3A_509 : f32 to vector<16xf32>
      %select_n3A_512 = arith.select %ge3A_507, %broadcast_in_dim3A_510, %broadcast_in_dim3A_511 : vector<16xi1>, vector<16xf32>
      %add3A_513 = arith.addf %broadcast_in_dim3A_506, %select_n3A_512 : vector<16xf32>
      %ge3A_514 = arith.cmpf oge, %add3A_65, %add3A_181 : vector<16xf32>
      %jit3A_515 = arith.constant 1.000000e+00 : f32
      %jit3A_516 = arith.constant 0.000000e+00 : f32
      %broadcast_in_dim3A_517 = vector.broadcast %jit3A_515 : f32 to vector<16xf32>
      %broadcast_in_dim3A_518 = vector.broadcast %jit3A_516 : f32 to vector<16xf32>
      %select_n3A_519 = arith.select %ge3A_514, %broadcast_in_dim3A_517, %broadcast_in_dim3A_518 : vector<16xi1>, vector<16xf32>
      %add3A_520 = arith.addf %add3A_513, %select_n3A_519 : vector<16xf32>
      %ge3A_521 = arith.cmpf oge, %add3A_94, %add3A_181 : vector<16xf32>
      %jit3A_522 = arith.constant 1.000000e+00 : f32
      %jit3A_523 = arith.constant 0.000000e+00 : f32
      %broadcast_in_dim3A_524 = vector.broadcast %jit3A_522 : f32 to vector<16xf32>
      %broadcast_in_dim3A_525 = vector.broadcast %jit3A_523 : f32 to vector<16xf32>
      %select_n3A_526 = arith.select %ge3A_521, %broadcast_in_dim3A_524, %broadcast_in_dim3A_525 : vector<16xi1>, vector<16xf32>
      %add3A_527 = arith.addf %add3A_520, %select_n3A_526 : vector<16xf32>
      %ge3A_528 = arith.cmpf oge, %add3A_123, %add3A_181 : vector<16xf32>
      %jit3A_529 = arith.constant 1.000000e+00 : f32
      %jit3A_530 = arith.constant 0.000000e+00 : f32
      %broadcast_in_dim3A_531 = vector.broadcast %jit3A_529 : f32 to vector<16xf32>
      %broadcast_in_dim3A_532 = vector.broadcast %jit3A_530 : f32 to vector<16xf32>
      %select_n3A_533 = arith.select %ge3A_528, %broadcast_in_dim3A_531, %broadcast_in_dim3A_532 : vector<16xi1>, vector<16xf32>
      %add3A_534 = arith.addf %add3A_527, %select_n3A_533 : vector<16xf32>
      %ge3A_535 = arith.cmpf oge, %add3A_152, %add3A_181 : vector<16xf32>
      %jit3A_536 = arith.constant 1.000000e+00 : f32
      %jit3A_537 = arith.constant 0.000000e+00 : f32
      %broadcast_in_dim3A_538 = vector.broadcast %jit3A_536 : f32 to vector<16xf32>
      %broadcast_in_dim3A_539 = vector.broadcast %jit3A_537 : f32 to vector<16xf32>
      %select_n3A_540 = arith.select %ge3A_535, %broadcast_in_dim3A_538, %broadcast_in_dim3A_539 : vector<16xi1>, vector<16xf32>
      %add3A_541 = arith.addf %add3A_534, %select_n3A_540 : vector<16xf32>
      %gt3A_542 = arith.cmpf ogt, %add3A_210, %add3A_181 : vector<16xf32>
      %jit3A_543 = arith.constant 1.000000e+00 : f32
      %jit3A_544 = arith.constant 0.000000e+00 : f32
      %broadcast_in_dim3A_545 = vector.broadcast %jit3A_543 : f32 to vector<16xf32>
      %broadcast_in_dim3A_546 = vector.broadcast %jit3A_544 : f32 to vector<16xf32>
      %select_n3A_547 = arith.select %gt3A_542, %broadcast_in_dim3A_545, %broadcast_in_dim3A_546 : vector<16xi1>, vector<16xf32>
      %add3A_548 = arith.addf %add3A_541, %select_n3A_547 : vector<16xf32>
      %gt3A_549 = arith.cmpf ogt, %add3A_239, %add3A_181 : vector<16xf32>
      %jit3A_550 = arith.constant 1.000000e+00 : f32
      %jit3A_551 = arith.constant 0.000000e+00 : f32
      %broadcast_in_dim3A_552 = vector.broadcast %jit3A_550 : f32 to vector<16xf32>
      %broadcast_in_dim3A_553 = vector.broadcast %jit3A_551 : f32 to vector<16xf32>
      %select_n3A_554 = arith.select %gt3A_549, %broadcast_in_dim3A_552, %broadcast_in_dim3A_553 : vector<16xi1>, vector<16xf32>
      %add3A_555 = arith.addf %add3A_548, %select_n3A_554 : vector<16xf32>
      %lt3A_556 = arith.constant 4.000000e+00 : f32
      %lt3A_557 = vector.broadcast %lt3A_556 : f32 to vector<16xf32>
      %lt3A_558 = arith.cmpf olt, %add3A_555, %lt3A_557 : vector<16xf32>
      %broadcast_in_dim3A_559 = arith.constant 0.000000e+00 : f32
      %broadcast_in_dim3A_560 = vector.broadcast %broadcast_in_dim3A_559 : f32 to vector<16xf32>
      %ge3A_561 = arith.cmpf oge, %add3A_36, %add3A_210 : vector<16xf32>
      %jit3A_562 = arith.constant 1.000000e+00 : f32
      %jit3A_563 = arith.constant 0.000000e+00 : f32
      %broadcast_in_dim3A_564 = vector.broadcast %jit3A_562 : f32 to vector<16xf32>
      %broadcast_in_dim3A_565 = vector.broadcast %jit3A_563 : f32 to vector<16xf32>
      %select_n3A_566 = arith.select %ge3A_561, %broadcast_in_dim3A_564, %broadcast_in_dim3A_565 : vector<16xi1>, vector<16xf32>
      %add3A_567 = arith.addf %broadcast_in_dim3A_560, %select_n3A_566 : vector<16xf32>
      %ge3A_568 = arith.cmpf oge, %add3A_65, %add3A_210 : vector<16xf32>
      %jit3A_569 = arith.constant 1.000000e+00 : f32
      %jit3A_570 = arith.constant 0.000000e+00 : f32
      %broadcast_in_dim3A_571 = vector.broadcast %jit3A_569 : f32 to vector<16xf32>
      %broadcast_in_dim3A_572 = vector.broadcast %jit3A_570 : f32 to vector<16xf32>
      %select_n3A_573 = arith.select %ge3A_568, %broadcast_in_dim3A_571, %broadcast_in_dim3A_572 : vector<16xi1>, vector<16xf32>
      %add3A_574 = arith.addf %add3A_567, %select_n3A_573 : vector<16xf32>
      %ge3A_575 = arith.cmpf oge, %add3A_94, %add3A_210 : vector<16xf32>
      %jit3A_576 = arith.constant 1.000000e+00 : f32
      %jit3A_577 = arith.constant 0.000000e+00 : f32
      %broadcast_in_dim3A_578 = vector.broadcast %jit3A_576 : f32 to vector<16xf32>
      %broadcast_in_dim3A_579 = vector.broadcast %jit3A_577 : f32 to vector<16xf32>
      %select_n3A_580 = arith.select %ge3A_575, %broadcast_in_dim3A_578, %broadcast_in_dim3A_579 : vector<16xi1>, vector<16xf32>
      %add3A_581 = arith.addf %add3A_574, %select_n3A_580 : vector<16xf32>
      %ge3A_582 = arith.cmpf oge, %add3A_123, %add3A_210 : vector<16xf32>
      %jit3A_583 = arith.constant 1.000000e+00 : f32
      %jit3A_584 = arith.constant 0.000000e+00 : f32
      %broadcast_in_dim3A_585 = vector.broadcast %jit3A_583 : f32 to vector<16xf32>
      %broadcast_in_dim3A_586 = vector.broadcast %jit3A_584 : f32 to vector<16xf32>
      %select_n3A_587 = arith.select %ge3A_582, %broadcast_in_dim3A_585, %broadcast_in_dim3A_586 : vector<16xi1>, vector<16xf32>
      %add3A_588 = arith.addf %add3A_581, %select_n3A_587 : vector<16xf32>
      %ge3A_589 = arith.cmpf oge, %add3A_152, %add3A_210 : vector<16xf32>
      %jit3A_590 = arith.constant 1.000000e+00 : f32
      %jit3A_591 = arith.constant 0.000000e+00 : f32
      %broadcast_in_dim3A_592 = vector.broadcast %jit3A_590 : f32 to vector<16xf32>
      %broadcast_in_dim3A_593 = vector.broadcast %jit3A_591 : f32 to vector<16xf32>
      %select_n3A_594 = arith.select %ge3A_589, %broadcast_in_dim3A_592, %broadcast_in_dim3A_593 : vector<16xi1>, vector<16xf32>
      %add3A_595 = arith.addf %add3A_588, %select_n3A_594 : vector<16xf32>
      %ge3A_596 = arith.cmpf oge, %add3A_181, %add3A_210 : vector<16xf32>
      %jit3A_597 = arith.constant 1.000000e+00 : f32
      %jit3A_598 = arith.constant 0.000000e+00 : f32
      %broadcast_in_dim3A_599 = vector.broadcast %jit3A_597 : f32 to vector<16xf32>
      %broadcast_in_dim3A_600 = vector.broadcast %jit3A_598 : f32 to vector<16xf32>
      %select_n3A_601 = arith.select %ge3A_596, %broadcast_in_dim3A_599, %broadcast_in_dim3A_600 : vector<16xi1>, vector<16xf32>
      %add3A_602 = arith.addf %add3A_595, %select_n3A_601 : vector<16xf32>
      %gt3A_603 = arith.cmpf ogt, %add3A_239, %add3A_210 : vector<16xf32>
      %jit3A_604 = arith.constant 1.000000e+00 : f32
      %jit3A_605 = arith.constant 0.000000e+00 : f32
      %broadcast_in_dim3A_606 = vector.broadcast %jit3A_604 : f32 to vector<16xf32>
      %broadcast_in_dim3A_607 = vector.broadcast %jit3A_605 : f32 to vector<16xf32>
      %select_n3A_608 = arith.select %gt3A_603, %broadcast_in_dim3A_606, %broadcast_in_dim3A_607 : vector<16xi1>, vector<16xf32>
      %add3A_609 = arith.addf %add3A_602, %select_n3A_608 : vector<16xf32>
      %lt3A_610 = arith.constant 4.000000e+00 : f32
      %lt3A_611 = vector.broadcast %lt3A_610 : f32 to vector<16xf32>
      %lt3A_612 = arith.cmpf olt, %add3A_609, %lt3A_611 : vector<16xf32>
      %broadcast_in_dim3A_613 = arith.constant 0.000000e+00 : f32
      %broadcast_in_dim3A_614 = vector.broadcast %broadcast_in_dim3A_613 : f32 to vector<16xf32>
      %ge3A_615 = arith.cmpf oge, %add3A_36, %add3A_239 : vector<16xf32>
      %jit3A_616 = arith.constant 1.000000e+00 : f32
      %jit3A_617 = arith.constant 0.000000e+00 : f32
      %broadcast_in_dim3A_618 = vector.broadcast %jit3A_616 : f32 to vector<16xf32>
      %broadcast_in_dim3A_619 = vector.broadcast %jit3A_617 : f32 to vector<16xf32>
      %select_n3A_620 = arith.select %ge3A_615, %broadcast_in_dim3A_618, %broadcast_in_dim3A_619 : vector<16xi1>, vector<16xf32>
      %add3A_621 = arith.addf %broadcast_in_dim3A_614, %select_n3A_620 : vector<16xf32>
      %ge3A_622 = arith.cmpf oge, %add3A_65, %add3A_239 : vector<16xf32>
      %jit3A_623 = arith.constant 1.000000e+00 : f32
      %jit3A_624 = arith.constant 0.000000e+00 : f32
      %broadcast_in_dim3A_625 = vector.broadcast %jit3A_623 : f32 to vector<16xf32>
      %broadcast_in_dim3A_626 = vector.broadcast %jit3A_624 : f32 to vector<16xf32>
      %select_n3A_627 = arith.select %ge3A_622, %broadcast_in_dim3A_625, %broadcast_in_dim3A_626 : vector<16xi1>, vector<16xf32>
      %add3A_628 = arith.addf %add3A_621, %select_n3A_627 : vector<16xf32>
      %ge3A_629 = arith.cmpf oge, %add3A_94, %add3A_239 : vector<16xf32>
      %jit3A_630 = arith.constant 1.000000e+00 : f32
      %jit3A_631 = arith.constant 0.000000e+00 : f32
      %broadcast_in_dim3A_632 = vector.broadcast %jit3A_630 : f32 to vector<16xf32>
      %broadcast_in_dim3A_633 = vector.broadcast %jit3A_631 : f32 to vector<16xf32>
      %select_n3A_634 = arith.select %ge3A_629, %broadcast_in_dim3A_632, %broadcast_in_dim3A_633 : vector<16xi1>, vector<16xf32>
      %add3A_635 = arith.addf %add3A_628, %select_n3A_634 : vector<16xf32>
      %ge3A_636 = arith.cmpf oge, %add3A_123, %add3A_239 : vector<16xf32>
      %jit3A_637 = arith.constant 1.000000e+00 : f32
      %jit3A_638 = arith.constant 0.000000e+00 : f32
      %broadcast_in_dim3A_639 = vector.broadcast %jit3A_637 : f32 to vector<16xf32>
      %broadcast_in_dim3A_640 = vector.broadcast %jit3A_638 : f32 to vector<16xf32>
      %select_n3A_641 = arith.select %ge3A_636, %broadcast_in_dim3A_639, %broadcast_in_dim3A_640 : vector<16xi1>, vector<16xf32>
      %add3A_642 = arith.addf %add3A_635, %select_n3A_641 : vector<16xf32>
      %ge3A_643 = arith.cmpf oge, %add3A_152, %add3A_239 : vector<16xf32>
      %jit3A_644 = arith.constant 1.000000e+00 : f32
      %jit3A_645 = arith.constant 0.000000e+00 : f32
      %broadcast_in_dim3A_646 = vector.broadcast %jit3A_644 : f32 to vector<16xf32>
      %broadcast_in_dim3A_647 = vector.broadcast %jit3A_645 : f32 to vector<16xf32>
      %select_n3A_648 = arith.select %ge3A_643, %broadcast_in_dim3A_646, %broadcast_in_dim3A_647 : vector<16xi1>, vector<16xf32>
      %add3A_649 = arith.addf %add3A_642, %select_n3A_648 : vector<16xf32>
      %ge3A_650 = arith.cmpf oge, %add3A_181, %add3A_239 : vector<16xf32>
      %jit3A_651 = arith.constant 1.000000e+00 : f32
      %jit3A_652 = arith.constant 0.000000e+00 : f32
      %broadcast_in_dim3A_653 = vector.broadcast %jit3A_651 : f32 to vector<16xf32>
      %broadcast_in_dim3A_654 = vector.broadcast %jit3A_652 : f32 to vector<16xf32>
      %select_n3A_655 = arith.select %ge3A_650, %broadcast_in_dim3A_653, %broadcast_in_dim3A_654 : vector<16xi1>, vector<16xf32>
      %add3A_656 = arith.addf %add3A_649, %select_n3A_655 : vector<16xf32>
      %ge3A_657 = arith.cmpf oge, %add3A_210, %add3A_239 : vector<16xf32>
      %jit3A_658 = arith.constant 1.000000e+00 : f32
      %jit3A_659 = arith.constant 0.000000e+00 : f32
      %broadcast_in_dim3A_660 = vector.broadcast %jit3A_658 : f32 to vector<16xf32>
      %broadcast_in_dim3A_661 = vector.broadcast %jit3A_659 : f32 to vector<16xf32>
      %select_n3A_662 = arith.select %ge3A_657, %broadcast_in_dim3A_660, %broadcast_in_dim3A_661 : vector<16xi1>, vector<16xf32>
      %add3A_663 = arith.addf %add3A_656, %select_n3A_662 : vector<16xf32>
      %lt3A_664 = arith.constant 4.000000e+00 : f32
      %lt3A_665 = vector.broadcast %lt3A_664 : f32 to vector<16xf32>
      %lt3A_666 = arith.cmpf olt, %add3A_663, %lt3A_665 : vector<16xf32>
      %broadcast_in_dim3A_667 = arith.constant 0xFF800000 : f32
      %broadcast_in_dim3A_668 = vector.broadcast %broadcast_in_dim3A_667 : f32 to vector<16xf32>
      %broadcast_in_dim3A_669 = arith.constant 0xFF800000 : f32
      %broadcast_in_dim3A_670 = vector.broadcast %broadcast_in_dim3A_669 : f32 to vector<16xf32>
      %broadcast_in_dim3A_671 = arith.constant 0xFF800000 : f32
      %broadcast_in_dim3A_672 = vector.broadcast %broadcast_in_dim3A_671 : f32 to vector<16xf32>
      %broadcast_in_dim3A_673 = arith.constant 0xFF800000 : f32
      %broadcast_in_dim3A_674 = vector.broadcast %broadcast_in_dim3A_673 : f32 to vector<16xf32>
      %broadcast_in_dim3A_675 = arith.constant 0xFF800000 : f32
      %broadcast_in_dim3A_676 = vector.broadcast %broadcast_in_dim3A_675 : f32 to vector<16xf32>
      %broadcast_in_dim3A_677 = arith.constant 0xFF800000 : f32
      %broadcast_in_dim3A_678 = vector.broadcast %broadcast_in_dim3A_677 : f32 to vector<16xf32>
      %broadcast_in_dim3A_679 = arith.constant 0xFF800000 : f32
      %broadcast_in_dim3A_680 = vector.broadcast %broadcast_in_dim3A_679 : f32 to vector<16xf32>
      %broadcast_in_dim3A_681 = arith.constant 0xFF800000 : f32
      %broadcast_in_dim3A_682 = vector.broadcast %broadcast_in_dim3A_681 : f32 to vector<16xf32>
      %broadcast_in_dim3A_683 = arith.constant 0 : i32
      %broadcast_in_dim3A_684 = vector.broadcast %broadcast_in_dim3A_683 : i32 to vector<16xi32>
      %broadcast_in_dim3A_685 = arith.constant 0 : i32
      %broadcast_in_dim3A_686 = vector.broadcast %broadcast_in_dim3A_685 : i32 to vector<16xi32>
      %broadcast_in_dim3A_687 = arith.constant 0 : i32
      %broadcast_in_dim3A_688 = vector.broadcast %broadcast_in_dim3A_687 : i32 to vector<16xi32>
      %broadcast_in_dim3A_689 = arith.constant 0 : i32
      %broadcast_in_dim3A_690 = vector.broadcast %broadcast_in_dim3A_689 : i32 to vector<16xi32>
      %broadcast_in_dim3A_691 = arith.constant 0 : i32
      %broadcast_in_dim3A_692 = vector.broadcast %broadcast_in_dim3A_691 : i32 to vector<16xi32>
      %broadcast_in_dim3A_693 = arith.constant 0 : i32
      %broadcast_in_dim3A_694 = vector.broadcast %broadcast_in_dim3A_693 : i32 to vector<16xi32>
      %broadcast_in_dim3A_695 = arith.constant 0 : i32
      %broadcast_in_dim3A_696 = vector.broadcast %broadcast_in_dim3A_695 : i32 to vector<16xi32>
      %broadcast_in_dim3A_697 = arith.constant 0 : i32
      %broadcast_in_dim3A_698 = vector.broadcast %broadcast_in_dim3A_697 : i32 to vector<16xi32>
      %parallel_loop3A_699 = arith.constant 0 : i32
      %parallel_loop3A_700 = arith.constant 32 : i32
      %parallel_loop3A_701 = arith.constant 1 : i32
      %parallel_loop3A_702:16 = scf.for %parallel_loop3A_848 = %parallel_loop3A_699 to %parallel_loop3A_700 step %parallel_loop3A_701 iter_args(%parallel_loop3A_849 = %broadcast_in_dim3A_668, %parallel_loop3A_850 = %broadcast_in_dim3A_670, %parallel_loop3A_851 = %broadcast_in_dim3A_672, %parallel_loop3A_852 = %broadcast_in_dim3A_674, %parallel_loop3A_853 = %broadcast_in_dim3A_676, %parallel_loop3A_854 = %broadcast_in_dim3A_678, %parallel_loop3A_855 = %broadcast_in_dim3A_680, %parallel_loop3A_856 = %broadcast_in_dim3A_682, %parallel_loop3A_857 = %broadcast_in_dim3A_684, %parallel_loop3A_858 = %broadcast_in_dim3A_686, %parallel_loop3A_859 = %broadcast_in_dim3A_688, %parallel_loop3A_860 = %broadcast_in_dim3A_690, %parallel_loop3A_861 = %broadcast_in_dim3A_692, %parallel_loop3A_862 = %broadcast_in_dim3A_694, %parallel_loop3A_863 = %broadcast_in_dim3A_696, %parallel_loop3A_864 = %broadcast_in_dim3A_698) -> (vector<16xf32>, vector<16xf32>, vector<16xf32>, vector<16xf32>, vector<16xf32>, vector<16xf32>, vector<16xf32>, vector<16xf32>, vector<16xi32>, vector<16xi32>, vector<16xi32>, vector<16xi32>, vector<16xi32>, vector<16xi32>, vector<16xi32>, vector<16xi32>)  : i32 {
        %parallel_loop3A_865 = arith.constant 0 : i32
        %parallel_loop3A_866 = vector.broadcast %parallel_loop3A_865 : i32 to vector<16xi32>
        %parallel_loop3A_867 = vector.broadcast %parallel_loop3A_848 : i32 to vector<16xi32>
        %parallel_loop3A_868 = arith.addi %parallel_loop3A_866, %parallel_loop3A_867 : vector<16xi32>
        %parallel_loop3A_869 = tpu.vector_load_idx %arg5[%add3A_12, %parallel_loop3A_868] : memref<176x256xf32, #tpu.memory_space<vmem>>[vector<16xi32>, vector<16xi32>], vector<16xf32>,
        %parallel_loop3A_870 = arith.constant 0xFF800000 : f32
        %parallel_loop3A_871 = vector.broadcast %parallel_loop3A_870 : f32 to vector<16xf32>
        %parallel_loop3A_872 = arith.select %lt3A_289, %parallel_loop3A_869, %parallel_loop3A_871 : vector<16xi1>, vector<16xf32>
        %parallel_loop3A_873 = arith.cmpf ogt, %parallel_loop3A_872, %parallel_loop3A_849 : vector<16xf32>
        %parallel_loop3A_874 = arith.cmpf ogt, %parallel_loop3A_872, %parallel_loop3A_850 : vector<16xf32>
        %parallel_loop3A_875 = arith.cmpf ogt, %parallel_loop3A_872, %parallel_loop3A_851 : vector<16xf32>
        %parallel_loop3A_876 = arith.cmpf ogt, %parallel_loop3A_872, %parallel_loop3A_852 : vector<16xf32>
        %parallel_loop3A_877 = arith.cmpf ogt, %parallel_loop3A_872, %parallel_loop3A_853 : vector<16xf32>
        %parallel_loop3A_878 = arith.cmpf ogt, %parallel_loop3A_872, %parallel_loop3A_854 : vector<16xf32>
        %parallel_loop3A_879 = arith.cmpf ogt, %parallel_loop3A_872, %parallel_loop3A_855 : vector<16xf32>
        %parallel_loop3A_880 = arith.cmpf ogt, %parallel_loop3A_872, %parallel_loop3A_856 : vector<16xf32>
        %parallel_loop3A_881 = arith.select %parallel_loop3A_873, %parallel_loop3A_872, %parallel_loop3A_849 : vector<16xi1>, vector<16xf32>
        %parallel_loop3A_882 = arith.select %parallel_loop3A_873, %parallel_loop3A_868, %parallel_loop3A_857 : vector<16xi1>, vector<16xi32>
        %parallel_loop3A_883 = arith.select %parallel_loop3A_873, %parallel_loop3A_849, %parallel_loop3A_872 : vector<16xi1>, vector<16xf32>
        %parallel_loop3A_884 = arith.select %parallel_loop3A_874, %parallel_loop3A_883, %parallel_loop3A_850 : vector<16xi1>, vector<16xf32>
        %parallel_loop3A_885 = arith.select %parallel_loop3A_873, %parallel_loop3A_857, %parallel_loop3A_868 : vector<16xi1>, vector<16xi32>
        %parallel_loop3A_886 = arith.select %parallel_loop3A_874, %parallel_loop3A_885, %parallel_loop3A_858 : vector<16xi1>, vector<16xi32>
        %parallel_loop3A_887 = arith.select %parallel_loop3A_874, %parallel_loop3A_850, %parallel_loop3A_872 : vector<16xi1>, vector<16xf32>
        %parallel_loop3A_888 = arith.select %parallel_loop3A_875, %parallel_loop3A_887, %parallel_loop3A_851 : vector<16xi1>, vector<16xf32>
        %parallel_loop3A_889 = arith.select %parallel_loop3A_874, %parallel_loop3A_858, %parallel_loop3A_868 : vector<16xi1>, vector<16xi32>
        %parallel_loop3A_890 = arith.select %parallel_loop3A_875, %parallel_loop3A_889, %parallel_loop3A_859 : vector<16xi1>, vector<16xi32>
        %parallel_loop3A_891 = arith.select %parallel_loop3A_875, %parallel_loop3A_851, %parallel_loop3A_872 : vector<16xi1>, vector<16xf32>
        %parallel_loop3A_892 = arith.select %parallel_loop3A_876, %parallel_loop3A_891, %parallel_loop3A_852 : vector<16xi1>, vector<16xf32>
        %parallel_loop3A_893 = arith.select %parallel_loop3A_875, %parallel_loop3A_859, %parallel_loop3A_868 : vector<16xi1>, vector<16xi32>
        %parallel_loop3A_894 = arith.select %parallel_loop3A_876, %parallel_loop3A_893, %parallel_loop3A_860 : vector<16xi1>, vector<16xi32>
        %parallel_loop3A_895 = arith.select %parallel_loop3A_876, %parallel_loop3A_852, %parallel_loop3A_872 : vector<16xi1>, vector<16xf32>
        %parallel_loop3A_896 = arith.select %parallel_loop3A_877, %parallel_loop3A_895, %parallel_loop3A_853 : vector<16xi1>, vector<16xf32>
        %parallel_loop3A_897 = arith.select %parallel_loop3A_876, %parallel_loop3A_860, %parallel_loop3A_868 : vector<16xi1>, vector<16xi32>
        %parallel_loop3A_898 = arith.select %parallel_loop3A_877, %parallel_loop3A_897, %parallel_loop3A_861 : vector<16xi1>, vector<16xi32>
        %parallel_loop3A_899 = arith.select %parallel_loop3A_877, %parallel_loop3A_853, %parallel_loop3A_872 : vector<16xi1>, vector<16xf32>
        %parallel_loop3A_900 = arith.select %parallel_loop3A_878, %parallel_loop3A_899, %parallel_loop3A_854 : vector<16xi1>, vector<16xf32>
        %parallel_loop3A_901 = arith.select %parallel_loop3A_877, %parallel_loop3A_861, %parallel_loop3A_868 : vector<16xi1>, vector<16xi32>
        %parallel_loop3A_902 = arith.select %parallel_loop3A_878, %parallel_loop3A_901, %parallel_loop3A_862 : vector<16xi1>, vector<16xi32>
        %parallel_loop3A_903 = arith.select %parallel_loop3A_878, %parallel_loop3A_854, %parallel_loop3A_872 : vector<16xi1>, vector<16xf32>
        %parallel_loop3A_904 = arith.select %parallel_loop3A_879, %parallel_loop3A_903, %parallel_loop3A_855 : vector<16xi1>, vector<16xf32>
        %parallel_loop3A_905 = arith.select %parallel_loop3A_878, %parallel_loop3A_862, %parallel_loop3A_868 : vector<16xi1>, vector<16xi32>
        %parallel_loop3A_906 = arith.select %parallel_loop3A_879, %parallel_loop3A_905, %parallel_loop3A_863 : vector<16xi1>, vector<16xi32>
        %parallel_loop3A_907 = arith.select %parallel_loop3A_879, %parallel_loop3A_855, %parallel_loop3A_872 : vector<16xi1>, vector<16xf32>
        %parallel_loop3A_908 = arith.select %parallel_loop3A_880, %parallel_loop3A_907, %parallel_loop3A_856 : vector<16xi1>, vector<16xf32>
        %parallel_loop3A_909 = arith.select %parallel_loop3A_879, %parallel_loop3A_863, %parallel_loop3A_868 : vector<16xi1>, vector<16xi32>
        %parallel_loop3A_910 = arith.select %parallel_loop3A_880, %parallel_loop3A_909, %parallel_loop3A_864 : vector<16xi1>, vector<16xi32>
        scf.yield %parallel_loop3A_881, %parallel_loop3A_884, %parallel_loop3A_888, %parallel_loop3A_892, %parallel_loop3A_896, %parallel_loop3A_900, %parallel_loop3A_904, %parallel_loop3A_908, %parallel_loop3A_882, %parallel_loop3A_886, %parallel_loop3A_890, %parallel_loop3A_894, %parallel_loop3A_898, %parallel_loop3A_902, %parallel_loop3A_906, %parallel_loop3A_910 : vector<16xf32>, vector<16xf32>, vector<16xf32>, vector<16xf32>, vector<16xf32>, vector<16xf32>, vector<16xf32>, vector<16xf32>, vector<16xi32>, vector<16xi32>, vector<16xi32>, vector<16xi32>, vector<16xi32>, vector<16xi32>, vector<16xi32>, vector<16xi32>
      } {sc.loop_unroll_factor = 4 : i64, sc.parallel_access}
      %parallel_loop3A_703 = arith.constant 0 : i32
      %parallel_loop3A_704 = arith.constant 32 : i32
      %parallel_loop3A_705 = arith.constant 1 : i32
      %parallel_loop3A_706:16 = scf.for %parallel_loop3A_848 = %parallel_loop3A_703 to %parallel_loop3A_704 step %parallel_loop3A_705 iter_args(%parallel_loop3A_849 = %parallel_loop3A_702#0, %parallel_loop3A_850 = %parallel_loop3A_702#1, %parallel_loop3A_851 = %parallel_loop3A_702#2, %parallel_loop3A_852 = %parallel_loop3A_702#3, %parallel_loop3A_853 = %parallel_loop3A_702#4, %parallel_loop3A_854 = %parallel_loop3A_702#5, %parallel_loop3A_855 = %parallel_loop3A_702#6, %parallel_loop3A_856 = %parallel_loop3A_702#7, %parallel_loop3A_857 = %parallel_loop3A_702#8, %parallel_loop3A_858 = %parallel_loop3A_702#9, %parallel_loop3A_859 = %parallel_loop3A_702#10, %parallel_loop3A_860 = %parallel_loop3A_702#11, %parallel_loop3A_861 = %parallel_loop3A_702#12, %parallel_loop3A_862 = %parallel_loop3A_702#13, %parallel_loop3A_863 = %parallel_loop3A_702#14, %parallel_loop3A_864 = %parallel_loop3A_702#15) -> (vector<16xf32>, vector<16xf32>, vector<16xf32>, vector<16xf32>, vector<16xf32>, vector<16xf32>, vector<16xf32>, vector<16xf32>, vector<16xi32>, vector<16xi32>, vector<16xi32>, vector<16xi32>, vector<16xi32>, vector<16xi32>, vector<16xi32>, vector<16xi32>)  : i32 {
        %parallel_loop3A_865 = arith.constant 32 : i32
        %parallel_loop3A_866 = vector.broadcast %parallel_loop3A_865 : i32 to vector<16xi32>
        %parallel_loop3A_867 = vector.broadcast %parallel_loop3A_848 : i32 to vector<16xi32>
        %parallel_loop3A_868 = arith.addi %parallel_loop3A_866, %parallel_loop3A_867 : vector<16xi32>
        %parallel_loop3A_869 = tpu.vector_load_idx %arg5[%add3A_12, %parallel_loop3A_868] : memref<176x256xf32, #tpu.memory_space<vmem>>[vector<16xi32>, vector<16xi32>], vector<16xf32>,
        %parallel_loop3A_870 = arith.constant 0xFF800000 : f32
        %parallel_loop3A_871 = vector.broadcast %parallel_loop3A_870 : f32 to vector<16xf32>
        %parallel_loop3A_872 = arith.select %lt3A_342, %parallel_loop3A_869, %parallel_loop3A_871 : vector<16xi1>, vector<16xf32>
        %parallel_loop3A_873 = arith.cmpf ogt, %parallel_loop3A_872, %parallel_loop3A_849 : vector<16xf32>
        %parallel_loop3A_874 = arith.cmpf ogt, %parallel_loop3A_872, %parallel_loop3A_850 : vector<16xf32>
        %parallel_loop3A_875 = arith.cmpf ogt, %parallel_loop3A_872, %parallel_loop3A_851 : vector<16xf32>
        %parallel_loop3A_876 = arith.cmpf ogt, %parallel_loop3A_872, %parallel_loop3A_852 : vector<16xf32>
        %parallel_loop3A_877 = arith.cmpf ogt, %parallel_loop3A_872, %parallel_loop3A_853 : vector<16xf32>
        %parallel_loop3A_878 = arith.cmpf ogt, %parallel_loop3A_872, %parallel_loop3A_854 : vector<16xf32>
        %parallel_loop3A_879 = arith.cmpf ogt, %parallel_loop3A_872, %parallel_loop3A_855 : vector<16xf32>
        %parallel_loop3A_880 = arith.cmpf ogt, %parallel_loop3A_872, %parallel_loop3A_856 : vector<16xf32>
        %parallel_loop3A_881 = arith.select %parallel_loop3A_873, %parallel_loop3A_872, %parallel_loop3A_849 : vector<16xi1>, vector<16xf32>
        %parallel_loop3A_882 = arith.select %parallel_loop3A_873, %parallel_loop3A_868, %parallel_loop3A_857 : vector<16xi1>, vector<16xi32>
        %parallel_loop3A_883 = arith.select %parallel_loop3A_873, %parallel_loop3A_849, %parallel_loop3A_872 : vector<16xi1>, vector<16xf32>
        %parallel_loop3A_884 = arith.select %parallel_loop3A_874, %parallel_loop3A_883, %parallel_loop3A_850 : vector<16xi1>, vector<16xf32>
        %parallel_loop3A_885 = arith.select %parallel_loop3A_873, %parallel_loop3A_857, %parallel_loop3A_868 : vector<16xi1>, vector<16xi32>
        %parallel_loop3A_886 = arith.select %parallel_loop3A_874, %parallel_loop3A_885, %parallel_loop3A_858 : vector<16xi1>, vector<16xi32>
        %parallel_loop3A_887 = arith.select %parallel_loop3A_874, %parallel_loop3A_850, %parallel_loop3A_872 : vector<16xi1>, vector<16xf32>
        %parallel_loop3A_888 = arith.select %parallel_loop3A_875, %parallel_loop3A_887, %parallel_loop3A_851 : vector<16xi1>, vector<16xf32>
        %parallel_loop3A_889 = arith.select %parallel_loop3A_874, %parallel_loop3A_858, %parallel_loop3A_868 : vector<16xi1>, vector<16xi32>
        %parallel_loop3A_890 = arith.select %parallel_loop3A_875, %parallel_loop3A_889, %parallel_loop3A_859 : vector<16xi1>, vector<16xi32>
        %parallel_loop3A_891 = arith.select %parallel_loop3A_875, %parallel_loop3A_851, %parallel_loop3A_872 : vector<16xi1>, vector<16xf32>
        %parallel_loop3A_892 = arith.select %parallel_loop3A_876, %parallel_loop3A_891, %parallel_loop3A_852 : vector<16xi1>, vector<16xf32>
        %parallel_loop3A_893 = arith.select %parallel_loop3A_875, %parallel_loop3A_859, %parallel_loop3A_868 : vector<16xi1>, vector<16xi32>
        %parallel_loop3A_894 = arith.select %parallel_loop3A_876, %parallel_loop3A_893, %parallel_loop3A_860 : vector<16xi1>, vector<16xi32>
        %parallel_loop3A_895 = arith.select %parallel_loop3A_876, %parallel_loop3A_852, %parallel_loop3A_872 : vector<16xi1>, vector<16xf32>
        %parallel_loop3A_896 = arith.select %parallel_loop3A_877, %parallel_loop3A_895, %parallel_loop3A_853 : vector<16xi1>, vector<16xf32>
        %parallel_loop3A_897 = arith.select %parallel_loop3A_876, %parallel_loop3A_860, %parallel_loop3A_868 : vector<16xi1>, vector<16xi32>
        %parallel_loop3A_898 = arith.select %parallel_loop3A_877, %parallel_loop3A_897, %parallel_loop3A_861 : vector<16xi1>, vector<16xi32>
        %parallel_loop3A_899 = arith.select %parallel_loop3A_877, %parallel_loop3A_853, %parallel_loop3A_872 : vector<16xi1>, vector<16xf32>
        %parallel_loop3A_900 = arith.select %parallel_loop3A_878, %parallel_loop3A_899, %parallel_loop3A_854 : vector<16xi1>, vector<16xf32>
        %parallel_loop3A_901 = arith.select %parallel_loop3A_877, %parallel_loop3A_861, %parallel_loop3A_868 : vector<16xi1>, vector<16xi32>
        %parallel_loop3A_902 = arith.select %parallel_loop3A_878, %parallel_loop3A_901, %parallel_loop3A_862 : vector<16xi1>, vector<16xi32>
        %parallel_loop3A_903 = arith.select %parallel_loop3A_878, %parallel_loop3A_854, %parallel_loop3A_872 : vector<16xi1>, vector<16xf32>
        %parallel_loop3A_904 = arith.select %parallel_loop3A_879, %parallel_loop3A_903, %parallel_loop3A_855 : vector<16xi1>, vector<16xf32>
        %parallel_loop3A_905 = arith.select %parallel_loop3A_878, %parallel_loop3A_862, %parallel_loop3A_868 : vector<16xi1>, vector<16xi32>
        %parallel_loop3A_906 = arith.select %parallel_loop3A_879, %parallel_loop3A_905, %parallel_loop3A_863 : vector<16xi1>, vector<16xi32>
        %parallel_loop3A_907 = arith.select %parallel_loop3A_879, %parallel_loop3A_855, %parallel_loop3A_872 : vector<16xi1>, vector<16xf32>
        %parallel_loop3A_908 = arith.select %parallel_loop3A_880, %parallel_loop3A_907, %parallel_loop3A_856 : vector<16xi1>, vector<16xf32>
        %parallel_loop3A_909 = arith.select %parallel_loop3A_879, %parallel_loop3A_863, %parallel_loop3A_868 : vector<16xi1>, vector<16xi32>
        %parallel_loop3A_910 = arith.select %parallel_loop3A_880, %parallel_loop3A_909, %parallel_loop3A_864 : vector<16xi1>, vector<16xi32>
        scf.yield %parallel_loop3A_881, %parallel_loop3A_884, %parallel_loop3A_888, %parallel_loop3A_892, %parallel_loop3A_896, %parallel_loop3A_900, %parallel_loop3A_904, %parallel_loop3A_908, %parallel_loop3A_882, %parallel_loop3A_886, %parallel_loop3A_890, %parallel_loop3A_894, %parallel_loop3A_898, %parallel_loop3A_902, %parallel_loop3A_906, %parallel_loop3A_910 : vector<16xf32>, vector<16xf32>, vector<16xf32>, vector<16xf32>, vector<16xf32>, vector<16xf32>, vector<16xf32>, vector<16xf32>, vector<16xi32>, vector<16xi32>, vector<16xi32>, vector<16xi32>, vector<16xi32>, vector<16xi32>, vector<16xi32>, vector<16xi32>
      } {sc.loop_unroll_factor = 4 : i64, sc.parallel_access}
      %parallel_loop3A_707 = arith.constant 0 : i32
      %parallel_loop3A_708 = arith.constant 32 : i32
      %parallel_loop3A_709 = arith.constant 1 : i32
      %parallel_loop3A_710:16 = scf.for %parallel_loop3A_848 = %parallel_loop3A_707 to %parallel_loop3A_708 step %parallel_loop3A_709 iter_args(%parallel_loop3A_849 = %parallel_loop3A_706#0, %parallel_loop3A_850 = %parallel_loop3A_706#1, %parallel_loop3A_851 = %parallel_loop3A_706#2, %parallel_loop3A_852 = %parallel_loop3A_706#3, %parallel_loop3A_853 = %parallel_loop3A_706#4, %parallel_loop3A_854 = %parallel_loop3A_706#5, %parallel_loop3A_855 = %parallel_loop3A_706#6, %parallel_loop3A_856 = %parallel_loop3A_706#7, %parallel_loop3A_857 = %parallel_loop3A_706#8, %parallel_loop3A_858 = %parallel_loop3A_706#9, %parallel_loop3A_859 = %parallel_loop3A_706#10, %parallel_loop3A_860 = %parallel_loop3A_706#11, %parallel_loop3A_861 = %parallel_loop3A_706#12, %parallel_loop3A_862 = %parallel_loop3A_706#13, %parallel_loop3A_863 = %parallel_loop3A_706#14, %parallel_loop3A_864 = %parallel_loop3A_706#15) -> (vector<16xf32>, vector<16xf32>, vector<16xf32>, vector<16xf32>, vector<16xf32>, vector<16xf32>, vector<16xf32>, vector<16xf32>, vector<16xi32>, vector<16xi32>, vector<16xi32>, vector<16xi32>, vector<16xi32>, vector<16xi32>, vector<16xi32>, vector<16xi32>)  : i32 {
        %parallel_loop3A_865 = arith.constant 64 : i32
        %parallel_loop3A_866 = vector.broadcast %parallel_loop3A_865 : i32 to vector<16xi32>
        %parallel_loop3A_867 = vector.broadcast %parallel_loop3A_848 : i32 to vector<16xi32>
        %parallel_loop3A_868 = arith.addi %parallel_loop3A_866, %parallel_loop3A_867 : vector<16xi32>
        %parallel_loop3A_869 = tpu.vector_load_idx %arg5[%add3A_12, %parallel_loop3A_868] : memref<176x256xf32, #tpu.memory_space<vmem>>[vector<16xi32>, vector<16xi32>], vector<16xf32>,
        %parallel_loop3A_870 = arith.constant 0xFF800000 : f32
        %parallel_loop3A_871 = vector.broadcast %parallel_loop3A_870 : f32 to vector<16xf32>
        %parallel_loop3A_872 = arith.select %lt3A_396, %parallel_loop3A_869, %parallel_loop3A_871 : vector<16xi1>, vector<16xf32>
        %parallel_loop3A_873 = arith.cmpf ogt, %parallel_loop3A_872, %parallel_loop3A_849 : vector<16xf32>
        %parallel_loop3A_874 = arith.cmpf ogt, %parallel_loop3A_872, %parallel_loop3A_850 : vector<16xf32>
        %parallel_loop3A_875 = arith.cmpf ogt, %parallel_loop3A_872, %parallel_loop3A_851 : vector<16xf32>
        %parallel_loop3A_876 = arith.cmpf ogt, %parallel_loop3A_872, %parallel_loop3A_852 : vector<16xf32>
        %parallel_loop3A_877 = arith.cmpf ogt, %parallel_loop3A_872, %parallel_loop3A_853 : vector<16xf32>
        %parallel_loop3A_878 = arith.cmpf ogt, %parallel_loop3A_872, %parallel_loop3A_854 : vector<16xf32>
        %parallel_loop3A_879 = arith.cmpf ogt, %parallel_loop3A_872, %parallel_loop3A_855 : vector<16xf32>
        %parallel_loop3A_880 = arith.cmpf ogt, %parallel_loop3A_872, %parallel_loop3A_856 : vector<16xf32>
        %parallel_loop3A_881 = arith.select %parallel_loop3A_873, %parallel_loop3A_872, %parallel_loop3A_849 : vector<16xi1>, vector<16xf32>
        %parallel_loop3A_882 = arith.select %parallel_loop3A_873, %parallel_loop3A_868, %parallel_loop3A_857 : vector<16xi1>, vector<16xi32>
        %parallel_loop3A_883 = arith.select %parallel_loop3A_873, %parallel_loop3A_849, %parallel_loop3A_872 : vector<16xi1>, vector<16xf32>
        %parallel_loop3A_884 = arith.select %parallel_loop3A_874, %parallel_loop3A_883, %parallel_loop3A_850 : vector<16xi1>, vector<16xf32>
        %parallel_loop3A_885 = arith.select %parallel_loop3A_873, %parallel_loop3A_857, %parallel_loop3A_868 : vector<16xi1>, vector<16xi32>
        %parallel_loop3A_886 = arith.select %parallel_loop3A_874, %parallel_loop3A_885, %parallel_loop3A_858 : vector<16xi1>, vector<16xi32>
        %parallel_loop3A_887 = arith.select %parallel_loop3A_874, %parallel_loop3A_850, %parallel_loop3A_872 : vector<16xi1>, vector<16xf32>
        %parallel_loop3A_888 = arith.select %parallel_loop3A_875, %parallel_loop3A_887, %parallel_loop3A_851 : vector<16xi1>, vector<16xf32>
        %parallel_loop3A_889 = arith.select %parallel_loop3A_874, %parallel_loop3A_858, %parallel_loop3A_868 : vector<16xi1>, vector<16xi32>
        %parallel_loop3A_890 = arith.select %parallel_loop3A_875, %parallel_loop3A_889, %parallel_loop3A_859 : vector<16xi1>, vector<16xi32>
        %parallel_loop3A_891 = arith.select %parallel_loop3A_875, %parallel_loop3A_851, %parallel_loop3A_872 : vector<16xi1>, vector<16xf32>
        %parallel_loop3A_892 = arith.select %parallel_loop3A_876, %parallel_loop3A_891, %parallel_loop3A_852 : vector<16xi1>, vector<16xf32>
        %parallel_loop3A_893 = arith.select %parallel_loop3A_875, %parallel_loop3A_859, %parallel_loop3A_868 : vector<16xi1>, vector<16xi32>
        %parallel_loop3A_894 = arith.select %parallel_loop3A_876, %parallel_loop3A_893, %parallel_loop3A_860 : vector<16xi1>, vector<16xi32>
        %parallel_loop3A_895 = arith.select %parallel_loop3A_876, %parallel_loop3A_852, %parallel_loop3A_872 : vector<16xi1>, vector<16xf32>
        %parallel_loop3A_896 = arith.select %parallel_loop3A_877, %parallel_loop3A_895, %parallel_loop3A_853 : vector<16xi1>, vector<16xf32>
        %parallel_loop3A_897 = arith.select %parallel_loop3A_876, %parallel_loop3A_860, %parallel_loop3A_868 : vector<16xi1>, vector<16xi32>
        %parallel_loop3A_898 = arith.select %parallel_loop3A_877, %parallel_loop3A_897, %parallel_loop3A_861 : vector<16xi1>, vector<16xi32>
        %parallel_loop3A_899 = arith.select %parallel_loop3A_877, %parallel_loop3A_853, %parallel_loop3A_872 : vector<16xi1>, vector<16xf32>
        %parallel_loop3A_900 = arith.select %parallel_loop3A_878, %parallel_loop3A_899, %parallel_loop3A_854 : vector<16xi1>, vector<16xf32>
        %parallel_loop3A_901 = arith.select %parallel_loop3A_877, %parallel_loop3A_861, %parallel_loop3A_868 : vector<16xi1>, vector<16xi32>
        %parallel_loop3A_902 = arith.select %parallel_loop3A_878, %parallel_loop3A_901, %parallel_loop3A_862 : vector<16xi1>, vector<16xi32>
        %parallel_loop3A_903 = arith.select %parallel_loop3A_878, %parallel_loop3A_854, %parallel_loop3A_872 : vector<16xi1>, vector<16xf32>
        %parallel_loop3A_904 = arith.select %parallel_loop3A_879, %parallel_loop3A_903, %parallel_loop3A_855 : vector<16xi1>, vector<16xf32>
        %parallel_loop3A_905 = arith.select %parallel_loop3A_878, %parallel_loop3A_862, %parallel_loop3A_868 : vector<16xi1>, vector<16xi32>
        %parallel_loop3A_906 = arith.select %parallel_loop3A_879, %parallel_loop3A_905, %parallel_loop3A_863 : vector<16xi1>, vector<16xi32>
        %parallel_loop3A_907 = arith.select %parallel_loop3A_879, %parallel_loop3A_855, %parallel_loop3A_872 : vector<16xi1>, vector<16xf32>
        %parallel_loop3A_908 = arith.select %parallel_loop3A_880, %parallel_loop3A_907, %parallel_loop3A_856 : vector<16xi1>, vector<16xf32>
        %parallel_loop3A_909 = arith.select %parallel_loop3A_879, %parallel_loop3A_863, %parallel_loop3A_868 : vector<16xi1>, vector<16xi32>
        %parallel_loop3A_910 = arith.select %parallel_loop3A_880, %parallel_loop3A_909, %parallel_loop3A_864 : vector<16xi1>, vector<16xi32>
        scf.yield %parallel_loop3A_881, %parallel_loop3A_884, %parallel_loop3A_888, %parallel_loop3A_892, %parallel_loop3A_896, %parallel_loop3A_900, %parallel_loop3A_904, %parallel_loop3A_908, %parallel_loop3A_882, %parallel_loop3A_886, %parallel_loop3A_890, %parallel_loop3A_894, %parallel_loop3A_898, %parallel_loop3A_902, %parallel_loop3A_906, %parallel_loop3A_910 : vector<16xf32>, vector<16xf32>, vector<16xf32>, vector<16xf32>, vector<16xf32>, vector<16xf32>, vector<16xf32>, vector<16xf32>, vector<16xi32>, vector<16xi32>, vector<16xi32>, vector<16xi32>, vector<16xi32>, vector<16xi32>, vector<16xi32>, vector<16xi32>
      } {sc.loop_unroll_factor = 4 : i64, sc.parallel_access}
      %parallel_loop3A_711 = arith.constant 0 : i32
      %parallel_loop3A_712 = arith.constant 32 : i32
      %parallel_loop3A_713 = arith.constant 1 : i32
      %parallel_loop3A_714:16 = scf.for %parallel_loop3A_848 = %parallel_loop3A_711 to %parallel_loop3A_712 step %parallel_loop3A_713 iter_args(%parallel_loop3A_849 = %parallel_loop3A_710#0, %parallel_loop3A_850 = %parallel_loop3A_710#1, %parallel_loop3A_851 = %parallel_loop3A_710#2, %parallel_loop3A_852 = %parallel_loop3A_710#3, %parallel_loop3A_853 = %parallel_loop3A_710#4, %parallel_loop3A_854 = %parallel_loop3A_710#5, %parallel_loop3A_855 = %parallel_loop3A_710#6, %parallel_loop3A_856 = %parallel_loop3A_710#7, %parallel_loop3A_857 = %parallel_loop3A_710#8, %parallel_loop3A_858 = %parallel_loop3A_710#9, %parallel_loop3A_859 = %parallel_loop3A_710#10, %parallel_loop3A_860 = %parallel_loop3A_710#11, %parallel_loop3A_861 = %parallel_loop3A_710#12, %parallel_loop3A_862 = %parallel_loop3A_710#13, %parallel_loop3A_863 = %parallel_loop3A_710#14, %parallel_loop3A_864 = %parallel_loop3A_710#15) -> (vector<16xf32>, vector<16xf32>, vector<16xf32>, vector<16xf32>, vector<16xf32>, vector<16xf32>, vector<16xf32>, vector<16xf32>, vector<16xi32>, vector<16xi32>, vector<16xi32>, vector<16xi32>, vector<16xi32>, vector<16xi32>, vector<16xi32>, vector<16xi32>)  : i32 {
        %parallel_loop3A_865 = arith.constant 96 : i32
        %parallel_loop3A_866 = vector.broadcast %parallel_loop3A_865 : i32 to vector<16xi32>
        %parallel_loop3A_867 = vector.broadcast %parallel_loop3A_848 : i32 to vector<16xi32>
        %parallel_loop3A_868 = arith.addi %parallel_loop3A_866, %parallel_loop3A_867 : vector<16xi32>
        %parallel_loop3A_869 = tpu.vector_load_idx %arg5[%add3A_12, %parallel_loop3A_868] : memref<176x256xf32, #tpu.memory_space<vmem>>[vector<16xi32>, vector<16xi32>], vector<16xf32>,
        %parallel_loop3A_870 = arith.constant 0xFF800000 : f32
        %parallel_loop3A_871 = vector.broadcast %parallel_loop3A_870 : f32 to vector<16xf32>
        %parallel_loop3A_872 = arith.select %lt3A_450, %parallel_loop3A_869, %parallel_loop3A_871 : vector<16xi1>, vector<16xf32>
        %parallel_loop3A_873 = arith.cmpf ogt, %parallel_loop3A_872, %parallel_loop3A_849 : vector<16xf32>
        %parallel_loop3A_874 = arith.cmpf ogt, %parallel_loop3A_872, %parallel_loop3A_850 : vector<16xf32>
        %parallel_loop3A_875 = arith.cmpf ogt, %parallel_loop3A_872, %parallel_loop3A_851 : vector<16xf32>
        %parallel_loop3A_876 = arith.cmpf ogt, %parallel_loop3A_872, %parallel_loop3A_852 : vector<16xf32>
        %parallel_loop3A_877 = arith.cmpf ogt, %parallel_loop3A_872, %parallel_loop3A_853 : vector<16xf32>
        %parallel_loop3A_878 = arith.cmpf ogt, %parallel_loop3A_872, %parallel_loop3A_854 : vector<16xf32>
        %parallel_loop3A_879 = arith.cmpf ogt, %parallel_loop3A_872, %parallel_loop3A_855 : vector<16xf32>
        %parallel_loop3A_880 = arith.cmpf ogt, %parallel_loop3A_872, %parallel_loop3A_856 : vector<16xf32>
        %parallel_loop3A_881 = arith.select %parallel_loop3A_873, %parallel_loop3A_872, %parallel_loop3A_849 : vector<16xi1>, vector<16xf32>
        %parallel_loop3A_882 = arith.select %parallel_loop3A_873, %parallel_loop3A_868, %parallel_loop3A_857 : vector<16xi1>, vector<16xi32>
        %parallel_loop3A_883 = arith.select %parallel_loop3A_873, %parallel_loop3A_849, %parallel_loop3A_872 : vector<16xi1>, vector<16xf32>
        %parallel_loop3A_884 = arith.select %parallel_loop3A_874, %parallel_loop3A_883, %parallel_loop3A_850 : vector<16xi1>, vector<16xf32>
        %parallel_loop3A_885 = arith.select %parallel_loop3A_873, %parallel_loop3A_857, %parallel_loop3A_868 : vector<16xi1>, vector<16xi32>
        %parallel_loop3A_886 = arith.select %parallel_loop3A_874, %parallel_loop3A_885, %parallel_loop3A_858 : vector<16xi1>, vector<16xi32>
        %parallel_loop3A_887 = arith.select %parallel_loop3A_874, %parallel_loop3A_850, %parallel_loop3A_872 : vector<16xi1>, vector<16xf32>
        %parallel_loop3A_888 = arith.select %parallel_loop3A_875, %parallel_loop3A_887, %parallel_loop3A_851 : vector<16xi1>, vector<16xf32>
        %parallel_loop3A_889 = arith.select %parallel_loop3A_874, %parallel_loop3A_858, %parallel_loop3A_868 : vector<16xi1>, vector<16xi32>
        %parallel_loop3A_890 = arith.select %parallel_loop3A_875, %parallel_loop3A_889, %parallel_loop3A_859 : vector<16xi1>, vector<16xi32>
        %parallel_loop3A_891 = arith.select %parallel_loop3A_875, %parallel_loop3A_851, %parallel_loop3A_872 : vector<16xi1>, vector<16xf32>
        %parallel_loop3A_892 = arith.select %parallel_loop3A_876, %parallel_loop3A_891, %parallel_loop3A_852 : vector<16xi1>, vector<16xf32>
        %parallel_loop3A_893 = arith.select %parallel_loop3A_875, %parallel_loop3A_859, %parallel_loop3A_868 : vector<16xi1>, vector<16xi32>
        %parallel_loop3A_894 = arith.select %parallel_loop3A_876, %parallel_loop3A_893, %parallel_loop3A_860 : vector<16xi1>, vector<16xi32>
        %parallel_loop3A_895 = arith.select %parallel_loop3A_876, %parallel_loop3A_852, %parallel_loop3A_872 : vector<16xi1>, vector<16xf32>
        %parallel_loop3A_896 = arith.select %parallel_loop3A_877, %parallel_loop3A_895, %parallel_loop3A_853 : vector<16xi1>, vector<16xf32>
        %parallel_loop3A_897 = arith.select %parallel_loop3A_876, %parallel_loop3A_860, %parallel_loop3A_868 : vector<16xi1>, vector<16xi32>
        %parallel_loop3A_898 = arith.select %parallel_loop3A_877, %parallel_loop3A_897, %parallel_loop3A_861 : vector<16xi1>, vector<16xi32>
        %parallel_loop3A_899 = arith.select %parallel_loop3A_877, %parallel_loop3A_853, %parallel_loop3A_872 : vector<16xi1>, vector<16xf32>
        %parallel_loop3A_900 = arith.select %parallel_loop3A_878, %parallel_loop3A_899, %parallel_loop3A_854 : vector<16xi1>, vector<16xf32>
        %parallel_loop3A_901 = arith.select %parallel_loop3A_877, %parallel_loop3A_861, %parallel_loop3A_868 : vector<16xi1>, vector<16xi32>
        %parallel_loop3A_902 = arith.select %parallel_loop3A_878, %parallel_loop3A_901, %parallel_loop3A_862 : vector<16xi1>, vector<16xi32>
        %parallel_loop3A_903 = arith.select %parallel_loop3A_878, %parallel_loop3A_854, %parallel_loop3A_872 : vector<16xi1>, vector<16xf32>
        %parallel_loop3A_904 = arith.select %parallel_loop3A_879, %parallel_loop3A_903, %parallel_loop3A_855 : vector<16xi1>, vector<16xf32>
        %parallel_loop3A_905 = arith.select %parallel_loop3A_878, %parallel_loop3A_862, %parallel_loop3A_868 : vector<16xi1>, vector<16xi32>
        %parallel_loop3A_906 = arith.select %parallel_loop3A_879, %parallel_loop3A_905, %parallel_loop3A_863 : vector<16xi1>, vector<16xi32>
        %parallel_loop3A_907 = arith.select %parallel_loop3A_879, %parallel_loop3A_855, %parallel_loop3A_872 : vector<16xi1>, vector<16xf32>
        %parallel_loop3A_908 = arith.select %parallel_loop3A_880, %parallel_loop3A_907, %parallel_loop3A_856 : vector<16xi1>, vector<16xf32>
        %parallel_loop3A_909 = arith.select %parallel_loop3A_879, %parallel_loop3A_863, %parallel_loop3A_868 : vector<16xi1>, vector<16xi32>
        %parallel_loop3A_910 = arith.select %parallel_loop3A_880, %parallel_loop3A_909, %parallel_loop3A_864 : vector<16xi1>, vector<16xi32>
        scf.yield %parallel_loop3A_881, %parallel_loop3A_884, %parallel_loop3A_888, %parallel_loop3A_892, %parallel_loop3A_896, %parallel_loop3A_900, %parallel_loop3A_904, %parallel_loop3A_908, %parallel_loop3A_882, %parallel_loop3A_886, %parallel_loop3A_890, %parallel_loop3A_894, %parallel_loop3A_898, %parallel_loop3A_902, %parallel_loop3A_906, %parallel_loop3A_910 : vector<16xf32>, vector<16xf32>, vector<16xf32>, vector<16xf32>, vector<16xf32>, vector<16xf32>, vector<16xf32>, vector<16xf32>, vector<16xi32>, vector<16xi32>, vector<16xi32>, vector<16xi32>, vector<16xi32>, vector<16xi32>, vector<16xi32>, vector<16xi32>
      } {sc.loop_unroll_factor = 4 : i64, sc.parallel_access}
      %parallel_loop3A_715 = arith.constant 0 : i32
      %parallel_loop3A_716 = arith.constant 32 : i32
      %parallel_loop3A_717 = arith.constant 1 : i32
      %parallel_loop3A_718:16 = scf.for %parallel_loop3A_848 = %parallel_loop3A_715 to %parallel_loop3A_716 step %parallel_loop3A_717 iter_args(%parallel_loop3A_849 = %parallel_loop3A_714#0, %parallel_loop3A_850 = %parallel_loop3A_714#1, %parallel_loop3A_851 = %parallel_loop3A_714#2, %parallel_loop3A_852 = %parallel_loop3A_714#3, %parallel_loop3A_853 = %parallel_loop3A_714#4, %parallel_loop3A_854 = %parallel_loop3A_714#5, %parallel_loop3A_855 = %parallel_loop3A_714#6, %parallel_loop3A_856 = %parallel_loop3A_714#7, %parallel_loop3A_857 = %parallel_loop3A_714#8, %parallel_loop3A_858 = %parallel_loop3A_714#9, %parallel_loop3A_859 = %parallel_loop3A_714#10, %parallel_loop3A_860 = %parallel_loop3A_714#11, %parallel_loop3A_861 = %parallel_loop3A_714#12, %parallel_loop3A_862 = %parallel_loop3A_714#13, %parallel_loop3A_863 = %parallel_loop3A_714#14, %parallel_loop3A_864 = %parallel_loop3A_714#15) -> (vector<16xf32>, vector<16xf32>, vector<16xf32>, vector<16xf32>, vector<16xf32>, vector<16xf32>, vector<16xf32>, vector<16xf32>, vector<16xi32>, vector<16xi32>, vector<16xi32>, vector<16xi32>, vector<16xi32>, vector<16xi32>, vector<16xi32>, vector<16xi32>)  : i32 {
        %parallel_loop3A_865 = arith.constant 128 : i32
        %parallel_loop3A_866 = vector.broadcast %parallel_loop3A_865 : i32 to vector<16xi32>
        %parallel_loop3A_867 = vector.broadcast %parallel_loop3A_848 : i32 to vector<16xi32>
        %parallel_loop3A_868 = arith.addi %parallel_loop3A_866, %parallel_loop3A_867 : vector<16xi32>
        %parallel_loop3A_869 = tpu.vector_load_idx %arg5[%add3A_12, %parallel_loop3A_868] : memref<176x256xf32, #tpu.memory_space<vmem>>[vector<16xi32>, vector<16xi32>], vector<16xf32>,
        %parallel_loop3A_870 = arith.constant 0xFF800000 : f32
        %parallel_loop3A_871 = vector.broadcast %parallel_loop3A_870 : f32 to vector<16xf32>
        %parallel_loop3A_872 = arith.select %lt3A_504, %parallel_loop3A_869, %parallel_loop3A_871 : vector<16xi1>, vector<16xf32>
        %parallel_loop3A_873 = arith.cmpf ogt, %parallel_loop3A_872, %parallel_loop3A_849 : vector<16xf32>
        %parallel_loop3A_874 = arith.cmpf ogt, %parallel_loop3A_872, %parallel_loop3A_850 : vector<16xf32>
        %parallel_loop3A_875 = arith.cmpf ogt, %parallel_loop3A_872, %parallel_loop3A_851 : vector<16xf32>
        %parallel_loop3A_876 = arith.cmpf ogt, %parallel_loop3A_872, %parallel_loop3A_852 : vector<16xf32>
        %parallel_loop3A_877 = arith.cmpf ogt, %parallel_loop3A_872, %parallel_loop3A_853 : vector<16xf32>
        %parallel_loop3A_878 = arith.cmpf ogt, %parallel_loop3A_872, %parallel_loop3A_854 : vector<16xf32>
        %parallel_loop3A_879 = arith.cmpf ogt, %parallel_loop3A_872, %parallel_loop3A_855 : vector<16xf32>
        %parallel_loop3A_880 = arith.cmpf ogt, %parallel_loop3A_872, %parallel_loop3A_856 : vector<16xf32>
        %parallel_loop3A_881 = arith.select %parallel_loop3A_873, %parallel_loop3A_872, %parallel_loop3A_849 : vector<16xi1>, vector<16xf32>
        %parallel_loop3A_882 = arith.select %parallel_loop3A_873, %parallel_loop3A_868, %parallel_loop3A_857 : vector<16xi1>, vector<16xi32>
        %parallel_loop3A_883 = arith.select %parallel_loop3A_873, %parallel_loop3A_849, %parallel_loop3A_872 : vector<16xi1>, vector<16xf32>
        %parallel_loop3A_884 = arith.select %parallel_loop3A_874, %parallel_loop3A_883, %parallel_loop3A_850 : vector<16xi1>, vector<16xf32>
        %parallel_loop3A_885 = arith.select %parallel_loop3A_873, %parallel_loop3A_857, %parallel_loop3A_868 : vector<16xi1>, vector<16xi32>
        %parallel_loop3A_886 = arith.select %parallel_loop3A_874, %parallel_loop3A_885, %parallel_loop3A_858 : vector<16xi1>, vector<16xi32>
        %parallel_loop3A_887 = arith.select %parallel_loop3A_874, %parallel_loop3A_850, %parallel_loop3A_872 : vector<16xi1>, vector<16xf32>
        %parallel_loop3A_888 = arith.select %parallel_loop3A_875, %parallel_loop3A_887, %parallel_loop3A_851 : vector<16xi1>, vector<16xf32>
        %parallel_loop3A_889 = arith.select %parallel_loop3A_874, %parallel_loop3A_858, %parallel_loop3A_868 : vector<16xi1>, vector<16xi32>
        %parallel_loop3A_890 = arith.select %parallel_loop3A_875, %parallel_loop3A_889, %parallel_loop3A_859 : vector<16xi1>, vector<16xi32>
        %parallel_loop3A_891 = arith.select %parallel_loop3A_875, %parallel_loop3A_851, %parallel_loop3A_872 : vector<16xi1>, vector<16xf32>
        %parallel_loop3A_892 = arith.select %parallel_loop3A_876, %parallel_loop3A_891, %parallel_loop3A_852 : vector<16xi1>, vector<16xf32>
        %parallel_loop3A_893 = arith.select %parallel_loop3A_875, %parallel_loop3A_859, %parallel_loop3A_868 : vector<16xi1>, vector<16xi32>
        %parallel_loop3A_894 = arith.select %parallel_loop3A_876, %parallel_loop3A_893, %parallel_loop3A_860 : vector<16xi1>, vector<16xi32>
        %parallel_loop3A_895 = arith.select %parallel_loop3A_876, %parallel_loop3A_852, %parallel_loop3A_872 : vector<16xi1>, vector<16xf32>
        %parallel_loop3A_896 = arith.select %parallel_loop3A_877, %parallel_loop3A_895, %parallel_loop3A_853 : vector<16xi1>, vector<16xf32>
        %parallel_loop3A_897 = arith.select %parallel_loop3A_876, %parallel_loop3A_860, %parallel_loop3A_868 : vector<16xi1>, vector<16xi32>
        %parallel_loop3A_898 = arith.select %parallel_loop3A_877, %parallel_loop3A_897, %parallel_loop3A_861 : vector<16xi1>, vector<16xi32>
        %parallel_loop3A_899 = arith.select %parallel_loop3A_877, %parallel_loop3A_853, %parallel_loop3A_872 : vector<16xi1>, vector<16xf32>
        %parallel_loop3A_900 = arith.select %parallel_loop3A_878, %parallel_loop3A_899, %parallel_loop3A_854 : vector<16xi1>, vector<16xf32>
        %parallel_loop3A_901 = arith.select %parallel_loop3A_877, %parallel_loop3A_861, %parallel_loop3A_868 : vector<16xi1>, vector<16xi32>
        %parallel_loop3A_902 = arith.select %parallel_loop3A_878, %parallel_loop3A_901, %parallel_loop3A_862 : vector<16xi1>, vector<16xi32>
        %parallel_loop3A_903 = arith.select %parallel_loop3A_878, %parallel_loop3A_854, %parallel_loop3A_872 : vector<16xi1>, vector<16xf32>
        %parallel_loop3A_904 = arith.select %parallel_loop3A_879, %parallel_loop3A_903, %parallel_loop3A_855 : vector<16xi1>, vector<16xf32>
        %parallel_loop3A_905 = arith.select %parallel_loop3A_878, %parallel_loop3A_862, %parallel_loop3A_868 : vector<16xi1>, vector<16xi32>
        %parallel_loop3A_906 = arith.select %parallel_loop3A_879, %parallel_loop3A_905, %parallel_loop3A_863 : vector<16xi1>, vector<16xi32>
        %parallel_loop3A_907 = arith.select %parallel_loop3A_879, %parallel_loop3A_855, %parallel_loop3A_872 : vector<16xi1>, vector<16xf32>
        %parallel_loop3A_908 = arith.select %parallel_loop3A_880, %parallel_loop3A_907, %parallel_loop3A_856 : vector<16xi1>, vector<16xf32>
        %parallel_loop3A_909 = arith.select %parallel_loop3A_879, %parallel_loop3A_863, %parallel_loop3A_868 : vector<16xi1>, vector<16xi32>
        %parallel_loop3A_910 = arith.select %parallel_loop3A_880, %parallel_loop3A_909, %parallel_loop3A_864 : vector<16xi1>, vector<16xi32>
        scf.yield %parallel_loop3A_881, %parallel_loop3A_884, %parallel_loop3A_888, %parallel_loop3A_892, %parallel_loop3A_896, %parallel_loop3A_900, %parallel_loop3A_904, %parallel_loop3A_908, %parallel_loop3A_882, %parallel_loop3A_886, %parallel_loop3A_890, %parallel_loop3A_894, %parallel_loop3A_898, %parallel_loop3A_902, %parallel_loop3A_906, %parallel_loop3A_910 : vector<16xf32>, vector<16xf32>, vector<16xf32>, vector<16xf32>, vector<16xf32>, vector<16xf32>, vector<16xf32>, vector<16xf32>, vector<16xi32>, vector<16xi32>, vector<16xi32>, vector<16xi32>, vector<16xi32>, vector<16xi32>, vector<16xi32>, vector<16xi32>
      } {sc.loop_unroll_factor = 4 : i64, sc.parallel_access}
      %parallel_loop3A_719 = arith.constant 0 : i32
      %parallel_loop3A_720 = arith.constant 32 : i32
      %parallel_loop3A_721 = arith.constant 1 : i32
      %parallel_loop3A_722:16 = scf.for %parallel_loop3A_848 = %parallel_loop3A_719 to %parallel_loop3A_720 step %parallel_loop3A_721 iter_args(%parallel_loop3A_849 = %parallel_loop3A_718#0, %parallel_loop3A_850 = %parallel_loop3A_718#1, %parallel_loop3A_851 = %parallel_loop3A_718#2, %parallel_loop3A_852 = %parallel_loop3A_718#3, %parallel_loop3A_853 = %parallel_loop3A_718#4, %parallel_loop3A_854 = %parallel_loop3A_718#5, %parallel_loop3A_855 = %parallel_loop3A_718#6, %parallel_loop3A_856 = %parallel_loop3A_718#7, %parallel_loop3A_857 = %parallel_loop3A_718#8, %parallel_loop3A_858 = %parallel_loop3A_718#9, %parallel_loop3A_859 = %parallel_loop3A_718#10, %parallel_loop3A_860 = %parallel_loop3A_718#11, %parallel_loop3A_861 = %parallel_loop3A_718#12, %parallel_loop3A_862 = %parallel_loop3A_718#13, %parallel_loop3A_863 = %parallel_loop3A_718#14, %parallel_loop3A_864 = %parallel_loop3A_718#15) -> (vector<16xf32>, vector<16xf32>, vector<16xf32>, vector<16xf32>, vector<16xf32>, vector<16xf32>, vector<16xf32>, vector<16xf32>, vector<16xi32>, vector<16xi32>, vector<16xi32>, vector<16xi32>, vector<16xi32>, vector<16xi32>, vector<16xi32>, vector<16xi32>)  : i32 {
        %parallel_loop3A_865 = arith.constant 160 : i32
        %parallel_loop3A_866 = vector.broadcast %parallel_loop3A_865 : i32 to vector<16xi32>
        %parallel_loop3A_867 = vector.broadcast %parallel_loop3A_848 : i32 to vector<16xi32>
        %parallel_loop3A_868 = arith.addi %parallel_loop3A_866, %parallel_loop3A_867 : vector<16xi32>
        %parallel_loop3A_869 = tpu.vector_load_idx %arg5[%add3A_12, %parallel_loop3A_868] : memref<176x256xf32, #tpu.memory_space<vmem>>[vector<16xi32>, vector<16xi32>], vector<16xf32>,
        %parallel_loop3A_870 = arith.constant 0xFF800000 : f32
        %parallel_loop3A_871 = vector.broadcast %parallel_loop3A_870 : f32 to vector<16xf32>
        %parallel_loop3A_872 = arith.select %lt3A_558, %parallel_loop3A_869, %parallel_loop3A_871 : vector<16xi1>, vector<16xf32>
        %parallel_loop3A_873 = arith.cmpf ogt, %parallel_loop3A_872, %parallel_loop3A_849 : vector<16xf32>
        %parallel_loop3A_874 = arith.cmpf ogt, %parallel_loop3A_872, %parallel_loop3A_850 : vector<16xf32>
        %parallel_loop3A_875 = arith.cmpf ogt, %parallel_loop3A_872, %parallel_loop3A_851 : vector<16xf32>
        %parallel_loop3A_876 = arith.cmpf ogt, %parallel_loop3A_872, %parallel_loop3A_852 : vector<16xf32>
        %parallel_loop3A_877 = arith.cmpf ogt, %parallel_loop3A_872, %parallel_loop3A_853 : vector<16xf32>
        %parallel_loop3A_878 = arith.cmpf ogt, %parallel_loop3A_872, %parallel_loop3A_854 : vector<16xf32>
        %parallel_loop3A_879 = arith.cmpf ogt, %parallel_loop3A_872, %parallel_loop3A_855 : vector<16xf32>
        %parallel_loop3A_880 = arith.cmpf ogt, %parallel_loop3A_872, %parallel_loop3A_856 : vector<16xf32>
        %parallel_loop3A_881 = arith.select %parallel_loop3A_873, %parallel_loop3A_872, %parallel_loop3A_849 : vector<16xi1>, vector<16xf32>
        %parallel_loop3A_882 = arith.select %parallel_loop3A_873, %parallel_loop3A_868, %parallel_loop3A_857 : vector<16xi1>, vector<16xi32>
        %parallel_loop3A_883 = arith.select %parallel_loop3A_873, %parallel_loop3A_849, %parallel_loop3A_872 : vector<16xi1>, vector<16xf32>
        %parallel_loop3A_884 = arith.select %parallel_loop3A_874, %parallel_loop3A_883, %parallel_loop3A_850 : vector<16xi1>, vector<16xf32>
        %parallel_loop3A_885 = arith.select %parallel_loop3A_873, %parallel_loop3A_857, %parallel_loop3A_868 : vector<16xi1>, vector<16xi32>
        %parallel_loop3A_886 = arith.select %parallel_loop3A_874, %parallel_loop3A_885, %parallel_loop3A_858 : vector<16xi1>, vector<16xi32>
        %parallel_loop3A_887 = arith.select %parallel_loop3A_874, %parallel_loop3A_850, %parallel_loop3A_872 : vector<16xi1>, vector<16xf32>
        %parallel_loop3A_888 = arith.select %parallel_loop3A_875, %parallel_loop3A_887, %parallel_loop3A_851 : vector<16xi1>, vector<16xf32>
        %parallel_loop3A_889 = arith.select %parallel_loop3A_874, %parallel_loop3A_858, %parallel_loop3A_868 : vector<16xi1>, vector<16xi32>
        %parallel_loop3A_890 = arith.select %parallel_loop3A_875, %parallel_loop3A_889, %parallel_loop3A_859 : vector<16xi1>, vector<16xi32>
        %parallel_loop3A_891 = arith.select %parallel_loop3A_875, %parallel_loop3A_851, %parallel_loop3A_872 : vector<16xi1>, vector<16xf32>
        %parallel_loop3A_892 = arith.select %parallel_loop3A_876, %parallel_loop3A_891, %parallel_loop3A_852 : vector<16xi1>, vector<16xf32>
        %parallel_loop3A_893 = arith.select %parallel_loop3A_875, %parallel_loop3A_859, %parallel_loop3A_868 : vector<16xi1>, vector<16xi32>
        %parallel_loop3A_894 = arith.select %parallel_loop3A_876, %parallel_loop3A_893, %parallel_loop3A_860 : vector<16xi1>, vector<16xi32>
        %parallel_loop3A_895 = arith.select %parallel_loop3A_876, %parallel_loop3A_852, %parallel_loop3A_872 : vector<16xi1>, vector<16xf32>
        %parallel_loop3A_896 = arith.select %parallel_loop3A_877, %parallel_loop3A_895, %parallel_loop3A_853 : vector<16xi1>, vector<16xf32>
        %parallel_loop3A_897 = arith.select %parallel_loop3A_876, %parallel_loop3A_860, %parallel_loop3A_868 : vector<16xi1>, vector<16xi32>
        %parallel_loop3A_898 = arith.select %parallel_loop3A_877, %parallel_loop3A_897, %parallel_loop3A_861 : vector<16xi1>, vector<16xi32>
        %parallel_loop3A_899 = arith.select %parallel_loop3A_877, %parallel_loop3A_853, %parallel_loop3A_872 : vector<16xi1>, vector<16xf32>
        %parallel_loop3A_900 = arith.select %parallel_loop3A_878, %parallel_loop3A_899, %parallel_loop3A_854 : vector<16xi1>, vector<16xf32>
        %parallel_loop3A_901 = arith.select %parallel_loop3A_877, %parallel_loop3A_861, %parallel_loop3A_868 : vector<16xi1>, vector<16xi32>
        %parallel_loop3A_902 = arith.select %parallel_loop3A_878, %parallel_loop3A_901, %parallel_loop3A_862 : vector<16xi1>, vector<16xi32>
        %parallel_loop3A_903 = arith.select %parallel_loop3A_878, %parallel_loop3A_854, %parallel_loop3A_872 : vector<16xi1>, vector<16xf32>
        %parallel_loop3A_904 = arith.select %parallel_loop3A_879, %parallel_loop3A_903, %parallel_loop3A_855 : vector<16xi1>, vector<16xf32>
        %parallel_loop3A_905 = arith.select %parallel_loop3A_878, %parallel_loop3A_862, %parallel_loop3A_868 : vector<16xi1>, vector<16xi32>
        %parallel_loop3A_906 = arith.select %parallel_loop3A_879, %parallel_loop3A_905, %parallel_loop3A_863 : vector<16xi1>, vector<16xi32>
        %parallel_loop3A_907 = arith.select %parallel_loop3A_879, %parallel_loop3A_855, %parallel_loop3A_872 : vector<16xi1>, vector<16xf32>
        %parallel_loop3A_908 = arith.select %parallel_loop3A_880, %parallel_loop3A_907, %parallel_loop3A_856 : vector<16xi1>, vector<16xf32>
        %parallel_loop3A_909 = arith.select %parallel_loop3A_879, %parallel_loop3A_863, %parallel_loop3A_868 : vector<16xi1>, vector<16xi32>
        %parallel_loop3A_910 = arith.select %parallel_loop3A_880, %parallel_loop3A_909, %parallel_loop3A_864 : vector<16xi1>, vector<16xi32>
        scf.yield %parallel_loop3A_881, %parallel_loop3A_884, %parallel_loop3A_888, %parallel_loop3A_892, %parallel_loop3A_896, %parallel_loop3A_900, %parallel_loop3A_904, %parallel_loop3A_908, %parallel_loop3A_882, %parallel_loop3A_886, %parallel_loop3A_890, %parallel_loop3A_894, %parallel_loop3A_898, %parallel_loop3A_902, %parallel_loop3A_906, %parallel_loop3A_910 : vector<16xf32>, vector<16xf32>, vector<16xf32>, vector<16xf32>, vector<16xf32>, vector<16xf32>, vector<16xf32>, vector<16xf32>, vector<16xi32>, vector<16xi32>, vector<16xi32>, vector<16xi32>, vector<16xi32>, vector<16xi32>, vector<16xi32>, vector<16xi32>
      } {sc.loop_unroll_factor = 4 : i64, sc.parallel_access}
      %parallel_loop3A_723 = arith.constant 0 : i32
      %parallel_loop3A_724 = arith.constant 32 : i32
      %parallel_loop3A_725 = arith.constant 1 : i32
      %parallel_loop3A_726:16 = scf.for %parallel_loop3A_848 = %parallel_loop3A_723 to %parallel_loop3A_724 step %parallel_loop3A_725 iter_args(%parallel_loop3A_849 = %parallel_loop3A_722#0, %parallel_loop3A_850 = %parallel_loop3A_722#1, %parallel_loop3A_851 = %parallel_loop3A_722#2, %parallel_loop3A_852 = %parallel_loop3A_722#3, %parallel_loop3A_853 = %parallel_loop3A_722#4, %parallel_loop3A_854 = %parallel_loop3A_722#5, %parallel_loop3A_855 = %parallel_loop3A_722#6, %parallel_loop3A_856 = %parallel_loop3A_722#7, %parallel_loop3A_857 = %parallel_loop3A_722#8, %parallel_loop3A_858 = %parallel_loop3A_722#9, %parallel_loop3A_859 = %parallel_loop3A_722#10, %parallel_loop3A_860 = %parallel_loop3A_722#11, %parallel_loop3A_861 = %parallel_loop3A_722#12, %parallel_loop3A_862 = %parallel_loop3A_722#13, %parallel_loop3A_863 = %parallel_loop3A_722#14, %parallel_loop3A_864 = %parallel_loop3A_722#15) -> (vector<16xf32>, vector<16xf32>, vector<16xf32>, vector<16xf32>, vector<16xf32>, vector<16xf32>, vector<16xf32>, vector<16xf32>, vector<16xi32>, vector<16xi32>, vector<16xi32>, vector<16xi32>, vector<16xi32>, vector<16xi32>, vector<16xi32>, vector<16xi32>)  : i32 {
        %parallel_loop3A_865 = arith.constant 192 : i32
        %parallel_loop3A_866 = vector.broadcast %parallel_loop3A_865 : i32 to vector<16xi32>
        %parallel_loop3A_867 = vector.broadcast %parallel_loop3A_848 : i32 to vector<16xi32>
        %parallel_loop3A_868 = arith.addi %parallel_loop3A_866, %parallel_loop3A_867 : vector<16xi32>
        %parallel_loop3A_869 = tpu.vector_load_idx %arg5[%add3A_12, %parallel_loop3A_868] : memref<176x256xf32, #tpu.memory_space<vmem>>[vector<16xi32>, vector<16xi32>], vector<16xf32>,
        %parallel_loop3A_870 = arith.constant 0xFF800000 : f32
        %parallel_loop3A_871 = vector.broadcast %parallel_loop3A_870 : f32 to vector<16xf32>
        %parallel_loop3A_872 = arith.select %lt3A_612, %parallel_loop3A_869, %parallel_loop3A_871 : vector<16xi1>, vector<16xf32>
        %parallel_loop3A_873 = arith.cmpf ogt, %parallel_loop3A_872, %parallel_loop3A_849 : vector<16xf32>
        %parallel_loop3A_874 = arith.cmpf ogt, %parallel_loop3A_872, %parallel_loop3A_850 : vector<16xf32>
        %parallel_loop3A_875 = arith.cmpf ogt, %parallel_loop3A_872, %parallel_loop3A_851 : vector<16xf32>
        %parallel_loop3A_876 = arith.cmpf ogt, %parallel_loop3A_872, %parallel_loop3A_852 : vector<16xf32>
        %parallel_loop3A_877 = arith.cmpf ogt, %parallel_loop3A_872, %parallel_loop3A_853 : vector<16xf32>
        %parallel_loop3A_878 = arith.cmpf ogt, %parallel_loop3A_872, %parallel_loop3A_854 : vector<16xf32>
        %parallel_loop3A_879 = arith.cmpf ogt, %parallel_loop3A_872, %parallel_loop3A_855 : vector<16xf32>
        %parallel_loop3A_880 = arith.cmpf ogt, %parallel_loop3A_872, %parallel_loop3A_856 : vector<16xf32>
        %parallel_loop3A_881 = arith.select %parallel_loop3A_873, %parallel_loop3A_872, %parallel_loop3A_849 : vector<16xi1>, vector<16xf32>
        %parallel_loop3A_882 = arith.select %parallel_loop3A_873, %parallel_loop3A_868, %parallel_loop3A_857 : vector<16xi1>, vector<16xi32>
        %parallel_loop3A_883 = arith.select %parallel_loop3A_873, %parallel_loop3A_849, %parallel_loop3A_872 : vector<16xi1>, vector<16xf32>
        %parallel_loop3A_884 = arith.select %parallel_loop3A_874, %parallel_loop3A_883, %parallel_loop3A_850 : vector<16xi1>, vector<16xf32>
        %parallel_loop3A_885 = arith.select %parallel_loop3A_873, %parallel_loop3A_857, %parallel_loop3A_868 : vector<16xi1>, vector<16xi32>
        %parallel_loop3A_886 = arith.select %parallel_loop3A_874, %parallel_loop3A_885, %parallel_loop3A_858 : vector<16xi1>, vector<16xi32>
        %parallel_loop3A_887 = arith.select %parallel_loop3A_874, %parallel_loop3A_850, %parallel_loop3A_872 : vector<16xi1>, vector<16xf32>
        %parallel_loop3A_888 = arith.select %parallel_loop3A_875, %parallel_loop3A_887, %parallel_loop3A_851 : vector<16xi1>, vector<16xf32>
        %parallel_loop3A_889 = arith.select %parallel_loop3A_874, %parallel_loop3A_858, %parallel_loop3A_868 : vector<16xi1>, vector<16xi32>
        %parallel_loop3A_890 = arith.select %parallel_loop3A_875, %parallel_loop3A_889, %parallel_loop3A_859 : vector<16xi1>, vector<16xi32>
        %parallel_loop3A_891 = arith.select %parallel_loop3A_875, %parallel_loop3A_851, %parallel_loop3A_872 : vector<16xi1>, vector<16xf32>
        %parallel_loop3A_892 = arith.select %parallel_loop3A_876, %parallel_loop3A_891, %parallel_loop3A_852 : vector<16xi1>, vector<16xf32>
        %parallel_loop3A_893 = arith.select %parallel_loop3A_875, %parallel_loop3A_859, %parallel_loop3A_868 : vector<16xi1>, vector<16xi32>
        %parallel_loop3A_894 = arith.select %parallel_loop3A_876, %parallel_loop3A_893, %parallel_loop3A_860 : vector<16xi1>, vector<16xi32>
        %parallel_loop3A_895 = arith.select %parallel_loop3A_876, %parallel_loop3A_852, %parallel_loop3A_872 : vector<16xi1>, vector<16xf32>
        %parallel_loop3A_896 = arith.select %parallel_loop3A_877, %parallel_loop3A_895, %parallel_loop3A_853 : vector<16xi1>, vector<16xf32>
        %parallel_loop3A_897 = arith.select %parallel_loop3A_876, %parallel_loop3A_860, %parallel_loop3A_868 : vector<16xi1>, vector<16xi32>
        %parallel_loop3A_898 = arith.select %parallel_loop3A_877, %parallel_loop3A_897, %parallel_loop3A_861 : vector<16xi1>, vector<16xi32>
        %parallel_loop3A_899 = arith.select %parallel_loop3A_877, %parallel_loop3A_853, %parallel_loop3A_872 : vector<16xi1>, vector<16xf32>
        %parallel_loop3A_900 = arith.select %parallel_loop3A_878, %parallel_loop3A_899, %parallel_loop3A_854 : vector<16xi1>, vector<16xf32>
        %parallel_loop3A_901 = arith.select %parallel_loop3A_877, %parallel_loop3A_861, %parallel_loop3A_868 : vector<16xi1>, vector<16xi32>
        %parallel_loop3A_902 = arith.select %parallel_loop3A_878, %parallel_loop3A_901, %parallel_loop3A_862 : vector<16xi1>, vector<16xi32>
        %parallel_loop3A_903 = arith.select %parallel_loop3A_878, %parallel_loop3A_854, %parallel_loop3A_872 : vector<16xi1>, vector<16xf32>
        %parallel_loop3A_904 = arith.select %parallel_loop3A_879, %parallel_loop3A_903, %parallel_loop3A_855 : vector<16xi1>, vector<16xf32>
        %parallel_loop3A_905 = arith.select %parallel_loop3A_878, %parallel_loop3A_862, %parallel_loop3A_868 : vector<16xi1>, vector<16xi32>
        %parallel_loop3A_906 = arith.select %parallel_loop3A_879, %parallel_loop3A_905, %parallel_loop3A_863 : vector<16xi1>, vector<16xi32>
        %parallel_loop3A_907 = arith.select %parallel_loop3A_879, %parallel_loop3A_855, %parallel_loop3A_872 : vector<16xi1>, vector<16xf32>
        %parallel_loop3A_908 = arith.select %parallel_loop3A_880, %parallel_loop3A_907, %parallel_loop3A_856 : vector<16xi1>, vector<16xf32>
        %parallel_loop3A_909 = arith.select %parallel_loop3A_879, %parallel_loop3A_863, %parallel_loop3A_868 : vector<16xi1>, vector<16xi32>
        %parallel_loop3A_910 = arith.select %parallel_loop3A_880, %parallel_loop3A_909, %parallel_loop3A_864 : vector<16xi1>, vector<16xi32>
        scf.yield %parallel_loop3A_881, %parallel_loop3A_884, %parallel_loop3A_888, %parallel_loop3A_892, %parallel_loop3A_896, %parallel_loop3A_900, %parallel_loop3A_904, %parallel_loop3A_908, %parallel_loop3A_882, %parallel_loop3A_886, %parallel_loop3A_890, %parallel_loop3A_894, %parallel_loop3A_898, %parallel_loop3A_902, %parallel_loop3A_906, %parallel_loop3A_910 : vector<16xf32>, vector<16xf32>, vector<16xf32>, vector<16xf32>, vector<16xf32>, vector<16xf32>, vector<16xf32>, vector<16xf32>, vector<16xi32>, vector<16xi32>, vector<16xi32>, vector<16xi32>, vector<16xi32>, vector<16xi32>, vector<16xi32>, vector<16xi32>
      } {sc.loop_unroll_factor = 4 : i64, sc.parallel_access}
      %parallel_loop3A_727 = arith.constant 0 : i32
      %parallel_loop3A_728 = arith.constant 32 : i32
      %parallel_loop3A_729 = arith.constant 1 : i32
      %parallel_loop3A_730:16 = scf.for %parallel_loop3A_848 = %parallel_loop3A_727 to %parallel_loop3A_728 step %parallel_loop3A_729 iter_args(%parallel_loop3A_849 = %parallel_loop3A_726#0, %parallel_loop3A_850 = %parallel_loop3A_726#1, %parallel_loop3A_851 = %parallel_loop3A_726#2, %parallel_loop3A_852 = %parallel_loop3A_726#3, %parallel_loop3A_853 = %parallel_loop3A_726#4, %parallel_loop3A_854 = %parallel_loop3A_726#5, %parallel_loop3A_855 = %parallel_loop3A_726#6, %parallel_loop3A_856 = %parallel_loop3A_726#7, %parallel_loop3A_857 = %parallel_loop3A_726#8, %parallel_loop3A_858 = %parallel_loop3A_726#9, %parallel_loop3A_859 = %parallel_loop3A_726#10, %parallel_loop3A_860 = %parallel_loop3A_726#11, %parallel_loop3A_861 = %parallel_loop3A_726#12, %parallel_loop3A_862 = %parallel_loop3A_726#13, %parallel_loop3A_863 = %parallel_loop3A_726#14, %parallel_loop3A_864 = %parallel_loop3A_726#15) -> (vector<16xf32>, vector<16xf32>, vector<16xf32>, vector<16xf32>, vector<16xf32>, vector<16xf32>, vector<16xf32>, vector<16xf32>, vector<16xi32>, vector<16xi32>, vector<16xi32>, vector<16xi32>, vector<16xi32>, vector<16xi32>, vector<16xi32>, vector<16xi32>)  : i32 {
        %parallel_loop3A_865 = arith.constant 224 : i32
        %parallel_loop3A_866 = vector.broadcast %parallel_loop3A_865 : i32 to vector<16xi32>
        %parallel_loop3A_867 = vector.broadcast %parallel_loop3A_848 : i32 to vector<16xi32>
        %parallel_loop3A_868 = arith.addi %parallel_loop3A_866, %parallel_loop3A_867 : vector<16xi32>
        %parallel_loop3A_869 = tpu.vector_load_idx %arg5[%add3A_12, %parallel_loop3A_868] : memref<176x256xf32, #tpu.memory_space<vmem>>[vector<16xi32>, vector<16xi32>], vector<16xf32>,
        %parallel_loop3A_870 = arith.constant 0xFF800000 : f32
        %parallel_loop3A_871 = vector.broadcast %parallel_loop3A_870 : f32 to vector<16xf32>
        %parallel_loop3A_872 = arith.select %lt3A_666, %parallel_loop3A_869, %parallel_loop3A_871 : vector<16xi1>, vector<16xf32>
        %parallel_loop3A_873 = arith.cmpf ogt, %parallel_loop3A_872, %parallel_loop3A_849 : vector<16xf32>
        %parallel_loop3A_874 = arith.cmpf ogt, %parallel_loop3A_872, %parallel_loop3A_850 : vector<16xf32>
        %parallel_loop3A_875 = arith.cmpf ogt, %parallel_loop3A_872, %parallel_loop3A_851 : vector<16xf32>
        %parallel_loop3A_876 = arith.cmpf ogt, %parallel_loop3A_872, %parallel_loop3A_852 : vector<16xf32>
        %parallel_loop3A_877 = arith.cmpf ogt, %parallel_loop3A_872, %parallel_loop3A_853 : vector<16xf32>
        %parallel_loop3A_878 = arith.cmpf ogt, %parallel_loop3A_872, %parallel_loop3A_854 : vector<16xf32>
        %parallel_loop3A_879 = arith.cmpf ogt, %parallel_loop3A_872, %parallel_loop3A_855 : vector<16xf32>
        %parallel_loop3A_880 = arith.cmpf ogt, %parallel_loop3A_872, %parallel_loop3A_856 : vector<16xf32>
        %parallel_loop3A_881 = arith.select %parallel_loop3A_873, %parallel_loop3A_872, %parallel_loop3A_849 : vector<16xi1>, vector<16xf32>
        %parallel_loop3A_882 = arith.select %parallel_loop3A_873, %parallel_loop3A_868, %parallel_loop3A_857 : vector<16xi1>, vector<16xi32>
        %parallel_loop3A_883 = arith.select %parallel_loop3A_873, %parallel_loop3A_849, %parallel_loop3A_872 : vector<16xi1>, vector<16xf32>
        %parallel_loop3A_884 = arith.select %parallel_loop3A_874, %parallel_loop3A_883, %parallel_loop3A_850 : vector<16xi1>, vector<16xf32>
        %parallel_loop3A_885 = arith.select %parallel_loop3A_873, %parallel_loop3A_857, %parallel_loop3A_868 : vector<16xi1>, vector<16xi32>
        %parallel_loop3A_886 = arith.select %parallel_loop3A_874, %parallel_loop3A_885, %parallel_loop3A_858 : vector<16xi1>, vector<16xi32>
        %parallel_loop3A_887 = arith.select %parallel_loop3A_874, %parallel_loop3A_850, %parallel_loop3A_872 : vector<16xi1>, vector<16xf32>
        %parallel_loop3A_888 = arith.select %parallel_loop3A_875, %parallel_loop3A_887, %parallel_loop3A_851 : vector<16xi1>, vector<16xf32>
        %parallel_loop3A_889 = arith.select %parallel_loop3A_874, %parallel_loop3A_858, %parallel_loop3A_868 : vector<16xi1>, vector<16xi32>
        %parallel_loop3A_890 = arith.select %parallel_loop3A_875, %parallel_loop3A_889, %parallel_loop3A_859 : vector<16xi1>, vector<16xi32>
        %parallel_loop3A_891 = arith.select %parallel_loop3A_875, %parallel_loop3A_851, %parallel_loop3A_872 : vector<16xi1>, vector<16xf32>
        %parallel_loop3A_892 = arith.select %parallel_loop3A_876, %parallel_loop3A_891, %parallel_loop3A_852 : vector<16xi1>, vector<16xf32>
        %parallel_loop3A_893 = arith.select %parallel_loop3A_875, %parallel_loop3A_859, %parallel_loop3A_868 : vector<16xi1>, vector<16xi32>
        %parallel_loop3A_894 = arith.select %parallel_loop3A_876, %parallel_loop3A_893, %parallel_loop3A_860 : vector<16xi1>, vector<16xi32>
        %parallel_loop3A_895 = arith.select %parallel_loop3A_876, %parallel_loop3A_852, %parallel_loop3A_872 : vector<16xi1>, vector<16xf32>
        %parallel_loop3A_896 = arith.select %parallel_loop3A_877, %parallel_loop3A_895, %parallel_loop3A_853 : vector<16xi1>, vector<16xf32>
        %parallel_loop3A_897 = arith.select %parallel_loop3A_876, %parallel_loop3A_860, %parallel_loop3A_868 : vector<16xi1>, vector<16xi32>
        %parallel_loop3A_898 = arith.select %parallel_loop3A_877, %parallel_loop3A_897, %parallel_loop3A_861 : vector<16xi1>, vector<16xi32>
        %parallel_loop3A_899 = arith.select %parallel_loop3A_877, %parallel_loop3A_853, %parallel_loop3A_872 : vector<16xi1>, vector<16xf32>
        %parallel_loop3A_900 = arith.select %parallel_loop3A_878, %parallel_loop3A_899, %parallel_loop3A_854 : vector<16xi1>, vector<16xf32>
        %parallel_loop3A_901 = arith.select %parallel_loop3A_877, %parallel_loop3A_861, %parallel_loop3A_868 : vector<16xi1>, vector<16xi32>
        %parallel_loop3A_902 = arith.select %parallel_loop3A_878, %parallel_loop3A_901, %parallel_loop3A_862 : vector<16xi1>, vector<16xi32>
        %parallel_loop3A_903 = arith.select %parallel_loop3A_878, %parallel_loop3A_854, %parallel_loop3A_872 : vector<16xi1>, vector<16xf32>
        %parallel_loop3A_904 = arith.select %parallel_loop3A_879, %parallel_loop3A_903, %parallel_loop3A_855 : vector<16xi1>, vector<16xf32>
        %parallel_loop3A_905 = arith.select %parallel_loop3A_878, %parallel_loop3A_862, %parallel_loop3A_868 : vector<16xi1>, vector<16xi32>
        %parallel_loop3A_906 = arith.select %parallel_loop3A_879, %parallel_loop3A_905, %parallel_loop3A_863 : vector<16xi1>, vector<16xi32>
        %parallel_loop3A_907 = arith.select %parallel_loop3A_879, %parallel_loop3A_855, %parallel_loop3A_872 : vector<16xi1>, vector<16xf32>
        %parallel_loop3A_908 = arith.select %parallel_loop3A_880, %parallel_loop3A_907, %parallel_loop3A_856 : vector<16xi1>, vector<16xf32>
        %parallel_loop3A_909 = arith.select %parallel_loop3A_879, %parallel_loop3A_863, %parallel_loop3A_868 : vector<16xi1>, vector<16xi32>
        %parallel_loop3A_910 = arith.select %parallel_loop3A_880, %parallel_loop3A_909, %parallel_loop3A_864 : vector<16xi1>, vector<16xi32>
        scf.yield %parallel_loop3A_881, %parallel_loop3A_884, %parallel_loop3A_888, %parallel_loop3A_892, %parallel_loop3A_896, %parallel_loop3A_900, %parallel_loop3A_904, %parallel_loop3A_908, %parallel_loop3A_882, %parallel_loop3A_886, %parallel_loop3A_890, %parallel_loop3A_894, %parallel_loop3A_898, %parallel_loop3A_902, %parallel_loop3A_906, %parallel_loop3A_910 : vector<16xf32>, vector<16xf32>, vector<16xf32>, vector<16xf32>, vector<16xf32>, vector<16xf32>, vector<16xf32>, vector<16xf32>, vector<16xi32>, vector<16xi32>, vector<16xi32>, vector<16xi32>, vector<16xi32>, vector<16xi32>, vector<16xi32>, vector<16xi32>
      } {sc.loop_unroll_factor = 4 : i64, sc.parallel_access}
      %neg3A_731 = arith.constant 0.000000e+00 : f32
      %neg3A_732 = vector.broadcast %neg3A_731 : f32 to vector<16xf32>
      %neg3A_733 = arith.subf %neg3A_732, %parallel_loop3A_730#0 : vector<16xf32>
      %exp3A_734 = math.exp %neg3A_733 : vector<16xf32>
      %add3A_735 = arith.constant 1.000000e+00 : f32
      %add3A_736 = vector.broadcast %add3A_735 : f32 to vector<16xf32>
      %add3A_737 = arith.addf %add3A_736, %exp3A_734 : vector<16xf32>
      %div3A_738 = arith.constant 1.000000e+00 : f32
      %div3A_739 = vector.broadcast %div3A_738 : f32 to vector<16xf32>
      %div3A_740 = arith.divf %div3A_739, %add3A_737 : vector<16xf32>
      %neg3A_741 = arith.constant 0.000000e+00 : f32
      %neg3A_742 = vector.broadcast %neg3A_741 : f32 to vector<16xf32>
      %neg3A_743 = arith.subf %neg3A_742, %parallel_loop3A_730#1 : vector<16xf32>
      %exp3A_744 = math.exp %neg3A_743 : vector<16xf32>
      %add3A_745 = arith.constant 1.000000e+00 : f32
      %add3A_746 = vector.broadcast %add3A_745 : f32 to vector<16xf32>
      %add3A_747 = arith.addf %add3A_746, %exp3A_744 : vector<16xf32>
      %div3A_748 = arith.constant 1.000000e+00 : f32
      %div3A_749 = vector.broadcast %div3A_748 : f32 to vector<16xf32>
      %div3A_750 = arith.divf %div3A_749, %add3A_747 : vector<16xf32>
      %neg3A_751 = arith.constant 0.000000e+00 : f32
      %neg3A_752 = vector.broadcast %neg3A_751 : f32 to vector<16xf32>
      %neg3A_753 = arith.subf %neg3A_752, %parallel_loop3A_730#2 : vector<16xf32>
      %exp3A_754 = math.exp %neg3A_753 : vector<16xf32>
      %add3A_755 = arith.constant 1.000000e+00 : f32
      %add3A_756 = vector.broadcast %add3A_755 : f32 to vector<16xf32>
      %add3A_757 = arith.addf %add3A_756, %exp3A_754 : vector<16xf32>
      %div3A_758 = arith.constant 1.000000e+00 : f32
      %div3A_759 = vector.broadcast %div3A_758 : f32 to vector<16xf32>
      %div3A_760 = arith.divf %div3A_759, %add3A_757 : vector<16xf32>
      %neg3A_761 = arith.constant 0.000000e+00 : f32
      %neg3A_762 = vector.broadcast %neg3A_761 : f32 to vector<16xf32>
      %neg3A_763 = arith.subf %neg3A_762, %parallel_loop3A_730#3 : vector<16xf32>
      %exp3A_764 = math.exp %neg3A_763 : vector<16xf32>
      %add3A_765 = arith.constant 1.000000e+00 : f32
      %add3A_766 = vector.broadcast %add3A_765 : f32 to vector<16xf32>
      %add3A_767 = arith.addf %add3A_766, %exp3A_764 : vector<16xf32>
      %div3A_768 = arith.constant 1.000000e+00 : f32
      %div3A_769 = vector.broadcast %div3A_768 : f32 to vector<16xf32>
      %div3A_770 = arith.divf %div3A_769, %add3A_767 : vector<16xf32>
      %neg3A_771 = arith.constant 0.000000e+00 : f32
      %neg3A_772 = vector.broadcast %neg3A_771 : f32 to vector<16xf32>
      %neg3A_773 = arith.subf %neg3A_772, %parallel_loop3A_730#4 : vector<16xf32>
      %exp3A_774 = math.exp %neg3A_773 : vector<16xf32>
      %add3A_775 = arith.constant 1.000000e+00 : f32
      %add3A_776 = vector.broadcast %add3A_775 : f32 to vector<16xf32>
      %add3A_777 = arith.addf %add3A_776, %exp3A_774 : vector<16xf32>
      %div3A_778 = arith.constant 1.000000e+00 : f32
      %div3A_779 = vector.broadcast %div3A_778 : f32 to vector<16xf32>
      %div3A_780 = arith.divf %div3A_779, %add3A_777 : vector<16xf32>
      %neg3A_781 = arith.constant 0.000000e+00 : f32
      %neg3A_782 = vector.broadcast %neg3A_781 : f32 to vector<16xf32>
      %neg3A_783 = arith.subf %neg3A_782, %parallel_loop3A_730#5 : vector<16xf32>
      %exp3A_784 = math.exp %neg3A_783 : vector<16xf32>
      %add3A_785 = arith.constant 1.000000e+00 : f32
      %add3A_786 = vector.broadcast %add3A_785 : f32 to vector<16xf32>
      %add3A_787 = arith.addf %add3A_786, %exp3A_784 : vector<16xf32>
      %div3A_788 = arith.constant 1.000000e+00 : f32
      %div3A_789 = vector.broadcast %div3A_788 : f32 to vector<16xf32>
      %div3A_790 = arith.divf %div3A_789, %add3A_787 : vector<16xf32>
      %neg3A_791 = arith.constant 0.000000e+00 : f32
      %neg3A_792 = vector.broadcast %neg3A_791 : f32 to vector<16xf32>
      %neg3A_793 = arith.subf %neg3A_792, %parallel_loop3A_730#6 : vector<16xf32>
      %exp3A_794 = math.exp %neg3A_793 : vector<16xf32>
      %add3A_795 = arith.constant 1.000000e+00 : f32
      %add3A_796 = vector.broadcast %add3A_795 : f32 to vector<16xf32>
      %add3A_797 = arith.addf %add3A_796, %exp3A_794 : vector<16xf32>
      %div3A_798 = arith.constant 1.000000e+00 : f32
      %div3A_799 = vector.broadcast %div3A_798 : f32 to vector<16xf32>
      %div3A_800 = arith.divf %div3A_799, %add3A_797 : vector<16xf32>
      %neg3A_801 = arith.constant 0.000000e+00 : f32
      %neg3A_802 = vector.broadcast %neg3A_801 : f32 to vector<16xf32>
      %neg3A_803 = arith.subf %neg3A_802, %parallel_loop3A_730#7 : vector<16xf32>
      %exp3A_804 = math.exp %neg3A_803 : vector<16xf32>
      %add3A_805 = arith.constant 1.000000e+00 : f32
      %add3A_806 = vector.broadcast %add3A_805 : f32 to vector<16xf32>
      %add3A_807 = arith.addf %add3A_806, %exp3A_804 : vector<16xf32>
      %div3A_808 = arith.constant 1.000000e+00 : f32
      %div3A_809 = vector.broadcast %div3A_808 : f32 to vector<16xf32>
      %div3A_810 = arith.divf %div3A_809, %add3A_807 : vector<16xf32>
      %add3A_811 = arith.addf %div3A_740, %div3A_750 : vector<16xf32>
      %add3A_812 = arith.addf %add3A_811, %div3A_760 : vector<16xf32>
      %add3A_813 = arith.addf %add3A_812, %div3A_770 : vector<16xf32>
      %add3A_814 = arith.addf %add3A_813, %div3A_780 : vector<16xf32>
      %add3A_815 = arith.addf %add3A_814, %div3A_790 : vector<16xf32>
      %add3A_816 = arith.addf %add3A_815, %div3A_800 : vector<16xf32>
      %add3A_817 = arith.addf %add3A_816, %div3A_810 : vector<16xf32>
      %add3A_818 = arith.constant 9.99999968E-21 : f32
      %add3A_819 = vector.broadcast %add3A_818 : f32 to vector<16xf32>
      %add3A_820 = arith.addf %add3A_817, %add3A_819 : vector<16xf32>
      %div3A_821 = arith.constant 2.500000e+00 : f32
      %div3A_822 = vector.broadcast %div3A_821 : f32 to vector<16xf32>
      %div3A_823 = arith.divf %div3A_822, %add3A_820 : vector<16xf32>
      %broadcast_in_dim3A_824 = arith.constant 0 : i32
      %broadcast_in_dim3A_825 = vector.broadcast %broadcast_in_dim3A_824 : i32 to vector<16xi32>
      tpu.vector_store_idx %arg6[%add3A_12, %broadcast_in_dim3A_825], %parallel_loop3A_730#8 : memref<176x8xi32, #tpu.memory_space<vmem>>[vector<16xi32>, vector<16xi32>], vector<16xi32>,
      %mul3A_826 = arith.mulf %div3A_740, %div3A_823 : vector<16xf32>
      tpu.vector_store_idx %arg7[%add3A_12, %broadcast_in_dim3A_825], %mul3A_826 : memref<176x8xf32, #tpu.memory_space<vmem>>[vector<16xi32>, vector<16xi32>], vector<16xf32>,
      %broadcast_in_dim3A_827 = arith.constant 1 : i32
      %broadcast_in_dim3A_828 = vector.broadcast %broadcast_in_dim3A_827 : i32 to vector<16xi32>
      tpu.vector_store_idx %arg6[%add3A_12, %broadcast_in_dim3A_828], %parallel_loop3A_730#9 : memref<176x8xi32, #tpu.memory_space<vmem>>[vector<16xi32>, vector<16xi32>], vector<16xi32>,
      %mul3A_829 = arith.mulf %div3A_750, %div3A_823 : vector<16xf32>
      tpu.vector_store_idx %arg7[%add3A_12, %broadcast_in_dim3A_828], %mul3A_829 : memref<176x8xf32, #tpu.memory_space<vmem>>[vector<16xi32>, vector<16xi32>], vector<16xf32>,
      %broadcast_in_dim3A_830 = arith.constant 2 : i32
      %broadcast_in_dim3A_831 = vector.broadcast %broadcast_in_dim3A_830 : i32 to vector<16xi32>
      tpu.vector_store_idx %arg6[%add3A_12, %broadcast_in_dim3A_831], %parallel_loop3A_730#10 : memref<176x8xi32, #tpu.memory_space<vmem>>[vector<16xi32>, vector<16xi32>], vector<16xi32>,
      %mul3A_832 = arith.mulf %div3A_760, %div3A_823 : vector<16xf32>
      tpu.vector_store_idx %arg7[%add3A_12, %broadcast_in_dim3A_831], %mul3A_832 : memref<176x8xf32, #tpu.memory_space<vmem>>[vector<16xi32>, vector<16xi32>], vector<16xf32>,
      %broadcast_in_dim3A_833 = arith.constant 3 : i32
      %broadcast_in_dim3A_834 = vector.broadcast %broadcast_in_dim3A_833 : i32 to vector<16xi32>
      tpu.vector_store_idx %arg6[%add3A_12, %broadcast_in_dim3A_834], %parallel_loop3A_730#11 : memref<176x8xi32, #tpu.memory_space<vmem>>[vector<16xi32>, vector<16xi32>], vector<16xi32>,
      %mul3A_835 = arith.mulf %div3A_770, %div3A_823 : vector<16xf32>
      tpu.vector_store_idx %arg7[%add3A_12, %broadcast_in_dim3A_834], %mul3A_835 : memref<176x8xf32, #tpu.memory_space<vmem>>[vector<16xi32>, vector<16xi32>], vector<16xf32>,
      %broadcast_in_dim3A_836 = arith.constant 4 : i32
      %broadcast_in_dim3A_837 = vector.broadcast %broadcast_in_dim3A_836 : i32 to vector<16xi32>
      tpu.vector_store_idx %arg6[%add3A_12, %broadcast_in_dim3A_837], %parallel_loop3A_730#12 : memref<176x8xi32, #tpu.memory_space<vmem>>[vector<16xi32>, vector<16xi32>], vector<16xi32>,
      %mul3A_838 = arith.mulf %div3A_780, %div3A_823 : vector<16xf32>
      tpu.vector_store_idx %arg7[%add3A_12, %broadcast_in_dim3A_837], %mul3A_838 : memref<176x8xf32, #tpu.memory_space<vmem>>[vector<16xi32>, vector<16xi32>], vector<16xf32>,
      %broadcast_in_dim3A_839 = arith.constant 5 : i32
      %broadcast_in_dim3A_840 = vector.broadcast %broadcast_in_dim3A_839 : i32 to vector<16xi32>
      tpu.vector_store_idx %arg6[%add3A_12, %broadcast_in_dim3A_840], %parallel_loop3A_730#13 : memref<176x8xi32, #tpu.memory_space<vmem>>[vector<16xi32>, vector<16xi32>], vector<16xi32>,
      %mul3A_841 = arith.mulf %div3A_790, %div3A_823 : vector<16xf32>
      tpu.vector_store_idx %arg7[%add3A_12, %broadcast_in_dim3A_840], %mul3A_841 : memref<176x8xf32, #tpu.memory_space<vmem>>[vector<16xi32>, vector<16xi32>], vector<16xf32>,
      %broadcast_in_dim3A_842 = arith.constant 6 : i32
      %broadcast_in_dim3A_843 = vector.broadcast %broadcast_in_dim3A_842 : i32 to vector<16xi32>
      tpu.vector_store_idx %arg6[%add3A_12, %broadcast_in_dim3A_843], %parallel_loop3A_730#14 : memref<176x8xi32, #tpu.memory_space<vmem>>[vector<16xi32>, vector<16xi32>], vector<16xi32>,
      %mul3A_844 = arith.mulf %div3A_800, %div3A_823 : vector<16xf32>
      tpu.vector_store_idx %arg7[%add3A_12, %broadcast_in_dim3A_843], %mul3A_844 : memref<176x8xf32, #tpu.memory_space<vmem>>[vector<16xi32>, vector<16xi32>], vector<16xf32>,
      %broadcast_in_dim3A_845 = arith.constant 7 : i32
      %broadcast_in_dim3A_846 = vector.broadcast %broadcast_in_dim3A_845 : i32 to vector<16xi32>
      tpu.vector_store_idx %arg6[%add3A_12, %broadcast_in_dim3A_846], %parallel_loop3A_730#15 : memref<176x8xi32, #tpu.memory_space<vmem>>[vector<16xi32>, vector<16xi32>], vector<16xi32>,
      %mul3A_847 = arith.mulf %div3A_810, %div3A_823 : vector<16xf32>
      tpu.vector_store_idx %arg7[%add3A_12, %broadcast_in_dim3A_846], %mul3A_847 : memref<176x8xf32, #tpu.memory_space<vmem>>[vector<16xi32>, vector<16xi32>], vector<16xf32>,
    }
    %scan3A_7 = arith.constant 11 : i32
    "tpu.region"() ({
      %run_scoped3A = tpu.sem_alloc : memref<!tpu.dma_semaphore, #tpu.memory_space<semaphore_mem>>
      %dma_start3A = arith.constant 0 : i32
      %dma_start3A_8 = tpu.memref_slice %arg3[%mul3A_2, %dma_start3A] : memref<5632x8xi32, #tpu.memory_space<hbm>> -> memref<176x8xi32, #tpu.memory_space<hbm>>
      %dma_start3A_9 = arith.constant 0 : i32
      %dma_start3A_10 = tpu.memref_slice %arg3[%mul3A_2, %dma_start3A_9] : memref<5632x8xi32, #tpu.memory_space<hbm>> -> memref<176x8xi32, #tpu.memory_space<hbm>>
      tpu.enqueue_dma source(%arg6 : memref<176x8xi32, #tpu.memory_space<vmem>>) target(%dma_start3A_10 : memref<176x8xi32, #tpu.memory_space<hbm>>) target_semaphore(%run_scoped3A : memref<!tpu.dma_semaphore, #tpu.memory_space<semaphore_mem>>)
      %dma_wait3A = arith.constant 0 : i32
      %dma_wait3A_11 = tpu.memref_slice %arg3[%mul3A_2, %dma_wait3A] : memref<5632x8xi32, #tpu.memory_space<hbm>> -> memref<176x8xi32, #tpu.memory_space<hbm>>
      %dma_wait3A_12 = arith.constant 0 : i32
      %dma_wait3A_13 = tpu.memref_slice %arg3[%mul3A_2, %dma_wait3A_12] : memref<5632x8xi32, #tpu.memory_space<hbm>> -> memref<176x8xi32, #tpu.memory_space<hbm>>
      tpu.wait_dma2 semaphore(%run_scoped3A : memref<!tpu.dma_semaphore, #tpu.memory_space<semaphore_mem>>) src(%arg6 : memref<176x8xi32, #tpu.memory_space<vmem>>) dst(%dma_wait3A_13 : memref<176x8xi32, #tpu.memory_space<hbm>>)
      tpu.yield
    }) : () -> ()
    "tpu.region"() ({
      %run_scoped3A = tpu.sem_alloc : memref<!tpu.dma_semaphore, #tpu.memory_space<semaphore_mem>>
      %dma_start3A = arith.constant 0 : i32
      %dma_start3A_8 = tpu.memref_slice %arg4[%mul3A_2, %dma_start3A] : memref<5632x8xf32, #tpu.memory_space<hbm>> -> memref<176x8xf32, #tpu.memory_space<hbm>>
      %dma_start3A_9 = arith.constant 0 : i32
      %dma_start3A_10 = tpu.memref_slice %arg4[%mul3A_2, %dma_start3A_9] : memref<5632x8xf32, #tpu.memory_space<hbm>> -> memref<176x8xf32, #tpu.memory_space<hbm>>
      tpu.enqueue_dma source(%arg7 : memref<176x8xf32, #tpu.memory_space<vmem>>) target(%dma_start3A_10 : memref<176x8xf32, #tpu.memory_space<hbm>>) target_semaphore(%run_scoped3A : memref<!tpu.dma_semaphore, #tpu.memory_space<semaphore_mem>>)
      %dma_wait3A = arith.constant 0 : i32
      %dma_wait3A_11 = tpu.memref_slice %arg4[%mul3A_2, %dma_wait3A] : memref<5632x8xf32, #tpu.memory_space<hbm>> -> memref<176x8xf32, #tpu.memory_space<hbm>>
      %dma_wait3A_12 = arith.constant 0 : i32
      %dma_wait3A_13 = tpu.memref_slice %arg4[%mul3A_2, %dma_wait3A_12] : memref<5632x8xf32, #tpu.memory_space<hbm>> -> memref<176x8xf32, #tpu.memory_space<hbm>>
      tpu.wait_dma2 semaphore(%run_scoped3A : memref<!tpu.dma_semaphore, #tpu.memory_space<semaphore_mem>>) src(%arg7 : memref<176x8xf32, #tpu.memory_space<vmem>>) dst(%dma_wait3A_13 : memref<176x8xf32, #tpu.memory_space<hbm>>)
      tpu.yield
    }) : () -> ()
    return
  }
}

module attributes {stable_mosaic.version = 14 : i64} {
  func.func @_tc_block(%arg0: i32, %arg1: memref<256x256xf32, #tpu.memory_space<vmem>>, %arg2: memref<8x256xf32, #tpu.memory_space<vmem>>, %arg3: memref<256x8xi32, #tpu.memory_space<vmem>>, %arg4: memref<256x8xf32, #tpu.memory_space<vmem>>) attributes {dimension_semantics = [#tpu.dimension_semantics<arbitrary>], iteration_bounds = array<i64: 10>, scalar_prefetch = 0 : i64, scratch_operands = 0 : i64, tpu.core_type = #tpu.core_type<tc>, window_params = [{transform_indices = @transform_0, window_bounds = array<i64: 256, 256>}, {pipeline_mode = #tpu.pipeline_mode<synchronous>, transform_indices = @transform_1, window_bounds = array<i64: 8, 256>}, {transform_indices = @transform_2, window_bounds = array<i64: 256, 8>}, {transform_indices = @transform_3, window_bounds = array<i64: 256, 8>}]} {
    %get3A = arith.constant 0 : index
    %get3A_0 = arith.constant 0 : index
    %get3A_1 = vector.load %arg1[%get3A, %get3A_0] : memref<256x256xf32, #tpu.memory_space<vmem>>, vector<256x256xf32>
    %neg3A = arith.constant 0.000000e+00 : f32
    %neg3A_2 = vector.broadcast %neg3A : f32 to vector<256x256xf32>
    %neg3A_3 = arith.subf %neg3A_2, %get3A_1 : vector<256x256xf32>
    %exp3A = math.exp %neg3A_3 : vector<256x256xf32>
    %add3A = arith.constant 1.000000e+00 : f32
    %add3A_4 = vector.broadcast %add3A : f32 to vector<256x256xf32>
    %add3A_5 = arith.addf %add3A_4, %exp3A : vector<256x256xf32>
    %div3A = arith.constant 1.000000e+00 : f32
    %div3A_6 = vector.broadcast %div3A : f32 to vector<256x256xf32>
    %div3A_7 = arith.divf %div3A_6, %add3A_5 : vector<256x256xf32>
    %get3A_8 = arith.constant 0 : index
    %get3A_9 = arith.constant 0 : index
    %get3A_10 = vector.load %arg2[%get3A_8, %get3A_9] : memref<8x256xf32, #tpu.memory_space<vmem>>, vector<1x256xf32>
    %broadcast_in_dim3A = vector.shape_cast %get3A_10 : vector<1x256xf32> to vector<1x256xf32>
    %broadcast_in_dim3A_11 = vector.broadcast %broadcast_in_dim3A : vector<1x256xf32> to vector<256x256xf32>
    %add3A_12 = arith.addf %div3A_7, %broadcast_in_dim3A_11 : vector<256x256xf32>
    %iota3A = tpu.iota {dimensions = array<i32: 1>} : vector<256x256xi32>
    %shift_right_logical3A = arith.constant 5 : i32
    %shift_right_logical3A_13 = vector.broadcast %shift_right_logical3A : i32 to vector<256x256xi32>
    %shift_right_logical3A_14 = arith.shrui %iota3A, %shift_right_logical3A_13 : vector<256x256xi32>
    %eq3A = arith.constant 0 : i32
    %eq3A_15 = vector.broadcast %eq3A : i32 to vector<256x256xi32>
    %eq3A_16 = arith.cmpi eq, %shift_right_logical3A_14, %eq3A_15 : vector<256x256xi32>
    %jit3A = arith.constant 0xFF800000 : f32
    %broadcast_in_dim3A_17 = vector.broadcast %jit3A : f32 to vector<256x256xf32>
    %select_n3A = arith.select %eq3A_16, %add3A_12, %broadcast_in_dim3A_17 : vector<256x256xi1>, vector<256x256xf32>
    %reduce_max3A = arith.constant dense<0xFF800000> : vector<256xf32>
    %reduce_max3A_18 = vector.multi_reduction <maximumf>, %select_n3A, %reduce_max3A [1] : vector<256x256xf32> to vector<256xf32>
    %broadcast_in_dim3A_19 = vector.shape_cast %reduce_max3A_18 : vector<256xf32> to vector<256x1xf32>
    %eq3A_20 = vector.broadcast %broadcast_in_dim3A_19 : vector<256x1xf32> to vector<256x256xf32>
    %eq3A_21 = arith.cmpf oeq, %select_n3A, %eq3A_20 : vector<256x256xf32>
    %jit3A_22 = arith.constant 256 : i32
    %broadcast_in_dim3A_23 = vector.broadcast %jit3A_22 : i32 to vector<256x256xi32>
    %select_n3A_24 = arith.select %eq3A_21, %iota3A, %broadcast_in_dim3A_23 : vector<256x256xi1>, vector<256x256xi32>
    %reduce_min3A = arith.constant dense<2147483647> : vector<256xi32>
    %reduce_min3A_25 = vector.multi_reduction <minsi>, %select_n3A_24, %reduce_min3A [1] : vector<256x256xi32> to vector<256xi32>
    %broadcast_in_dim3A_26 = vector.shape_cast %reduce_min3A_25 : vector<256xi32> to vector<256x1xi32>
    %eq3A_27 = vector.broadcast %broadcast_in_dim3A_26 : vector<256x1xi32> to vector<256x256xi32>
    %eq3A_28 = arith.cmpi eq, %iota3A, %eq3A_27 : vector<256x256xi32>
    %jit3A_29 = arith.constant 0xFF800000 : f32
    %broadcast_in_dim3A_30 = vector.broadcast %jit3A_29 : f32 to vector<256x256xf32>
    %select_n3A_31 = arith.select %eq3A_28, %broadcast_in_dim3A_30, %select_n3A : vector<256x256xi1>, vector<256x256xf32>
    %reduce_max3A_32 = arith.constant dense<0xFF800000> : vector<256xf32>
    %reduce_max3A_33 = vector.multi_reduction <maximumf>, %select_n3A_31, %reduce_max3A_32 [1] : vector<256x256xf32> to vector<256xf32>
    %broadcast_in_dim3A_34 = vector.shape_cast %reduce_max3A_33 : vector<256xf32> to vector<256x1xf32>
    %add3A_35 = arith.addf %broadcast_in_dim3A_19, %broadcast_in_dim3A_34 : vector<256x1xf32>
    %eq3A_36 = arith.constant 1 : i32
    %eq3A_37 = vector.broadcast %eq3A_36 : i32 to vector<256x256xi32>
    %eq3A_38 = arith.cmpi eq, %shift_right_logical3A_14, %eq3A_37 : vector<256x256xi32>
    %jit3A_39 = arith.constant 0xFF800000 : f32
    %broadcast_in_dim3A_40 = vector.broadcast %jit3A_39 : f32 to vector<256x256xf32>
    %select_n3A_41 = arith.select %eq3A_38, %add3A_12, %broadcast_in_dim3A_40 : vector<256x256xi1>, vector<256x256xf32>
    %reduce_max3A_42 = arith.constant dense<0xFF800000> : vector<256xf32>
    %reduce_max3A_43 = vector.multi_reduction <maximumf>, %select_n3A_41, %reduce_max3A_42 [1] : vector<256x256xf32> to vector<256xf32>
    %broadcast_in_dim3A_44 = vector.shape_cast %reduce_max3A_43 : vector<256xf32> to vector<256x1xf32>
    %eq3A_45 = vector.broadcast %broadcast_in_dim3A_44 : vector<256x1xf32> to vector<256x256xf32>
    %eq3A_46 = arith.cmpf oeq, %select_n3A_41, %eq3A_45 : vector<256x256xf32>
    %jit3A_47 = arith.constant 256 : i32
    %broadcast_in_dim3A_48 = vector.broadcast %jit3A_47 : i32 to vector<256x256xi32>
    %select_n3A_49 = arith.select %eq3A_46, %iota3A, %broadcast_in_dim3A_48 : vector<256x256xi1>, vector<256x256xi32>
    %reduce_min3A_50 = arith.constant dense<2147483647> : vector<256xi32>
    %reduce_min3A_51 = vector.multi_reduction <minsi>, %select_n3A_49, %reduce_min3A_50 [1] : vector<256x256xi32> to vector<256xi32>
    %broadcast_in_dim3A_52 = vector.shape_cast %reduce_min3A_51 : vector<256xi32> to vector<256x1xi32>
    %eq3A_53 = vector.broadcast %broadcast_in_dim3A_52 : vector<256x1xi32> to vector<256x256xi32>
    %eq3A_54 = arith.cmpi eq, %iota3A, %eq3A_53 : vector<256x256xi32>
    %jit3A_55 = arith.constant 0xFF800000 : f32
    %broadcast_in_dim3A_56 = vector.broadcast %jit3A_55 : f32 to vector<256x256xf32>
    %select_n3A_57 = arith.select %eq3A_54, %broadcast_in_dim3A_56, %select_n3A_41 : vector<256x256xi1>, vector<256x256xf32>
    %reduce_max3A_58 = arith.constant dense<0xFF800000> : vector<256xf32>
    %reduce_max3A_59 = vector.multi_reduction <maximumf>, %select_n3A_57, %reduce_max3A_58 [1] : vector<256x256xf32> to vector<256xf32>
    %broadcast_in_dim3A_60 = vector.shape_cast %reduce_max3A_59 : vector<256xf32> to vector<256x1xf32>
    %add3A_61 = arith.addf %broadcast_in_dim3A_44, %broadcast_in_dim3A_60 : vector<256x1xf32>
    %eq3A_62 = arith.constant 2 : i32
    %eq3A_63 = vector.broadcast %eq3A_62 : i32 to vector<256x256xi32>
    %eq3A_64 = arith.cmpi eq, %shift_right_logical3A_14, %eq3A_63 : vector<256x256xi32>
    %jit3A_65 = arith.constant 0xFF800000 : f32
    %broadcast_in_dim3A_66 = vector.broadcast %jit3A_65 : f32 to vector<256x256xf32>
    %select_n3A_67 = arith.select %eq3A_64, %add3A_12, %broadcast_in_dim3A_66 : vector<256x256xi1>, vector<256x256xf32>
    %reduce_max3A_68 = arith.constant dense<0xFF800000> : vector<256xf32>
    %reduce_max3A_69 = vector.multi_reduction <maximumf>, %select_n3A_67, %reduce_max3A_68 [1] : vector<256x256xf32> to vector<256xf32>
    %broadcast_in_dim3A_70 = vector.shape_cast %reduce_max3A_69 : vector<256xf32> to vector<256x1xf32>
    %eq3A_71 = vector.broadcast %broadcast_in_dim3A_70 : vector<256x1xf32> to vector<256x256xf32>
    %eq3A_72 = arith.cmpf oeq, %select_n3A_67, %eq3A_71 : vector<256x256xf32>
    %jit3A_73 = arith.constant 256 : i32
    %broadcast_in_dim3A_74 = vector.broadcast %jit3A_73 : i32 to vector<256x256xi32>
    %select_n3A_75 = arith.select %eq3A_72, %iota3A, %broadcast_in_dim3A_74 : vector<256x256xi1>, vector<256x256xi32>
    %reduce_min3A_76 = arith.constant dense<2147483647> : vector<256xi32>
    %reduce_min3A_77 = vector.multi_reduction <minsi>, %select_n3A_75, %reduce_min3A_76 [1] : vector<256x256xi32> to vector<256xi32>
    %broadcast_in_dim3A_78 = vector.shape_cast %reduce_min3A_77 : vector<256xi32> to vector<256x1xi32>
    %eq3A_79 = vector.broadcast %broadcast_in_dim3A_78 : vector<256x1xi32> to vector<256x256xi32>
    %eq3A_80 = arith.cmpi eq, %iota3A, %eq3A_79 : vector<256x256xi32>
    %jit3A_81 = arith.constant 0xFF800000 : f32
    %broadcast_in_dim3A_82 = vector.broadcast %jit3A_81 : f32 to vector<256x256xf32>
    %select_n3A_83 = arith.select %eq3A_80, %broadcast_in_dim3A_82, %select_n3A_67 : vector<256x256xi1>, vector<256x256xf32>
    %reduce_max3A_84 = arith.constant dense<0xFF800000> : vector<256xf32>
    %reduce_max3A_85 = vector.multi_reduction <maximumf>, %select_n3A_83, %reduce_max3A_84 [1] : vector<256x256xf32> to vector<256xf32>
    %broadcast_in_dim3A_86 = vector.shape_cast %reduce_max3A_85 : vector<256xf32> to vector<256x1xf32>
    %add3A_87 = arith.addf %broadcast_in_dim3A_70, %broadcast_in_dim3A_86 : vector<256x1xf32>
    %eq3A_88 = arith.constant 3 : i32
    %eq3A_89 = vector.broadcast %eq3A_88 : i32 to vector<256x256xi32>
    %eq3A_90 = arith.cmpi eq, %shift_right_logical3A_14, %eq3A_89 : vector<256x256xi32>
    %jit3A_91 = arith.constant 0xFF800000 : f32
    %broadcast_in_dim3A_92 = vector.broadcast %jit3A_91 : f32 to vector<256x256xf32>
    %select_n3A_93 = arith.select %eq3A_90, %add3A_12, %broadcast_in_dim3A_92 : vector<256x256xi1>, vector<256x256xf32>
    %reduce_max3A_94 = arith.constant dense<0xFF800000> : vector<256xf32>
    %reduce_max3A_95 = vector.multi_reduction <maximumf>, %select_n3A_93, %reduce_max3A_94 [1] : vector<256x256xf32> to vector<256xf32>
    %broadcast_in_dim3A_96 = vector.shape_cast %reduce_max3A_95 : vector<256xf32> to vector<256x1xf32>
    %eq3A_97 = vector.broadcast %broadcast_in_dim3A_96 : vector<256x1xf32> to vector<256x256xf32>
    %eq3A_98 = arith.cmpf oeq, %select_n3A_93, %eq3A_97 : vector<256x256xf32>
    %jit3A_99 = arith.constant 256 : i32
    %broadcast_in_dim3A_100 = vector.broadcast %jit3A_99 : i32 to vector<256x256xi32>
    %select_n3A_101 = arith.select %eq3A_98, %iota3A, %broadcast_in_dim3A_100 : vector<256x256xi1>, vector<256x256xi32>
    %reduce_min3A_102 = arith.constant dense<2147483647> : vector<256xi32>
    %reduce_min3A_103 = vector.multi_reduction <minsi>, %select_n3A_101, %reduce_min3A_102 [1] : vector<256x256xi32> to vector<256xi32>
    %broadcast_in_dim3A_104 = vector.shape_cast %reduce_min3A_103 : vector<256xi32> to vector<256x1xi32>
    %eq3A_105 = vector.broadcast %broadcast_in_dim3A_104 : vector<256x1xi32> to vector<256x256xi32>
    %eq3A_106 = arith.cmpi eq, %iota3A, %eq3A_105 : vector<256x256xi32>
    %jit3A_107 = arith.constant 0xFF800000 : f32
    %broadcast_in_dim3A_108 = vector.broadcast %jit3A_107 : f32 to vector<256x256xf32>
    %select_n3A_109 = arith.select %eq3A_106, %broadcast_in_dim3A_108, %select_n3A_93 : vector<256x256xi1>, vector<256x256xf32>
    %reduce_max3A_110 = arith.constant dense<0xFF800000> : vector<256xf32>
    %reduce_max3A_111 = vector.multi_reduction <maximumf>, %select_n3A_109, %reduce_max3A_110 [1] : vector<256x256xf32> to vector<256xf32>
    %broadcast_in_dim3A_112 = vector.shape_cast %reduce_max3A_111 : vector<256xf32> to vector<256x1xf32>
    %add3A_113 = arith.addf %broadcast_in_dim3A_96, %broadcast_in_dim3A_112 : vector<256x1xf32>
    %eq3A_114 = arith.constant 4 : i32
    %eq3A_115 = vector.broadcast %eq3A_114 : i32 to vector<256x256xi32>
    %eq3A_116 = arith.cmpi eq, %shift_right_logical3A_14, %eq3A_115 : vector<256x256xi32>
    %jit3A_117 = arith.constant 0xFF800000 : f32
    %broadcast_in_dim3A_118 = vector.broadcast %jit3A_117 : f32 to vector<256x256xf32>
    %select_n3A_119 = arith.select %eq3A_116, %add3A_12, %broadcast_in_dim3A_118 : vector<256x256xi1>, vector<256x256xf32>
    %reduce_max3A_120 = arith.constant dense<0xFF800000> : vector<256xf32>
    %reduce_max3A_121 = vector.multi_reduction <maximumf>, %select_n3A_119, %reduce_max3A_120 [1] : vector<256x256xf32> to vector<256xf32>
    %broadcast_in_dim3A_122 = vector.shape_cast %reduce_max3A_121 : vector<256xf32> to vector<256x1xf32>
    %eq3A_123 = vector.broadcast %broadcast_in_dim3A_122 : vector<256x1xf32> to vector<256x256xf32>
    %eq3A_124 = arith.cmpf oeq, %select_n3A_119, %eq3A_123 : vector<256x256xf32>
    %jit3A_125 = arith.constant 256 : i32
    %broadcast_in_dim3A_126 = vector.broadcast %jit3A_125 : i32 to vector<256x256xi32>
    %select_n3A_127 = arith.select %eq3A_124, %iota3A, %broadcast_in_dim3A_126 : vector<256x256xi1>, vector<256x256xi32>
    %reduce_min3A_128 = arith.constant dense<2147483647> : vector<256xi32>
    %reduce_min3A_129 = vector.multi_reduction <minsi>, %select_n3A_127, %reduce_min3A_128 [1] : vector<256x256xi32> to vector<256xi32>
    %broadcast_in_dim3A_130 = vector.shape_cast %reduce_min3A_129 : vector<256xi32> to vector<256x1xi32>
    %eq3A_131 = vector.broadcast %broadcast_in_dim3A_130 : vector<256x1xi32> to vector<256x256xi32>
    %eq3A_132 = arith.cmpi eq, %iota3A, %eq3A_131 : vector<256x256xi32>
    %jit3A_133 = arith.constant 0xFF800000 : f32
    %broadcast_in_dim3A_134 = vector.broadcast %jit3A_133 : f32 to vector<256x256xf32>
    %select_n3A_135 = arith.select %eq3A_132, %broadcast_in_dim3A_134, %select_n3A_119 : vector<256x256xi1>, vector<256x256xf32>
    %reduce_max3A_136 = arith.constant dense<0xFF800000> : vector<256xf32>
    %reduce_max3A_137 = vector.multi_reduction <maximumf>, %select_n3A_135, %reduce_max3A_136 [1] : vector<256x256xf32> to vector<256xf32>
    %broadcast_in_dim3A_138 = vector.shape_cast %reduce_max3A_137 : vector<256xf32> to vector<256x1xf32>
    %add3A_139 = arith.addf %broadcast_in_dim3A_122, %broadcast_in_dim3A_138 : vector<256x1xf32>
    %eq3A_140 = arith.constant 5 : i32
    %eq3A_141 = vector.broadcast %eq3A_140 : i32 to vector<256x256xi32>
    %eq3A_142 = arith.cmpi eq, %shift_right_logical3A_14, %eq3A_141 : vector<256x256xi32>
    %jit3A_143 = arith.constant 0xFF800000 : f32
    %broadcast_in_dim3A_144 = vector.broadcast %jit3A_143 : f32 to vector<256x256xf32>
    %select_n3A_145 = arith.select %eq3A_142, %add3A_12, %broadcast_in_dim3A_144 : vector<256x256xi1>, vector<256x256xf32>
    %reduce_max3A_146 = arith.constant dense<0xFF800000> : vector<256xf32>
    %reduce_max3A_147 = vector.multi_reduction <maximumf>, %select_n3A_145, %reduce_max3A_146 [1] : vector<256x256xf32> to vector<256xf32>
    %broadcast_in_dim3A_148 = vector.shape_cast %reduce_max3A_147 : vector<256xf32> to vector<256x1xf32>
    %eq3A_149 = vector.broadcast %broadcast_in_dim3A_148 : vector<256x1xf32> to vector<256x256xf32>
    %eq3A_150 = arith.cmpf oeq, %select_n3A_145, %eq3A_149 : vector<256x256xf32>
    %jit3A_151 = arith.constant 256 : i32
    %broadcast_in_dim3A_152 = vector.broadcast %jit3A_151 : i32 to vector<256x256xi32>
    %select_n3A_153 = arith.select %eq3A_150, %iota3A, %broadcast_in_dim3A_152 : vector<256x256xi1>, vector<256x256xi32>
    %reduce_min3A_154 = arith.constant dense<2147483647> : vector<256xi32>
    %reduce_min3A_155 = vector.multi_reduction <minsi>, %select_n3A_153, %reduce_min3A_154 [1] : vector<256x256xi32> to vector<256xi32>
    %broadcast_in_dim3A_156 = vector.shape_cast %reduce_min3A_155 : vector<256xi32> to vector<256x1xi32>
    %eq3A_157 = vector.broadcast %broadcast_in_dim3A_156 : vector<256x1xi32> to vector<256x256xi32>
    %eq3A_158 = arith.cmpi eq, %iota3A, %eq3A_157 : vector<256x256xi32>
    %jit3A_159 = arith.constant 0xFF800000 : f32
    %broadcast_in_dim3A_160 = vector.broadcast %jit3A_159 : f32 to vector<256x256xf32>
    %select_n3A_161 = arith.select %eq3A_158, %broadcast_in_dim3A_160, %select_n3A_145 : vector<256x256xi1>, vector<256x256xf32>
    %reduce_max3A_162 = arith.constant dense<0xFF800000> : vector<256xf32>
    %reduce_max3A_163 = vector.multi_reduction <maximumf>, %select_n3A_161, %reduce_max3A_162 [1] : vector<256x256xf32> to vector<256xf32>
    %broadcast_in_dim3A_164 = vector.shape_cast %reduce_max3A_163 : vector<256xf32> to vector<256x1xf32>
    %add3A_165 = arith.addf %broadcast_in_dim3A_148, %broadcast_in_dim3A_164 : vector<256x1xf32>
    %eq3A_166 = arith.constant 6 : i32
    %eq3A_167 = vector.broadcast %eq3A_166 : i32 to vector<256x256xi32>
    %eq3A_168 = arith.cmpi eq, %shift_right_logical3A_14, %eq3A_167 : vector<256x256xi32>
    %jit3A_169 = arith.constant 0xFF800000 : f32
    %broadcast_in_dim3A_170 = vector.broadcast %jit3A_169 : f32 to vector<256x256xf32>
    %select_n3A_171 = arith.select %eq3A_168, %add3A_12, %broadcast_in_dim3A_170 : vector<256x256xi1>, vector<256x256xf32>
    %reduce_max3A_172 = arith.constant dense<0xFF800000> : vector<256xf32>
    %reduce_max3A_173 = vector.multi_reduction <maximumf>, %select_n3A_171, %reduce_max3A_172 [1] : vector<256x256xf32> to vector<256xf32>
    %broadcast_in_dim3A_174 = vector.shape_cast %reduce_max3A_173 : vector<256xf32> to vector<256x1xf32>
    %eq3A_175 = vector.broadcast %broadcast_in_dim3A_174 : vector<256x1xf32> to vector<256x256xf32>
    %eq3A_176 = arith.cmpf oeq, %select_n3A_171, %eq3A_175 : vector<256x256xf32>
    %jit3A_177 = arith.constant 256 : i32
    %broadcast_in_dim3A_178 = vector.broadcast %jit3A_177 : i32 to vector<256x256xi32>
    %select_n3A_179 = arith.select %eq3A_176, %iota3A, %broadcast_in_dim3A_178 : vector<256x256xi1>, vector<256x256xi32>
    %reduce_min3A_180 = arith.constant dense<2147483647> : vector<256xi32>
    %reduce_min3A_181 = vector.multi_reduction <minsi>, %select_n3A_179, %reduce_min3A_180 [1] : vector<256x256xi32> to vector<256xi32>
    %broadcast_in_dim3A_182 = vector.shape_cast %reduce_min3A_181 : vector<256xi32> to vector<256x1xi32>
    %eq3A_183 = vector.broadcast %broadcast_in_dim3A_182 : vector<256x1xi32> to vector<256x256xi32>
    %eq3A_184 = arith.cmpi eq, %iota3A, %eq3A_183 : vector<256x256xi32>
    %jit3A_185 = arith.constant 0xFF800000 : f32
    %broadcast_in_dim3A_186 = vector.broadcast %jit3A_185 : f32 to vector<256x256xf32>
    %select_n3A_187 = arith.select %eq3A_184, %broadcast_in_dim3A_186, %select_n3A_171 : vector<256x256xi1>, vector<256x256xf32>
    %reduce_max3A_188 = arith.constant dense<0xFF800000> : vector<256xf32>
    %reduce_max3A_189 = vector.multi_reduction <maximumf>, %select_n3A_187, %reduce_max3A_188 [1] : vector<256x256xf32> to vector<256xf32>
    %broadcast_in_dim3A_190 = vector.shape_cast %reduce_max3A_189 : vector<256xf32> to vector<256x1xf32>
    %add3A_191 = arith.addf %broadcast_in_dim3A_174, %broadcast_in_dim3A_190 : vector<256x1xf32>
    %eq3A_192 = arith.constant 7 : i32
    %eq3A_193 = vector.broadcast %eq3A_192 : i32 to vector<256x256xi32>
    %eq3A_194 = arith.cmpi eq, %shift_right_logical3A_14, %eq3A_193 : vector<256x256xi32>
    %jit3A_195 = arith.constant 0xFF800000 : f32
    %broadcast_in_dim3A_196 = vector.broadcast %jit3A_195 : f32 to vector<256x256xf32>
    %select_n3A_197 = arith.select %eq3A_194, %add3A_12, %broadcast_in_dim3A_196 : vector<256x256xi1>, vector<256x256xf32>
    %reduce_max3A_198 = arith.constant dense<0xFF800000> : vector<256xf32>
    %reduce_max3A_199 = vector.multi_reduction <maximumf>, %select_n3A_197, %reduce_max3A_198 [1] : vector<256x256xf32> to vector<256xf32>
    %broadcast_in_dim3A_200 = vector.shape_cast %reduce_max3A_199 : vector<256xf32> to vector<256x1xf32>
    %eq3A_201 = vector.broadcast %broadcast_in_dim3A_200 : vector<256x1xf32> to vector<256x256xf32>
    %eq3A_202 = arith.cmpf oeq, %select_n3A_197, %eq3A_201 : vector<256x256xf32>
    %jit3A_203 = arith.constant 256 : i32
    %broadcast_in_dim3A_204 = vector.broadcast %jit3A_203 : i32 to vector<256x256xi32>
    %select_n3A_205 = arith.select %eq3A_202, %iota3A, %broadcast_in_dim3A_204 : vector<256x256xi1>, vector<256x256xi32>
    %reduce_min3A_206 = arith.constant dense<2147483647> : vector<256xi32>
    %reduce_min3A_207 = vector.multi_reduction <minsi>, %select_n3A_205, %reduce_min3A_206 [1] : vector<256x256xi32> to vector<256xi32>
    %broadcast_in_dim3A_208 = vector.shape_cast %reduce_min3A_207 : vector<256xi32> to vector<256x1xi32>
    %eq3A_209 = vector.broadcast %broadcast_in_dim3A_208 : vector<256x1xi32> to vector<256x256xi32>
    %eq3A_210 = arith.cmpi eq, %iota3A, %eq3A_209 : vector<256x256xi32>
    %jit3A_211 = arith.constant 0xFF800000 : f32
    %broadcast_in_dim3A_212 = vector.broadcast %jit3A_211 : f32 to vector<256x256xf32>
    %select_n3A_213 = arith.select %eq3A_210, %broadcast_in_dim3A_212, %select_n3A_197 : vector<256x256xi1>, vector<256x256xf32>
    %reduce_max3A_214 = arith.constant dense<0xFF800000> : vector<256xf32>
    %reduce_max3A_215 = vector.multi_reduction <maximumf>, %select_n3A_213, %reduce_max3A_214 [1] : vector<256x256xf32> to vector<256xf32>
    %broadcast_in_dim3A_216 = vector.shape_cast %reduce_max3A_215 : vector<256xf32> to vector<256x1xf32>
    %add3A_217 = arith.addf %broadcast_in_dim3A_200, %broadcast_in_dim3A_216 : vector<256x1xf32>
    %concatenate3A = tpu.concatenate %add3A_35, %add3A_61, %add3A_87, %add3A_113, %add3A_139, %add3A_165, %add3A_191, %add3A_217 in 1 : vector<256x1xf32>, vector<256x1xf32>, vector<256x1xf32>, vector<256x1xf32>, vector<256x1xf32>, vector<256x1xf32>, vector<256x1xf32>, vector<256x1xf32> -> vector<256x8xf32>
    %broadcast_in_dim3A_218 = vector.shape_cast %concatenate3A : vector<256x8xf32> to vector<256x1x8xf32>
    %broadcast_in_dim3A_219 = vector.shape_cast %concatenate3A : vector<256x8xf32> to vector<256x8x1xf32>
    %iota3A_220 = tpu.iota {dimensions = array<i32: 2>} : vector<256x8x8xi32>
    %iota3A_221 = tpu.iota {dimensions = array<i32: 1>} : vector<256x8x8xi32>
    %gt3A = vector.broadcast %broadcast_in_dim3A_218 : vector<256x1x8xf32> to vector<256x8x8xf32>
    %gt3A_222 = vector.broadcast %broadcast_in_dim3A_219 : vector<256x8x1xf32> to vector<256x8x8xf32>
    %gt3A_223 = arith.cmpf ogt, %gt3A, %gt3A_222 : vector<256x8x8xf32>
    %eq3A_224 = vector.broadcast %broadcast_in_dim3A_218 : vector<256x1x8xf32> to vector<256x8x8xf32>
    %eq3A_225 = vector.broadcast %broadcast_in_dim3A_219 : vector<256x8x1xf32> to vector<256x8x8xf32>
    %eq3A_226 = arith.cmpf oeq, %eq3A_224, %eq3A_225 : vector<256x8x8xf32>
    %lt3A = arith.cmpi slt, %iota3A_220, %iota3A_221 : vector<256x8x8xi32>
    %and3A = arith.andi %eq3A_226, %lt3A : vector<256x8x8xi1>
    %or3A = arith.ori %gt3A_223, %and3A : vector<256x8x8xi1>
    %jit3A_227 = arith.constant 1.000000e+00 : f32
    %jit3A_228 = arith.constant 0.000000e+00 : f32
    %broadcast_in_dim3A_229 = vector.broadcast %jit3A_227 : f32 to vector<256x8x8xf32>
    %broadcast_in_dim3A_230 = vector.broadcast %jit3A_228 : f32 to vector<256x8x8xf32>
    %select_n3A_231 = arith.select %or3A, %broadcast_in_dim3A_229, %broadcast_in_dim3A_230 : vector<256x8x8xi1>, vector<256x8x8xf32>
    %reduce_sum3A = arith.constant dense<0.000000e+00> : vector<256x8xf32>
    %reduce_sum3A_232 = vector.multi_reduction <add>, %select_n3A_231, %reduce_sum3A [2] : vector<256x8x8xf32> to vector<256x8xf32>
    %broadcast_in_dim3A_233 = arith.constant 0.000000e+00 : f32
    %broadcast_in_dim3A_234 = vector.broadcast %broadcast_in_dim3A_233 : f32 to vector<256x256xf32>
    %slice3A = vector.extract_strided_slice %reduce_sum3A_232 {offsets = [0, 0], sizes = [256, 1], strides = [1, 1]} : vector<256x8xf32> to vector<256x1xf32>
    %broadcast_in_dim3A_235 = vector.shape_cast %slice3A : vector<256x1xf32> to vector<256x1xf32>
    %broadcast_in_dim3A_236 = vector.broadcast %broadcast_in_dim3A_235 : vector<256x1xf32> to vector<256x256xf32>
    %eq3A_237 = arith.constant 0 : i32
    %eq3A_238 = vector.broadcast %eq3A_237 : i32 to vector<256x256xi32>
    %eq3A_239 = arith.cmpi eq, %shift_right_logical3A_14, %eq3A_238 : vector<256x256xi32>
    %select_n3A_240 = arith.select %eq3A_239, %broadcast_in_dim3A_236, %broadcast_in_dim3A_234 : vector<256x256xi1>, vector<256x256xf32>
    %slice3A_241 = vector.extract_strided_slice %reduce_sum3A_232 {offsets = [0, 1], sizes = [256, 1], strides = [1, 1]} : vector<256x8xf32> to vector<256x1xf32>
    %broadcast_in_dim3A_242 = vector.shape_cast %slice3A_241 : vector<256x1xf32> to vector<256x1xf32>
    %broadcast_in_dim3A_243 = vector.broadcast %broadcast_in_dim3A_242 : vector<256x1xf32> to vector<256x256xf32>
    %eq3A_244 = arith.constant 1 : i32
    %eq3A_245 = vector.broadcast %eq3A_244 : i32 to vector<256x256xi32>
    %eq3A_246 = arith.cmpi eq, %shift_right_logical3A_14, %eq3A_245 : vector<256x256xi32>
    %select_n3A_247 = arith.select %eq3A_246, %broadcast_in_dim3A_243, %select_n3A_240 : vector<256x256xi1>, vector<256x256xf32>
    %slice3A_248 = vector.extract_strided_slice %reduce_sum3A_232 {offsets = [0, 2], sizes = [256, 1], strides = [1, 1]} : vector<256x8xf32> to vector<256x1xf32>
    %broadcast_in_dim3A_249 = vector.shape_cast %slice3A_248 : vector<256x1xf32> to vector<256x1xf32>
    %broadcast_in_dim3A_250 = vector.broadcast %broadcast_in_dim3A_249 : vector<256x1xf32> to vector<256x256xf32>
    %eq3A_251 = arith.constant 2 : i32
    %eq3A_252 = vector.broadcast %eq3A_251 : i32 to vector<256x256xi32>
    %eq3A_253 = arith.cmpi eq, %shift_right_logical3A_14, %eq3A_252 : vector<256x256xi32>
    %select_n3A_254 = arith.select %eq3A_253, %broadcast_in_dim3A_250, %select_n3A_247 : vector<256x256xi1>, vector<256x256xf32>
    %slice3A_255 = vector.extract_strided_slice %reduce_sum3A_232 {offsets = [0, 3], sizes = [256, 1], strides = [1, 1]} : vector<256x8xf32> to vector<256x1xf32>
    %broadcast_in_dim3A_256 = vector.shape_cast %slice3A_255 : vector<256x1xf32> to vector<256x1xf32>
    %broadcast_in_dim3A_257 = vector.broadcast %broadcast_in_dim3A_256 : vector<256x1xf32> to vector<256x256xf32>
    %eq3A_258 = arith.constant 3 : i32
    %eq3A_259 = vector.broadcast %eq3A_258 : i32 to vector<256x256xi32>
    %eq3A_260 = arith.cmpi eq, %shift_right_logical3A_14, %eq3A_259 : vector<256x256xi32>
    %select_n3A_261 = arith.select %eq3A_260, %broadcast_in_dim3A_257, %select_n3A_254 : vector<256x256xi1>, vector<256x256xf32>
    %slice3A_262 = vector.extract_strided_slice %reduce_sum3A_232 {offsets = [0, 4], sizes = [256, 1], strides = [1, 1]} : vector<256x8xf32> to vector<256x1xf32>
    %broadcast_in_dim3A_263 = vector.shape_cast %slice3A_262 : vector<256x1xf32> to vector<256x1xf32>
    %broadcast_in_dim3A_264 = vector.broadcast %broadcast_in_dim3A_263 : vector<256x1xf32> to vector<256x256xf32>
    %eq3A_265 = arith.constant 4 : i32
    %eq3A_266 = vector.broadcast %eq3A_265 : i32 to vector<256x256xi32>
    %eq3A_267 = arith.cmpi eq, %shift_right_logical3A_14, %eq3A_266 : vector<256x256xi32>
    %select_n3A_268 = arith.select %eq3A_267, %broadcast_in_dim3A_264, %select_n3A_261 : vector<256x256xi1>, vector<256x256xf32>
    %slice3A_269 = vector.extract_strided_slice %reduce_sum3A_232 {offsets = [0, 5], sizes = [256, 1], strides = [1, 1]} : vector<256x8xf32> to vector<256x1xf32>
    %broadcast_in_dim3A_270 = vector.shape_cast %slice3A_269 : vector<256x1xf32> to vector<256x1xf32>
    %broadcast_in_dim3A_271 = vector.broadcast %broadcast_in_dim3A_270 : vector<256x1xf32> to vector<256x256xf32>
    %eq3A_272 = arith.constant 5 : i32
    %eq3A_273 = vector.broadcast %eq3A_272 : i32 to vector<256x256xi32>
    %eq3A_274 = arith.cmpi eq, %shift_right_logical3A_14, %eq3A_273 : vector<256x256xi32>
    %select_n3A_275 = arith.select %eq3A_274, %broadcast_in_dim3A_271, %select_n3A_268 : vector<256x256xi1>, vector<256x256xf32>
    %slice3A_276 = vector.extract_strided_slice %reduce_sum3A_232 {offsets = [0, 6], sizes = [256, 1], strides = [1, 1]} : vector<256x8xf32> to vector<256x1xf32>
    %broadcast_in_dim3A_277 = vector.shape_cast %slice3A_276 : vector<256x1xf32> to vector<256x1xf32>
    %broadcast_in_dim3A_278 = vector.broadcast %broadcast_in_dim3A_277 : vector<256x1xf32> to vector<256x256xf32>
    %eq3A_279 = arith.constant 6 : i32
    %eq3A_280 = vector.broadcast %eq3A_279 : i32 to vector<256x256xi32>
    %eq3A_281 = arith.cmpi eq, %shift_right_logical3A_14, %eq3A_280 : vector<256x256xi32>
    %select_n3A_282 = arith.select %eq3A_281, %broadcast_in_dim3A_278, %select_n3A_275 : vector<256x256xi1>, vector<256x256xf32>
    %slice3A_283 = vector.extract_strided_slice %reduce_sum3A_232 {offsets = [0, 7], sizes = [256, 1], strides = [1, 1]} : vector<256x8xf32> to vector<256x1xf32>
    %broadcast_in_dim3A_284 = vector.shape_cast %slice3A_283 : vector<256x1xf32> to vector<256x1xf32>
    %broadcast_in_dim3A_285 = vector.broadcast %broadcast_in_dim3A_284 : vector<256x1xf32> to vector<256x256xf32>
    %eq3A_286 = arith.constant 7 : i32
    %eq3A_287 = vector.broadcast %eq3A_286 : i32 to vector<256x256xi32>
    %eq3A_288 = arith.cmpi eq, %shift_right_logical3A_14, %eq3A_287 : vector<256x256xi32>
    %select_n3A_289 = arith.select %eq3A_288, %broadcast_in_dim3A_285, %select_n3A_282 : vector<256x256xi1>, vector<256x256xf32>
    %lt3A_290 = arith.constant 4.000000e+00 : f32
    %lt3A_291 = vector.broadcast %lt3A_290 : f32 to vector<256x256xf32>
    %lt3A_292 = arith.cmpf olt, %select_n3A_289, %lt3A_291 : vector<256x256xf32>
    %jit3A_293 = arith.constant 0.000000e+00 : f32
    %broadcast_in_dim3A_294 = vector.broadcast %jit3A_293 : f32 to vector<256x256xf32>
    %select_n3A_295 = arith.select %lt3A_292, %add3A_12, %broadcast_in_dim3A_294 : vector<256x256xi1>, vector<256x256xf32>
    %reduce_max3A_296 = arith.constant dense<0xFF800000> : vector<256xf32>
    %reduce_max3A_297 = vector.multi_reduction <maximumf>, %select_n3A_295, %reduce_max3A_296 [1] : vector<256x256xf32> to vector<256xf32>
    %broadcast_in_dim3A_298 = vector.shape_cast %reduce_max3A_297 : vector<256xf32> to vector<256x1xf32>
    %eq3A_299 = vector.broadcast %broadcast_in_dim3A_298 : vector<256x1xf32> to vector<256x256xf32>
    %eq3A_300 = arith.cmpf oeq, %select_n3A_295, %eq3A_299 : vector<256x256xf32>
    %jit3A_301 = arith.constant 256 : i32
    %broadcast_in_dim3A_302 = vector.broadcast %jit3A_301 : i32 to vector<256x256xi32>
    %select_n3A_303 = arith.select %eq3A_300, %iota3A, %broadcast_in_dim3A_302 : vector<256x256xi1>, vector<256x256xi32>
    %reduce_min3A_304 = arith.constant dense<2147483647> : vector<256xi32>
    %reduce_min3A_305 = vector.multi_reduction <minsi>, %select_n3A_303, %reduce_min3A_304 [1] : vector<256x256xi32> to vector<256xi32>
    %broadcast_in_dim3A_306 = vector.shape_cast %reduce_min3A_305 : vector<256xi32> to vector<256x1xi32>
    %eq3A_307 = vector.broadcast %broadcast_in_dim3A_306 : vector<256x1xi32> to vector<256x256xi32>
    %eq3A_308 = arith.cmpi eq, %iota3A, %eq3A_307 : vector<256x256xi32>
    %jit3A_309 = arith.constant 0.000000e+00 : f32
    %broadcast_in_dim3A_310 = vector.broadcast %jit3A_309 : f32 to vector<256x256xf32>
    %select_n3A_311 = arith.select %eq3A_308, %div3A_7, %broadcast_in_dim3A_310 : vector<256x256xi1>, vector<256x256xf32>
    %reduce_sum3A_312 = arith.constant dense<0.000000e+00> : vector<256xf32>
    %reduce_sum3A_313 = vector.multi_reduction <add>, %select_n3A_311, %reduce_sum3A_312 [1] : vector<256x256xf32> to vector<256xf32>
    %broadcast_in_dim3A_314 = vector.shape_cast %reduce_sum3A_313 : vector<256xf32> to vector<256x1xf32>
    %jit3A_315 = arith.constant 0xFF800000 : f32
    %broadcast_in_dim3A_316 = vector.broadcast %jit3A_315 : f32 to vector<256x256xf32>
    %select_n3A_317 = arith.select %eq3A_308, %broadcast_in_dim3A_316, %select_n3A_295 : vector<256x256xi1>, vector<256x256xf32>
    %reduce_max3A_318 = arith.constant dense<0xFF800000> : vector<256xf32>
    %reduce_max3A_319 = vector.multi_reduction <maximumf>, %select_n3A_317, %reduce_max3A_318 [1] : vector<256x256xf32> to vector<256xf32>
    %broadcast_in_dim3A_320 = vector.shape_cast %reduce_max3A_319 : vector<256xf32> to vector<256x1xf32>
    %eq3A_321 = vector.broadcast %broadcast_in_dim3A_320 : vector<256x1xf32> to vector<256x256xf32>
    %eq3A_322 = arith.cmpf oeq, %select_n3A_317, %eq3A_321 : vector<256x256xf32>
    %jit3A_323 = arith.constant 256 : i32
    %broadcast_in_dim3A_324 = vector.broadcast %jit3A_323 : i32 to vector<256x256xi32>
    %select_n3A_325 = arith.select %eq3A_322, %iota3A, %broadcast_in_dim3A_324 : vector<256x256xi1>, vector<256x256xi32>
    %reduce_min3A_326 = arith.constant dense<2147483647> : vector<256xi32>
    %reduce_min3A_327 = vector.multi_reduction <minsi>, %select_n3A_325, %reduce_min3A_326 [1] : vector<256x256xi32> to vector<256xi32>
    %broadcast_in_dim3A_328 = vector.shape_cast %reduce_min3A_327 : vector<256xi32> to vector<256x1xi32>
    %eq3A_329 = vector.broadcast %broadcast_in_dim3A_328 : vector<256x1xi32> to vector<256x256xi32>
    %eq3A_330 = arith.cmpi eq, %iota3A, %eq3A_329 : vector<256x256xi32>
    %jit3A_331 = arith.constant 0.000000e+00 : f32
    %broadcast_in_dim3A_332 = vector.broadcast %jit3A_331 : f32 to vector<256x256xf32>
    %select_n3A_333 = arith.select %eq3A_330, %div3A_7, %broadcast_in_dim3A_332 : vector<256x256xi1>, vector<256x256xf32>
    %reduce_sum3A_334 = arith.constant dense<0.000000e+00> : vector<256xf32>
    %reduce_sum3A_335 = vector.multi_reduction <add>, %select_n3A_333, %reduce_sum3A_334 [1] : vector<256x256xf32> to vector<256xf32>
    %broadcast_in_dim3A_336 = vector.shape_cast %reduce_sum3A_335 : vector<256xf32> to vector<256x1xf32>
    %jit3A_337 = arith.constant 0xFF800000 : f32
    %broadcast_in_dim3A_338 = vector.broadcast %jit3A_337 : f32 to vector<256x256xf32>
    %select_n3A_339 = arith.select %eq3A_330, %broadcast_in_dim3A_338, %select_n3A_317 : vector<256x256xi1>, vector<256x256xf32>
    %reduce_max3A_340 = arith.constant dense<0xFF800000> : vector<256xf32>
    %reduce_max3A_341 = vector.multi_reduction <maximumf>, %select_n3A_339, %reduce_max3A_340 [1] : vector<256x256xf32> to vector<256xf32>
    %broadcast_in_dim3A_342 = vector.shape_cast %reduce_max3A_341 : vector<256xf32> to vector<256x1xf32>
    %eq3A_343 = vector.broadcast %broadcast_in_dim3A_342 : vector<256x1xf32> to vector<256x256xf32>
    %eq3A_344 = arith.cmpf oeq, %select_n3A_339, %eq3A_343 : vector<256x256xf32>
    %jit3A_345 = arith.constant 256 : i32
    %broadcast_in_dim3A_346 = vector.broadcast %jit3A_345 : i32 to vector<256x256xi32>
    %select_n3A_347 = arith.select %eq3A_344, %iota3A, %broadcast_in_dim3A_346 : vector<256x256xi1>, vector<256x256xi32>
    %reduce_min3A_348 = arith.constant dense<2147483647> : vector<256xi32>
    %reduce_min3A_349 = vector.multi_reduction <minsi>, %select_n3A_347, %reduce_min3A_348 [1] : vector<256x256xi32> to vector<256xi32>
    %broadcast_in_dim3A_350 = vector.shape_cast %reduce_min3A_349 : vector<256xi32> to vector<256x1xi32>
    %eq3A_351 = vector.broadcast %broadcast_in_dim3A_350 : vector<256x1xi32> to vector<256x256xi32>
    %eq3A_352 = arith.cmpi eq, %iota3A, %eq3A_351 : vector<256x256xi32>
    %jit3A_353 = arith.constant 0.000000e+00 : f32
    %broadcast_in_dim3A_354 = vector.broadcast %jit3A_353 : f32 to vector<256x256xf32>
    %select_n3A_355 = arith.select %eq3A_352, %div3A_7, %broadcast_in_dim3A_354 : vector<256x256xi1>, vector<256x256xf32>
    %reduce_sum3A_356 = arith.constant dense<0.000000e+00> : vector<256xf32>
    %reduce_sum3A_357 = vector.multi_reduction <add>, %select_n3A_355, %reduce_sum3A_356 [1] : vector<256x256xf32> to vector<256xf32>
    %broadcast_in_dim3A_358 = vector.shape_cast %reduce_sum3A_357 : vector<256xf32> to vector<256x1xf32>
    %jit3A_359 = arith.constant 0xFF800000 : f32
    %broadcast_in_dim3A_360 = vector.broadcast %jit3A_359 : f32 to vector<256x256xf32>
    %select_n3A_361 = arith.select %eq3A_352, %broadcast_in_dim3A_360, %select_n3A_339 : vector<256x256xi1>, vector<256x256xf32>
    %reduce_max3A_362 = arith.constant dense<0xFF800000> : vector<256xf32>
    %reduce_max3A_363 = vector.multi_reduction <maximumf>, %select_n3A_361, %reduce_max3A_362 [1] : vector<256x256xf32> to vector<256xf32>
    %broadcast_in_dim3A_364 = vector.shape_cast %reduce_max3A_363 : vector<256xf32> to vector<256x1xf32>
    %eq3A_365 = vector.broadcast %broadcast_in_dim3A_364 : vector<256x1xf32> to vector<256x256xf32>
    %eq3A_366 = arith.cmpf oeq, %select_n3A_361, %eq3A_365 : vector<256x256xf32>
    %jit3A_367 = arith.constant 256 : i32
    %broadcast_in_dim3A_368 = vector.broadcast %jit3A_367 : i32 to vector<256x256xi32>
    %select_n3A_369 = arith.select %eq3A_366, %iota3A, %broadcast_in_dim3A_368 : vector<256x256xi1>, vector<256x256xi32>
    %reduce_min3A_370 = arith.constant dense<2147483647> : vector<256xi32>
    %reduce_min3A_371 = vector.multi_reduction <minsi>, %select_n3A_369, %reduce_min3A_370 [1] : vector<256x256xi32> to vector<256xi32>
    %broadcast_in_dim3A_372 = vector.shape_cast %reduce_min3A_371 : vector<256xi32> to vector<256x1xi32>
    %eq3A_373 = vector.broadcast %broadcast_in_dim3A_372 : vector<256x1xi32> to vector<256x256xi32>
    %eq3A_374 = arith.cmpi eq, %iota3A, %eq3A_373 : vector<256x256xi32>
    %jit3A_375 = arith.constant 0.000000e+00 : f32
    %broadcast_in_dim3A_376 = vector.broadcast %jit3A_375 : f32 to vector<256x256xf32>
    %select_n3A_377 = arith.select %eq3A_374, %div3A_7, %broadcast_in_dim3A_376 : vector<256x256xi1>, vector<256x256xf32>
    %reduce_sum3A_378 = arith.constant dense<0.000000e+00> : vector<256xf32>
    %reduce_sum3A_379 = vector.multi_reduction <add>, %select_n3A_377, %reduce_sum3A_378 [1] : vector<256x256xf32> to vector<256xf32>
    %broadcast_in_dim3A_380 = vector.shape_cast %reduce_sum3A_379 : vector<256xf32> to vector<256x1xf32>
    %jit3A_381 = arith.constant 0xFF800000 : f32
    %broadcast_in_dim3A_382 = vector.broadcast %jit3A_381 : f32 to vector<256x256xf32>
    %select_n3A_383 = arith.select %eq3A_374, %broadcast_in_dim3A_382, %select_n3A_361 : vector<256x256xi1>, vector<256x256xf32>
    %reduce_max3A_384 = arith.constant dense<0xFF800000> : vector<256xf32>
    %reduce_max3A_385 = vector.multi_reduction <maximumf>, %select_n3A_383, %reduce_max3A_384 [1] : vector<256x256xf32> to vector<256xf32>
    %broadcast_in_dim3A_386 = vector.shape_cast %reduce_max3A_385 : vector<256xf32> to vector<256x1xf32>
    %eq3A_387 = vector.broadcast %broadcast_in_dim3A_386 : vector<256x1xf32> to vector<256x256xf32>
    %eq3A_388 = arith.cmpf oeq, %select_n3A_383, %eq3A_387 : vector<256x256xf32>
    %jit3A_389 = arith.constant 256 : i32
    %broadcast_in_dim3A_390 = vector.broadcast %jit3A_389 : i32 to vector<256x256xi32>
    %select_n3A_391 = arith.select %eq3A_388, %iota3A, %broadcast_in_dim3A_390 : vector<256x256xi1>, vector<256x256xi32>
    %reduce_min3A_392 = arith.constant dense<2147483647> : vector<256xi32>
    %reduce_min3A_393 = vector.multi_reduction <minsi>, %select_n3A_391, %reduce_min3A_392 [1] : vector<256x256xi32> to vector<256xi32>
    %broadcast_in_dim3A_394 = vector.shape_cast %reduce_min3A_393 : vector<256xi32> to vector<256x1xi32>
    %eq3A_395 = vector.broadcast %broadcast_in_dim3A_394 : vector<256x1xi32> to vector<256x256xi32>
    %eq3A_396 = arith.cmpi eq, %iota3A, %eq3A_395 : vector<256x256xi32>
    %jit3A_397 = arith.constant 0.000000e+00 : f32
    %broadcast_in_dim3A_398 = vector.broadcast %jit3A_397 : f32 to vector<256x256xf32>
    %select_n3A_399 = arith.select %eq3A_396, %div3A_7, %broadcast_in_dim3A_398 : vector<256x256xi1>, vector<256x256xf32>
    %reduce_sum3A_400 = arith.constant dense<0.000000e+00> : vector<256xf32>
    %reduce_sum3A_401 = vector.multi_reduction <add>, %select_n3A_399, %reduce_sum3A_400 [1] : vector<256x256xf32> to vector<256xf32>
    %broadcast_in_dim3A_402 = vector.shape_cast %reduce_sum3A_401 : vector<256xf32> to vector<256x1xf32>
    %jit3A_403 = arith.constant 0xFF800000 : f32
    %broadcast_in_dim3A_404 = vector.broadcast %jit3A_403 : f32 to vector<256x256xf32>
    %select_n3A_405 = arith.select %eq3A_396, %broadcast_in_dim3A_404, %select_n3A_383 : vector<256x256xi1>, vector<256x256xf32>
    %reduce_max3A_406 = arith.constant dense<0xFF800000> : vector<256xf32>
    %reduce_max3A_407 = vector.multi_reduction <maximumf>, %select_n3A_405, %reduce_max3A_406 [1] : vector<256x256xf32> to vector<256xf32>
    %broadcast_in_dim3A_408 = vector.shape_cast %reduce_max3A_407 : vector<256xf32> to vector<256x1xf32>
    %eq3A_409 = vector.broadcast %broadcast_in_dim3A_408 : vector<256x1xf32> to vector<256x256xf32>
    %eq3A_410 = arith.cmpf oeq, %select_n3A_405, %eq3A_409 : vector<256x256xf32>
    %jit3A_411 = arith.constant 256 : i32
    %broadcast_in_dim3A_412 = vector.broadcast %jit3A_411 : i32 to vector<256x256xi32>
    %select_n3A_413 = arith.select %eq3A_410, %iota3A, %broadcast_in_dim3A_412 : vector<256x256xi1>, vector<256x256xi32>
    %reduce_min3A_414 = arith.constant dense<2147483647> : vector<256xi32>
    %reduce_min3A_415 = vector.multi_reduction <minsi>, %select_n3A_413, %reduce_min3A_414 [1] : vector<256x256xi32> to vector<256xi32>
    %broadcast_in_dim3A_416 = vector.shape_cast %reduce_min3A_415 : vector<256xi32> to vector<256x1xi32>
    %eq3A_417 = vector.broadcast %broadcast_in_dim3A_416 : vector<256x1xi32> to vector<256x256xi32>
    %eq3A_418 = arith.cmpi eq, %iota3A, %eq3A_417 : vector<256x256xi32>
    %jit3A_419 = arith.constant 0.000000e+00 : f32
    %broadcast_in_dim3A_420 = vector.broadcast %jit3A_419 : f32 to vector<256x256xf32>
    %select_n3A_421 = arith.select %eq3A_418, %div3A_7, %broadcast_in_dim3A_420 : vector<256x256xi1>, vector<256x256xf32>
    %reduce_sum3A_422 = arith.constant dense<0.000000e+00> : vector<256xf32>
    %reduce_sum3A_423 = vector.multi_reduction <add>, %select_n3A_421, %reduce_sum3A_422 [1] : vector<256x256xf32> to vector<256xf32>
    %broadcast_in_dim3A_424 = vector.shape_cast %reduce_sum3A_423 : vector<256xf32> to vector<256x1xf32>
    %jit3A_425 = arith.constant 0xFF800000 : f32
    %broadcast_in_dim3A_426 = vector.broadcast %jit3A_425 : f32 to vector<256x256xf32>
    %select_n3A_427 = arith.select %eq3A_418, %broadcast_in_dim3A_426, %select_n3A_405 : vector<256x256xi1>, vector<256x256xf32>
    %reduce_max3A_428 = arith.constant dense<0xFF800000> : vector<256xf32>
    %reduce_max3A_429 = vector.multi_reduction <maximumf>, %select_n3A_427, %reduce_max3A_428 [1] : vector<256x256xf32> to vector<256xf32>
    %broadcast_in_dim3A_430 = vector.shape_cast %reduce_max3A_429 : vector<256xf32> to vector<256x1xf32>
    %eq3A_431 = vector.broadcast %broadcast_in_dim3A_430 : vector<256x1xf32> to vector<256x256xf32>
    %eq3A_432 = arith.cmpf oeq, %select_n3A_427, %eq3A_431 : vector<256x256xf32>
    %jit3A_433 = arith.constant 256 : i32
    %broadcast_in_dim3A_434 = vector.broadcast %jit3A_433 : i32 to vector<256x256xi32>
    %select_n3A_435 = arith.select %eq3A_432, %iota3A, %broadcast_in_dim3A_434 : vector<256x256xi1>, vector<256x256xi32>
    %reduce_min3A_436 = arith.constant dense<2147483647> : vector<256xi32>
    %reduce_min3A_437 = vector.multi_reduction <minsi>, %select_n3A_435, %reduce_min3A_436 [1] : vector<256x256xi32> to vector<256xi32>
    %broadcast_in_dim3A_438 = vector.shape_cast %reduce_min3A_437 : vector<256xi32> to vector<256x1xi32>
    %eq3A_439 = vector.broadcast %broadcast_in_dim3A_438 : vector<256x1xi32> to vector<256x256xi32>
    %eq3A_440 = arith.cmpi eq, %iota3A, %eq3A_439 : vector<256x256xi32>
    %jit3A_441 = arith.constant 0.000000e+00 : f32
    %broadcast_in_dim3A_442 = vector.broadcast %jit3A_441 : f32 to vector<256x256xf32>
    %select_n3A_443 = arith.select %eq3A_440, %div3A_7, %broadcast_in_dim3A_442 : vector<256x256xi1>, vector<256x256xf32>
    %reduce_sum3A_444 = arith.constant dense<0.000000e+00> : vector<256xf32>
    %reduce_sum3A_445 = vector.multi_reduction <add>, %select_n3A_443, %reduce_sum3A_444 [1] : vector<256x256xf32> to vector<256xf32>
    %broadcast_in_dim3A_446 = vector.shape_cast %reduce_sum3A_445 : vector<256xf32> to vector<256x1xf32>
    %jit3A_447 = arith.constant 0xFF800000 : f32
    %broadcast_in_dim3A_448 = vector.broadcast %jit3A_447 : f32 to vector<256x256xf32>
    %select_n3A_449 = arith.select %eq3A_440, %broadcast_in_dim3A_448, %select_n3A_427 : vector<256x256xi1>, vector<256x256xf32>
    %reduce_max3A_450 = arith.constant dense<0xFF800000> : vector<256xf32>
    %reduce_max3A_451 = vector.multi_reduction <maximumf>, %select_n3A_449, %reduce_max3A_450 [1] : vector<256x256xf32> to vector<256xf32>
    %broadcast_in_dim3A_452 = vector.shape_cast %reduce_max3A_451 : vector<256xf32> to vector<256x1xf32>
    %eq3A_453 = vector.broadcast %broadcast_in_dim3A_452 : vector<256x1xf32> to vector<256x256xf32>
    %eq3A_454 = arith.cmpf oeq, %select_n3A_449, %eq3A_453 : vector<256x256xf32>
    %jit3A_455 = arith.constant 256 : i32
    %broadcast_in_dim3A_456 = vector.broadcast %jit3A_455 : i32 to vector<256x256xi32>
    %select_n3A_457 = arith.select %eq3A_454, %iota3A, %broadcast_in_dim3A_456 : vector<256x256xi1>, vector<256x256xi32>
    %reduce_min3A_458 = arith.constant dense<2147483647> : vector<256xi32>
    %reduce_min3A_459 = vector.multi_reduction <minsi>, %select_n3A_457, %reduce_min3A_458 [1] : vector<256x256xi32> to vector<256xi32>
    %broadcast_in_dim3A_460 = vector.shape_cast %reduce_min3A_459 : vector<256xi32> to vector<256x1xi32>
    %eq3A_461 = vector.broadcast %broadcast_in_dim3A_460 : vector<256x1xi32> to vector<256x256xi32>
    %eq3A_462 = arith.cmpi eq, %iota3A, %eq3A_461 : vector<256x256xi32>
    %jit3A_463 = arith.constant 0.000000e+00 : f32
    %broadcast_in_dim3A_464 = vector.broadcast %jit3A_463 : f32 to vector<256x256xf32>
    %select_n3A_465 = arith.select %eq3A_462, %div3A_7, %broadcast_in_dim3A_464 : vector<256x256xi1>, vector<256x256xf32>
    %reduce_sum3A_466 = arith.constant dense<0.000000e+00> : vector<256xf32>
    %reduce_sum3A_467 = vector.multi_reduction <add>, %select_n3A_465, %reduce_sum3A_466 [1] : vector<256x256xf32> to vector<256xf32>
    %broadcast_in_dim3A_468 = vector.shape_cast %reduce_sum3A_467 : vector<256xf32> to vector<256x1xf32>
    %concatenate3A_469 = tpu.concatenate %broadcast_in_dim3A_306, %broadcast_in_dim3A_328, %broadcast_in_dim3A_350, %broadcast_in_dim3A_372, %broadcast_in_dim3A_394, %broadcast_in_dim3A_416, %broadcast_in_dim3A_438, %broadcast_in_dim3A_460 in 1 : vector<256x1xi32>, vector<256x1xi32>, vector<256x1xi32>, vector<256x1xi32>, vector<256x1xi32>, vector<256x1xi32>, vector<256x1xi32>, vector<256x1xi32> -> vector<256x8xi32>
    %concatenate3A_470 = tpu.concatenate %broadcast_in_dim3A_314, %broadcast_in_dim3A_336, %broadcast_in_dim3A_358, %broadcast_in_dim3A_380, %broadcast_in_dim3A_402, %broadcast_in_dim3A_424, %broadcast_in_dim3A_446, %broadcast_in_dim3A_468 in 1 : vector<256x1xf32>, vector<256x1xf32>, vector<256x1xf32>, vector<256x1xf32>, vector<256x1xf32>, vector<256x1xf32>, vector<256x1xf32>, vector<256x1xf32> -> vector<256x8xf32>
    %reduce_sum3A_471 = arith.constant dense<0.000000e+00> : vector<256xf32>
    %reduce_sum3A_472 = vector.multi_reduction <add>, %concatenate3A_470, %reduce_sum3A_471 [1] : vector<256x8xf32> to vector<256xf32>
    %broadcast_in_dim3A_473 = vector.shape_cast %reduce_sum3A_472 : vector<256xf32> to vector<256x1xf32>
    %add3A_474 = arith.constant 9.99999968E-21 : f32
    %add3A_475 = vector.broadcast %add3A_474 : f32 to vector<256x1xf32>
    %add3A_476 = arith.addf %broadcast_in_dim3A_473, %add3A_475 : vector<256x1xf32>
    %div3A_477 = vector.broadcast %add3A_476 : vector<256x1xf32> to vector<256x8xf32>
    %div3A_478 = arith.divf %concatenate3A_470, %div3A_477 : vector<256x8xf32>
    %mul3A = arith.constant 2.500000e+00 : f32
    %mul3A_479 = vector.broadcast %mul3A : f32 to vector<256x8xf32>
    %mul3A_480 = arith.mulf %div3A_478, %mul3A_479 : vector<256x8xf32>
    %swap3A = arith.constant 0 : index
    %swap3A_481 = arith.constant 0 : index
    %swap3A_482 = vector.load %arg3[%swap3A, %swap3A_481] : memref<256x8xi32, #tpu.memory_space<vmem>>, vector<256x8xi32>
    tpu.vector_store %arg3[%swap3A, %swap3A_481], %concatenate3A_469 {strides = array<i32>} : memref<256x8xi32, #tpu.memory_space<vmem>>, vector<256x8xi32>,
    %swap3A_483 = arith.constant 0 : index
    %swap3A_484 = arith.constant 0 : index
    %swap3A_485 = vector.load %arg4[%swap3A_483, %swap3A_484] : memref<256x8xf32, #tpu.memory_space<vmem>>, vector<256x8xf32>
    tpu.vector_store %arg4[%swap3A_483, %swap3A_484], %mul3A_480 {strides = array<i32>} : memref<256x8xf32, #tpu.memory_space<vmem>>, vector<256x8xf32>,
    return
  }
  func.func @transform_0(%arg0: i32) -> (i32, i32) {
    %add3A = arith.constant 22 : i32
    %add3A_0 = arith.addi %arg0, %add3A : i32
    %c0_i32 = arith.constant 0 : i32
    %c0_i32_1 = arith.constant 0 : i32
    return %add3A_0, %c0_i32 : i32, i32
  }
  func.func @transform_1(%arg0: i32) -> (i32, i32) {
    %c0_i32 = arith.constant 0 : i32
    %c0_i32_0 = arith.constant 0 : i32
    %c0_i32_1 = arith.constant 0 : i32
    return %c0_i32, %c0_i32_0 : i32, i32
  }
  func.func @transform_2(%arg0: i32) -> (i32, i32) {
    %c0_i32 = arith.constant 0 : i32
    %c0_i32_0 = arith.constant 0 : i32
    return %arg0, %c0_i32 : i32, i32
  }
  func.func @transform_3(%arg0: i32) -> (i32, i32) {
    %c0_i32 = arith.constant 0 : i32
    %c0_i32_0 = arith.constant 0 : i32
    return %arg0, %c0_i32 : i32, i32
  }
}

</mosaic_0001>

<sc_bundles>
// kernel: kernel.4.cloned.1.call-start
scs
__scs_entry_jumppad:
0x0: {  	(pc) =	sbr.rel $0x88, $3  }
0x1: {  	(tag) =	ssettag $0x0;
	lr =	simm.s32 $0x1  }
0x2: {  	[smem:$0x3F9F] =	sst lr;
	_ =	strace $0xD0000000  }
0x3: {  	_ = 	snop  }
0x4: {  	_ = 	snop  }
0x5: {  	_ = 	snop  }
0x6: {  	_ = 	snop  }
0x7: {  	_ = 	snop  }
__scs_overlays_trampoline_lowered:
0x8: {  	[smem:$0x3FAE] =	sst s0  }
0x9: {  	[smem:$0x3FAF] =	sst s1  }
0xa: {  	[smem:$0x3FB0] =	sst s2  }
0xb: {  	[smem:$0x3FB1] =	sst s3  }
0xc: {  	[smem:$0x3FB2] =	sst s4  }
0xd: {  	[smem:$0x3FB3] =	sst s5  }
0xe: {  	[smem:$0x3FB4] =	sst s6  }
0xf: {  	[smem:$0x3FB5] =	sst s7  }
0x10: {  	[smem:$0x3FB6] =	sst s8  }
0x11: {  	[smem:$0x3FB7] =	sst s9;
	s0 =	simm.s32 @!p0 $0x0  }
0x12: {  	s1 =	sld [smem:$0x3F9D];
	s0 =	simm.s32 @p0 $0x1  }
0x13: {  	[smem:$0x3FB8] =	sst s0;
	s0 =	simm.s32 @!p1 $0x0  }
0x14: {  	s2 =	sld [smem:$0x3F9C];
	s0 =	simm.s32 @p1 $0x1  }
0x15: {  	[smem:$0x3FB9] =	sst s0;
	s0 =	simm.s32 @!p2 $0x0  }
0x16: {  	s3 =	sld [smem:$0x3FDB];
	s0 =	simm.s32 @p2 $0x1  }
0x17: {  	s4 =	simm.s32 $0x1BF5;
	[smem:$0x3FBB] =	sst s0  }
0x18: {  	s0 =	sld [smem:$0x3F9E];
	_ =	swait.ge [sflag:s4], $0x0  }
0x19: {  	s7 =	sld [smem:$0x3F9F]  }
0x1a: {  	s8 =	sadd.s32 $0xFFFFE003, lr  }
0x1b: {  	s9 =	sadd.s32 $0xFFFFFEF7, lr;
	s5 =	simm.s32 $0xFFFFFFFF;
	p2 =	slt.u32 s8, $0xFFFFF086  }
0x1c: {  	p1 =	slt.u32 s9, $0xF7A;
	s5 =	simm.s32 @!p2 $0x0  }
0x1d: {  	s5 =	simm.s32 @p1 $0x1;
	p0 =	seq.s32 s7, s2  }
0x1e: {  	s7 =	smul.u32 @!p0 $0xF7A, s2;
	p2 =	seq.s32 @!p0 s5, $0x0  }
0x1f: {  	s9 =	smul.u32 $0xF7A, s1;
	s8 =	simm.s32 @!p0 $0x1BF5;
	p2 =	por !p2, p0  }
0x20: {  	[sflag:s8] =	ssyncset.s32 @!p0 $0xFFFFF086;
	s6 =	sadd.s32 @!p0 s3, s7;
	s7 =	simm.s32 @!p0 $0x108  }
0x21: {  	s3 =	sadd.s32 s3, s9;
	s6 =	sadd.s32 @!p0 $0x88, s6;
	s7 =	simm.s32 @p2 $0x1082  }
0x22: {  	[simem:s7], [sflag:s8] =	dma.local @!p0 [hbm:s6], $0xF7A  }
0x23: {  	s9 =	sor.u32 $0xD0000000, s2;
	s6 =	simm.s32 $0x108;
	_ =	swait.ge @!p0 [sflag:s8], $0x0  }
0x24: {  	s3 =	sadd.s32 $0x88, s3;
	s6 =	simm.s32 @!p1 $0x1082;
	[sflag:s4] =	ssyncset.s32 $0xFFFFF086  }
0x25: {  	[simem:s6], [sflag:s4] =	dma.local [hbm:s3], $0xF7A  }
0x26: {  	[smem:$0x3F9F] =	sst s1;
	(tag) =	ssettag s2;
	_ =	strace s9  }
0x27: {  	s1 =	sld [smem:$0x3FAF]  }
0x28: {  	s2 =	sld [smem:$0x3FB0]  }
0x29: {  	s4 =	sld [smem:$0x3FB2]  }
0x2a: {  	p0 =	seq.s32 s5, $0x0;
	s5 =	sld [smem:$0x3FB3]  }
0x2b: {  	s6 =	sld [smem:$0x3FB4]  }
0x2c: {  	s7 =	sld [smem:$0x3FB5]  }
0x2d: {  	s3 =	simm.s32 $0x108;
	s8 =	sld [smem:$0x3FB6]  }
0x2e: {  	s3 =	simm.s32 @!p0 $0x1082;
	s9 =	sld [smem:$0x3FB7]  }
0x2f: {  	lr =	sadd.s32 s0, s3;
	s0 =	sld [smem:$0x3FAE]  }
0x30: {  	s3 =	sld [smem:$0x3FB1]  }
0x31: {  	[smem:$0x3FBA] =	sst s10  }
0x32: {  	s10 =	sld [smem:$0x3FB8];
	_ =	sdelay $0x3  }
0x33: {  	p0 =	seq.s32 s10, $0x1;
	s10 =	sld [smem:$0x3FBA];
	_ =	sdelay $0x3  }
0x34: {  	[smem:$0x3FBA] =	sst s10  }
0x35: {  	s10 =	sld [smem:$0x3FB9];
	_ =	sdelay $0x3  }
0x36: {  	p1 =	seq.s32 s10, $0x1;
	s10 =	sld [smem:$0x3FBA];
	_ =	sdelay $0x3  }
0x37: {  	[smem:$0x3FBA] =	sst s10  }
0x38: {  	s10 =	sld [smem:$0x3FBB]  }
0x39: {  	_ = 	snop;
	(pc) =	sbr.ind lr, $3  }
0x3a: {  	_ = 	snop  }
0x3b: {  	_ = 	snop  }
0x3c: {  	p2 =	seq.s32 s10, $0x1;
	s10 =	sld [smem:$0x3FBA]  }
0x3d: {  	_ =	shalt  }
0x3e: {  	_ =	shalt  }
0x3f: {  	_ =	shalt  }
0x40: {  	_ =	shalt  }
0x41: {  	_ =	shalt  }
0x42: {  	_ =	shalt  }
0x43: {  	_ =	shalt  }
0x44: {  	_ =	shalt  }
0x45: {  	_ =	shalt  }
0x46: {  	_ =	shalt  }
0x47: {  	_ =	shalt  }
0x48: {  	_ =	shalt  }
0x49: {  	_ =	shalt  }
0x4a: {  	_ =	shalt  }
0x4b: {  	_ =	shalt  }
0x4c: {  	_ =	shalt  }
0x4d: {  	_ =	shalt  }
0x4e: {  	_ =	shalt  }
0x4f: {  	_ =	shalt  }
0x50: {  	_ =	shalt  }
0x51: {  	_ =	shalt  }
0x52: {  	_ =	shalt  }
0x53: {  	_ =	shalt  }
0x54: {  	_ =	shalt  }
0x55: {  	_ =	shalt  }
0x56: {  	_ =	shalt  }
0x57: {  	_ =	shalt  }
0x58: {  	_ =	shalt  }
0x59: {  	_ =	shalt  }
0x5a: {  	_ =	shalt  }
0x5b: {  	_ =	shalt  }
0x5c: {  	_ =	shalt  }
0x5d: {  	_ =	shalt  }
0x5e: {  	_ =	shalt  }
0x5f: {  	_ =	shalt  }
0x60: {  	_ =	shalt  }
0x61: {  	_ =	shalt  }
0x62: {  	_ =	shalt  }
0x63: {  	_ =	shalt  }
0x64: {  	_ =	shalt  }
0x65: {  	_ =	shalt  }
0x66: {  	_ =	shalt  }
0x67: {  	_ =	shalt  }
0x68: {  	_ =	shalt  }
0x69: {  	_ =	shalt  }
0x6a: {  	_ =	shalt  }
0x6b: {  	_ =	shalt  }
0x6c: {  	_ =	shalt  }
0x6d: {  	_ =	shalt  }
0x6e: {  	_ =	shalt  }
0x6f: {  	_ =	shalt  }
0x70: {  	_ =	shalt  }
0x71: {  	_ =	shalt  }
0x72: {  	_ =	shalt  }
0x73: {  	_ =	shalt  }
0x74: {  	_ =	shalt  }
0x75: {  	_ =	shalt  }
0x76: {  	_ =	shalt  }
0x77: {  	_ =	shalt  }
0x78: {  	_ =	shalt  }
0x79: {  	_ =	shalt  }
0x7a: {  	_ =	shalt  }
0x7b: {  	_ =	shalt  }
0x7c: {  	_ =	shalt  }
0x7d: {  	_ =	shalt  }
0x7e: {  	_ =	shalt  }
0x7f: {  	_ =	shalt  }
0x80: {  	_ =	shalt  }
0x81: {  	_ =	shalt  }
0x82: {  	_ =	shalt  }
0x83: {  	_ =	shalt  }
0x84: {  	_ =	shalt  }
0x85: {  	_ =	shalt  }
0x86: {  	_ =	shalt  }
0x87: {  	_ =	shalt  }
.Lfunc_end0:
.L_simem_size_0:
called_computation_lowered:
.L_overlay_start_0:
0x88: {  	s2 =	sld [smem:$0x3FD9]  }
0x89: {  	s3 =	sld [smem:$0x3FFE];
	_ =	sdelay $0x1  }
0x8a: {  	s1 =	srdreg.scid  }
0x8b: {  	s0 =	sand.u32 $0x1, s1  }
0x8c: {  	s17 =	sshll.u32 s0, $0xA;
	s2 =	sadd.s32 s3, s2  }
0x8d: {  	s2 =	sadd.s32 s2, s17  }
0x8e: {  	[smem:$0x3FC6] =	sst s2  }
0x8f: {  	_ = 	snop  }
0x90: {  	s2 =	sld [smem:$0x3FC9];
	(tm) =	ssettm $0x1  }
0x91: {  	s18 =	sld [smem:$0x3FFB];
	_ =	sdelay $0x3  }
0x92: {  	_ =	strace s18  }
0x93: {  	s3 =	sld [smem:$0x3FFC];
	_ =	sdelay $0x3  }
0x94: {  	_ =	strace s3  }
0x95: {  	s3 =	sld [smem:$0x3FFD];
	_ =	sdelay $0x3  }
0x96: {  	_ =	strace s3  }
0x97: {  	_ =	strace $0x8FFFFFFF  }
0x98: {  	s19 =	sld [smem:$0x3FDB];
	_ =	sdelay $0x1  }
0x99: {  	s4 =	simm.s32 $_scs_section_size  }
0x9a: {  	s5 =	simm.s32 $_size__tile_overlayer_lowered;
	s6 =	simm.s32 $_tile_overlayer_lowered  }
0x9b: {  	s22 =	simm.s32 $0x1BFF;
	s21 =	sshll.u32 s6, $0x1;
	s3 =	sadd.s32 s4, s19  }
0x9c: {  	s7 =	simm.s32 $0x0;
	s20 =	sshll.u32 s5, $0x1;
	s5 =	sadd.s32 s21, s3  }
0x9d: {  	[timem:s7], [sflag:s22] =	dma.local [hbm:s5], s20  }
0x9e: {  	_ =	swait.ge [sflag:s22], s20  }
0x9f: {  	s4 =	ssub.s32 $0x0, s20;
	[sflag:s22] =	ssyncset.done $0x0  }
0xa0: {  	[sflag:s22] =	ssyncadd.s32 s4;
	_ =	sdelay $0x1  }
0xa1: {  	s23 =	simm.s32 $0x1B8B  }
0xa2: {  	_ =	swait.ge [sflag:s23], $0x1  }
0xa3: {  	[sflag:s23] =	ssyncset.done $0x0  }
0xa4: {  	s25 =	simm.s32 $0x1B8E;
	s24 =	sld [smem:$0x3FFE];
	[sflag:s23] =	ssyncadd.s32 $0xFFFFFFFF  }
0xa5: {  	s26 =	simm.s32 $execute0_lowered;
	[smem:$0x3FD2] =	sst s25  }
0xa6: {  	s5 =	sshll.u32 s26, $0x1;
	_ =	strace $0x80000046;
	[dreg:$0x1] =	wrdreg $0xFFFFFFFF  }
0xa7: {  	s28 =	simm.s32 $_size_execute0_lowered;
	s3 =	sadd.s32 s3, s5;
	[dreg:$0x0] =	wrdreg $0x0  }
0xa8: {  	s5 =	sshll.u32 s28, $0x1;
	[dreg:$0x2] =	wrdreg s3  }
0xa9: {  	[dreg:$0x3] =	wrdreg s5  }
0xaa: {  	[dreg:$0x4] =	wrdreg $0xC0  }
0xab: {  	_ =	task [dreg:s7], $0x5FFFF  }
0xac: {  	[dreg:$0x1] =	wrdreg $0xFFFFFFFF  }
0xad: {  	[dreg:$0x0] =	wrdreg $0x60  }
0xae: {  	[dreg:$0x2] =	wrdreg s2  }
0xaf: {  	[dreg:$0x3] =	wrdreg s24  }
0xb0: {  	[dreg:$0x4] =	wrdreg $0x9  }
0xb1: {  	_ =	task.clear_ibuf [dreg:s7], $0x5FFFF;
	_ =	strace $0x90000046  }
0xb2: {  	s29 =	simm.s32 $0x9;
	_ =	strace $0x80000048  }
0xb3: {  	_ =	swait.ge [sflag:s29], $0x1  }
0xb4: {  	[sflag:s29] =	ssyncadd.s32 $0xFFFFFFFF  }
0xb5: {  	_ =	strace $0x90000048  }
0xb6: {  	_ =	sfence  }
0xb7: {  	s30 =	sld [smem:$0x0];
	_ =	sdelay $0x2  }
0xb8: {  	s31 =	sshll.u32 s1, $0xD;
	s1 =	sshrl.u32 s1, $0x2  }
0xb9: {  	s3 =	sand.u32 $0x4000, s31;
	s1 =	sadd.s32 s1, s30  }
0xba: {  	s0 =	sor.u32 s3, s0;
	s1 =	sshll.u32 s1, $0x11  }
0xbb: {  	s0 =	sor.u32 s1, s0  }
0xbc: {  	s0 =	sadd.s32 $0x8F2B, s0  }
0xbd: {  	[sflag:s0] =	ssyncadd.remote.s32 $0x1  }
0xbe: {  	_ =	sfence.sel $0xFFFF  }
0xbf: {  	[dreg:$0x0] =	wrdreg $0xFFFFFFFF;
	(pc) =	sbr.abs _section_cstart, $3  }
0xc0: {  	[dreg:$0x1] =	wrdreg $0xFFFFFFFF  }
0xc1: {  	_ =	task.clear_ibuf [dreg:s7], $0x2FFFF;
	_ =	strace $0x9FFFFFFF  }
0xc2: {  	(tm) =	ssettm $0x7FFFFFFF  }
0xc3: {  	_ =	shalt  }
tec
execute0_lowered:
.L_overlay_start_1:
0x0: {  	(tag) =	ssettag $0x1  }
0x1: {  	s1 =	srdreg.scid;
	s3 =	rddreg [dreg:$0x0]  }
0x2: {  	s0 =	stileid.u32;
	s5 =	rddreg [dreg:$0x1]  }
0x3: {  	s2 =	simm.s32 $0x0;
	s4 =	sand.u32 $0x1, s1;
	s30 =	sshll.u32 s0, $0x1  }
0x4: {  	s8 =	simm.s32 $0xB000;
	s9 =	simm.s32 $0x10800;
	s6 =	sor.u32 s4, s30  }
0x5: {  	s10 =	simm.s32 $0x0;
	s1 =	rddreg [dreg:$0x2];
	s7 =	smul.u32 $0xB00, s6  }
0x6: {  	[smem:$0x7FF] =	sst s2;
	s4 =	ssub.s32 $0x2, s4;
	s6 =	smul.u32 $0x1600, s6  }
0x7: {  	v0 =	vlaneseq.u32;
	_ =	strace $0x80000047;
	s31 =	sshrl.u32 s4, $0x1;
	s5 =	sadd.s32 s7, s5  }
0x8: {  	v1 =	vand.u32 $0x7, v0;
	s7 =	ssub.s32 s4, s31;
	s3 =	sadd.s32 s3, s6;
	s4 =	sadd.s32 $0x1000, s5  }
0x9: {  	v2 =	vimm.f32 $0.0e+00;
	v1 =	vmul.u32 $0x80, v1;
	s5 =	sadd.s32 $0x17000, s5;
	s6 =	smax.u32 s7, $0x1;
	s7 =	simm.s32 $0x1  }
.LBB2_1:
0xa: {  	[tilespmem:s2], [sflag:$0x1] =	stream.linear.gather [hbm4b:s3+s2], $0xB000, $0x38;
	[tilespmem:$0x16000] =	vst v63  }
0xb: {  	_ =	swait.ge [sflag:s7], $0xB000  }
0xc: {  	[sflag:s7] =	ssyncset.done $0x0  }
0xd: {  	s11 =	simm.s32 $0x0;
	[sflag:s7] =	ssyncadd.s32 $0xFFFF5000  }
.LBB2_2:
0xe: {  	s12 =	sshll.u32 s11, $0x4  }
0xf: {  	v3 =	vor.u32 s12, v0  }
0x10: {  	v4 =	vshll.u32 v3, $0x8  }
0x11: {  	v5 =	vand.u32 $0xF800, v4  }
0x12: {  	s14 =	simm.s32 $0x0;
	v4 =	vor.u32 v1, v5  }
0x13: {  	s16 =	simm.s32 $0x1;
	v6 =	vor.u32 s14, v4  }
0x14: {  	s17 =	simm.s32 $0x2;
	v7 =	vor.u32 s16, v4  }
0x15: {  	s12 =	simm.s32 $0x3;
	v9 =	vor.u32 s17, v4  }
0x16: {  	s13 =	simm.s32 $0x4;
	v10 =	vor.u32 s12, v4  }
0x17: {  	s15 =	simm.s32 $0x5;
	v12 =	vor.u32 s13, v4  }
0x18: {  	s26 =	simm.s32 $0x6;
	v13 =	vor.u32 s15, v4;
	v14 =	vld.idx.msk [tilespmem:v6+s14+$0x0], $0xffff  }
0x19: {  	s28 =	simm.s32 $0x9;
	s18 =	simm.s32 $0xA;
	v15 =	vor.u32 s26, v4;
	v16 =	vld.idx.msk [tilespmem:v7+s14+$0x0], $0xffff  }
0x1a: {  	v8 =	vimm.f32 $-Inf;
	s30 =	simm.s32 $0xE;
	s15 =	simm.s32 $0x7;
	v19 =	vor.u32 s28, v4;
	s13 =	simm.s32 $0x8;
	v20 =	vor.u32 s18, v4;
	v18 =	vld.idx.msk [tilespmem:v9+s14+$0x0], $0xffff  }
0x1b: {  	s19 =	simm.s32 $0xB;
	s20 =	simm.s32 $0xC;
	s29 =	simm.s32 $0xD;
	v11 =	vor.u32 s30, v4;
	v17 =	vor.u32 s15, v4;
	v23 =	vor.u32 s13, v4;
	v21 =	vld.idx.msk [tilespmem:v10+s14+$0x0], $0xffff  }
0x1c: {  	s31 =	simm.s32 $0xF;
	v6 =	vor.u32 s19, v4;
	v9 =	vor.u32 s20, v4;
	v7 =	vor.u32 s29, v4;
	v22 =	vld.idx.msk [tilespmem:v12+s14+$0x0], $0xffff  }
0x1d: {  	v10 =	vor.u32 s31, v4;
	v24 =	vld.idx.msk [tilespmem:v13+s14+$0x0], $0xffff;
	v12 =	vmax.f32 v8, v14;
	v13 =	vmin.f32 v8, v14  }
0x1e: {  	v25 =	vld.idx.msk [tilespmem:v15+s14+$0x0], $0xffff;
	v13 =	vmax.f32 v8, v13;
	v14 =	vmax.f32 v12, v16;
	v12 =	vmin.f32 v12, v16  }
0x1f: {  	v13 =	vmax.f32 v13, v12;
	v15 =	vmax.f32 v14, v18;
	v14 =	vmin.f32 v14, v18  }
0x20: {  	v12 =	vld.idx.msk [tilespmem:v17+s14+$0x0], $0xffff;
	v13 =	vmax.f32 v13, v14;
	v16 =	vmax.f32 v15, v21;
	v15 =	vmin.f32 v15, v21  }
0x21: {  	v14 =	vld.idx.msk [tilespmem:v23+s14+$0x0], $0xffff;
	v15 =	vmax.f32 v13, v15;
	v17 =	vmax.f32 v16, v22;
	v16 =	vmin.f32 v16, v22  }
0x22: {  	v13 =	vld.idx.msk [tilespmem:v19+s14+$0x0], $0xffff;
	v16 =	vmax.f32 v15, v16;
	v18 =	vmax.f32 v17, v24;
	v17 =	vmin.f32 v17, v24  }
0x23: {  	s18 =	simm.s32 $0x10;
	v15 =	vld.idx.msk [tilespmem:v20+s14+$0x0], $0xffff;
	v17 =	vmax.f32 v16, v17;
	v16 =	vmax.f32 v18, v25;
	v18 =	vmin.f32 v18, v25  }
.LBB2_3:
0x24: {  	s19 =	sadd.s32 $0x1, s18  }
0x25: {  	s20 =	sadd.s32 $0x2, s18;
	s21 =	sadd.s32 $0x3, s18;
	v17 =	vmax.f32 v17, v18;
	v18 =	vmin.f32 v16, v12;
	s22 =	smov.u32 s18  }
0x26: {  	s23 =	sadd.s32 $0x6, s18;
	v19 =	vor.u32 s19, v4;
	v20 =	vor.u32 s20, v4;
	s19 =	sadd.s32 $0x4, s18;
	s20 =	sadd.s32 $0x5, s18;
	v21 =	vld.idx.msk [tilespmem:v6+s14+$0x0], $0xffff;
	v6 =	vor.u32 s21, v4  }
0x27: {  	p0 =	slt.u32 s18, $0x18;
	v23 =	vor.u32 s23, v4;
	s18 =	sadd.s32 $0x8, s18;
	v22 =	vor.u32 s20, v4;
	s20 =	sadd.s32 $0x7, s22;
	v24 =	vld.idx.msk [tilespmem:v9+s14+$0x0], $0xffff;
	v9 =	vor.u32 s19, v4  }
0x28: {  	v12 =	vmax.f32 v16, v12;
	v25 =	vor.u32 s22, v4;
	v26 =	vor.u32 s20, v4;
	v27 =	vld.idx.msk [tilespmem:v7+s14+$0x0], $0xffff;
	v7 =	vmovc v22  }
0x29: {  	v18 =	vmax.f32 v17, v18;
	v16 =	vmax.f32 v12, v14;
	v12 =	vmin.f32 v12, v14;
	v22 =	vld.idx.msk [tilespmem:v11+s14+$0x0], $0xffff  }
0x2a: {  	v17 =	vmax.f32 v18, v12;
	v14 =	vmax.f32 v16, v13;
	v13 =	vmin.f32 v16, v13;
	v12 =	vld.idx.msk [tilespmem:v10+s14+$0x0], $0xffff  }
.Ltmp0:
0x2b: {  	v17 =	vmax.f32 v17, v13;
	v13 =	vmax.f32 v14, v15;
	v14 =	vmin.f32 v14, v15;
	v11 =	vmovc v23;
	(pc) =	sbr.rel @p0 .LBB2_3-.Ltmp0, $4  }
0x2c: {  	v15 =	vmax.f32 v17, v14;
	v10 =	vmovc v26;
	v16 =	vmax.f32 v13, v21;
	v13 =	vmin.f32 v13, v21  }
0x2d: {  	v15 =	vmax.f32 v15, v13;
	v17 =	vmax.f32 v16, v24;
	v16 =	vmin.f32 v16, v24;
	v14 =	vld.idx.msk [tilespmem:v25+s14+$0x0], $0xffff  }
0x2e: {  	v16 =	vmax.f32 v15, v16;
	v18 =	vmax.f32 v17, v27;
	v17 =	vmin.f32 v17, v27;
	v13 =	vld.idx.msk [tilespmem:v19+s14+$0x0], $0xffff  }
0x2f: {  	v17 =	vmax.f32 v16, v17;
	v16 =	vmax.f32 v18, v22;
	v18 =	vmin.f32 v18, v22;
	v15 =	vld.idx.msk [tilespmem:v20+s14+$0x0], $0xffff  }
0x30: {  	_ =	sdelay $0x3  }
0x31: {  	v6 =	vld.idx.msk [tilespmem:v6+s14+$0x0], $0xffff  }
0x32: {  	v17 =	vmax.f32 v17, v18;
	v18 =	vmin.f32 v16, v12;
	v9 =	vld.idx.msk [tilespmem:v9+s14+$0x0], $0xffff;
	v12 =	vmax.f32 v16, v12  }
0x33: {  	v16 =	vmax.f32 v12, v14;
	v12 =	vmin.f32 v12, v14;
	v14 =	vmax.f32 v17, v18  }
0x34: {  	v7 =	vld.idx.msk [tilespmem:v7+s14+$0x0], $0xffff;
	v12 =	vmax.f32 v14, v12;
	v14 =	vmax.f32 v16, v13;
	v13 =	vmin.f32 v16, v13  }
0x35: {  	v11 =	vld.idx.msk [tilespmem:v11+s14+$0x0], $0xffff;
	v12 =	vmax.f32 v12, v13;
	v13 =	vmax.f32 v14, v15;
	v14 =	vmin.f32 v14, v15  }
0x36: {  	v10 =	vld.idx.msk [tilespmem:v10+s14+$0x0], $0xffff;
	v12 =	vmax.f32 v12, v14;
	v14 =	vmax.f32 v13, v6;
	v6 =	vmin.f32 v13, v6  }
0x37: {  	s30 =	simm.s32 $0x5;
	v6 =	vmax.f32 v12, v6;
	v12 =	vmax.f32 v14, v9;
	v9 =	vmin.f32 v14, v9  }
0x38: {  	v17 =	vmov s30;
	v6 =	vmax.f32 v6, v9  }
0x39: {  	v9 =	vmax.f32 v12, v7;
	v7 =	vmin.f32 v12, v7;
	v12 =	vmov s17  }
0x3a: {  	v6 =	vmax.f32 v6, v7;
	v7 =	vmin.f32 v9, v11;
	v9 =	vmax.f32 v9, v11  }
0x3b: {  	v6 =	vmax.f32 v6, v7;
	v7 =	vmov s16;
	v11 =	vmin.f32 v9, v10  }
0x3c: {  	v13 =	vadd.s32 $0x20, v7;
	v7 =	vmax.f32 v9, v10;
	v9 =	vadd.s32 $0x20, v12  }
0x3d: {  	s29 =	simm.s32 $0x4;
	v15 =	vmov s12;
	v10 =	vbroadcast v13, $0x0;
	v9 =	vbroadcast v9, $0x0  }
0x3e: {  	v6 =	vmax.f32 v6, v11;
	v11 =	vmov s14;
	v12 =	vmov s29  }
0x3f: {  	v11 =	vadd.s32 $0x20, v11;
	v13 =	vshll.u32 v10, $0x3;
	v14 =	vshll.u32 v9, $0x3  }
0x40: {  	v16 =	vbroadcast v11, $0x0;
	v13 =	vand.u32 $0x7FFFFC00, v13;
	v11 =	vand.u32 $0x7FFFFC00, v14  }
0x41: {  	v12 =	vadd.s32 $0x20, v12;
	v13 =	vadd.s32 v4, v13;
	v11 =	vadd.s32 v4, v11  }
0x42: {  	s31 =	simm.s32 $0x6;
	v10 =	vadd.s32 v10, v13;
	v9 =	vadd.s32 v9, v11;
	v11 =	vadd.s32 $0x20, v17  }
0x43: {  	v13 =	vadd.s32 $0x20, v15;
	v17 =	vmov s31;
	v15 =	vbroadcast v11, $0x0  }
0x44: {  	v18 =	vbroadcast v12, $0x0;
	v11 =	vbroadcast v13, $0x0;
	v13 =	vadd.s32 $0x20, v17  }
0x45: {  	v14 =	vmov s15;
	v13 =	vbroadcast v13, $0x0;
	v17 =	vshll.u32 v15, $0x3  }
0x46: {  	v19 =	vor.u32 v16, v4;
	v16 =	vshll.u32 v18, $0x3;
	v12 =	vand.u32 $0x7FFFFC00, v17  }
0x47: {  	v14 =	vadd.s32 $0x20, v14;
	v17 =	vshll.u32 v13, $0x3;
	v12 =	vadd.s32 v4, v12  }
0x48: {  	v12 =	vadd.s32 v15, v12;
	v15 =	vand.u32 $0x7FFFFC00, v16;
	v16 =	vand.u32 $0x7FFFFC00, v17  }
0x49: {  	s12 =	simm.s32 $0x0;
	v17 =	vadd.s32 v4, v16;
	v16 =	vbroadcast v14, $0x0;
	v14 =	vadd.s32 v4, v15  }
0x4a: {  	v10 =	vld.idx.msk [tilespmem:v10+s12+$0x0], $0xffff;
	v15 =	vshll.u32 v11, $0x3;
	v13 =	vadd.s32 v13, v17;
	v17 =	vadd.s32 v18, v14  }
0x4b: {  	s14 =	simm.s32 $0x0;
	v14 =	vld.idx.msk [tilespmem:v19+s12+$0x0], $0xffff;
	v19 =	vand.u32 $0x7FFFFC00, v15;
	v15 =	vimm.f32 $-Inf;
	v18 =	vshll.u32 v16, $0x3  }
.LBB2_5:
0x4c: {  	s15 =	sadd.s32 $0x1, s13  }
0x4d: {  	v20 =	vmov s13;
	s16 =	sadd.s32 $0x2, s13;
	s17 =	sadd.s32 $0x3, s13;
	v19 =	vadd.s32 v4, v19;
	v18 =	vand.u32 $0x7FFFFC00, v18;
	s18 =	smov.u32 s13  }
0x4e: {  	p0 =	slt.u32 s13, $0x18;
	s13 =	sadd.s32 $0x8, s13;
	v21 =	vmov s15;
	v22 =	vmov s16;
	s15 =	sadd.s32 $0x4, s18;
	v11 =	vadd.s32 v11, v19  }
0x4f: {  	v18 =	vadd.s32 v4, v18;
	v19 =	vadd.s32 $0x20, v21;
	v21 =	vadd.s32 $0x20, v22  }
0x50: {  	v16 =	vadd.s32 v16, v18;
	v19 =	vbroadcast v19, $0x0;
	v21 =	vbroadcast v21, $0x0;
	v17 =	vld.idx.msk [tilespmem:v17+s14+$0x0], $0xffff  }
0x51: {  	v18 =	vadd.s32 $0x20, v20;
	v20 =	vmov s15;
	s15 =	sadd.s32 $0x7, s18;
	v22 =	vmin.f32 v8, v14;
	v23 =	vld.idx.msk [tilespmem:v12+s14+$0x0], $0xffff  }
0x52: {  	v25 =	vmov s17;
	v12 =	vshll.u32 v19, $0x3;
	v24 =	vshll.u32 v21, $0x3  }
0x53: {  	v18 =	vbroadcast v18, $0x0;
	v12 =	vand.u32 $0x7FFFFC00, v12;
	v24 =	vand.u32 $0x7FFFFC00, v24;
	v26 =	vld.idx.msk [tilespmem:v9+s14+$0x0], $0xffff  }
0x54: {  	v9 =	vadd.s32 v4, v12;
	v12 =	vadd.s32 v4, v24;
	v24 =	vmov s15  }
0x55: {  	s15 =	sadd.s32 $0x5, s18;
	v19 =	vadd.s32 v19, v9;
	v9 =	vadd.s32 v21, v12;
	v12 =	vadd.s32 $0x20, v25  }
0x56: {  	v20 =	vadd.s32 $0x20, v20;
	v15 =	vmax.f32 v15, v22;
	v21 =	vmov s15;
	v22 =	vld.idx.msk [tilespmem:v11+s14+$0x0], $0xffff  }
0x57: {  	v8 =	vmax.f32 v8, v14;
	s15 =	sadd.s32 $0x6, s18;
	v11 =	vbroadcast v12, $0x0;
	v12 =	vadd.s32 $0x20, v21;
	v13 =	vld.idx.msk [tilespmem:v13+s14+$0x0], $0xffff  }
0x58: {  	v14 =	vmov s15;
	v21 =	vmax.f32 v8, v10;
	v12 =	vbroadcast v12, $0x0  }
0x59: {  	v8 =	vmin.f32 v8, v10;
	v14 =	vadd.s32 $0x20, v14;
	v25 =	vmax.f32 v21, v26;
	v27 =	vld.idx.msk [tilespmem:v16+s14+$0x0], $0xffff;
	s14 =	smov.u32 s12  }
0x5a: {  	v8 =	vmax.f32 v15, v8;
	v14 =	vbroadcast v14, $0x0;
	v16 =	vshll.u32 v12, $0x3;
	v10 =	vld.idx.msk [tilespmem:v19+s14+$0x0], $0xffff  }
0x5b: {  	v15 =	vand.u32 $0x7FFFFC00, v16;
	v16 =	vadd.s32 $0x20, v24;
	v19 =	vmin.f32 v21, v26  }
0x5c: {  	v15 =	vadd.s32 v4, v15;
	v21 =	vmax.f32 v25, v22;
	v22 =	vmin.f32 v25, v22  }
0x5d: {  	v8 =	vmax.f32 v8, v19;
	v12 =	vadd.s32 v12, v15;
	v15 =	vmax.f32 v21, v17  }
0x5e: {  	v17 =	vmin.f32 v21, v17;
	v19 =	vmax.f32 v15, v23;
	v15 =	vmin.f32 v15, v23  }
0x5f: {  	v20 =	vbroadcast v20, $0x0;
	v8 =	vmax.f32 v8, v22;
	v21 =	vmax.f32 v19, v13  }
0x60: {  	v18 =	vor.u32 v18, v4;
	v8 =	vmax.f32 v8, v17;
	v13 =	vmin.f32 v19, v13  }
0x61: {  	v17 =	vshll.u32 v20, $0x3;
	v19 =	vshll.u32 v14, $0x3;
	v8 =	vmax.f32 v8, v15  }
.Ltmp1:
0x62: {  	v15 =	vand.u32 $0x7FFFFC00, v17;
	v17 =	vand.u32 $0x7FFFFC00, v19;
	v8 =	vmax.f32 v8, v13;
	(pc) =	sbr.rel @p0 .LBB2_5-.Ltmp1, $4  }
0x63: {  	v16 =	vbroadcast v16, $0x0;
	v13 =	vadd.s32 v4, v17;
	v17 =	vmin.f32 v21, v27  }
0x64: {  	v19 =	vadd.s32 v4, v15;
	v13 =	vadd.s32 v14, v13;
	v15 =	vmax.f32 v8, v17  }
0x65: {  	v8 =	vshll.u32 v11, $0x3;
	v17 =	vadd.s32 v20, v19;
	v14 =	vld.idx.msk [tilespmem:v18+s14+$0x0], $0xffff;
	v18 =	vshll.u32 v16, $0x3  }
0x66: {  	v19 =	vand.u32 $0x7FFFFC00, v8;
	v8 =	vmax.f32 v21, v27  }
0x67: {  	_ = 	snop  }
0x68: {  	v19 =	vadd.s32 v4, v19  }
0x69: {  	v11 =	vadd.s32 v11, v19;
	_ =	sdelay $0x1  }
0x6a: {  	v18 =	vand.u32 $0x7FFFFC00, v18;
	v9 =	vld.idx.msk [tilespmem:v9+s14+$0x0], $0xffff  }
0x6b: {  	v18 =	vadd.s32 v4, v18  }
0x6c: {  	v16 =	vadd.s32 v16, v18  }
0x6d: {  	v18 =	vmin.f32 v8, v14;
	v8 =	vmax.f32 v8, v14;
	v11 =	vld.idx.msk [tilespmem:v11+s14+$0x0], $0xffff  }
0x6e: {  	v17 =	vld.idx.msk [tilespmem:v17+s14+$0x0], $0xffff;
	v14 =	vmax.f32 v15, v18;
	v15 =	vmax.f32 v8, v10  }
0x6f: {  	v12 =	vld.idx.msk [tilespmem:v12+s14+$0x0], $0xffff;
	v8 =	vmin.f32 v8, v10;
	v10 =	vmax.f32 v15, v9  }
0x70: {  	v13 =	vld.idx.msk [tilespmem:v13+s14+$0x0], $0xffff;
	s28 =	simm.s32 $0x5;
	v8 =	vmax.f32 v14, v8;
	v9 =	vmin.f32 v15, v9;
	v15 =	vmov s12  }
0x71: {  	v18 =	vmov s28;
	v8 =	vmax.f32 v8, v9;
	v24 =	vadd.s32 $0x40, v15;
	v16 =	vld.idx.msk [tilespmem:v16+s14+$0x0], $0xffff  }
0x72: {  	v24 =	vbroadcast v24, $0x0;
	v14 =	vmax.f32 v10, v11;
	v10 =	vmin.f32 v10, v11  }
0x73: {  	v9 =	vmax.f32 v14, v17;
	v11 =	vmin.f32 v14, v17;
	v8 =	vmax.f32 v8, v10  }
0x74: {  	v10 =	vmax.f32 v9, v12;
	v9 =	vmin.f32 v9, v12;
	v8 =	vmax.f32 v8, v11  }
0x75: {  	s13 =	simm.s32 $0x1;
	v11 =	vmax.f32 v10, v13;
	v10 =	vmin.f32 v10, v13;
	v8 =	vmax.f32 v8, v9  }
0x76: {  	v8 =	vmax.f32 v8, v10;
	v9 =	vmin.f32 v11, v16;
	v10 =	vmov s13  }
0x77: {  	v8 =	vmax.f32 v8, v9;
	v9 =	vmax.f32 v11, v16;
	v11 =	vadd.s32 $0x40, v10  }
0x78: {  	s30 =	simm.s32 $0x3;
	v14 =	vadd.s32 $0x40, v18;
	v11 =	vbroadcast v11, $0x0  }
0x79: {  	s15 =	simm.s32 $0x7;
	v32 =	vor.u32 v24, v4;
	v17 =	vmov s30;
	v21 =	vbroadcast v14, $0x0  }
0x7a: {  	s29 =	simm.s32 $0x6;
	v14 =	vmov s15;
	v26 =	vadd.s32 $0x40, v17;
	v19 =	vshll.u32 v11, $0x3  }
0x7b: {  	s26 =	simm.s32 $0x2;
	s31 =	simm.s32 $0x4;
	v13 =	vmov s29;
	v23 =	vshll.u32 v21, $0x3;
	v19 =	vand.u32 $0x7FFFFC00, v19  }
0x7c: {  	v16 =	vmov s26;
	v22 =	vadd.s32 v4, v19;
	v19 =	vmov s31  }
0x7d: {  	v23 =	vand.u32 $0x7FFFFC00, v23;
	v20 =	vadd.s32 $0x40, v16;
	v25 =	vadd.s32 $0x40, v19  }
0x7e: {  	v28 =	vbroadcast v20, $0x0;
	v20 =	vadd.s32 $0x40, v13;
	v25 =	vbroadcast v25, $0x0  }
0x7f: {  	v29 =	vbroadcast v26, $0x0;
	v23 =	vadd.s32 v4, v23;
	v27 =	vbroadcast v20, $0x0  }
0x80: {  	v22 =	vadd.s32 v11, v22;
	v11 =	vadd.s32 v21, v23;
	v21 =	vshll.u32 v25, $0x3  }
0x81: {  	v12 =	vimm.f32 $-Inf;
	v20 =	vadd.s32 $0x40, v14;
	v21 =	vand.u32 $0x7FFFFC00, v21  }
0x82: {  	v30 =	vshll.u32 v27, $0x3;
	v23 =	vshll.u32 v29, $0x3;
	v21 =	vadd.s32 v4, v21  }
0x83: {  	v30 =	vand.u32 $0x7FFFFC00, v30;
	v23 =	vand.u32 $0x7FFFFC00, v23;
	v26 =	vadd.s32 v25, v21  }
0x84: {  	v21 =	vadd.s32 v4, v23;
	v23 =	vshll.u32 v28, $0x3;
	v25 =	vbroadcast v20, $0x0  }
0x85: {  	v20 =	vld.idx.msk [tilespmem:v22+s12+$0x0], $0xffff;
	v22 =	vimm.f32 $-Inf;
	v23 =	vand.u32 $0x7FFFFC00, v23;
	v24 =	vadd.s32 v29, v21  }
0x86: {  	s14 =	simm.s32 $0x8;
	v21 =	vimm.f32 $-Inf;
	v31 =	vadd.s32 v4, v23;
	v23 =	vld.idx.msk [tilespmem:v32+s12+$0x0], $0xffff;
	v29 =	vshll.u32 v25, $0x3  }
.LBB2_7:
0x87: {  	s13 =	sadd.s32 $0x1, s14  }
0x88: {  	v32 =	vmov s14;
	s15 =	sadd.s32 $0x2, s14;
	s16 =	sadd.s32 $0x6, s14;
	v28 =	vadd.s32 v28, v31;
	v26 =	vld.idx.msk [tilespmem:v26+s12+$0x0], $0xffff;
	v30 =	vadd.s32 v4, v30;
	s17 =	smov.u32 s14  }
0x89: {  	v31 =	vmov s13;
	v33 =	vmov s15;
	s15 =	sadd.s32 $0x4, s17;
	s18 =	sadd.s32 $0x7, s17;
	s13 =	sadd.s32 $0x8, s14;
	v27 =	vadd.s32 v27, v30  }
0x8a: {  	p0 =	slt.u32 s14, $0x18;
	s19 =	sadd.s32 $0x3, s17;
	s17 =	sadd.s32 $0x5, s17;
	v30 =	vadd.s32 $0x40, v31;
	v31 =	vadd.s32 $0x40, v33;
	v33 =	vmov s16  }
0x8b: {  	v29 =	vand.u32 $0x7FFFFC00, v29;
	v34 =	vmov s17;
	v30 =	vbroadcast v30, $0x0  }
0x8c: {  	v29 =	vadd.s32 v4, v29;
	v35 =	vmov s19;
	v34 =	vadd.s32 $0x40, v34  }
0x8d: {  	v25 =	vadd.s32 v25, v29;
	v34 =	vbroadcast v34, $0x0;
	v36 =	vshll.u32 v30, $0x3;
	v28 =	vld.idx.msk [tilespmem:v28+s12+$0x0], $0xffff  }
0x8e: {  	v37 =	vmin.f32 v21, v23;
	v29 =	vand.u32 $0x7FFFFC00, v36;
	v36 =	vmov s18;
	v24 =	vld.idx.msk [tilespmem:v24+s12+$0x0], $0xffff  }
0x8f: {  	v22 =	vmax.f32 v22, v37;
	v38 =	vshll.u32 v34, $0x3;
	v29 =	vadd.s32 v4, v29  }
0x90: {  	v32 =	vadd.s32 $0x40, v32;
	v29 =	vadd.s32 v30, v29;
	v30 =	vand.u32 $0x7FFFFC00, v38;
	v37 =	vld.idx.msk [tilespmem:v11+s12+$0x0], $0xffff  }
0x91: {  	v35 =	vadd.s32 $0x40, v35;
	v21 =	vmax.f32 v21, v23;
	v11 =	vadd.s32 v4, v30;
	v23 =	vld.idx.msk [tilespmem:v27+s12+$0x0], $0xffff  }
0x92: {  	v27 =	vmax.f32 v21, v20;
	v20 =	vmin.f32 v21, v20;
	v11 =	vadd.s32 v34, v11  }
0x93: {  	v30 =	vbroadcast v35, $0x0;
	v20 =	vmax.f32 v22, v20;
	v21 =	vmax.f32 v27, v28  }
0x94: {  	v22 =	vmin.f32 v27, v28;
	v27 =	vmax.f32 v21, v24;
	v21 =	vmin.f32 v21, v24  }
0x95: {  	v24 =	vmov s15;
	v20 =	vmax.f32 v20, v22;
	v22 =	vmax.f32 v27, v26;
	v25 =	vld.idx.msk [tilespmem:v25+s12+$0x0], $0xffff  }
0x96: {  	v24 =	vadd.s32 $0x40, v24;
	v21 =	vmax.f32 v20, v21;
	v26 =	vmin.f32 v27, v26  }
0x97: {  	v24 =	vbroadcast v24, $0x0;
	v21 =	vmax.f32 v21, v26;
	v26 =	vmax.f32 v22, v37;
	v20 =	vld.idx.msk [tilespmem:v29+s12+$0x0], $0xffff  }
0x98: {  	v27 =	vshll.u32 v30, $0x3;
	v22 =	vmin.f32 v22, v37;
	v28 =	vmin.f32 v26, v23  }
0x99: {  	v27 =	vand.u32 $0x7FFFFC00, v27;
	v21 =	vmax.f32 v21, v22;
	v29 =	vshll.u32 v24, $0x3  }
0x9a: {  	v22 =	vbroadcast v32, $0x0;
	v23 =	vmax.f32 v26, v23;
	v26 =	vmax.f32 v21, v28  }
0x9b: {  	v28 =	vand.u32 $0x7FFFFC00, v29;
	v21 =	vmax.f32 v23, v25;
	v23 =	vmin.f32 v23, v25  }
0x9c: {  	v29 =	vor.u32 v22, v4;
	v25 =	vadd.s32 v4, v28;
	v22 =	vmax.f32 v26, v23  }
.Ltmp2:
0x9d: {  	v28 =	vbroadcast v31, $0x0;
	v26 =	vadd.s32 v24, v25;
	v23 =	vadd.s32 $0x40, v33;
	(pc) =	sbr.rel @p0 .LBB2_7-.Ltmp2, $4  }
0x9e: {  	v24 =	vadd.s32 v4, v27;
	v27 =	vbroadcast v23, $0x0;
	v23 =	vadd.s32 $0x40, v36  }
0x9f: {  	v31 =	vshll.u32 v28, $0x3;
	v24 =	vadd.s32 v30, v24;
	v25 =	vbroadcast v23, $0x0  }
0xa0: {  	v30 =	vand.u32 $0x7FFFFC00, v31;
	v32 =	vshll.u32 v27, $0x3  }
0xa1: {  	s14 =	smov.u32 s13;
	v31 =	vadd.s32 v4, v30;
	v30 =	vand.u32 $0x7FFFFC00, v32;
	v23 =	vld.idx.msk [tilespmem:v29+s12+$0x0], $0xffff;
	v29 =	vshll.u32 v25, $0x3  }
0xa2: {  	v28 =	vadd.s32 v28, v31;
	_ =	sdelay $0x2  }
0xa3: {  	v30 =	vadd.s32 v4, v30  }
0xa4: {  	v27 =	vadd.s32 v27, v30  }
0xa5: {  	v29 =	vand.u32 $0x7FFFFC00, v29;
	v28 =	vld.idx.msk [tilespmem:v28+s12+$0x0], $0xffff  }
0xa6: {  	v24 =	vld.idx.msk [tilespmem:v24+s12+$0x0], $0xffff;
	v29 =	vadd.s32 v4, v29  }
0xa7: {  	v26 =	vld.idx.msk [tilespmem:v26+s12+$0x0], $0xffff;
	v10 =	vadd.s32 $0x60, v10;
	v25 =	vadd.s32 v25, v29  }
0xa8: {  	v11 =	vld.idx.msk [tilespmem:v11+s12+$0x0], $0xffff;
	v18 =	vadd.s32 $0x60, v18;
	v63 =	vmin.f32 v21, v23;
	v21 =	vmax.f32 v21, v23  }
0xa9: {  	v22 =	vmax.f32 v22, v63;
	v23 =	vld.idx.msk [tilespmem:v27+s12+$0x0], $0xffff;
	v27 =	vmax.f32 v21, v20;
	v20 =	vmin.f32 v21, v20  }
0xaa: {  	v20 =	vmax.f32 v22, v20;
	v21 =	vmax.f32 v27, v28;
	v22 =	vmin.f32 v27, v28  }
0xab: {  	v27 =	vmax.f32 v21, v24;
	v21 =	vmin.f32 v21, v24;
	v20 =	vmax.f32 v20, v22  }
0xac: {  	v22 =	vld.idx.msk [tilespmem:v25+s12+$0x0], $0xffff;
	v24 =	vmax.f32 v27, v26;
	v20 =	vmax.f32 v20, v21;
	v21 =	vmin.f32 v27, v26  }
0xad: {  	v16 =	vadd.s32 $0x60, v16;
	v20 =	vmax.f32 v20, v21;
	v21 =	vmax.f32 v24, v11  }
0xae: {  	v19 =	vadd.s32 $0x60, v19;
	v11 =	vmin.f32 v24, v11;
	v24 =	vmin.f32 v21, v23  }
0xaf: {  	v11 =	vmax.f32 v20, v11;
	v20 =	vmax.f32 v21, v23;
	v21 =	vbroadcast v10, $0x0  }
0xb0: {  	v15 =	vadd.s32 $0x60, v15;
	v18 =	vbroadcast v18, $0x0;
	v10 =	vmax.f32 v11, v24  }
0xb1: {  	v11 =	vmax.f32 v20, v22;
	v20 =	vmin.f32 v20, v22;
	v22 =	vshll.u32 v21, $0x3  }
0xb2: {  	v17 =	vadd.s32 $0x60, v17;
	v10 =	vmax.f32 v10, v20;
	v20 =	vand.u32 $0x7FFFFC00, v22  }
0xb3: {  	v19 =	vbroadcast v19, $0x0;
	v22 =	vshll.u32 v18, $0x3;
	v20 =	vadd.s32 v4, v20  }
0xb4: {  	v17 =	vbroadcast v17, $0x0;
	v23 =	vadd.s32 v21, v20;
	v20 =	vand.u32 $0x7FFFFC00, v22  }
0xb5: {  	v21 =	vshll.u32 v19, $0x3;
	v22 =	vbroadcast v15, $0x0;
	v20 =	vadd.s32 v4, v20  }
0xb6: {  	v15 =	vadd.s32 v18, v20;
	v18 =	vshll.u32 v17, $0x3;
	v20 =	vand.u32 $0x7FFFFC00, v21  }
0xb7: {  	v22 =	vor.u32 v22, v4;
	v21 =	vbroadcast v16, $0x0;
	v20 =	vadd.s32 v4, v20  }
0xb8: {  	v13 =	vadd.s32 $0x60, v13;
	v16 =	vand.u32 $0x7FFFFC00, v18;
	v19 =	vadd.s32 v19, v20  }
0xb9: {  	v20 =	vbroadcast v13, $0x0;
	v13 =	vadd.s32 $0x60, v14;
	v14 =	vshll.u32 v21, $0x3  }
0xba: {  	v16 =	vadd.s32 v4, v16;
	v18 =	vbroadcast v13, $0x0;
	v14 =	vand.u32 $0x7FFFFC00, v14  }
0xbb: {  	v13 =	vld.idx.msk [tilespmem:v23+s2+$0x0], $0xffff;
	v17 =	vadd.s32 v17, v16;
	v24 =	vshll.u32 v20, $0x3;
	v23 =	vadd.s32 v4, v14  }
0xbc: {  	s13 =	simm.s32 $0x8;
	v14 =	vimm.f32 $-Inf;
	v16 =	vld.idx.msk [tilespmem:v22+s2+$0x0], $0xffff;
	v24 =	vand.u32 $0x7FFFFC00, v24;
	v22 =	vshll.u32 v18, $0x3  }
.LBB2_9:
0xbd: {  	s12 =	sadd.s32 $0x1, s13  }
0xbe: {  	v25 =	vmov s13;
	s14 =	sadd.s32 $0x2, s13;
	s15 =	sadd.s32 $0x6, s13;
	v21 =	vadd.s32 v21, v23;
	v19 =	vld.idx.msk [tilespmem:v19+s2+$0x0], $0xffff;
	v23 =	vadd.s32 v4, v24;
	s16 =	smov.u32 s13  }
0xbf: {  	v24 =	vmov s12;
	v26 =	vmov s14;
	s14 =	sadd.s32 $0x4, s16;
	s17 =	sadd.s32 $0x7, s16;
	s12 =	sadd.s32 $0x8, s13;
	v20 =	vadd.s32 v20, v23  }
0xc0: {  	p0 =	slt.u32 s13, $0x18;
	s18 =	sadd.s32 $0x3, s16;
	s16 =	sadd.s32 $0x5, s16;
	v23 =	vadd.s32 $0x60, v24;
	v24 =	vadd.s32 $0x60, v26;
	v26 =	vmov s15  }
0xc1: {  	v22 =	vand.u32 $0x7FFFFC00, v22;
	v27 =	vmov s16;
	v23 =	vbroadcast v23, $0x0  }
0xc2: {  	v22 =	vadd.s32 v4, v22;
	v28 =	vmov s18;
	v27 =	vadd.s32 $0x60, v27  }
0xc3: {  	v18 =	vadd.s32 v18, v22;
	v27 =	vbroadcast v27, $0x0;
	v29 =	vshll.u32 v23, $0x3;
	v21 =	vld.idx.msk [tilespmem:v21+s2+$0x0], $0xffff  }
0xc4: {  	v30 =	vmin.f32 v12, v16;
	v22 =	vand.u32 $0x7FFFFC00, v29;
	v29 =	vmov s17;
	v17 =	vld.idx.msk [tilespmem:v17+s2+$0x0], $0xffff  }
0xc5: {  	v14 =	vmax.f32 v14, v30;
	v31 =	vshll.u32 v27, $0x3;
	v22 =	vadd.s32 v4, v22  }
0xc6: {  	v25 =	vadd.s32 $0x60, v25;
	v22 =	vadd.s32 v23, v22;
	v23 =	vand.u32 $0x7FFFFC00, v31;
	v30 =	vld.idx.msk [tilespmem:v15+s2+$0x0], $0xffff  }
0xc7: {  	v28 =	vadd.s32 $0x60, v28;
	v12 =	vmax.f32 v12, v16;
	v15 =	vadd.s32 v4, v23;
	v16 =	vld.idx.msk [tilespmem:v20+s2+$0x0], $0xffff  }
0xc8: {  	v20 =	vmax.f32 v12, v13;
	v12 =	vmin.f32 v12, v13;
	v15 =	vadd.s32 v27, v15  }
0xc9: {  	v23 =	vbroadcast v28, $0x0;
	v12 =	vmax.f32 v14, v12;
	v13 =	vmax.f32 v20, v21  }
0xca: {  	v14 =	vmin.f32 v20, v21;
	v20 =	vmax.f32 v13, v17;
	v13 =	vmin.f32 v13, v17  }
0xcb: {  	v17 =	vmov s14;
	v12 =	vmax.f32 v12, v14;
	v14 =	vmax.f32 v20, v19;
	v18 =	vld.idx.msk [tilespmem:v18+s2+$0x0], $0xffff  }
0xcc: {  	v17 =	vadd.s32 $0x60, v17;
	v12 =	vmax.f32 v12, v13;
	v19 =	vmin.f32 v20, v19  }
0xcd: {  	v17 =	vbroadcast v17, $0x0;
	v12 =	vmax.f32 v12, v19;
	v19 =	vmax.f32 v14, v30;
	v13 =	vld.idx.msk [tilespmem:v22+s2+$0x0], $0xffff  }
0xce: {  	v20 =	vshll.u32 v23, $0x3;
	v14 =	vmin.f32 v14, v30;
	v21 =	vmin.f32 v19, v16  }
0xcf: {  	v20 =	vand.u32 $0x7FFFFC00, v20;
	v12 =	vmax.f32 v12, v14;
	v22 =	vshll.u32 v17, $0x3  }
0xd0: {  	v14 =	vbroadcast v25, $0x0;
	v16 =	vmax.f32 v19, v16;
	v19 =	vmax.f32 v12, v21  }
0xd1: {  	v21 =	vand.u32 $0x7FFFFC00, v22;
	v12 =	vmax.f32 v16, v18;
	v16 =	vmin.f32 v16, v18  }
0xd2: {  	v22 =	vor.u32 v14, v4;
	v18 =	vadd.s32 v4, v21;
	v14 =	vmax.f32 v19, v16  }
.Ltmp3:
0xd3: {  	v21 =	vbroadcast v24, $0x0;
	v19 =	vadd.s32 v17, v18;
	v16 =	vadd.s32 $0x60, v26;
	(pc) =	sbr.rel @p0 .LBB2_9-.Ltmp3, $4  }
0xd4: {  	v17 =	vadd.s32 v4, v20;
	v20 =	vbroadcast v16, $0x0;
	v16 =	vadd.s32 $0x60, v29  }
0xd5: {  	v24 =	vshll.u32 v21, $0x3;
	v17 =	vadd.s32 v23, v17;
	v18 =	vbroadcast v16, $0x0  }
0xd6: {  	v23 =	vand.u32 $0x7FFFFC00, v24;
	v24 =	vshll.u32 v20, $0x3  }
0xd7: {  	s13 =	smov.u32 s12;
	v23 =	vadd.s32 v4, v23;
	v24 =	vand.u32 $0x7FFFFC00, v24;
	v16 =	vld.idx.msk [tilespmem:v22+s2+$0x0], $0xffff;
	v22 =	vshll.u32 v18, $0x3  }
0xd8: {  	v21 =	vadd.s32 v21, v23;
	_ =	sdelay $0x2  }
0xd9: {  	v23 =	vadd.s32 v4, v24  }
0xda: {  	v22 =	vand.u32 $0x7FFFFC00, v22;
	v20 =	vadd.s32 v20, v23  }
0xdb: {  	v22 =	vadd.s32 v4, v22;
	v21 =	vld.idx.msk [tilespmem:v21+s2+$0x0], $0xffff  }
0xdc: {  	v17 =	vld.idx.msk [tilespmem:v17+s2+$0x0], $0xffff;
	v18 =	vadd.s32 v18, v22  }
0xdd: {  	v19 =	vld.idx.msk [tilespmem:v19+s2+$0x0], $0xffff  }
0xde: {  	v15 =	vld.idx.msk [tilespmem:v15+s2+$0x0], $0xffff;
	v22 =	vmin.f32 v12, v16;
	v12 =	vmax.f32 v12, v16  }
0xdf: {  	v14 =	vmax.f32 v14, v22;
	v16 =	vld.idx.msk [tilespmem:v20+s2+$0x0], $0xffff;
	v20 =	vmax.f32 v12, v13;
	v12 =	vmin.f32 v12, v13  }
0xe0: {  	v12 =	vmax.f32 v14, v12;
	v13 =	vmax.f32 v20, v21  }
0xe1: {  	v18 =	vld.idx.msk [tilespmem:v18+s2+$0x0], $0xffff;
	v14 =	vmin.f32 v20, v21;
	v20 =	vmax.f32 v13, v17;
	v13 =	vmin.f32 v13, v17  }
0xe2: {  	v12 =	vmax.f32 v12, v14;
	v17 =	vor.u32 $0x400, v1;
	v14 =	vmax.f32 v20, v19  }
0xe3: {  	v12 =	vmax.f32 v12, v13;
	v13 =	vmin.f32 v20, v19;
	v5 =	vor.u32 v17, v5  }
0xe4: {  	v12 =	vmax.f32 v12, v13;
	v13 =	vmax.f32 v14, v15;
	v14 =	vmin.f32 v14, v15  }
0xe5: {  	s12 =	simm.s32 $0x1;
	v15 =	vmin.f32 v13, v16;
	v12 =	vmax.f32 v12, v14;
	v13 =	vmax.f32 v13, v16  }
0xe6: {  	v14 =	vmov s12;
	s12 =	simm.s32 $0x0;
	v12 =	vmax.f32 v12, v15;
	v15 =	vmin.f32 v13, v18  }
0xe7: {  	s13 =	simm.s32 $0x2;
	v13 =	vmax.f32 v13, v18;
	v16 =	vadd.s32 $0x80, v14;
	v17 =	vmov s12  }
0xe8: {  	s26 =	simm.s32 $0x3;
	v12 =	vmax.f32 v12, v15;
	v15 =	vmov s13;
	v18 =	vbroadcast v16, $0x0  }
0xe9: {  	v22 =	vmov s26;
	v19 =	vand.u32 $0x18, v17;
	v16 =	vadd.s32 $0x80, v15  }
0xea: {  	v19 =	vbroadcast v19, $0x0;
	v20 =	vbroadcast v16, $0x0;
	v21 =	vshll.u32 v18, $0x3  }
0xeb: {  	v22 =	vadd.s32 $0x80, v22;
	v18 =	vand.u32 $0x19, v18;
	v21 =	vand.u32 $0x7FFFFC00, v21  }
0xec: {  	v24 =	vor.u32 v19, v5;
	v23 =	vshll.u32 v20, $0x3;
	v21 =	vadd.s32 v4, v21  }
0xed: {  	s28 =	simm.s32 $0x5;
	v23 =	vand.u32 $0x7FFFFC00, v23;
	v18 =	vor.u32 v18, v21;
	v21 =	vbroadcast v22, $0x0  }
0xee: {  	v19 =	vmov s28;
	v20 =	vand.u32 $0x1A, v20;
	v22 =	vadd.s32 v4, v23  }
0xef: {  	v22 =	vor.u32 v20, v22;
	v20 =	vadd.s32 $0x80, v19;
	v23 =	vshll.u32 v21, $0x3  }
0xf0: {  	s29 =	simm.s32 $0x4;
	v25 =	vbroadcast v20, $0x0;
	v20 =	vand.u32 $0x7FFFFC00, v23  }
0xf1: {  	v21 =	vand.u32 $0x1B, v21;
	v23 =	vmov s29;
	v20 =	vadd.s32 v4, v20  }
0xf2: {  	s30 =	simm.s32 $0x6;
	v16 =	vimm.f32 $-Inf;
	v24 =	vld.idx.msk [tilespmem:v24+s12+$0x0], $0xffff;
	v23 =	vadd.s32 $0x80, v23;
	v28 =	vor.u32 v21, v20  }
0xf3: {  	v20 =	vld.idx.msk [tilespmem:v18+s12+$0x0], $0xffff;
	v27 =	vbroadcast v23, $0x0;
	v18 =	vmov s30;
	v21 =	vshll.u32 v25, $0x3  }
0xf4: {  	s31 =	simm.s32 $0x7;
	v23 =	vand.u32 $0x1D, v25;
	v25 =	vadd.s32 $0x80, v18;
	v21 =	vand.u32 $0x7FFFFC00, v21  }
0xf5: {  	v18 =	vmov s31;
	v29 =	vbroadcast v25, $0x0;
	v26 =	vshll.u32 v27, $0x3  }
0xf6: {  	v25 =	vadd.s32 $0x80, v18;
	v30 =	vadd.s32 v4, v21;
	v31 =	vand.u32 $0x7FFFFC00, v26  }
0xf7: {  	v32 =	vbroadcast v25, $0x0;
	v26 =	vmax.f32 v16, v24;
	v24 =	vmin.f32 v16, v24  }
0xf8: {  	v21 =	vld.idx.msk [tilespmem:v22+s12+$0x0], $0xffff;
	v25 =	vor.u32 v23, v30;
	v24 =	vmax.f32 v16, v24  }
0xf9: {  	s13 =	simm.s32 $0x8;
	v30 =	vand.u32 $0x1E, v29;
	v23 =	vmax.f32 v26, v20;
	v22 =	vld.idx.msk [tilespmem:v28+s12+$0x0], $0xffff;
	v28 =	vand.u32 $0x1F, v32  }
.LBB2_11:
0xfa: {  	v33 =	vmov s13;
	s14 =	sadd.s32 $0x1, s13;
	s15 =	sadd.s32 $0x2, s13;
	s16 =	sadd.s32 $0x3, s13;
	v27 =	vand.u32 $0x1C, v27;
	v32 =	vshll.u32 v32, $0x3  }
0xfb: {  	s17 =	sadd.s32 $0x4, s13;
	s18 =	sadd.s32 $0x5, s13;
	v31 =	vadd.s32 v4, v31;
	v34 =	vmov s14;
	v35 =	vmov s15;
	s14 =	sadd.s32 $0x6, s13  }
0xfc: {  	p0 =	slt.u32 s13, $0x18;
	v29 =	vshll.u32 v29, $0x3;
	s15 =	smov.u32 s13;
	s13 =	sadd.s32 $0x8, s13;
	v34 =	vadd.s32 $0x80, v34;
	v35 =	vadd.s32 $0x80, v35  }
0xfd: {  	v32 =	vand.u32 $0x7FFFFC00, v32;
	v34 =	vbroadcast v34, $0x0;
	v35 =	vbroadcast v35, $0x0  }
0xfe: {  	v33 =	vand.u32 $0x18, v33;
	v36 =	vmov s16;
	v29 =	vand.u32 $0x7FFFFC00, v29  }
0xff: {  	v39 =	vmov s18;
	v37 =	vshll.u32 v34, $0x3;
	v38 =	vshll.u32 v35, $0x3  }
0x100: {  	v27 =	vor.u32 v27, v31;
	v37 =	vand.u32 $0x7FFFFC00, v37;
	v38 =	vand.u32 $0x7FFFFC00, v38  }
0x101: {  	v29 =	vadd.s32 v4, v29;
	v31 =	vadd.s32 v4, v37;
	v37 =	vadd.s32 v4, v38  }
0x102: {  	v29 =	vor.u32 v30, v29;
	v34 =	vand.u32 $0x19, v34;
	v35 =	vand.u32 $0x1A, v35  }
0x103: {  	v32 =	vadd.s32 v4, v32;
	v30 =	vor.u32 v34, v31;
	v31 =	vadd.s32 $0x80, v36  }
0x104: {  	v28 =	vor.u32 v28, v32;
	v34 =	vor.u32 v35, v37;
	v31 =	vbroadcast v31, $0x0  }
0x105: {  	v20 =	vmin.f32 v26, v20;
	v32 =	vbroadcast v33, $0x0;
	v33 =	vadd.s32 $0x80, v39;
	v26 =	vld.idx.msk [tilespmem:v27+s12+$0x0], $0xffff  }
0x106: {  	v33 =	vbroadcast v33, $0x0;
	v35 =	vmax.f32 v23, v21;
	v27 =	vshll.u32 v31, $0x3;
	v25 =	vld.idx.msk [tilespmem:v25+s12+$0x0], $0xffff  }
0x107: {  	v32 =	vor.u32 v32, v5;
	v36 =	vmov s17;
	v27 =	vand.u32 $0x7FFFFC00, v27  }
0x108: {  	v37 =	vmin.f32 v35, v22;
	v31 =	vand.u32 $0x1B, v31;
	v27 =	vadd.s32 v4, v27;
	v38 =	vld.idx.msk [tilespmem:v29+s12+$0x0], $0xffff  }
0x109: {  	v20 =	vmax.f32 v24, v20;
	v21 =	vmin.f32 v23, v21;
	v29 =	vor.u32 v31, v27;
	v23 =	vld.idx.msk [tilespmem:v28+s12+$0x0], $0xffff  }
0x10a: {  	v24 =	vadd.s32 $0x80, v36;
	v28 =	vmax.f32 v20, v21;
	v21 =	vmax.f32 v35, v22  }
0x10b: {  	v27 =	vbroadcast v24, $0x0;
	v24 =	vmax.f32 v21, v26;
	v26 =	vmin.f32 v21, v26;
	v20 =	vld.idx.msk [tilespmem:v30+s12+$0x0], $0xffff  }
0x10c: {  	v35 =	vand.u32 $0x1D, v33;
	v22 =	vshll.u32 v33, $0x3;
	v30 =	vld.idx.msk [tilespmem:v32+s12+$0x0], $0xffff;
	v32 =	vmax.f32 v24, v25  }
0x10d: {  	v33 =	vmov s14;
	s14 =	sadd.s32 $0x7, s15;
	v31 =	vand.u32 $0x7FFFFC00, v22;
	v28 =	vmax.f32 v28, v37;
	v21 =	vld.idx.msk [tilespmem:v34+s12+$0x0], $0xffff  }
0x10e: {  	v24 =	vmin.f32 v24, v25;
	v22 =	vld.idx.msk [tilespmem:v29+s12+$0x0], $0xffff;
	v29 =	vadd.s32 $0x80, v33;
	v33 =	vmov s14  }
0x10f: {  	v26 =	vmax.f32 v28, v26;
	v29 =	vbroadcast v29, $0x0;
	v25 =	vadd.s32 $0x80, v33  }
0x110: {  	v28 =	vshll.u32 v27, $0x3;
	v34 =	vmin.f32 v32, v38;
	v33 =	vadd.s32 v4, v31  }
.Ltmp4:
0x111: {  	v24 =	vmax.f32 v26, v24;
	v26 =	vmax.f32 v32, v38;
	v31 =	vand.u32 $0x7FFFFC00, v28;
	(pc) =	sbr.rel @p0 .LBB2_11-.Ltmp4, $4  }
0x112: {  	v36 =	vmin.f32 v26, v23;
	v28 =	vmax.f32 v26, v23;
	v32 =	vbroadcast v25, $0x0  }
0x113: {  	v24 =	vmax.f32 v24, v34;
	v25 =	vor.u32 v35, v33;
	v26 =	vmax.f32 v28, v30  }
0x114: {  	v24 =	vmax.f32 v24, v36;
	v28 =	vmin.f32 v28, v30;
	v23 =	vmax.f32 v26, v20  }
0x115: {  	v30 =	vand.u32 $0x1E, v29;
	v24 =	vmax.f32 v24, v28;
	v28 =	vand.u32 $0x1F, v32  }
0x116: {  	v27 =	vand.u32 $0x1C, v27;
	v31 =	vadd.s32 v4, v31;
	v29 =	vshll.u32 v29, $0x3  }
0x117: {  	v60 =	vshll.u32 v32, $0x3;
	v29 =	vand.u32 $0x7FFFFC00, v29;
	v27 =	vor.u32 v27, v31  }
0x118: {  	v31 =	vand.u32 $0x7FFFFC00, v60;
	v29 =	vadd.s32 v4, v29  }
0x119: {  	v61 =	vadd.s32 v4, v31;
	v29 =	vor.u32 v30, v29  }
0x11a: {  	v28 =	vor.u32 v28, v61;
	_ =	sdelay $0x1  }
0x11b: {  	v20 =	vmin.f32 v26, v20;
	v27 =	vld.idx.msk [tilespmem:v27+s12+$0x0], $0xffff  }
0x11c: {  	v25 =	vld.idx.msk [tilespmem:v25+s12+$0x0], $0xffff;
	v26 =	vmax.f32 v23, v21;
	v21 =	vmin.f32 v23, v21;
	v17 =	vadd.s32 $0xA0, v17  }
0x11d: {  	v20 =	vmax.f32 v24, v20;
	v24 =	vmax.f32 v26, v22;
	v17 =	vand.u32 $0x38, v17;
	v29 =	vld.idx.msk [tilespmem:v29+s12+$0x0], $0xffff  }
0x11e: {  	v22 =	vmin.f32 v26, v22;
	v20 =	vmax.f32 v20, v21;
	v17 =	vbroadcast v17, $0x0;
	v23 =	vld.idx.msk [tilespmem:v28+s12+$0x0], $0xffff  }
0x11f: {  	v15 =	vadd.s32 $0xA0, v15;
	v20 =	vmax.f32 v20, v22  }
0x120: {  	v17 =	vor.u32 v17, v5;
	v21 =	vmax.f32 v24, v27;
	v24 =	vmin.f32 v24, v27  }
0x121: {  	v26 =	vmax.f32 v21, v25;
	v21 =	vmin.f32 v21, v25;
	v20 =	vmax.f32 v20, v24  }
0x122: {  	v24 =	vadd.s32 $0xA0, v14;
	v20 =	vmax.f32 v20, v21;
	v21 =	vmax.f32 v26, v29  }
0x123: {  	v14 =	vmax.f32 v21, v23;
	v21 =	vmin.f32 v21, v23;
	v23 =	vbroadcast v24, $0x0  }
0x124: {  	s30 =	simm.s32 $0x3;
	v19 =	vadd.s32 $0xA0, v19;
	v18 =	vadd.s32 $0xA0, v18;
	v22 =	vmin.f32 v26, v29  }
0x125: {  	v20 =	vmax.f32 v20, v22;
	v22 =	vmov s30;
	v24 =	vshll.u32 v23, $0x3  }
0x126: {  	v15 =	vbroadcast v15, $0x0;
	s12 =	simm.s32 $0x0;
	v22 =	vadd.s32 $0xA0, v22;
	v24 =	vand.u32 $0x7FFFFC00, v24  }
0x127: {  	v17 =	vld.idx.msk [tilespmem:v17+s12+$0x0], $0xffff;
	v23 =	vand.u32 $0x39, v23;
	v22 =	vbroadcast v22, $0x0;
	v24 =	vadd.s32 v4, v24  }
0x128: {  	v19 =	vbroadcast v19, $0x0;
	v23 =	vor.u32 v23, v24;
	v24 =	vshll.u32 v15, $0x3  }
0x129: {  	v18 =	vbroadcast v18, $0x0;
	v26 =	vshll.u32 v22, $0x3;
	v24 =	vand.u32 $0x7FFFFC00, v24  }
0x12a: {  	v26 =	vand.u32 $0x7FFFFC00, v26;
	v15 =	vand.u32 $0x3A, v15;
	v24 =	vadd.s32 v4, v24  }
0x12b: {  	s31 =	simm.s32 $0x4;
	v22 =	vand.u32 $0x3B, v22;
	v26 =	vadd.s32 v4, v26;
	v24 =	vor.u32 v15, v24  }
0x12c: {  	v25 =	vmov s31;
	v62 =	vmax.f32 v16, v17;
	v22 =	vor.u32 v22, v26  }
0x12d: {  	s13 =	simm.s32 $0x6;
	v15 =	vmax.f32 v20, v21;
	v21 =	vand.u32 $0x3D, v19;
	v19 =	vshll.u32 v19, $0x3  }
0x12e: {  	v20 =	vadd.s32 $0xA0, v25;
	v25 =	vmov s13;
	v19 =	vand.u32 $0x7FFFFC00, v19  }
0x12f: {  	v20 =	vbroadcast v20, $0x0;
	v26 =	vld.idx.msk [tilespmem:v23+s12+$0x0], $0xffff;
	v19 =	vadd.s32 v4, v19;
	v23 =	vadd.s32 $0xA0, v25  }
0x130: {  	v17 =	vmin.f32 v16, v17;
	v19 =	vor.u32 v21, v19;
	v21 =	vbroadcast v23, $0x0;
	v27 =	vld.idx.msk [tilespmem:v24+s12+$0x0], $0xffff  }
0x131: {  	v17 =	vmax.f32 v16, v17;
	v23 =	vand.u32 $0x3C, v20;
	v22 =	vld.idx.msk [tilespmem:v22+s12+$0x0], $0xffff  }
0x132: {  	v24 =	vshll.u32 v20, $0x3;
	v20 =	vshll.u32 v18, $0x3;
	v25 =	vshll.u32 v21, $0x3  }
0x133: {  	v18 =	vand.u32 $0x3F, v18;
	v24 =	vand.u32 $0x7FFFFC00, v24;
	v20 =	vand.u32 $0x7FFFFC00, v20  }
0x134: {  	v25 =	vand.u32 $0x7FFFFC00, v25;
	v63 =	vmax.f32 v62, v26;
	v16 =	vadd.s32 v4, v20  }
0x135: {  	v20 =	vmin.f32 v62, v26;
	v18 =	vor.u32 v18, v16;
	v26 =	vmax.f32 v63, v27  }
0x136: {  	s13 =	simm.s32 $0x8;
	v16 =	vld.idx.msk [tilespmem:v19+s12+$0x0], $0xffff;
	v19 =	vmax.f32 v17, v20;
	v20 =	vmin.f32 v63, v27;
	v17 =	vmax.f32 v26, v22  }
.LBB2_13:
0x137: {  	s15 =	sadd.s32 $0x1, s13  }
0x138: {  	v27 =	vmov s13;
	s16 =	sadd.s32 $0x2, s13;
	s17 =	sadd.s32 $0x5, s13;
	v22 =	vmin.f32 v26, v22;
	s14 =	smov.u32 s13  }
0x139: {  	p0 =	slt.u32 s13, $0x18;
	s13 =	sadd.s32 $0x8, s13;
	v24 =	vadd.s32 v4, v24;
	v26 =	vadd.s32 $0xA0, v27;
	v27 =	vmov s15;
	s15 =	sadd.s32 $0x6, s14  }
0x13a: {  	v28 =	vmov s16;
	s16 =	sadd.s32 $0x3, s14;
	v23 =	vor.u32 v23, v24;
	v27 =	vadd.s32 $0xA0, v27  }
0x13b: {  	v21 =	vand.u32 $0x3E, v21;
	v24 =	vbroadcast v27, $0x0;
	v27 =	vmov s16;
	s16 =	sadd.s32 $0x4, s14  }
0x13c: {  	v25 =	vadd.s32 v4, v25;
	v26 =	vand.u32 $0x38, v26;
	v27 =	vadd.s32 $0xA0, v27  }
0x13d: {  	v30 =	vmov s17;
	v21 =	vor.u32 v21, v25;
	v29 =	vshll.u32 v24, $0x3  }
0x13e: {  	v28 =	vadd.s32 $0xA0, v28;
	v25 =	vand.u32 $0x7FFFFC00, v29;
	v29 =	vadd.s32 $0xA0, v30  }
0x13f: {  	v26 =	vbroadcast v26, $0x0;
	v30 =	vmov s16;
	v25 =	vadd.s32 v4, v25  }
0x140: {  	v28 =	vbroadcast v28, $0x0;
	v24 =	vand.u32 $0x39, v24;
	v27 =	vbroadcast v27, $0x0  }
0x141: {  	v24 =	vor.u32 v24, v25;
	v25 =	vadd.s32 $0xA0, v30;
	v23 =	vld.idx.msk [tilespmem:v23+s12+$0x0], $0xffff  }
0x142: {  	v26 =	vor.u32 v26, v5;
	v29 =	vbroadcast v29, $0x0;
	v30 =	vshll.u32 v27, $0x3  }
0x143: {  	v31 =	vshll.u32 v28, $0x3;
	v30 =	vand.u32 $0x7FFFFC00, v30;
	v25 =	vbroadcast v25, $0x0  }
0x144: {  	v31 =	vand.u32 $0x7FFFFC00, v31;
	v27 =	vand.u32 $0x3B, v27;
	v30 =	vadd.s32 v4, v30;
	v21 =	vld.idx.msk [tilespmem:v21+s12+$0x0], $0xffff  }
0x145: {  	v28 =	vand.u32 $0x3A, v28;
	v31 =	vadd.s32 v4, v31;
	v27 =	vor.u32 v27, v30;
	v18 =	vld.idx.msk [tilespmem:v18+s12+$0x0], $0xffff  }
0x146: {  	v28 =	vor.u32 v28, v31;
	v31 =	vmov s15;
	v30 =	vand.u32 $0x3D, v29  }
0x147: {  	v19 =	vmax.f32 v19, v20;
	v20 =	vmin.f32 v17, v23;
	v32 =	vld.idx.msk [tilespmem:v24+s12+$0x0], $0xffff;
	v24 =	vshll.u32 v29, $0x3  }
0x148: {  	v19 =	vmax.f32 v19, v22;
	v17 =	vmax.f32 v17, v23;
	v24 =	vand.u32 $0x7FFFFC00, v24  }
0x149: {  	v19 =	vmax.f32 v19, v20;
	v20 =	vmax.f32 v17, v16;
	v22 =	vadd.s32 v4, v24  }
0x14a: {  	s14 =	sadd.s32 $0x7, s14;
	v16 =	vmin.f32 v17, v16;
	v17 =	vmax.f32 v20, v21;
	v29 =	vor.u32 v30, v22  }
0x14b: {  	v23 =	vmov s14;
	v30 =	vmax.f32 v17, v18;
	v17 =	vmin.f32 v17, v18;
	v26 =	vld.idx.msk [tilespmem:v26+s12+$0x0], $0xffff  }
0x14c: {  	v16 =	vmax.f32 v19, v16;
	v19 =	vmin.f32 v20, v21;
	v18 =	vadd.s32 $0xA0, v23;
	v22 =	vld.idx.msk [tilespmem:v27+s12+$0x0], $0xffff  }
0x14d: {  	v21 =	vadd.s32 $0xA0, v31;
	v16 =	vmax.f32 v16, v19;
	v18 =	vbroadcast v18, $0x0;
	v20 =	vld.idx.msk [tilespmem:v28+s12+$0x0], $0xffff  }
0x14e: {  	v19 =	vshll.u32 v25, $0x3;
	v21 =	vbroadcast v21, $0x0;
	v17 =	vmax.f32 v16, v17  }
0x14f: {  	v23 =	vand.u32 $0x3C, v25;
	v24 =	vand.u32 $0x7FFFFC00, v19;
	v19 =	vshll.u32 v18, $0x3;
	v16 =	vld.idx.msk [tilespmem:v29+s12+$0x0], $0xffff  }
.Ltmp5:
0x150: {  	v25 =	vshll.u32 v21, $0x3;
	v18 =	vand.u32 $0x3F, v18;
	v19 =	vand.u32 $0x7FFFFC00, v19;
	(pc) =	sbr.rel @p0 .LBB2_13-.Ltmp5, $4  }
0x151: {  	v25 =	vand.u32 $0x7FFFFC00, v25;
	v27 =	vmax.f32 v30, v26;
	v26 =	vmin.f32 v30, v26  }
0x152: {  	v19 =	vadd.s32 v4, v19;
	v17 =	vmax.f32 v17, v26;
	v28 =	vmax.f32 v27, v32  }
0x153: {  	v18 =	vor.u32 v18, v19;
	v27 =	vmin.f32 v27, v32;
	v26 =	vmax.f32 v28, v20  }
0x154: {  	v19 =	vmax.f32 v17, v27;
	v20 =	vmin.f32 v28, v20;
	v17 =	vmax.f32 v26, v22  }
0x155: {  	v24 =	vadd.s32 v4, v24  }
0x156: {  	v23 =	vor.u32 v23, v24  }
0x157: {  	v21 =	vand.u32 $0x3E, v21;
	v24 =	vadd.s32 v4, v25  }
0x158: {  	v21 =	vor.u32 v21, v24;
	_ =	sdelay $0x2  }
0x159: {  	v23 =	vld.idx.msk [tilespmem:v23+s12+$0x0], $0xffff;
	_ =	sdelay $0x1  }
0x15a: {  	v21 =	vld.idx.msk [tilespmem:v21+s12+$0x0], $0xffff;
	_ =	sdelay $0x1  }
0x15b: {  	v22 =	vmin.f32 v26, v22;
	v19 =	vmax.f32 v19, v20;
	v24 =	vld.idx.msk [tilespmem:v18+s12+$0x0], $0xffff  }
0x15c: {  	v19 =	vmax.f32 v19, v22;
	v25 =	vmax.f32 v17, v23;
	v17 =	vmin.f32 v17, v23  }
0x15d: {  	v23 =	vmov s12;
	v20 =	vmax.f32 v25, v16;
	v17 =	vmax.f32 v19, v17  }
0x15e: {  	s13 =	simm.s32 $0x1;
	v19 =	vmin.f32 v25, v16;
	v26 =	vadd.s32 $0xC0, v23;
	v22 =	vmax.f32 v20, v21  }
0x15f: {  	v17 =	vmax.f32 v17, v19;
	v20 =	vmin.f32 v20, v21;
	v19 =	vmov s13  }
0x160: {  	s14 =	simm.s32 $0x4;
	v26 =	vand.u32 $0x58, v26;
	v16 =	vmax.f32 v22, v24;
	v21 =	vmin.f32 v22, v24  }
0x161: {  	v17 =	vmax.f32 v17, v20;
	v20 =	vadd.s32 $0xC0, v19;
	v22 =	vmov s14  }
0x162: {  	s28 =	simm.s32 $0x3;
	s29 =	simm.s32 $0x2;
	v26 =	vbroadcast v26, $0x0;
	v17 =	vmax.f32 v17, v21;
	v24 =	vbroadcast v20, $0x0  }
0x163: {  	v21 =	vmov s28;
	v20 =	vmov s29;
	v28 =	vadd.s32 $0xC0, v22  }
0x164: {  	v25 =	vadd.s32 $0xC0, v21;
	v28 =	vbroadcast v28, $0x0;
	v27 =	vshll.u32 v24, $0x3  }
0x165: {  	v29 =	vadd.s32 $0xC0, v20;
	v26 =	vor.u32 v26, v5;
	v27 =	vand.u32 $0x7FFFFC00, v27  }
0x166: {  	v24 =	vand.u32 $0x59, v24;
	v25 =	vbroadcast v25, $0x0;
	v27 =	vadd.s32 v4, v27  }
0x167: {  	v18 =	vimm.f32 $-Inf;
	v30 =	vor.u32 v24, v27;
	v24 =	vbroadcast v29, $0x0  }
0x168: {  	v29 =	vand.u32 $0x5B, v25;
	v27 =	vshll.u32 v28, $0x3;
	v25 =	vshll.u32 v25, $0x3  }
0x169: {  	s31 =	simm.s32 $0x6;
	v28 =	vand.u32 $0x5C, v28;
	v27 =	vand.u32 $0x7FFFFC00, v27;
	v25 =	vand.u32 $0x7FFFFC00, v25  }
0x16a: {  	v32 =	vld.idx.msk [tilespmem:v26+s12+$0x0], $0xffff;
	v26 =	vmov s31;
	v31 =	vand.u32 $0x5A, v24;
	v27 =	vadd.s32 v4, v27  }
0x16b: {  	s30 =	simm.s32 $0x5;
	v24 =	vshll.u32 v24, $0x3;
	v35 =	vadd.s32 $0xC0, v26;
	v27 =	vor.u32 v28, v27  }
0x16c: {  	v28 =	vadd.s32 v4, v25;
	v25 =	vand.u32 $0x7FFFFC00, v24;
	v24 =	vmov s30  }
0x16d: {  	s15 =	simm.s32 $0x7;
	v35 =	vbroadcast v35, $0x0;
	v33 =	vadd.s32 v4, v25;
	v34 =	vadd.s32 $0xC0, v24  }
0x16e: {  	v25 =	vmov s15;
	v28 =	vor.u32 v29, v28;
	v30 =	vld.idx.msk [tilespmem:v30+s12+$0x0], $0xffff;
	v36 =	vbroadcast v34, $0x0  }
0x16f: {  	v62 =	vadd.s32 $0xC0, v25;
	v31 =	vor.u32 v31, v33;
	v29 =	vshll.u32 v35, $0x3  }
0x170: {  	v63 =	vand.u32 $0x5E, v35;
	v34 =	vbroadcast v62, $0x0;
	v37 =	vmax.f32 v18, v32  }
0x171: {  	v32 =	vmin.f32 v18, v32;
	v38 =	vand.u32 $0x7FFFFC00, v29;
	v33 =	vand.u32 $0x5D, v36  }
0x172: {  	v36 =	vshll.u32 v36, $0x3;
	v32 =	vmax.f32 v18, v32;
	v38 =	vadd.s32 v4, v38  }
0x173: {  	v35 =	vand.u32 $0x7FFFFC00, v36;
	v29 =	vmax.f32 v37, v30;
	v30 =	vmin.f32 v37, v30  }
0x174: {  	s13 =	simm.s32 $0x8;
	v36 =	vshll.u32 v34, $0x3;
	v32 =	vmax.f32 v32, v30;
	v30 =	vld.idx.msk [tilespmem:v31+s12+$0x0], $0xffff;
	v31 =	vor.u32 v63, v38  }
.LBB2_15:
0x175: {  	s14 =	sadd.s32 $0x1, s13;
	s15 =	sadd.s32 $0x3, s13;
	s16 =	sadd.s32 $0x4, s13;
	v35 =	vadd.s32 v4, v35;
	v34 =	vand.u32 $0x5F, v34;
	v36 =	vand.u32 $0x7FFFFC00, v36  }
0x176: {  	s17 =	sadd.s32 $0x2, s13;
	v37 =	vmov s14;
	v38 =	vmov s15;
	s15 =	sadd.s32 $0x5, s13;
	s14 =	sadd.s32 $0x7, s13;
	v33 =	vor.u32 v33, v35  }
0x177: {  	p0 =	slt.u32 s13, $0x18;
	v35 =	vmov s13;
	v39 =	vmov s16;
	s16 =	smov.u32 s13;
	s13 =	sadd.s32 $0x8, s13;
	v37 =	vadd.s32 $0xC0, v37;
	v28 =	vld.idx.msk [tilespmem:v28+s12+$0x0], $0xffff  }
0x178: {  	v36 =	vadd.s32 v4, v36;
	v38 =	vadd.s32 $0xC0, v38;
	v37 =	vbroadcast v37, $0x0  }
0x179: {  	v40 =	vmov s17;
	v35 =	vadd.s32 $0xC0, v35;
	v41 =	vmin.f32 v29, v30  }
0x17a: {  	v35 =	vand.u32 $0x58, v35;
	v32 =	vmax.f32 v32, v41;
	v42 =	vshll.u32 v37, $0x3;
	v27 =	vld.idx.msk [tilespmem:v27+s12+$0x0], $0xffff  }
0x17b: {  	v39 =	vadd.s32 $0xC0, v39;
	v34 =	vor.u32 v34, v36;
	v41 =	vand.u32 $0x7FFFFC00, v42  }
0x17c: {  	v29 =	vmax.f32 v29, v30;
	v36 =	vand.u32 $0x59, v37;
	v37 =	vadd.s32 v4, v41  }
0x17d: {  	v30 =	vor.u32 v36, v37;
	v36 =	vbroadcast v39, $0x0;
	v37 =	vmin.f32 v29, v28;
	v33 =	vld.idx.msk [tilespmem:v33+s12+$0x0], $0xffff  }
0x17e: {  	v38 =	vbroadcast v38, $0x0;
	v39 =	vadd.s32 $0xC0, v40;
	v28 =	vmax.f32 v29, v28;
	v29 =	vld.idx.msk [tilespmem:v31+s12+$0x0], $0xffff  }
0x17f: {  	v31 =	vbroadcast v35, $0x0;
	v35 =	vbroadcast v39, $0x0;
	v32 =	vmax.f32 v32, v37  }
0x180: {  	v37 =	vand.u32 $0x5B, v38;
	v39 =	vshll.u32 v36, $0x3;
	v40 =	vmin.f32 v28, v27;
	v34 =	vld.idx.msk [tilespmem:v34+s12+$0x0], $0xffff  }
0x181: {  	v36 =	vand.u32 $0x5C, v36;
	v39 =	vand.u32 $0x7FFFFC00, v39;
	v32 =	vmax.f32 v32, v40  }
0x182: {  	v28 =	vmax.f32 v28, v27;
	v40 =	vand.u32 $0x5A, v35;
	v39 =	vadd.s32 v4, v39  }
0x183: {  	v31 =	vor.u32 v31, v5;
	v27 =	vor.u32 v36, v39;
	v36 =	vmax.f32 v28, v33  }
0x184: {  	v38 =	vshll.u32 v38, $0x3;
	v28 =	vmin.f32 v28, v33;
	v33 =	vmax.f32 v36, v29  }
0x185: {  	v38 =	vand.u32 $0x7FFFFC00, v38;
	v28 =	vmax.f32 v32, v28;
	v29 =	vmin.f32 v36, v29  }
0x186: {  	v32 =	vadd.s32 v4, v38;
	v29 =	vmax.f32 v28, v29;
	v36 =	vmin.f32 v33, v34  }
0x187: {  	v35 =	vshll.u32 v35, $0x3;
	v28 =	vor.u32 v37, v32;
	v29 =	vmax.f32 v29, v36  }
0x188: {  	v32 =	vand.u32 $0x7FFFFC00, v35;
	v35 =	vmov s15;
	s15 =	sadd.s32 $0x6, s16;
	v36 =	vmax.f32 v33, v34;
	v31 =	vld.idx.msk [tilespmem:v31+s12+$0x0], $0xffff  }
0x189: {  	v32 =	vadd.s32 v4, v32;
	v33 =	vmov s15;
	v34 =	vmov s14;
	v30 =	vld.idx.msk [tilespmem:v30+s12+$0x0], $0xffff  }
0x18a: {  	v35 =	vadd.s32 $0xC0, v35;
	v32 =	vor.u32 v40, v32;
	v33 =	vadd.s32 $0xC0, v33  }
0x18b: {  	v35 =	vbroadcast v35, $0x0;
	v37 =	vbroadcast v33, $0x0;
	v33 =	vadd.s32 $0xC0, v34  }
0x18c: {  	v34 =	vbroadcast v33, $0x0  }
.Ltmp6:
0x18d: {  	v33 =	vand.u32 $0x5D, v35;
	v35 =	vshll.u32 v35, $0x3;
	v38 =	vshll.u32 v37, $0x3;
	(pc) =	sbr.rel @p0 .LBB2_15-.Ltmp6, $4  }
0x18e: {  	v39 =	vmax.f32 v36, v31;
	v31 =	vmin.f32 v36, v31;
	v36 =	vand.u32 $0x7FFFFC00, v38  }
0x18f: {  	v31 =	vmax.f32 v29, v31;
	v29 =	vmax.f32 v39, v30;
	v38 =	vmin.f32 v39, v30;
	v30 =	vld.idx.msk [tilespmem:v32+s12+$0x0], $0xffff  }
0x190: {  	v36 =	vadd.s32 v4, v36;
	v32 =	vmax.f32 v31, v38;
	v31 =	vand.u32 $0x5E, v37  }
0x191: {  	v35 =	vand.u32 $0x7FFFFC00, v35;
	v31 =	vor.u32 v31, v36;
	v36 =	vshll.u32 v34, $0x3  }
0x192: {  	v35 =	vadd.s32 v4, v35  }
0x193: {  	v33 =	vor.u32 v33, v35  }
0x194: {  	v59 =	vand.u32 $0x7FFFFC00, v36  }
0x195: {  	v34 =	vand.u32 $0x5F, v34;
	v35 =	vadd.s32 v4, v59  }
0x196: {  	v28 =	vld.idx.msk [tilespmem:v28+s12+$0x0], $0xffff;
	v34 =	vor.u32 v34, v35  }
0x197: {  	v27 =	vld.idx.msk [tilespmem:v27+s12+$0x0], $0xffff  }
0x198: {  	v33 =	vld.idx.msk [tilespmem:v33+s12+$0x0], $0xffff  }
0x199: {  	v31 =	vld.idx.msk [tilespmem:v31+s12+$0x0], $0xffff;
	v19 =	vadd.s32 $0xE0, v19;
	v23 =	vadd.s32 $0xE0, v23  }
0x19a: {  	v21 =	vadd.s32 $0xE0, v21;
	v22 =	vadd.s32 $0xE0, v22;
	v60 =	vmax.f32 v29, v30  }
0x19b: {  	v23 =	vand.u32 $0x78, v23;
	v29 =	vmin.f32 v29, v30;
	v30 =	vmax.f32 v60, v28;
	v34 =	vld.idx.msk [tilespmem:v34+s12+$0x0], $0xffff  }
0x19c: {  	v29 =	vmax.f32 v32, v29;
	v28 =	vmin.f32 v60, v28;
	v61 =	vmax.f32 v30, v27  }
0x19d: {  	v28 =	vmax.f32 v29, v28;
	v27 =	vmin.f32 v30, v27;
	v29 =	vmax.f32 v61, v33  }
0x19e: {  	v27 =	vmax.f32 v28, v27;
	v28 =	vmin.f32 v61, v33;
	v30 =	vmax.f32 v29, v31  }
0x19f: {  	v27 =	vmax.f32 v27, v28;
	v28 =	vmin.f32 v29, v31;
	v29 =	vbroadcast v19, $0x0  }
0x1a0: {  	v23 =	vbroadcast v23, $0x0;
	v27 =	vmax.f32 v27, v28;
	v28 =	vmin.f32 v30, v34  }
0x1a1: {  	v24 =	vadd.s32 $0xE0, v24;
	v19 =	vmax.f32 v27, v28;
	v27 =	vshll.u32 v29, $0x3  }
0x1a2: {  	v26 =	vadd.s32 $0xE0, v26;
	v23 =	vor.u32 v23, v5;
	v27 =	vand.u32 $0x7FFFFC00, v27  }
0x1a3: {  	v22 =	vbroadcast v22, $0x0;
	v28 =	vand.u32 $0x79, v29;
	v27 =	vadd.s32 v4, v27  }
0x1a4: {  	v21 =	vbroadcast v21, $0x0;
	v24 =	vbroadcast v24, $0x0;
	v27 =	vor.u32 v28, v27  }
0x1a5: {  	v29 =	vadd.s32 $0xE0, v20;
	v20 =	vmax.f32 v30, v34;
	v30 =	vshll.u32 v22, $0x3  }
0x1a6: {  	v22 =	vand.u32 $0x7C, v22;
	v30 =	vand.u32 $0x7FFFFC00, v30;
	v28 =	vbroadcast v29, $0x0  }
0x1a7: {  	v23 =	vld.idx.msk [tilespmem:v23+s2+$0x0], $0xffff;
	v30 =	vadd.s32 v4, v30;
	v29 =	vand.u32 $0x7B, v21;
	v21 =	vshll.u32 v21, $0x3  }
0x1a8: {  	v62 =	vand.u32 $0x7FFFFC00, v21;
	v31 =	vand.u32 $0x7A, v28;
	v28 =	vshll.u32 v28, $0x3  }
0x1a9: {  	v21 =	vor.u32 v22, v30;
	v22 =	vadd.s32 v4, v62;
	v28 =	vand.u32 $0x7FFFFC00, v28;
	v30 =	vld.idx.msk [tilespmem:v27+s2+$0x0], $0xffff  }
0x1aa: {  	v25 =	vadd.s32 $0xE0, v25;
	v22 =	vor.u32 v29, v22;
	v27 =	vadd.s32 v4, v28  }
0x1ab: {  	v28 =	vbroadcast v26, $0x0;
	v26 =	vand.u32 $0x7D, v24;
	v29 =	vor.u32 v31, v27  }
0x1ac: {  	v27 =	vbroadcast v25, $0x0;
	v31 =	vmax.f32 v18, v23;
	v23 =	vmin.f32 v18, v23  }
0x1ad: {  	v25 =	vshll.u32 v24, $0x3;
	v24 =	vshll.u32 v28, $0x3;
	v23 =	vmax.f32 v18, v23  }
0x1ae: {  	v63 =	vand.u32 $0x7FFFFC00, v24;
	v18 =	vmax.f32 v31, v30;
	v24 =	vmin.f32 v31, v30  }
0x1af: {  	v30 =	vand.u32 $0x7E, v28;
	v31 =	vadd.s32 v4, v63;
	v28 =	vand.u32 $0x7FFFFC00, v25  }
0x1b0: {  	s12 =	simm.s32 $0x8;
	v24 =	vmax.f32 v23, v24;
	v23 =	vld.idx.msk [tilespmem:v29+s2+$0x0], $0xffff;
	v25 =	vor.u32 v30, v31;
	v29 =	vshll.u32 v27, $0x3  }
.LBB2_17:
0x1b1: {  	s13 =	sadd.s32 $0x1, s12;
	s14 =	sadd.s32 $0x3, s12;
	s15 =	sadd.s32 $0x4, s12;
	v28 =	vadd.s32 v4, v28;
	v27 =	vand.u32 $0x7F, v27;
	v29 =	vand.u32 $0x7FFFFC00, v29  }
0x1b2: {  	s16 =	sadd.s32 $0x2, s12;
	v30 =	vmov s13;
	v31 =	vmov s14;
	s14 =	sadd.s32 $0x5, s12;
	s13 =	sadd.s32 $0x7, s12;
	v26 =	vor.u32 v26, v28  }
0x1b3: {  	p0 =	slt.u32 s12, $0x18;
	v28 =	vmov s12;
	v32 =	vmov s15;
	s15 =	smov.u32 s12;
	s12 =	sadd.s32 $0x8, s12;
	v30 =	vadd.s32 $0xE0, v30;
	v22 =	vld.idx.msk [tilespmem:v22+s2+$0x0], $0xffff  }
0x1b4: {  	v29 =	vadd.s32 v4, v29;
	v31 =	vadd.s32 $0xE0, v31;
	v30 =	vbroadcast v30, $0x0  }
0x1b5: {  	v33 =	vmov s16;
	v28 =	vadd.s32 $0xE0, v28;
	v34 =	vmin.f32 v18, v23  }
0x1b6: {  	v28 =	vand.u32 $0x78, v28;
	v24 =	vmax.f32 v24, v34;
	v35 =	vshll.u32 v30, $0x3;
	v21 =	vld.idx.msk [tilespmem:v21+s2+$0x0], $0xffff  }
0x1b7: {  	v32 =	vadd.s32 $0xE0, v32;
	v27 =	vor.u32 v27, v29;
	v34 =	vand.u32 $0x7FFFFC00, v35  }
0x1b8: {  	v18 =	vmax.f32 v18, v23;
	v29 =	vand.u32 $0x79, v30;
	v30 =	vadd.s32 v4, v34  }
0x1b9: {  	v23 =	vor.u32 v29, v30;
	v29 =	vbroadcast v32, $0x0;
	v30 =	vmin.f32 v18, v22;
	v26 =	vld.idx.msk [tilespmem:v26+s2+$0x0], $0xffff  }
0x1ba: {  	v31 =	vbroadcast v31, $0x0;
	v32 =	vadd.s32 $0xE0, v33;
	v18 =	vmax.f32 v18, v22;
	v22 =	vld.idx.msk [tilespmem:v25+s2+$0x0], $0xffff  }
0x1bb: {  	v25 =	vbroadcast v28, $0x0;
	v28 =	vbroadcast v32, $0x0;
	v24 =	vmax.f32 v24, v30  }
0x1bc: {  	v30 =	vand.u32 $0x7B, v31;
	v32 =	vshll.u32 v29, $0x3;
	v33 =	vmin.f32 v18, v21;
	v27 =	vld.idx.msk [tilespmem:v27+s2+$0x0], $0xffff  }
0x1bd: {  	v29 =	vand.u32 $0x7C, v29;
	v32 =	vand.u32 $0x7FFFFC00, v32;
	v24 =	vmax.f32 v24, v33  }
0x1be: {  	v18 =	vmax.f32 v18, v21;
	v33 =	vand.u32 $0x7A, v28;
	v32 =	vadd.s32 v4, v32  }
0x1bf: {  	v25 =	vor.u32 v25, v5;
	v21 =	vor.u32 v29, v32;
	v29 =	vmax.f32 v18, v26  }
0x1c0: {  	v31 =	vshll.u32 v31, $0x3;
	v18 =	vmin.f32 v18, v26;
	v26 =	vmax.f32 v29, v22  }
0x1c1: {  	v31 =	vand.u32 $0x7FFFFC00, v31;
	v18 =	vmax.f32 v24, v18;
	v22 =	vmin.f32 v29, v22  }
0x1c2: {  	v24 =	vadd.s32 v4, v31;
	v18 =	vmax.f32 v18, v22;
	v29 =	vmin.f32 v26, v27  }
0x1c3: {  	v28 =	vshll.u32 v28, $0x3;
	v22 =	vor.u32 v30, v24;
	v18 =	vmax.f32 v18, v29  }
0x1c4: {  	v29 =	vmax.f32 v26, v27;
	v24 =	vld.idx.msk [tilespmem:v25+s2+$0x0], $0xffff;
	v25 =	vand.u32 $0x7FFFFC00, v28;
	v28 =	vmov s14;
	s14 =	sadd.s32 $0x6, s15  }
0x1c5: {  	v27 =	vmov s13;
	v23 =	vld.idx.msk [tilespmem:v23+s2+$0x0], $0xffff;
	v25 =	vadd.s32 v4, v25;
	v26 =	vmov s14  }
0x1c6: {  	v28 =	vadd.s32 $0xE0, v28;
	v25 =	vor.u32 v33, v25;
	v26 =	vadd.s32 $0xE0, v26  }
0x1c7: {  	v28 =	vbroadcast v28, $0x0;
	v30 =	vbroadcast v26, $0x0;
	v26 =	vadd.s32 $0xE0, v27  }
0x1c8: {  	v27 =	vbroadcast v26, $0x0  }
.Ltmp7:
0x1c9: {  	v26 =	vand.u32 $0x7D, v28;
	v28 =	vshll.u32 v28, $0x3;
	v31 =	vshll.u32 v30, $0x3;
	(pc) =	sbr.rel @p0 .LBB2_17-.Ltmp7, $4  }
0x1ca: {  	v32 =	vmax.f32 v29, v24;
	v24 =	vmin.f32 v29, v24;
	v29 =	vand.u32 $0x7FFFFC00, v31  }
0x1cb: {  	v24 =	vmax.f32 v18, v24;
	v18 =	vmax.f32 v32, v23;
	v31 =	vmin.f32 v32, v23;
	v23 =	vld.idx.msk [tilespmem:v25+s2+$0x0], $0xffff  }
0x1cc: {  	v24 =	vmax.f32 v24, v31;
	v25 =	vand.u32 $0x7E, v30;
	v29 =	vadd.s32 v4, v29  }
0x1cd: {  	v28 =	vand.u32 $0x7FFFFC00, v28;
	v25 =	vor.u32 v25, v29;
	v29 =	vshll.u32 v27, $0x3  }
0x1ce: {  	v7 =	vsub.f32 $0.0e+00, v7;
	_ =	sdelay $0x1  }
0x1cf: {  	v7 =	vmul.f32 $1.442695020e+00, v7;
	_ =	sdelay $0x1  }
0x1d0: {  	(erf) = vpow2.f32 v7;
	_ =	sdelay $0x8  }
0x1d1: {  	v6 =	vsub.f32 $0.0e+00, v6;
	v7 =	vpop (erf)  }
0x1d2: {  	v7 =	vadd.f32 $1.000000000e+00, v7  }
0x1d3: {  	v6 =	vmul.f32 $1.442695020e+00, v6  }
0x1d4: {  	(erf) = vrcp.f32 v7  }
0x1d5: {  	(erf) = vpow2.f32 v6;
	_ =	sdelay $0x7  }
0x1d6: {  	v6 =	vpop (erf)  }
0x1d7: {  	v9 =	vsub.f32 $0.0e+00, v9;
	v7 =	vpop (erf)  }
0x1d8: {  	v7 =	vadd.f32 $1.000000000e+00, v7  }
0x1d9: {  	v9 =	vmul.f32 $1.442695020e+00, v9  }
0x1da: {  	(erf) = vrcp.f32 v7  }
0x1db: {  	(erf) = vpow2.f32 v9;
	_ =	sdelay $0x7  }
0x1dc: {  	v7 =	vpop (erf)  }
0x1dd: {  	v8 =	vsub.f32 $0.0e+00, v8;
	v9 =	vpop (erf)  }
0x1de: {  	v9 =	vadd.f32 $1.000000000e+00, v9  }
0x1df: {  	v8 =	vmul.f32 $1.442695020e+00, v8  }
0x1e0: {  	(erf) = vrcp.f32 v9  }
0x1e1: {  	(erf) = vpow2.f32 v8;
	_ =	sdelay $0x7  }
0x1e2: {  	v8 =	vpop (erf)  }
0x1e3: {  	v11 =	vsub.f32 $0.0e+00, v11;
	v9 =	vpop (erf)  }
0x1e4: {  	v9 =	vadd.f32 $1.000000000e+00, v9  }
0x1e5: {  	v11 =	vmul.f32 $1.442695020e+00, v11  }
0x1e6: {  	(erf) = vrcp.f32 v9  }
0x1e7: {  	(erf) = vpow2.f32 v11;
	_ =	sdelay $0x7  }
0x1e8: {  	v9 =	vpop (erf)  }
0x1e9: {  	v10 =	vsub.f32 $0.0e+00, v10;
	v11 =	vpop (erf)  }
0x1ea: {  	v11 =	vadd.f32 $1.000000000e+00, v11  }
0x1eb: {  	v10 =	vmul.f32 $1.442695020e+00, v10  }
0x1ec: {  	(erf) = vrcp.f32 v11  }
0x1ed: {  	(erf) = vpow2.f32 v10;
	_ =	sdelay $0x7  }
0x1ee: {  	v30 =	vpop (erf)  }
0x1ef: {  	v11 =	vsub.f32 $0.0e+00, v13;
	v10 =	vpop (erf)  }
0x1f0: {  	v10 =	vadd.f32 $1.000000000e+00, v10  }
0x1f1: {  	v11 =	vmul.f32 $1.442695020e+00, v11  }
0x1f2: {  	(erf) = vrcp.f32 v10  }
0x1f3: {  	(erf) = vpow2.f32 v11;
	_ =	sdelay $0x7  }
0x1f4: {  	v13 =	vpop (erf)  }
0x1f5: {  	v11 =	vsub.f32 $0.0e+00, v12;
	v10 =	vpop (erf)  }
0x1f6: {  	v10 =	vadd.f32 $1.000000000e+00, v10  }
0x1f7: {  	v11 =	vmul.f32 $1.442695020e+00, v11  }
0x1f8: {  	(erf) = vrcp.f32 v10  }
0x1f9: {  	(erf) = vpow2.f32 v11;
	_ =	sdelay $0x7  }
0x1fa: {  	v12 =	vpop (erf)  }
0x1fb: {  	v11 =	vsub.f32 $0.0e+00, v14;
	v10 =	vpop (erf)  }
0x1fc: {  	v10 =	vadd.f32 $1.000000000e+00, v10  }
0x1fd: {  	v11 =	vmul.f32 $1.442695020e+00, v11  }
0x1fe: {  	(erf) = vrcp.f32 v10  }
0x1ff: {  	(erf) = vpow2.f32 v11;
	_ =	sdelay $0x7  }
0x200: {  	v14 =	vpop (erf)  }
0x201: {  	v11 =	vsub.f32 $0.0e+00, v15;
	v10 =	vpop (erf)  }
0x202: {  	v10 =	vadd.f32 $1.000000000e+00, v10  }
0x203: {  	v11 =	vmul.f32 $1.442695020e+00, v11  }
0x204: {  	(erf) = vrcp.f32 v10  }
0x205: {  	(erf) = vpow2.f32 v11;
	_ =	sdelay $0x7  }
0x206: {  	v15 =	vpop (erf)  }
0x207: {  	v11 =	vsub.f32 $0.0e+00, v16;
	v10 =	vpop (erf)  }
0x208: {  	v10 =	vadd.f32 $1.000000000e+00, v10  }
0x209: {  	v11 =	vmul.f32 $1.442695020e+00, v11  }
0x20a: {  	(erf) = vrcp.f32 v10  }
0x20b: {  	(erf) = vpow2.f32 v11;
	_ =	sdelay $0x7  }
0x20c: {  	v16 =	vpop (erf)  }
0x20d: {  	v11 =	vsub.f32 $0.0e+00, v17;
	v10 =	vpop (erf)  }
0x20e: {  	v10 =	vadd.f32 $1.000000000e+00, v10  }
0x20f: {  	v11 =	vmul.f32 $1.442695020e+00, v11  }
0x210: {  	(erf) = vrcp.f32 v10  }
0x211: {  	(erf) = vpow2.f32 v11;
	_ =	sdelay $0x7  }
0x212: {  	v17 =	vpop (erf)  }
0x213: {  	v11 =	vsub.f32 $0.0e+00, v20;
	v10 =	vpop (erf)  }
0x214: {  	v10 =	vadd.f32 $1.000000000e+00, v10  }
0x215: {  	v11 =	vmul.f32 $1.442695020e+00, v11  }
0x216: {  	(erf) = vrcp.f32 v10  }
0x217: {  	(erf) = vpow2.f32 v11;
	_ =	sdelay $0x7  }
0x218: {  	v10 =	vadd.s32 v4, v28;
	v20 =	vpop (erf)  }
0x219: {  	v19 =	vsub.f32 $0.0e+00, v19;
	v11 =	vand.u32 $0x7FFFFC00, v29;
	v10 =	vor.u32 v26, v10;
	v26 =	vpop (erf)  }
0x21a: {  	v27 =	vand.u32 $0x7F, v27;
	v11 =	vadd.s32 v4, v11;
	v26 =	vadd.f32 $1.000000000e+00, v26  }
0x21b: {  	v19 =	vmul.f32 $1.442695020e+00, v19;
	v11 =	vor.u32 v27, v11  }
0x21c: {  	v22 =	vld.idx.msk [tilespmem:v22+s2+$0x0], $0xffff;
	(erf) = vrcp.f32 v26  }
0x21d: {  	v21 =	vld.idx.msk [tilespmem:v21+s2+$0x0], $0xffff;
	(erf) = vpow2.f32 v19  }
0x21e: {  	v10 =	vld.idx.msk [tilespmem:v10+s2+$0x0], $0xffff  }
0x21f: {  	v19 =	vld.idx.msk [tilespmem:v25+s2+$0x0], $0xffff  }
0x220: {  	v11 =	vld.idx.msk [tilespmem:v11+s2+$0x0], $0xffff;
	v25 =	vmax.f32 v18, v23  }
0x221: {  	v26 =	vmax.f32 v25, v22  }
0x222: {  	v27 =	vmax.f32 v26, v21  }
0x223: {  	v28 =	vmax.f32 v27, v10  }
0x224: {  	v29 =	vmax.f32 v28, v19  }
0x225: {  	v31 =	vmax.f32 v29, v11;
	v32 =	vpop (erf)  }
0x226: {  	v31 =	vsub.f32 $0.0e+00, v31;
	v33 =	vpop (erf)  }
0x227: {  	v33 =	vadd.f32 $1.000000000e+00, v33  }
0x228: {  	v31 =	vmul.f32 $1.442695020e+00, v31  }
0x229: {  	(erf) = vrcp.f32 v33  }
0x22a: {  	(erf) = vpow2.f32 v31  }
0x22b: {  	v18 =	vmin.f32 v18, v23  }
0x22c: {  	v18 =	vmax.f32 v24, v18;
	v22 =	vmin.f32 v25, v22  }
0x22d: {  	v18 =	vmax.f32 v18, v22;
	v21 =	vmin.f32 v26, v21  }
0x22e: {  	v18 =	vmax.f32 v18, v21;
	v10 =	vmin.f32 v27, v10  }
0x22f: {  	v10 =	vmax.f32 v18, v10;
	v18 =	vmin.f32 v28, v19  }
0x230: {  	v11 =	vmin.f32 v29, v11  }
0x231: {  	v10 =	vmax.f32 v10, v18  }
0x232: {  	v10 =	vmax.f32 v10, v11;
	v18 =	vpop (erf)  }
0x233: {  	v10 =	vsub.f32 $0.0e+00, v10;
	v11 =	vpop (erf)  }
0x234: {  	v11 =	vadd.f32 $1.000000000e+00, v11  }
0x235: {  	v10 =	vmul.f32 $1.442695020e+00, v10  }
0x236: {  	(erf) = vrcp.f32 v11  }
0x237: {  	(erf) = vpow2.f32 v10;
	_ =	sdelay $0x7  }
0x238: {  	v19 =	vpop (erf)  }
0x239: {  	v10 =	vpop (erf)  }
0x23a: {  	v11 =	vadd.f32 v9, v8;
	v21 =	vadd.f32 $1.000000000e+00, v10  }
0x23b: {  	v10 =	vadd.f32 v7, v6;
	v7 =	vadd.f32 v13, v30  }
0x23c: {  	(erf) = vrcp.f32 v21  }
0x23d: {  	v6 =	vadd.f32 v14, v12;
	vm0 =	vgt.f32 v11, v10;
	vm1 =	vgt.f32 v7, v10  }
0x23e: {  	v9 =	vsel vm0, $0x3F800000, v2;
	v12 =	vsel vm1, $0x3F800000, v2  }
0x23f: {  	vm0 =	vgt.f32 v6, v10;
	v12 =	vadd.f32 v12, v9  }
0x240: {  	v8 =	vadd.f32 v16, v15;
	v13 =	vsel vm0, $0x3F800000, v2  }
0x241: {  	v13 =	vadd.f32 v13, v12  }
0x242: {  	v9 =	vadd.f32 v20, v17;
	vm0 =	vgt.f32 v8, v10  }
0x243: {  	v14 =	vsel vm0, $0x3F800000, v2  }
0x244: {  	v12 =	vadd.f32 v18, v32;
	vm0 =	vgt.f32 v9, v10;
	v14 =	vadd.f32 v14, v13  }
0x245: {  	v15 =	vsel vm0, $0x3F800000, v2;
	v13 =	vpop (erf)  }
0x246: {  	vm0 =	vgt.f32 v12, v10;
	v14 =	vadd.f32 v15, v14;
	v13 =	vadd.f32 v13, v19  }
0x247: {  	v15 =	vsel vm0, $0x3F800000, v2  }
0x248: {  	v14 =	vadd.f32 v15, v14;
	vm0 =	vgt.f32 v13, v10  }
0x249: {  	v15 =	vsel vm0, $0x3F800000, v2  }
0x24a: {  	v14 =	vadd.f32 v15, v14  }
0x24b: {  	s14 =	simm.s32 $0x1  }
0x24c: {  	s12 =	simm.s32 $0x3;
	vm0 =	vlt.f32 v14, $4.000000000e+00;
	v14 =	vor.u32 s14, v4  }
0x24d: {  	s15 =	simm.s32 $0x0;
	v15 =	vor.u32 s12, v4  }
0x24e: {  	s13 =	simm.s32 $0x2;
	v16 =	vor.u32 s15, v4  }
0x24f: {  	v17 =	vor.u32 s13, v4;
	_ =	sdelay $0x1  }
0x250: {  	v18 =	vld.idx.msk [tilespmem:v14+s2+$0x0], $0xffff  }
0x251: {  	v14 =	vld.idx.msk [tilespmem:v15+s2+$0x0], $0xffff  }
0x252: {  	v15 =	vld.idx.msk [tilespmem:v16+s2+$0x0], $0xffff  }
0x253: {  	v17 =	vld.idx.msk [tilespmem:v17+s2+$0x0], $0xffff  }
0x254: {  	v34 =	vimm.f32 $-Inf;
	v23 =	vimm.s32 $0x0  }
0x255: {  	v25 =	vimm.s32 $0x0;
	v24 =	vimm.f32 $-Inf;
	v33 =	vimm.s32 $0x0  }
0x256: {  	v30 =	vimm.f32 $-Inf;
	v21 =	vimm.f32 $-Inf;
	v20 =	vimm.s32 $0x0  }
0x257: {  	v14 =	vnsel vm0, $0xFF800000, v14;
	v32 =	vnsel vm0, $0xFF800000, v15;
	v16 =	vnsel vm0, $0xFF800000, v18  }
0x258: {  	v15 =	vnsel vm0, $0xFF800000, v17;
	v18 =	vimm.s32 $0x0;
	vm4 =	vgt.f32 v32, v30  }
0x259: {  	v39 =	vsel vm4, v32, v30;
	v41 =	vsel vm4, v30, v32;
	v43 =	vnsel vm4, s15, v25  }
0x25a: {  	v17 =	vsel vm4, s15, v25;
	vm1 =	vmmov vm4;
	vm7 =	vmmov vm4  }
0x25b: {  	vm6 =	vmmov vm4;
	vm8 =	vmmov vm4;
	vm2 =	vmmov vm4  }
0x25c: {  	v40 =	vsel vm4, v41, v30;
	vm9 =	vgt.f32 v16, v39;
	v27 =	vsel vm4, v43, v25  }
0x25d: {  	v37 =	vmovc v43;
	v35 =	vmovc v41;
	v38 =	vmov v41;
	vm5 =	vgt.f32 v16, v40;
	v42 =	vsel vm9, s14, v17  }
0x25e: {  	v29 =	vmovc v43;
	v26 =	vmovc v43;
	v44 =	vsel vm9, v16, v39;
	v36 =	vnsel vm9, s14, v17;
	v17 =	vimm.s32 $0x0  }
0x25f: {  	s16 =	simm.s32 $0x4;
	v28 =	vmovc v40;
	v22 =	vmovc v40;
	v31 =	vsel vm5, v40, v16;
	v19 =	vsel vm5, v40, v16;
	vm3 =	vmmov vm5  }
.LBB2_19:
0x260: {  	p0 =	slt.u32 s16, $0x1C;
	v25 =	vsel vm4, v43, v25;
	v39 =	vsel vm9, v39, v16;
	vm9 =	vgt.f32 v15, v44;
	s20 =	smov.u32 s16;
	s16 =	sadd.s32 $0x4, s16  }
0x261: {  	v39 =	vsel vm5, v39, v40;
	v40 =	vsel vm9, v15, v44;
	v43 =	vsel vm9, v44, v15  }
0x262: {  	v41 =	vsel vm1, v41, v30;
	s19 =	sadd.s32 $0x1, s20;
	v44 =	vsel vm9, s13, v42;
	v42 =	vnsel vm9, s13, v42  }
0x263: {  	v30 =	vsel vm1, v30, v32;
	v45 =	vor.u32 s19, v4;
	vm9 =	vgt.f32 v14, v40  }
0x264: {  	v32 =	vnsel vm1, s15, v20;
	s18 =	sadd.s32 $0x2, s20;
	v30 =	vsel vm7, v30, v34;
	v34 =	vsel vm9, v40, v14  }
0x265: {  	s17 =	sadd.s32 $0x3, s20;
	v32 =	vsel vm7, v32, v33;
	v33 =	vnsel vm3, s14, v27;
	v46 =	vor.u32 s18, v4  }
0x266: {  	v48 =	vnsel vm6, s15, v18;
	s15 =	smov.u32 s20;
	v47 =	vor.u32 s17, v4  }
0x267: {  	v18 =	vsel vm6, v37, v18;
	v21 =	vsel vm8, v35, v21;
	v35 =	vnsel vm9, s12, v44  }
0x268: {  	v23 =	vsel vm8, v48, v23;
	vm6 =	vgt.f32 v16, v21;
	v37 =	vnsel vm5, s14, v18  }
0x269: {  	v24 =	vsel vm4, v38, v24;
	v18 =	vsel vm5, v36, v18;
	vm4 =	vgt.f32 v15, v39  }
0x26a: {  	v36 =	vsel vm6, v37, v23;
	v37 =	vsel vm6, v21, v16;
	v38 =	vsel vm4, v42, v18  }
0x26b: {  	v23 =	vnsel vm6, s14, v23;
	v42 =	vsel vm4, v43, v39  }
0x26c: {  	vm5 =	vgt.f32 v16, v24;
	v21 =	vsel vm6, v31, v21;
	v43 =	vnsel vm4, s13, v18  }
0x26d: {  	vm6 =	vgt.f32 v15, v21;
	v18 =	vsel vm4, v39, v15;
	vm4 =	vgt.f32 v14, v42  }
0x26e: {  	v37 =	vsel vm5, v37, v24;
	v39 =	vsel vm6, v21, v15;
	v48 =	vnsel vm6, s13, v36  }
0x26f: {  	v49 =	vnsel vm5, s14, v25;
	v40 =	vsel vm9, v14, v40;
	v50 =	vsel vm6, v18, v21  }
0x270: {  	v25 =	vsel vm5, v23, v25;
	v31 =	vsel vm9, s12, v44;
	v18 =	vsel vm4, v35, v38  }
0x271: {  	v27 =	vsel vm3, v49, v27;
	v21 =	vsel vm4, v42, v14;
	v23 =	vnsel vm4, s12, v38  }
0x272: {  	v24 =	vsel vm5, v24, v16;
	v35 =	vsel vm6, v43, v36;
	v36 =	vsel vm4, v34, v42  }
0x273: {  	v28 =	vsel vm3, v24, v28;
	vm3 =	vgt.f32 v15, v37  }
0x274: {  	v20 =	vsel vm1, v29, v20;
	vm1 =	vgt.f32 v16, v30;
	vm4 =	vgt.f32 v14, v50  }
0x275: {  	v29 =	vsel vm3, v39, v37;
	v24 =	vnsel vm3, s13, v25;
	v21 =	vsel vm4, v21, v50  }
0x276: {  	v17 =	vsel vm2, v26, v17;
	v26 =	vsel vm3, v37, v15;
	v23 =	vsel vm4, v23, v35  }
0x277: {  	vm2 =	vgt.f32 v15, v28;
	v34 =	vsel vm3, v48, v25;
	v37 =	vsel vm4, v50, v14  }
0x278: {  	v38 =	vnsel vm2, s13, v27;
	vm3 =	vgt.f32 v14, v29;
	v25 =	vnsel vm4, s12, v35  }
0x279: {  	v26 =	vsel vm2, v26, v28;
	v27 =	vsel vm2, v24, v27;
	v25 =	vsel vm3, v25, v34  }
0x27a: {  	vm4 =	vgt.f32 v16, v22;
	v24 =	vsel vm3, v37, v29;
	v34 =	vnsel vm3, s12, v34  }
0x27b: {  	v19 =	vsel vm4, v19, v22;
	v33 =	vsel vm4, v33, v17;
	v22 =	vsel vm4, v22, v16  }
0x27c: {  	v28 =	vsel vm2, v28, v15;
	v17 =	vnsel vm4, s14, v17;
	vm4 =	vgt.f32 v14, v26  }
0x27d: {  	vm5 =	vgt.f32 v16, v41;
	vm2 =	vgt.f32 v15, v19;
	v35 =	vsel vm4, v26, v14  }
0x27e: {  	v22 =	vsel vm5, v22, v41;
	v37 =	vsel vm5, v17, v20;
	v17 =	vnsel vm5, s14, v20;
	s14 =	smov.u32 s19  }
0x27f: {  	v42 =	vsel vm4, v34, v27;
	v20 =	vsel vm1, v17, v32;
	v17 =	vnsel vm4, s12, v27  }
0x280: {  	v16 =	vsel vm5, v41, v16;
	v29 =	vsel vm3, v29, v14;
	v27 =	vor.u32 s15, v4  }
0x281: {  	v29 =	vsel vm4, v29, v26;
	v28 =	vsel vm2, v28, v19;
	v32 =	vsel vm2, v38, v33  }
0x282: {  	v16 =	vsel vm1, v16, v30;
	vm1 =	vgt.f32 v15, v22;
	vm3 =	vgt.f32 v14, v28;
	v26 =	vld.idx.msk [tilespmem:v45+s2+$0x0], $0xffff  }
0x283: {  	v30 =	vnsel vm2, s13, v33;
	v41 =	vsel vm3, v35, v28;
	v33 =	vnsel vm3, s12, v32;
	v38 =	vld.idx.msk [tilespmem:v47+s2+$0x0], $0xffff  }
0x284: {  	vm4 =	vgt.f32 v15, v16;
	v34 =	vsel vm1, v22, v15;
	v17 =	vsel vm3, v17, v32;
	v35 =	vld.idx.msk [tilespmem:v46+s2+$0x0], $0xffff  }
0x285: {  	v15 =	vsel vm2, v19, v15;
	v16 =	vsel vm4, v34, v16;
	v19 =	vsel vm3, v28, v14;
	v27 =	vld.idx.msk [tilespmem:v27+s2+$0x0], $0xffff  }
0x286: {  	v15 =	vsel vm1, v15, v22;
	v22 =	vnsel vm1, s13, v37;
	s13 =	smov.u32 s18;
	vm2 =	vgt.f32 v14, v16  }
0x287: {  	v28 =	vsel vm1, v30, v37;
	v22 =	vsel vm4, v22, v20;
	vm1 =	vgt.f32 v14, v15  }
0x288: {  	v30 =	vsel vm1, v19, v15;
	v20 =	vsel vm1, v33, v28;
	v14 =	vsel vm1, v15, v14  }
0x289: {  	v15 =	vnsel vm1, s12, v28;
	s12 =	smov.u32 s17;
	v34 =	vsel vm2, v14, v16  }
0x28a: {  	v33 =	vsel vm2, v15, v22;
	v14 =	vnsel vm0, $0xFF800000, v38  }
0x28b: {  	v16 =	vnsel vm0, $0xFF800000, v26;
	v15 =	vnsel vm0, $0xFF800000, v35;
	v32 =	vnsel vm0, $0xFF800000, v27  }
0x28c: {  	vm3 =	vgt.f32 v32, v40;
	vm6 =	vgt.f32 v32, v36;
	vm7 =	vgt.f32 v32, v34  }
0x28d: {  	vm4 =	vgt.f32 v32, v24;
	vm5 =	vgt.f32 v32, v29;
	vm1 =	vgt.f32 v32, v30  }
0x28e: {  	v39 =	vsel vm3, v32, v40;
	v19 =	vsel vm3, v40, v32;
	v22 =	vnsel vm4, s15, v25  }
0x28f: {  	v45 =	vsel vm3, s15, v31;
	v35 =	vsel vm6, v36, v32;
	v40 =	vsel vm6, v19, v36  }
0x290: {  	v26 =	vnsel vm5, s15, v42;
	v19 =	vsel vm4, v24, v32;
	v27 =	vsel vm5, v22, v42  }
0x291: {  	vm2 =	vgt.f32 v32, v41;
	v28 =	vsel vm5, v19, v29;
	v19 =	vsel vm5, v29, v32  }
.Ltmp8:
0x292: {  	v37 =	vnsel vm3, s15, v31;
	vm9 =	vgt.f32 v16, v39;
	vm3 =	vgt.f32 v16, v28;
	(pc) =	sbr.rel @p0 .LBB2_19-.Ltmp8, $4  }
0x293: {  	vm8 =	vgt.f32 v32, v21;
	vm5 =	vgt.f32 v16, v40;
	v22 =	vsel vm2, v19, v41  }
0x294: {  	v29 =	vnsel vm2, s15, v17;
	v42 =	vsel vm9, s14, v45;
	v41 =	vsel vm2, v41, v32  }
0x295: {  	v43 =	vnsel vm8, s15, v23;
	v31 =	vsel vm5, v40, v16;
	v19 =	vsel vm3, v28, v16  }
0x296: {  	v38 =	vsel vm8, v21, v32;
	v44 =	vsel vm9, v16, v39;
	v36 =	vnsel vm9, s14, v45  }
0x297: {  	v39 =	vsel vm9, v39, v16;
	vm0 =	vgt.f32 v15, v44;
	v25 =	vsel vm4, v43, v25  }
0x298: {  	v41 =	vsel vm1, v41, v30;
	v30 =	vsel vm1, v30, v32;
	v60 =	vnsel vm1, s15, v20  }
0x299: {  	v45 =	vnsel vm6, s15, v18;
	v18 =	vsel vm6, v37, v18;
	v21 =	vsel vm8, v35, v21  }
0x29a: {  	v24 =	vsel vm4, v38, v24;
	v29 =	vsel vm1, v29, v20;
	v39 =	vsel vm5, v39, v40  }
0x29b: {  	v56 =	vsel vm0, v15, v44;
	v57 =	vsel vm0, v44, v15;
	v58 =	vsel vm0, s13, v42  }
0x29c: {  	v59 =	vnsel vm0, s13, v42;
	v30 =	vsel vm7, v30, v34;
	v32 =	vsel vm7, v60, v33  }
0x29d: {  	v33 =	vnsel vm3, s14, v27;
	v23 =	vsel vm8, v45, v23;
	vm6 =	vgt.f32 v16, v21  }
0x29e: {  	v37 =	vnsel vm5, s14, v18;
	v18 =	vsel vm5, v36, v18;
	vm5 =	vgt.f32 v16, v24  }
0x29f: {  	vm0 =	vgt.f32 v14, v56;
	vm4 =	vgt.f32 v15, v39;
	v63 =	vsel vm6, v37, v23  }
0x2a0: {  	v48 =	vsel vm6, v21, v16;
	v50 =	vnsel vm6, s14, v23;
	v21 =	vsel vm6, v31, v21  }
0x2a1: {  	v46 =	vnsel vm5, s14, v25;
	v55 =	vsel vm5, v24, v16;
	v61 =	vsel vm0, v56, v14  }
0x2a2: {  	v62 =	vnsel vm0, s12, v58;
	v49 =	vsel vm4, v59, v18;
	v43 =	vsel vm4, v57, v39  }
0x2a3: {  	v31 =	vnsel vm4, s13, v18;
	vm6 =	vgt.f32 v15, v21;
	v18 =	vsel vm4, v39, v15  }
0x2a4: {  	v37 =	vsel vm5, v48, v24;
	v23 =	vsel vm0, v14, v56;
	v53 =	vsel vm5, v50, v25  }
0x2a5: {  	v27 =	vsel vm3, v46, v27;
	v28 =	vsel vm3, v55, v28;
	v57 =	vsel vm2, v26, v17  }
0x2a6: {  	vm4 =	vgt.f32 v14, v43;
	v51 =	vsel vm6, v21, v15;
	v52 =	vnsel vm6, s13, v63  }
0x2a7: {  	v47 =	vsel vm6, v18, v21;
	v21 =	vsel vm0, s12, v58;
	v31 =	vsel vm6, v31, v63  }
0x2a8: {  	vm3 =	vgt.f32 v15, v37;
	vm0 =	vgt.f32 v16, v30;
	vm2 =	vgt.f32 v15, v28  }
0x2a9: {  	v18 =	vsel vm4, v62, v49;
	v25 =	vsel vm4, v43, v14;
	v54 =	vnsel vm4, s12, v49  }
0x2aa: {  	v24 =	vsel vm4, v61, v43;
	vm1 =	vgt.f32 v14, v47;
	v56 =	vsel vm3, v51, v37  }
0x2ab: {  	v20 =	vnsel vm3, s13, v53;
	v26 =	vsel vm3, v37, v15;
	v58 =	vsel vm3, v52, v53  }
0x2ac: {  	v60 =	vnsel vm2, s13, v27;
	v40 =	vsel vm2, v28, v15;
	v25 =	vsel vm1, v25, v47  }
0x2ad: {  	v17 =	vsel vm1, v54, v31;
	v59 =	vsel vm1, v47, v14;
	vm3 =	vgt.f32 v14, v56  }
0x2ae: {  	v31 =	vnsel vm1, s12, v31;
	v61 =	vsel vm2, v26, v28;
	v27 =	vsel vm2, v20, v27  }
0x2af: {  	vm1 =	vgt.f32 v16, v22;
	vm2 =	vgt.f32 v16, v41;
	v26 =	vsel vm3, v31, v58  }
0x2b0: {  	v31 =	vnsel vm3, s12, v58;
	v62 =	vsel vm1, v19, v22;
	v19 =	vsel vm1, v33, v57  }
0x2b1: {  	v22 =	vsel vm1, v22, v16;
	v63 =	vnsel vm1, s14, v57;
	vm1 =	vgt.f32 v14, v61  }
0x2b2: {  	v28 =	vnsel vm2, s14, v29;
	v16 =	vsel vm2, v41, v16;
	vm4 =	vgt.f32 v15, v62  }
0x2b3: {  	v42 =	vsel vm1, v61, v14;
	v22 =	vsel vm2, v22, v41;
	v33 =	vsel vm2, v63, v29  }
0x2b4: {  	v32 =	vsel vm0, v28, v32;
	v28 =	vsel vm1, v31, v27;
	v27 =	vnsel vm1, s12, v27  }
0x2b5: {  	v29 =	vsel vm3, v56, v14;
	v30 =	vsel vm0, v16, v30;
	v31 =	vsel vm4, v40, v62  }
0x2b6: {  	v43 =	vsel vm4, v60, v19;
	v29 =	vsel vm1, v29, v61;
	vm0 =	vgt.f32 v15, v22  }
0x2b7: {  	v44 =	vnsel vm4, s13, v19;
	vm2 =	vgt.f32 v15, v30;
	vm1 =	vgt.f32 v14, v31  }
0x2b8: {  	v46 =	vsel vm0, v22, v15;
	v15 =	vsel vm4, v62, v15;
	v16 =	vsel vm1, v42, v31  }
0x2b9: {  	v45 =	vnsel vm1, s12, v43;
	v19 =	vsel vm1, v27, v43;
	v30 =	vsel vm2, v46, v30  }
0x2ba: {  	v27 =	vsel vm1, v31, v14;
	v22 =	vsel vm0, v15, v22;
	v15 =	vnsel vm0, s13, v33  }
0x2bb: {  	v31 =	vsel vm0, v44, v33;
	vm1 =	vgt.f32 v14, v30;
	vm0 =	vgt.f32 v14, v22  }
0x2bc: {  	v32 =	vsel vm2, v15, v32;
	v15 =	vsel vm0, v27, v22;
	v14 =	vsel vm0, v22, v14  }
0x2bd: {  	v33 =	vnsel vm0, s12, v31;
	v27 =	vsel vm0, v45, v31;
	vm0 =	vge.f32 v10, v11  }
0x2be: {  	v22 =	vsel vm1, v14, v30;
	v30 =	vsel vm1, v33, v32;
	vm1 =	vgt.f32 v7, v11  }
0x2bf: {  	v14 =	vsel vm0, $0x3F800000, v2;
	v31 =	vsel vm1, $0x3F800000, v2  }
0x2c0: {  	vm0 =	vgt.f32 v6, v11;
	v14 =	vadd.f32 v31, v14  }
0x2c1: {  	v31 =	vsel vm0, $0x3F800000, v2  }
0x2c2: {  	vm0 =	vgt.f32 v8, v11;
	v14 =	vadd.f32 v31, v14  }
0x2c3: {  	v31 =	vsel vm0, $0x3F800000, v2  }
0x2c4: {  	vm0 =	vgt.f32 v9, v11;
	v14 =	vadd.f32 v31, v14  }
0x2c5: {  	v31 =	vsel vm0, $0x3F800000, v2  }
0x2c6: {  	vm0 =	vgt.f32 v12, v11;
	v14 =	vadd.f32 v31, v14  }
0x2c7: {  	v31 =	vsel vm0, $0x3F800000, v2  }
0x2c8: {  	vm0 =	vgt.f32 v13, v11;
	v14 =	vadd.f32 v31, v14  }
0x2c9: {  	s28 =	simm.s32 $0x0;
	v31 =	vsel vm0, $0x3F800000, v2  }
0x2ca: {  	v31 =	vadd.f32 v31, v14;
	v14 =	vmov s28  }
0x2cb: {  	v14 =	vadd.s32 $0x20, v14  }
0x2cc: {  	s29 =	simm.s32 $0x1;
	v33 =	vbroadcast v14, $0x0  }
0x2cd: {  	v47 =	vmov s29  }
0x2ce: {  	v14 =	vadd.s32 $0x20, v47;
	v48 =	vor.u32 v33, v4  }
0x2cf: {  	v32 =	vbroadcast v14, $0x0;
	_ =	sdelay $0x1  }
0x2d0: {  	s30 =	simm.s32 $0x3;
	v14 =	vshll.u32 v32, $0x3  }
0x2d1: {  	v49 =	vmov s30;
	v14 =	vand.u32 $0x7FFFFC00, v14  }
0x2d2: {  	v35 =	vadd.s32 $0x20, v49;
	v14 =	vadd.s32 v4, v14;
	v34 =	vld.idx.msk [tilespmem:v48+s2+$0x0], $0xffff  }
0x2d3: {  	s31 =	simm.s32 $0x2;
	v50 =	vadd.s32 v32, v14;
	v14 =	vbroadcast v35, $0x0  }
0x2d4: {  	v51 =	vmov s31  }
0x2d5: {  	vm0 =	vlt.f32 v31, $4.000000000e+00;
	v31 =	vadd.s32 $0x20, v51;
	v35 =	vshll.u32 v14, $0x3  }
0x2d6: {  	v40 =	vbroadcast v31, $0x0;
	v35 =	vand.u32 $0x7FFFFC00, v35  }
0x2d7: {  	v20 =	vsel vm3, v59, v56;
	v35 =	vadd.s32 v4, v35;
	v34 =	vnsel vm0, $0xFF800000, v34  }
0x2d8: {  	v58 =	vshll.u32 v40, $0x3;
	v35 =	vadd.s32 v14, v35;
	vm2 =	vgt.f32 v34, v24  }
0x2d9: {  	vm5 =	vgt.f32 v34, v25;
	vm4 =	vgt.f32 v34, v15;
	vm3 =	vgt.f32 v34, v23  }
0x2da: {  	vm7 =	vgt.f32 v34, v29;
	vm14 =	vgt.f32 v34, v20;
	vm6 =	vgt.f32 v34, v16  }
0x2db: {  	vm12 =	vgt.f32 v34, v22;
	v37 =	vsel vm4, v27, v33;
	v52 =	vsel vm2, v24, v34  }
0x2dc: {  	v39 =	vsel vm4, v15, v34;
	v31 =	vsel vm5, v17, v33;
	v53 =	vsel vm2, v18, v33  }
0x2dd: {  	v36 =	vld.idx.msk [tilespmem:v50+s2+$0x0], $0xffff;
	v54 =	vsel vm7, v29, v34;
	v55 =	vsel vm7, v28, v33;
	v56 =	vsel vm14, v26, v33  }
0x2de: {  	v59 =	vsel vm3, v23, v34;
	v23 =	vsel vm3, v34, v23;
	v38 =	vsel vm5, v52, v25  }
0x2df: {  	v25 =	vsel vm5, v25, v34;
	v41 =	vsel vm5, v53, v17;
	v17 =	vand.u32 $0x7FFFFC00, v58  }
0x2e0: {  	v26 =	vsel vm14, v31, v26;
	v31 =	vsel vm14, v20, v34;
	v28 =	vsel vm7, v56, v28  }
0x2e1: {  	v24 =	vsel vm2, v59, v24;
	v34 =	vsel vm6, v16, v34;
	v30 =	vsel vm12, v37, v30  }
0x2e2: {  	v16 =	vsel vm6, v54, v16;
	v22 =	vsel vm12, v39, v22;
	v36 =	vnsel vm0, $0xFF800000, v36  }
0x2e3: {  	v17 =	vadd.s32 v4, v17;
	v20 =	vsel vm14, v25, v20;
	v31 =	vsel vm7, v31, v29  }
0x2e4: {  	v29 =	vsel vm3, v33, v21;
	v21 =	vsel vm3, v21, v33;
	v33 =	vsel vm6, v19, v33  }
0x2e5: {  	v19 =	vsel vm6, v55, v19;
	v15 =	vsel vm4, v34, v15;
	vm1 =	vgt.f32 v36, v38  }
0x2e6: {  	v17 =	vadd.s32 v40, v17;
	vm5 =	vgt.f32 v36, v24;
	vm7 =	vgt.f32 v36, v20  }
0x2e7: {  	vm15 =	vgt.f32 v36, v23;
	vm3 =	vgt.f32 v36, v31;
	vm6 =	vgt.f32 v36, v22  }
0x2e8: {  	v18 =	vsel vm2, v21, v18;
	vm13 =	vgt.f32 v36, v15;
	v57 =	vsel vm1, v38, v36  }
0x2e9: {  	v60 =	vsel vm5, v24, v36;
	v61 =	vsel vm1, v41, v32;
	v52 =	vsel vm15, v32, v29  }
0x2ea: {  	v53 =	vsel vm15, v23, v36;
	v48 =	vsel vm3, v31, v36;
	v54 =	vsel vm15, v36, v23  }
0x2eb: {  	v25 =	vld.idx.msk [tilespmem:v35+s2+$0x0], $0xffff;
	v35 =	vsel vm1, v60, v38;
	v62 =	vsel vm7, v57, v20;
	v38 =	vsel vm7, v61, v26  }
0x2ec: {  	v20 =	vsel vm7, v20, v36;
	v26 =	vsel vm7, v26, v32;
	vm7 =	vgt.f32 v36, v16;
	v63 =	vld.idx.msk [tilespmem:v17+s2+$0x0], $0xffff  }
0x2ed: {  	v23 =	vsel vm3, v28, v32;
	v21 =	vsel vm15, v29, v32;
	v56 =	vsel vm7, v48, v16  }
0x2ee: {  	v16 =	vsel vm7, v16, v36;
	v29 =	vsel vm7, v19, v32;
	v58 =	vsel vm7, v23, v19  }
0x2ef: {  	v26 =	vsel vm3, v26, v28;
	v16 =	vsel vm13, v16, v15;
	v15 =	vsel vm13, v15, v36  }
0x2f0: {  	v17 =	vnsel vm0, $0xFF800000, v25;
	v25 =	vsel vm4, v33, v27;
	v27 =	vsel vm5, v18, v32  }
0x2f1: {  	v15 =	vsel vm6, v15, v22;
	v22 =	vsel vm5, v53, v24;
	v55 =	vnsel vm0, $0xFF800000, v63  }
0x2f2: {  	v18 =	vsel vm5, v21, v18;
	v21 =	vsel vm13, v29, v25;
	vm2 =	vgt.f32 v55, v16  }
0x2f3: {  	vm14 =	vgt.f32 v55, v15;
	vm10 =	vgt.f32 v55, v62;
	vm11 =	vgt.f32 v55, v35  }
0x2f4: {  	vm4 =	vgt.f32 v55, v22;
	vm5 =	vgt.f32 v55, v54;
	vm7 =	vgt.f32 v55, v56  }
0x2f5: {  	v24 =	vsel vm2, v16, v55;
	v59 =	vsel vm5, v52, v40;
	v23 =	vsel vm4, v18, v40  }
0x2f6: {  	v29 =	vsel vm2, v21, v40;
	v28 =	vsel vm7, v58, v40;
	v57 =	vsel vm14, v24, v15  }
0x2f7: {  	v15 =	vsel vm1, v27, v41;
	v24 =	vsel vm13, v25, v32;
	v27 =	vsel vm5, v40, v52  }
0x2f8: {  	v25 =	vsel vm5, v55, v54;
	v19 =	vsel vm11, v15, v40;
	v23 =	vsel vm11, v23, v15  }
0x2f9: {  	v15 =	vsel vm10, v62, v55;
	vm1 =	vgt.f32 v17, v25;
	v60 =	vsel vm10, v19, v38  }
0x2fa: {  	v38 =	vsel vm10, v38, v40;
	v19 =	vsel vm6, v24, v30;
	v24 =	vsel vm7, v56, v55  }
0x2fb: {  	v30 =	vsel vm1, v25, v17;
	v61 =	vsel vm14, v29, v19;
	v19 =	vsel vm11, v35, v55  }
0x2fc: {  	v24 =	vsel vm2, v24, v16;
	v29 =	vsel vm2, v28, v21;
	v16 =	vsel vm3, v20, v31  }
0x2fd: {  	v31 =	vsel vm4, v59, v18;
	v44 =	vsel vm10, v19, v62;
	v19 =	vsel vm4, v22, v55  }
0x2fe: {  	vm15 =	vgt.f32 v55, v16;
	vm3 =	vgt.f32 v17, v24;
	vm6 =	vgt.f32 v17, v44  }
0x2ff: {  	v32 =	vsel vm11, v19, v35;
	v19 =	vsel vm5, v54, v55;
	v21 =	vsel vm15, v15, v16  }
0x300: {  	v15 =	vsel vm15, v16, v55;
	v18 =	vsel vm15, v26, v40;
	v34 =	vsel vm15, v38, v26  }
0x301: {  	v63 =	vsel vm3, v24, v17;
	v20 =	vsel vm6, v44, v17;
	v28 =	vsel vm6, v60, v14  }
0x302: {  	v33 =	vsel vm4, v19, v22;
	v15 =	vsel vm7, v15, v56;
	vm2 =	vgt.f32 v17, v21  }
0x303: {  	v19 =	vsel vm1, v14, v27;
	v35 =	vsel vm7, v18, v58;
	vm4 =	vgt.f32 v17, v32  }
0x304: {  	vm7 =	vgt.f32 v17, v57;
	vm5 =	vgt.f32 v17, v15;
	v16 =	vsel vm2, v21, v17  }
0x305: {  	v21 =	vsel vm2, v20, v21;
	v18 =	vsel vm4, v32, v17;
	v20 =	vsel vm3, v29, v14  }
0x306: {  	v62 =	vsel vm4, v23, v14;
	v16 =	vsel vm5, v16, v15;
	v15 =	vsel vm5, v15, v17  }
0x307: {  	v26 =	vsel vm5, v35, v14;
	v20 =	vsel vm7, v20, v61;
	v22 =	vsel vm6, v18, v44  }
0x308: {  	s13 =	simm.s32 $0x4;
	v18 =	vsel vm7, v63, v57;
	v15 =	vsel vm3, v15, v24;
	v24 =	vsel vm6, v62, v60  }
.LBB2_21:
0x309: {  	s14 =	sadd.s32 $0x1, s13  }
0x30a: {  	v36 =	vmov s13;
	s15 =	sadd.s32 $0x2, s13;
	vm6 =	vgt.f32 v17, v33;
	v37 =	vsel vm1, v27, v14;
	s16 =	smov.u32 s13;
	s12 =	sadd.s32 $0x4, s13  }
0x30b: {  	p0 =	slt.u32 s13, $0x1C;
	v27 =	vadd.s32 $0x20, v36;
	v36 =	vmov s14;
	v38 =	vsel vm6, v33, v17  }
0x30c: {  	s13 =	sadd.s32 $0x3, s16;
	v39 =	vbroadcast v27, $0x0;
	v27 =	vadd.s32 $0x20, v36;
	v36 =	vsel vm6, v31, v14  }
0x30d: {  	v40 =	vmov s13;
	v32 =	vsel vm4, v38, v32;
	v27 =	vbroadcast v27, $0x0  }
0x30e: {  	v30 =	vsel vm6, v30, v33;
	v40 =	vadd.s32 $0x20, v40;
	v38 =	vor.u32 v39, v4  }
0x30f: {  	v41 =	vsel vm2, v34, v14;
	v14 =	vbroadcast v40, $0x0;
	v33 =	vshll.u32 v27, $0x3  }
0x310: {  	v29 =	vsel vm3, v26, v29;
	v40 =	vmov s15;
	v33 =	vand.u32 $0x7FFFFC00, v33  }
0x311: {  	v35 =	vsel vm5, v41, v35;
	v26 =	vadd.s32 v4, v33;
	v33 =	vshll.u32 v14, $0x3  }
0x312: {  	v40 =	vadd.s32 $0x20, v40;
	v26 =	vadd.s32 v27, v26;
	v33 =	vand.u32 $0x7FFFFC00, v33  }
0x313: {  	v17 =	vsel vm1, v17, v25;
	v25 =	vsel vm6, v37, v31;
	v38 =	vld.idx.msk [tilespmem:v38+s2+$0x0], $0xffff;
	v33 =	vadd.s32 v4, v33  }
0x314: {  	v28 =	vsel vm2, v28, v34;
	v23 =	vsel vm4, v36, v23;
	v31 =	vadd.s32 v14, v33;
	_ =	sdelay $0x2  }
0x315: {  	v26 =	vld.idx.msk [tilespmem:v26+s2+$0x0], $0xffff;
	_ =	sdelay $0x1  }
0x316: {  	v33 =	vnsel vm0, $0xFF800000, v38  }
0x317: {  	vm2 =	vgt.f32 v33, v30;
	vm8 =	vgt.f32 v33, v32;
	vm4 =	vgt.f32 v33, v15  }
0x318: {  	vm3 =	vgt.f32 v33, v17;
	vm5 =	vgt.f32 v33, v21;
	v34 =	vsel vm4, v29, v39  }
0x319: {  	vm7 =	vgt.f32 v33, v22;
	v36 =	vsel vm2, v30, v33;
	v37 =	vsel vm4, v15, v33  }
0x31a: {  	v36 =	vsel vm8, v36, v32;
	v38 =	vnsel vm0, $0xFF800000, v26;
	v26 =	vbroadcast v40, $0x0  }
0x31b: {  	v32 =	vsel vm8, v32, v33;
	v40 =	vsel vm8, v23, v39;
	vm1 =	vgt.f32 v38, v36  }
0x31c: {  	v41 =	vsel vm2, v25, v39;
	v42 =	vsel vm5, v21, v33;
	v43 =	vsel vm5, v28, v39  }
0x31d: {  	v44 =	vsel vm7, v24, v39;
	v45 =	vsel vm1, v36, v38;
	v46 =	vshll.u32 v26, $0x3  }
0x31e: {  	vm6 =	vgt.f32 v33, v16;
	v23 =	vsel vm8, v41, v23;
	v41 =	vand.u32 $0x7FFFFC00, v46  }
0x31f: {  	v24 =	vsel vm7, v40, v24;
	v40 =	vsel vm7, v22, v33;
	v41 =	vadd.s32 v4, v41  }
0x320: {  	v28 =	vsel vm5, v44, v28;
	v46 =	vsel vm3, v17, v33;
	v41 =	vadd.s32 v26, v41  }
0x321: {  	v22 =	vsel vm7, v32, v22;
	v21 =	vsel vm5, v40, v21;
	v30 =	vsel vm2, v46, v30  }
0x322: {  	v32 =	vsel vm3, v33, v17;
	vm8 =	vgt.f32 v38, v22;
	vm5 =	vgt.f32 v38, v30;
	v17 =	vld.idx.msk [tilespmem:v31+s2+$0x0], $0xffff  }
0x323: {  	v40 =	vsel vm5, v30, v38;
	v31 =	vsel vm3, v39, v19;
	v19 =	vsel vm3, v19, v39  }
0x324: {  	vm7 =	vgt.f32 v38, v32;
	v36 =	vsel vm1, v40, v36;
	v40 =	vsel vm1, v23, v27  }
0x325: {  	vm9 =	vgt.f32 v33, v18;
	v44 =	vsel vm8, v45, v22;
	vm3 =	vgt.f32 v38, v21;
	v41 =	vld.idx.msk [tilespmem:v41+s2+$0x0], $0xffff  }
0x326: {  	v33 =	vsel vm6, v16, v33;
	v46 =	vsel vm7, v32, v38;
	v45 =	vsel vm7, v27, v31  }
0x327: {  	v40 =	vsel vm8, v40, v24;
	v39 =	vsel vm6, v35, v39;
	v47 =	vsel vm3, v21, v38  }
0x328: {  	v20 =	vsel vm9, v34, v20;
	v22 =	vsel vm8, v22, v38;
	v17 =	vnsel vm0, $0xFF800000, v17  }
0x329: {  	v34 =	vsel vm6, v43, v35;
	v24 =	vsel vm8, v24, v27;
	v29 =	vsel vm4, v39, v29  }
0x32a: {  	v18 =	vsel vm9, v37, v18;
	v16 =	vsel vm6, v42, v16;
	v35 =	vsel vm7, v38, v32  }
0x32b: {  	vm8 =	vgt.f32 v38, v16;
	vm6 =	vgt.f32 v38, v18;
	v37 =	vnsel vm0, $0xFF800000, v41  }
0x32c: {  	v15 =	vsel vm4, v33, v15;
	v32 =	vsel vm3, v28, v27;
	v39 =	vsel vm8, v47, v16  }
0x32d: {  	vm11 =	vgt.f32 v38, v15;
	v19 =	vsel vm2, v19, v25;
	v16 =	vsel vm8, v16, v38  }
0x32e: {  	v25 =	vsel vm7, v31, v27;
	v16 =	vsel vm11, v16, v15;
	v15 =	vsel vm11, v15, v38  }
0x32f: {  	v31 =	vsel vm5, v19, v27;
	v15 =	vsel vm6, v15, v18;
	vm2 =	vgt.f32 v37, v16  }
0x330: {  	v18 =	vsel vm5, v46, v30;
	vm10 =	vgt.f32 v37, v15;
	v30 =	vsel vm2, v16, v37  }
0x331: {  	v33 =	vsel vm8, v34, v27;
	vm9 =	vgt.f32 v37, v44;
	v38 =	vsel vm10, v30, v15  }
0x332: {  	vm7 =	vgt.f32 v37, v36;
	v15 =	vsel vm1, v31, v23;
	v30 =	vsel vm11, v29, v27  }
0x333: {  	v34 =	vsel vm8, v32, v34;
	vm4 =	vgt.f32 v37, v18;
	v31 =	vsel vm7, v15, v26  }
0x334: {  	v41 =	vsel vm5, v25, v19;
	v19 =	vsel vm11, v33, v29;
	vm5 =	vgt.f32 v37, v35  }
0x335: {  	v42 =	vsel vm5, v45, v26;
	v23 =	vsel vm4, v41, v26;
	v29 =	vsel vm2, v19, v26  }
0x336: {  	v27 =	vsel vm5, v26, v45;
	v23 =	vsel vm7, v23, v15;
	v43 =	vsel vm9, v31, v40  }
0x337: {  	v25 =	vsel vm5, v37, v35;
	v15 =	vsel vm9, v44, v37;
	v40 =	vsel vm9, v40, v26  }
0x338: {  	v24 =	vsel vm3, v24, v28;
	vm8 =	vgt.f32 v37, v39;
	v20 =	vsel vm6, v30, v20  }
0x339: {  	v28 =	vsel vm8, v39, v37;
	v30 =	vsel vm8, v34, v26;
	v20 =	vsel vm10, v29, v20  }
0x33a: {  	v45 =	vsel vm2, v28, v16;
	v31 =	vsel vm7, v36, v37;
	v29 =	vsel vm2, v30, v19  }
0x33b: {  	v16 =	vsel vm3, v22, v21;
	vm1 =	vgt.f32 v17, v25;
	v22 =	vsel vm9, v31, v44  }
0x33c: {  	v19 =	vsel vm4, v18, v37;
	v30 =	vsel vm1, v25, v17;
	vm6 =	vgt.f32 v17, v22  }
0x33d: {  	v32 =	vsel vm7, v19, v36;
	v21 =	vsel vm6, v22, v17;
	v28 =	vsel vm6, v43, v14  }
0x33e: {  	vm3 =	vgt.f32 v17, v45;
	vm7 =	vgt.f32 v37, v16;
	v19 =	vsel vm5, v35, v37  }
0x33f: {  	v33 =	vsel vm4, v19, v18;
	v18 =	vsel vm7, v15, v16;
	v15 =	vsel vm7, v16, v37  }
0x340: {  	v19 =	vsel vm1, v14, v27;
	v15 =	vsel vm8, v15, v39;
	vm2 =	vgt.f32 v17, v18  }
0x341: {  	v31 =	vsel vm4, v42, v41;
	vm5 =	vgt.f32 v17, v15;
	v16 =	vsel vm2, v18, v17  }
0x342: {  	v26 =	vsel vm7, v24, v26;
	v16 =	vsel vm5, v16, v15;
	v15 =	vsel vm5, v15, v17  }
.Ltmp9:
0x343: {  	vm4 =	vgt.f32 v17, v32;
	v35 =	vsel vm8, v26, v34;
	v15 =	vsel vm3, v15, v45;
	(pc) =	sbr.rel @p0 .LBB2_21-.Ltmp9, $4  }
0x344: {  	v34 =	vsel vm7, v40, v24;
	v21 =	vsel vm2, v21, v18;
	v26 =	vsel vm5, v35, v14  }
0x345: {  	vm7 =	vgt.f32 v17, v38;
	v24 =	vsel vm3, v29, v14;
	v18 =	vsel vm4, v32, v17  }
0x346: {  	v37 =	vsel vm3, v45, v17;
	v36 =	vsel vm4, v23, v14;
	v20 =	vsel vm7, v24, v20  }
0x347: {  	s13 =	smov.u32 s12;
	v24 =	vsel vm6, v36, v43;
	v22 =	vsel vm6, v18, v22;
	v18 =	vsel vm7, v37, v38  }
0x348: {  	vm0 =	vgt.f32 v17, v33;
	v36 =	vsel vm1, v27, v14  }
0x349: {  	v26 =	vsel vm3, v26, v29;
	v27 =	vsel vm0, v33, v17;
	v37 =	vsel vm0, v31, v14  }
0x34a: {  	v30 =	vsel vm0, v30, v33;
	v14 =	vsel vm2, v34, v14;
	v17 =	vsel vm1, v17, v25  }
0x34b: {  	v25 =	vsel vm0, v36, v31;
	vm0 =	vge.f32 v10, v7;
	vm1 =	vge.f32 v11, v7  }
0x34c: {  	v32 =	vsel vm4, v27, v32;
	v27 =	vsel vm5, v14, v35;
	v29 =	vsel vm4, v37, v23  }
0x34d: {  	v23 =	vsel vm2, v28, v34;
	v14 =	vsel vm0, $0x3F800000, v2;
	v28 =	vsel vm1, $0x3F800000, v2  }
0x34e: {  	vm0 =	vgt.f32 v6, v7;
	v14 =	vadd.f32 v28, v14  }
0x34f: {  	v28 =	vsel vm0, $0x3F800000, v2  }
0x350: {  	vm0 =	vgt.f32 v8, v7;
	v14 =	vadd.f32 v28, v14  }
0x351: {  	v28 =	vsel vm0, $0x3F800000, v2  }
0x352: {  	vm0 =	vgt.f32 v9, v7;
	v14 =	vadd.f32 v28, v14  }
0x353: {  	v28 =	vsel vm0, $0x3F800000, v2  }
0x354: {  	vm0 =	vgt.f32 v12, v7;
	v14 =	vadd.f32 v28, v14  }
0x355: {  	v28 =	vsel vm0, $0x3F800000, v2  }
0x356: {  	vm0 =	vgt.f32 v13, v7;
	v14 =	vadd.f32 v28, v14  }
0x357: {  	s12 =	simm.s32 $0x0;
	v28 =	vsel vm0, $0x3F800000, v2  }
0x358: {  	v28 =	vadd.f32 v28, v14;
	v14 =	vmov s12  }
0x359: {  	s29 =	simm.s32 $0x1;
	v14 =	vadd.s32 $0x40, v14  }
0x35a: {  	v31 =	vmov s29;
	v53 =	vbroadcast v14, $0x0  }
0x35b: {  	v14 =	vadd.s32 $0x40, v31  }
0x35c: {  	v31 =	vbroadcast v14, $0x0;
	v54 =	vor.u32 v53, v4;
	_ =	sdelay $0x1  }
0x35d: {  	s30 =	simm.s32 $0x3;
	v14 =	vshll.u32 v31, $0x3  }
0x35e: {  	v55 =	vmov s30;
	v14 =	vand.u32 $0x7FFFFC00, v14  }
0x35f: {  	s31 =	simm.s32 $0x2;
	v35 =	vadd.s32 $0x40, v55;
	v14 =	vadd.s32 v4, v14  }
0x360: {  	v57 =	vmov s31;
	v56 =	vadd.s32 v31, v14;
	v14 =	vbroadcast v35, $0x0;
	v34 =	vld.idx.msk [tilespmem:v54+s2+$0x0], $0xffff  }
0x361: {  	vm0 =	vlt.f32 v28, $4.000000000e+00;
	v28 =	vadd.s32 $0x40, v57  }
0x362: {  	v40 =	vbroadcast v28, $0x0;
	v35 =	vshll.u32 v14, $0x3  }
0x363: {  	v35 =	vand.u32 $0x7FFFFC00, v35  }
0x364: {  	v46 =	vshll.u32 v40, $0x3;
	v35 =	vadd.s32 v4, v35  }
0x365: {  	v60 =	vand.u32 $0x7FFFFC00, v46;
	v35 =	vadd.s32 v14, v35;
	v34 =	vnsel vm0, $0xFF800000, v34  }
0x366: {  	vm2 =	vgt.f32 v34, v30;
	vm5 =	vgt.f32 v34, v32;
	vm4 =	vgt.f32 v34, v15  }
0x367: {  	vm3 =	vgt.f32 v34, v17;
	vm7 =	vgt.f32 v34, v21;
	vm8 =	vgt.f32 v34, v22  }
0x368: {  	vm6 =	vgt.f32 v34, v16;
	vm9 =	vgt.f32 v34, v18;
	v58 =	vsel vm4, v26, v53  }
0x369: {  	v38 =	vsel vm2, v30, v34;
	v39 =	vsel vm4, v15, v34;
	v28 =	vsel vm5, v32, v34  }
0x36a: {  	v59 =	vsel vm5, v29, v53;
	v41 =	vsel vm2, v25, v53;
	v42 =	vsel vm7, v21, v34  }
0x36b: {  	v43 =	vsel vm7, v23, v53;
	v44 =	vsel vm8, v24, v53;
	v61 =	vsel vm8, v22, v34  }
0x36c: {  	v62 =	vsel vm3, v17, v34;
	v63 =	vsel vm3, v53, v19;
	v19 =	vsel vm3, v19, v53  }
0x36d: {  	v36 =	vld.idx.msk [tilespmem:v56+s2+$0x0], $0xffff;
	v33 =	vsel vm6, v27, v53;
	v38 =	vsel vm5, v38, v32;
	v29 =	vsel vm5, v41, v29  }
0x36e: {  	v24 =	vsel vm8, v59, v24;
	v41 =	vadd.s32 v4, v60;
	v23 =	vsel vm7, v44, v23  }
0x36f: {  	v30 =	vsel vm2, v62, v30;
	v22 =	vsel vm8, v28, v22;
	v21 =	vsel vm7, v61, v21  }
0x370: {  	v28 =	vsel vm3, v34, v17;
	v34 =	vsel vm6, v16, v34;
	v20 =	vsel vm9, v58, v20  }
0x371: {  	v26 =	vsel vm4, v33, v26;
	v16 =	vsel vm6, v42, v16;
	v18 =	vsel vm9, v39, v18  }
0x372: {  	v19 =	vsel vm2, v19, v25;
	v36 =	vnsel vm0, $0xFF800000, v36;
	v41 =	vadd.s32 v40, v41  }
0x373: {  	v15 =	vsel vm4, v34, v15;
	vm1 =	vgt.f32 v36, v38;
	vm5 =	vgt.f32 v36, v30  }
0x374: {  	vm7 =	vgt.f32 v36, v22;
	vm12 =	vgt.f32 v36, v28;
	vm3 =	vgt.f32 v36, v21  }
0x375: {  	vm13 =	vgt.f32 v36, v15;
	v45 =	vsel vm1, v38, v36;
	v48 =	vsel vm5, v30, v36  }
0x376: {  	v49 =	vsel vm1, v29, v31;
	v51 =	vsel vm12, v31, v63;
	v52 =	vsel vm12, v28, v36  }
0x377: {  	v47 =	vsel vm3, v21, v36;
	v53 =	vsel vm7, v22, v36;
	v54 =	vsel vm12, v36, v28  }
0x378: {  	v17 =	vld.idx.msk [tilespmem:v35+s2+$0x0], $0xffff;
	v25 =	vsel vm12, v63, v31;
	v28 =	vsel vm5, v19, v31;
	v35 =	vsel vm1, v48, v38  }
0x379: {  	v50 =	vsel vm7, v45, v22;
	v38 =	vsel vm7, v49, v24;
	v22 =	vsel vm6, v43, v27;
	v41 =	vld.idx.msk [tilespmem:v41+s2+$0x0], $0xffff  }
0x37a: {  	v24 =	vsel vm7, v24, v31;
	vm7 =	vgt.f32 v36, v16;
	vm6 =	vgt.f32 v36, v18  }
0x37b: {  	v27 =	vsel vm3, v23, v31;
	v56 =	vsel vm7, v47, v16;
	v16 =	vsel vm7, v16, v36  }
0x37c: {  	v57 =	vsel vm7, v22, v31;
	v59 =	vsel vm7, v27, v22;
	v23 =	vsel vm3, v24, v23  }
0x37d: {  	v17 =	vnsel vm0, $0xFF800000, v17;
	v16 =	vsel vm13, v16, v15;
	v15 =	vsel vm13, v15, v36  }
0x37e: {  	v15 =	vsel vm6, v15, v18;
	v18 =	vsel vm5, v52, v30;
	v55 =	vnsel vm0, $0xFF800000, v41  }
0x37f: {  	vm2 =	vgt.f32 v55, v16;
	vm14 =	vgt.f32 v55, v15;
	vm10 =	vgt.f32 v55, v50  }
0x380: {  	vm11 =	vgt.f32 v55, v35;
	vm7 =	vgt.f32 v55, v56;
	v30 =	vsel vm2, v16, v55  }
0x381: {  	vm4 =	vgt.f32 v55, v18;
	v24 =	vsel vm7, v56, v55;
	v58 =	vsel vm14, v30, v15  }
0x382: {  	v15 =	vsel vm1, v28, v29;
	v28 =	vsel vm13, v26, v31;
	v31 =	vsel vm5, v25, v19  }
0x383: {  	v19 =	vsel vm13, v57, v26;
	vm5 =	vgt.f32 v55, v54;
	v24 =	vsel vm2, v24, v16  }
0x384: {  	v16 =	vsel vm3, v53, v21;
	v29 =	vsel vm11, v15, v40;
	v26 =	vsel vm5, v51, v40  }
0x385: {  	v22 =	vsel vm4, v31, v40;
	v30 =	vsel vm2, v19, v40;
	v27 =	vsel vm5, v40, v51  }
0x386: {  	v25 =	vsel vm5, v55, v54;
	v20 =	vsel vm6, v28, v20;
	v28 =	vsel vm7, v59, v40  }
0x387: {  	vm15 =	vgt.f32 v55, v16;
	vm3 =	vgt.f32 v17, v24;
	v22 =	vsel vm11, v22, v15  }
0x388: {  	v60 =	vsel vm10, v29, v38;
	v15 =	vsel vm10, v50, v55;
	v38 =	vsel vm10, v38, v40  }
0x389: {  	v20 =	vsel vm14, v30, v20;
	v30 =	vsel vm11, v35, v55;
	v29 =	vsel vm2, v28, v19  }
0x38a: {  	vm1 =	vgt.f32 v17, v25;
	v19 =	vsel vm4, v18, v55;
	v31 =	vsel vm4, v26, v31  }
0x38b: {  	v26 =	vsel vm15, v23, v40;
	v63 =	vsel vm3, v24, v17;
	v61 =	vsel vm10, v30, v50  }
0x38c: {  	v30 =	vsel vm1, v25, v17;
	v32 =	vsel vm11, v19, v35;
	v19 =	vsel vm5, v54, v55  }
0x38d: {  	v35 =	vsel vm7, v26, v59;
	v34 =	vsel vm15, v38, v23;
	v23 =	vsel vm3, v29, v14  }
0x38e: {  	vm6 =	vgt.f32 v17, v61;
	v33 =	vsel vm4, v19, v18;
	v18 =	vsel vm15, v15, v16  }
0x38f: {  	v15 =	vsel vm15, v16, v55;
	v19 =	vsel vm1, v14, v27;
	vm4 =	vgt.f32 v17, v32  }
0x390: {  	v21 =	vsel vm6, v61, v17;
	v28 =	vsel vm6, v60, v14;
	v15 =	vsel vm7, v15, v56  }
0x391: {  	vm2 =	vgt.f32 v17, v18;
	vm7 =	vgt.f32 v17, v58;
	v62 =	vsel vm4, v22, v14  }
0x392: {  	vm5 =	vgt.f32 v17, v15;
	v16 =	vsel vm2, v18, v17;
	v21 =	vsel vm2, v21, v18  }
0x393: {  	v18 =	vsel vm4, v32, v17;
	v20 =	vsel vm7, v23, v20;
	v16 =	vsel vm5, v16, v15  }
0x394: {  	v15 =	vsel vm5, v15, v17;
	v26 =	vsel vm5, v35, v14;
	v23 =	vsel vm6, v18, v61  }
0x395: {  	s13 =	simm.s32 $0x4;
	v18 =	vsel vm7, v63, v58;
	v15 =	vsel vm3, v15, v24;
	v24 =	vsel vm6, v62, v60  }
.LBB2_23:
0x396: {  	s14 =	sadd.s32 $0x1, s13  }
0x397: {  	v36 =	vmov s13;
	s15 =	sadd.s32 $0x2, s13;
	vm6 =	vgt.f32 v17, v33;
	v37 =	vsel vm1, v27, v14;
	s16 =	smov.u32 s13;
	s12 =	sadd.s32 $0x4, s13  }
0x398: {  	p0 =	slt.u32 s13, $0x1C;
	v27 =	vadd.s32 $0x40, v36;
	v36 =	vmov s14;
	v38 =	vsel vm6, v33, v17  }
0x399: {  	s13 =	sadd.s32 $0x3, s16;
	v39 =	vbroadcast v27, $0x0;
	v27 =	vadd.s32 $0x40, v36;
	v36 =	vsel vm6, v31, v14  }
0x39a: {  	v40 =	vmov s13;
	v32 =	vsel vm4, v38, v32;
	v27 =	vbroadcast v27, $0x0  }
0x39b: {  	v30 =	vsel vm6, v30, v33;
	v40 =	vadd.s32 $0x40, v40;
	v38 =	vor.u32 v39, v4  }
0x39c: {  	v41 =	vsel vm2, v34, v14;
	v14 =	vbroadcast v40, $0x0;
	v33 =	vshll.u32 v27, $0x3  }
0x39d: {  	v29 =	vsel vm3, v26, v29;
	v40 =	vmov s15;
	v33 =	vand.u32 $0x7FFFFC00, v33  }
0x39e: {  	v35 =	vsel vm5, v41, v35;
	v26 =	vadd.s32 v4, v33;
	v33 =	vshll.u32 v14, $0x3  }
0x39f: {  	v40 =	vadd.s32 $0x40, v40;
	v26 =	vadd.s32 v27, v26;
	v33 =	vand.u32 $0x7FFFFC00, v33  }
0x3a0: {  	v17 =	vsel vm1, v17, v25;
	v25 =	vsel vm6, v37, v31;
	v38 =	vld.idx.msk [tilespmem:v38+s2+$0x0], $0xffff;
	v33 =	vadd.s32 v4, v33  }
0x3a1: {  	v28 =	vsel vm2, v28, v34;
	v22 =	vsel vm4, v36, v22;
	v31 =	vadd.s32 v14, v33;
	_ =	sdelay $0x2  }
0x3a2: {  	v26 =	vld.idx.msk [tilespmem:v26+s2+$0x0], $0xffff;
	_ =	sdelay $0x1  }
0x3a3: {  	v33 =	vnsel vm0, $0xFF800000, v38  }
0x3a4: {  	vm2 =	vgt.f32 v33, v30;
	vm8 =	vgt.f32 v33, v32;
	vm4 =	vgt.f32 v33, v15  }
0x3a5: {  	vm3 =	vgt.f32 v33, v17;
	vm5 =	vgt.f32 v33, v21;
	v34 =	vsel vm4, v29, v39  }
0x3a6: {  	vm7 =	vgt.f32 v33, v23;
	v36 =	vsel vm2, v30, v33;
	v37 =	vsel vm4, v15, v33  }
0x3a7: {  	v36 =	vsel vm8, v36, v32;
	v38 =	vnsel vm0, $0xFF800000, v26;
	v26 =	vbroadcast v40, $0x0  }
0x3a8: {  	v32 =	vsel vm8, v32, v33;
	v40 =	vsel vm8, v22, v39;
	vm1 =	vgt.f32 v38, v36  }
0x3a9: {  	v41 =	vsel vm2, v25, v39;
	v42 =	vsel vm5, v21, v33;
	v43 =	vsel vm5, v28, v39  }
0x3aa: {  	v44 =	vsel vm7, v24, v39;
	v45 =	vsel vm1, v36, v38;
	v46 =	vshll.u32 v26, $0x3  }
0x3ab: {  	vm6 =	vgt.f32 v33, v16;
	v22 =	vsel vm8, v41, v22;
	v41 =	vand.u32 $0x7FFFFC00, v46  }
0x3ac: {  	v24 =	vsel vm7, v40, v24;
	v40 =	vsel vm7, v23, v33;
	v41 =	vadd.s32 v4, v41  }
0x3ad: {  	v28 =	vsel vm5, v44, v28;
	v46 =	vsel vm3, v17, v33;
	v41 =	vadd.s32 v26, v41  }
0x3ae: {  	v23 =	vsel vm7, v32, v23;
	v21 =	vsel vm5, v40, v21;
	v30 =	vsel vm2, v46, v30  }
0x3af: {  	v32 =	vsel vm3, v33, v17;
	vm8 =	vgt.f32 v38, v23;
	vm5 =	vgt.f32 v38, v30;
	v17 =	vld.idx.msk [tilespmem:v31+s2+$0x0], $0xffff  }
0x3b0: {  	v40 =	vsel vm5, v30, v38;
	v31 =	vsel vm3, v39, v19;
	v19 =	vsel vm3, v19, v39  }
0x3b1: {  	vm7 =	vgt.f32 v38, v32;
	v36 =	vsel vm1, v40, v36;
	v40 =	vsel vm1, v22, v27  }
0x3b2: {  	vm9 =	vgt.f32 v33, v18;
	v44 =	vsel vm8, v45, v23;
	vm3 =	vgt.f32 v38, v21;
	v41 =	vld.idx.msk [tilespmem:v41+s2+$0x0], $0xffff  }
0x3b3: {  	v33 =	vsel vm6, v16, v33;
	v46 =	vsel vm7, v32, v38;
	v45 =	vsel vm7, v27, v31  }
0x3b4: {  	v40 =	vsel vm8, v40, v24;
	v39 =	vsel vm6, v35, v39;
	v47 =	vsel vm3, v21, v38  }
0x3b5: {  	v20 =	vsel vm9, v34, v20;
	v23 =	vsel vm8, v23, v38;
	v17 =	vnsel vm0, $0xFF800000, v17  }
0x3b6: {  	v34 =	vsel vm6, v43, v35;
	v24 =	vsel vm8, v24, v27;
	v29 =	vsel vm4, v39, v29  }
0x3b7: {  	v18 =	vsel vm9, v37, v18;
	v16 =	vsel vm6, v42, v16;
	v35 =	vsel vm7, v38, v32  }
0x3b8: {  	vm8 =	vgt.f32 v38, v16;
	vm6 =	vgt.f32 v38, v18;
	v37 =	vnsel vm0, $0xFF800000, v41  }
0x3b9: {  	v15 =	vsel vm4, v33, v15;
	v32 =	vsel vm3, v28, v27;
	v39 =	vsel vm8, v47, v16  }
0x3ba: {  	vm11 =	vgt.f32 v38, v15;
	v19 =	vsel vm2, v19, v25;
	v16 =	vsel vm8, v16, v38  }
0x3bb: {  	v25 =	vsel vm7, v31, v27;
	v16 =	vsel vm11, v16, v15;
	v15 =	vsel vm11, v15, v38  }
0x3bc: {  	v31 =	vsel vm5, v19, v27;
	v15 =	vsel vm6, v15, v18;
	vm2 =	vgt.f32 v37, v16  }
0x3bd: {  	v18 =	vsel vm5, v46, v30;
	vm10 =	vgt.f32 v37, v15;
	v30 =	vsel vm2, v16, v37  }
0x3be: {  	v33 =	vsel vm8, v34, v27;
	vm9 =	vgt.f32 v37, v44;
	v38 =	vsel vm10, v30, v15  }
0x3bf: {  	vm7 =	vgt.f32 v37, v36;
	v15 =	vsel vm1, v31, v22;
	v30 =	vsel vm11, v29, v27  }
0x3c0: {  	v34 =	vsel vm8, v32, v34;
	vm4 =	vgt.f32 v37, v18;
	v31 =	vsel vm7, v15, v26  }
0x3c1: {  	v41 =	vsel vm5, v25, v19;
	v19 =	vsel vm11, v33, v29;
	vm5 =	vgt.f32 v37, v35  }
0x3c2: {  	v42 =	vsel vm5, v45, v26;
	v22 =	vsel vm4, v41, v26;
	v29 =	vsel vm2, v19, v26  }
0x3c3: {  	v27 =	vsel vm5, v26, v45;
	v22 =	vsel vm7, v22, v15;
	v43 =	vsel vm9, v31, v40  }
0x3c4: {  	v25 =	vsel vm5, v37, v35;
	v15 =	vsel vm9, v44, v37;
	v40 =	vsel vm9, v40, v26  }
0x3c5: {  	v24 =	vsel vm3, v24, v28;
	vm8 =	vgt.f32 v37, v39;
	v20 =	vsel vm6, v30, v20  }
0x3c6: {  	v28 =	vsel vm8, v39, v37;
	v30 =	vsel vm8, v34, v26;
	v20 =	vsel vm10, v29, v20  }
0x3c7: {  	v45 =	vsel vm2, v28, v16;
	v31 =	vsel vm7, v36, v37;
	v29 =	vsel vm2, v30, v19  }
0x3c8: {  	v16 =	vsel vm3, v23, v21;
	vm1 =	vgt.f32 v17, v25;
	v23 =	vsel vm9, v31, v44  }
0x3c9: {  	v19 =	vsel vm4, v18, v37;
	v30 =	vsel vm1, v25, v17;
	vm6 =	vgt.f32 v17, v23  }
0x3ca: {  	v32 =	vsel vm7, v19, v36;
	v21 =	vsel vm6, v23, v17;
	v28 =	vsel vm6, v43, v14  }
0x3cb: {  	vm3 =	vgt.f32 v17, v45;
	vm7 =	vgt.f32 v37, v16;
	v19 =	vsel vm5, v35, v37  }
0x3cc: {  	v33 =	vsel vm4, v19, v18;
	v18 =	vsel vm7, v15, v16;
	v15 =	vsel vm7, v16, v37  }
0x3cd: {  	v19 =	vsel vm1, v14, v27;
	v15 =	vsel vm8, v15, v39;
	vm2 =	vgt.f32 v17, v18  }
0x3ce: {  	v31 =	vsel vm4, v42, v41;
	vm5 =	vgt.f32 v17, v15;
	v16 =	vsel vm2, v18, v17  }
0x3cf: {  	v26 =	vsel vm7, v24, v26;
	v16 =	vsel vm5, v16, v15;
	v15 =	vsel vm5, v15, v17  }
.Ltmp10:
0x3d0: {  	vm4 =	vgt.f32 v17, v32;
	v35 =	vsel vm8, v26, v34;
	v15 =	vsel vm3, v15, v45;
	(pc) =	sbr.rel @p0 .LBB2_23-.Ltmp10, $4  }
0x3d1: {  	v34 =	vsel vm7, v40, v24;
	v21 =	vsel vm2, v21, v18;
	v26 =	vsel vm5, v35, v14  }
0x3d2: {  	vm7 =	vgt.f32 v17, v38;
	v24 =	vsel vm3, v29, v14;
	v18 =	vsel vm4, v32, v17  }
0x3d3: {  	v37 =	vsel vm3, v45, v17;
	v36 =	vsel vm4, v22, v14;
	v20 =	vsel vm7, v24, v20  }
0x3d4: {  	s13 =	smov.u32 s12;
	v24 =	vsel vm6, v36, v43;
	v23 =	vsel vm6, v18, v23;
	v18 =	vsel vm7, v37, v38  }
0x3d5: {  	vm0 =	vgt.f32 v17, v33;
	v36 =	vsel vm1, v27, v14  }
0x3d6: {  	v26 =	vsel vm3, v26, v29;
	v27 =	vsel vm0, v33, v17;
	v37 =	vsel vm0, v31, v14  }
0x3d7: {  	v30 =	vsel vm0, v30, v33;
	v14 =	vsel vm2, v34, v14;
	v17 =	vsel vm1, v17, v25  }
0x3d8: {  	v25 =	vsel vm2, v28, v34;
	vm1 =	vge.f32 v11, v6;
	v32 =	vsel vm4, v27, v32  }
0x3d9: {  	v27 =	vsel vm5, v14, v35;
	v14 =	vsel vm0, v36, v31;
	vm0 =	vge.f32 v10, v6  }
0x3da: {  	v29 =	vsel vm4, v37, v22;
	v28 =	vsel vm1, $0x3F800000, v2;
	v22 =	vsel vm0, $0x3F800000, v2  }
0x3db: {  	vm0 =	vge.f32 v7, v6;
	v22 =	vadd.f32 v28, v22  }
0x3dc: {  	v28 =	vsel vm0, $0x3F800000, v2  }
0x3dd: {  	vm0 =	vgt.f32 v8, v6;
	v22 =	vadd.f32 v22, v28  }
0x3de: {  	v28 =	vsel vm0, $0x3F800000, v2  }
0x3df: {  	vm0 =	vgt.f32 v9, v6;
	v22 =	vadd.f32 v28, v22  }
0x3e0: {  	v28 =	vsel vm0, $0x3F800000, v2  }
0x3e1: {  	vm0 =	vgt.f32 v12, v6;
	v22 =	vadd.f32 v28, v22  }
0x3e2: {  	v28 =	vsel vm0, $0x3F800000, v2  }
0x3e3: {  	vm0 =	vgt.f32 v13, v6;
	v22 =	vadd.f32 v28, v22  }
0x3e4: {  	s12 =	simm.s32 $0x0;
	v28 =	vsel vm0, $0x3F800000, v2  }
0x3e5: {  	v28 =	vadd.f32 v28, v22;
	v22 =	vmov s12  }
0x3e6: {  	s29 =	simm.s32 $0x1;
	v22 =	vadd.s32 $0x60, v22  }
0x3e7: {  	v31 =	vmov s29;
	v57 =	vbroadcast v22, $0x0  }
0x3e8: {  	v22 =	vadd.s32 $0x60, v31  }
0x3e9: {  	v31 =	vbroadcast v22, $0x0;
	v58 =	vor.u32 v57, v4;
	_ =	sdelay $0x1  }
0x3ea: {  	s30 =	simm.s32 $0x3;
	v22 =	vshll.u32 v31, $0x3  }
0x3eb: {  	v59 =	vmov s30;
	v22 =	vand.u32 $0x7FFFFC00, v22  }
0x3ec: {  	s31 =	simm.s32 $0x2;
	v35 =	vadd.s32 $0x60, v59;
	v22 =	vadd.s32 v4, v22  }
0x3ed: {  	v61 =	vmov s31;
	v60 =	vadd.s32 v31, v22;
	v22 =	vbroadcast v35, $0x0;
	v34 =	vld.idx.msk [tilespmem:v58+s2+$0x0], $0xffff  }
0x3ee: {  	vm0 =	vlt.f32 v28, $4.000000000e+00;
	v28 =	vadd.s32 $0x60, v61  }
0x3ef: {  	v40 =	vbroadcast v28, $0x0;
	v35 =	vshll.u32 v22, $0x3  }
0x3f0: {  	v35 =	vand.u32 $0x7FFFFC00, v35  }
0x3f1: {  	v46 =	vshll.u32 v40, $0x3;
	v35 =	vadd.s32 v4, v35  }
0x3f2: {  	v47 =	vand.u32 $0x7FFFFC00, v46;
	v35 =	vadd.s32 v22, v35;
	v34 =	vnsel vm0, $0xFF800000, v34  }
0x3f3: {  	vm2 =	vgt.f32 v34, v30;
	vm5 =	vgt.f32 v34, v32;
	vm4 =	vgt.f32 v34, v15  }
0x3f4: {  	vm3 =	vgt.f32 v34, v17;
	vm7 =	vgt.f32 v34, v21;
	vm8 =	vgt.f32 v34, v23  }
0x3f5: {  	vm6 =	vgt.f32 v34, v16;
	vm9 =	vgt.f32 v34, v18;
	v62 =	vsel vm4, v26, v57  }
0x3f6: {  	v38 =	vsel vm2, v30, v34;
	v39 =	vsel vm4, v15, v34;
	v28 =	vsel vm5, v32, v34  }
0x3f7: {  	v63 =	vsel vm5, v29, v57;
	v41 =	vsel vm2, v14, v57;
	v42 =	vsel vm7, v21, v34  }
0x3f8: {  	v43 =	vsel vm7, v25, v57;
	v44 =	vsel vm8, v24, v57;
	v48 =	vsel vm3, v17, v34  }
0x3f9: {  	v17 =	vsel vm3, v34, v17;
	v33 =	vsel vm6, v27, v57;
	v38 =	vsel vm5, v38, v32  }
0x3fa: {  	v36 =	vld.idx.msk [tilespmem:v60+s2+$0x0], $0xffff;
	v29 =	vsel vm5, v41, v29;
	v32 =	vsel vm8, v63, v24;
	v24 =	vsel vm8, v23, v34  }
0x3fb: {  	v41 =	vadd.s32 v4, v47;
	v44 =	vsel vm7, v44, v25;
	v30 =	vsel vm2, v48, v30  }
0x3fc: {  	v23 =	vsel vm8, v28, v23;
	v28 =	vsel vm3, v57, v19;
	v19 =	vsel vm3, v19, v57  }
0x3fd: {  	v34 =	vsel vm6, v16, v34;
	v20 =	vsel vm9, v62, v20;
	v27 =	vsel vm6, v43, v27  }
0x3fe: {  	v26 =	vsel vm4, v33, v26;
	v16 =	vsel vm6, v42, v16;
	v18 =	vsel vm9, v39, v18  }
0x3ff: {  	v36 =	vnsel vm0, $0xFF800000, v36;
	v25 =	vadd.s32 v40, v41;
	v21 =	vsel vm7, v24, v21  }
0x400: {  	v15 =	vsel vm4, v34, v15;
	v14 =	vsel vm2, v19, v14;
	vm1 =	vgt.f32 v36, v38  }
0x401: {  	vm5 =	vgt.f32 v36, v30;
	vm7 =	vgt.f32 v36, v23;
	vm12 =	vgt.f32 v36, v17  }
0x402: {  	vm3 =	vgt.f32 v36, v21;
	vm6 =	vgt.f32 v36, v18;
	vm13 =	vgt.f32 v36, v15  }
0x403: {  	v45 =	vsel vm1, v38, v36;
	v49 =	vsel vm5, v30, v36;
	v50 =	vsel vm1, v29, v31  }
0x404: {  	v24 =	vld.idx.msk [tilespmem:v35+s2+$0x0], $0xffff;
	v52 =	vsel vm12, v31, v28;
	v53 =	vsel vm12, v17, v36;
	v47 =	vsel vm3, v21, v36  }
0x405: {  	v17 =	vsel vm12, v36, v17;
	v19 =	vsel vm12, v28, v31;
	v28 =	vsel vm5, v14, v31  }
0x406: {  	v35 =	vsel vm1, v49, v38;
	v51 =	vsel vm7, v45, v23;
	v38 =	vsel vm7, v50, v32;
	v25 =	vld.idx.msk [tilespmem:v25+s2+$0x0], $0xffff  }
0x407: {  	v23 =	vsel vm7, v23, v36;
	v32 =	vsel vm7, v32, v31;
	vm7 =	vgt.f32 v36, v16  }
0x408: {  	v14 =	vsel vm5, v19, v14;
	v55 =	vsel vm7, v47, v16;
	v16 =	vsel vm7, v16, v36  }
0x409: {  	v56 =	vsel vm7, v27, v31;
	v60 =	vsel vm3, v32, v44;
	v24 =	vnsel vm0, $0xFF800000, v24  }
0x40a: {  	v16 =	vsel vm13, v16, v15;
	v15 =	vsel vm13, v15, v36;
	v19 =	vsel vm13, v56, v26  }
0x40b: {  	v15 =	vsel vm6, v15, v18;
	v18 =	vsel vm5, v53, v30;
	v54 =	vnsel vm0, $0xFF800000, v25  }
0x40c: {  	v25 =	vsel vm3, v44, v31;
	vm2 =	vgt.f32 v54, v16;
	vm14 =	vgt.f32 v54, v15  }
0x40d: {  	vm10 =	vgt.f32 v54, v51;
	vm11 =	vgt.f32 v54, v35;
	v58 =	vsel vm7, v25, v27  }
0x40e: {  	vm4 =	vgt.f32 v54, v18;
	vm5 =	vgt.f32 v54, v17;
	vm7 =	vgt.f32 v54, v55  }
0x40f: {  	v30 =	vsel vm2, v16, v54;
	v25 =	vsel vm4, v14, v40;
	v27 =	vsel vm5, v40, v52  }
0x410: {  	v57 =	vsel vm14, v30, v15;
	v15 =	vsel vm1, v28, v29;
	v28 =	vsel vm13, v26, v31  }
0x411: {  	v31 =	vsel vm5, v52, v40;
	v30 =	vsel vm2, v19, v40;
	v26 =	vsel vm5, v54, v17  }
0x412: {  	v17 =	vsel vm5, v17, v54;
	v29 =	vsel vm11, v15, v40;
	v25 =	vsel vm11, v25, v15  }
0x413: {  	v15 =	vsel vm10, v51, v54;
	v20 =	vsel vm6, v28, v20;
	v28 =	vsel vm7, v55, v54  }
0x414: {  	vm1 =	vgt.f32 v24, v26;
	v33 =	vsel vm4, v17, v18;
	v31 =	vsel vm4, v31, v14  }
0x415: {  	v59 =	vsel vm10, v29, v38;
	v38 =	vsel vm10, v38, v40;
	v29 =	vsel vm7, v58, v40  }
0x416: {  	v61 =	vsel vm14, v30, v20;
	v20 =	vsel vm11, v35, v54;
	v62 =	vsel vm2, v28, v16  }
0x417: {  	v16 =	vsel vm3, v23, v21;
	v28 =	vsel vm1, v26, v24;
	v29 =	vsel vm2, v29, v19  }
0x418: {  	v21 =	vsel vm10, v20, v51;
	v19 =	vsel vm4, v18, v54;
	vm15 =	vgt.f32 v54, v16  }
0x419: {  	vm3 =	vgt.f32 v24, v62;
	v20 =	vsel vm1, v22, v27;
	vm6 =	vgt.f32 v24, v21  }
0x41a: {  	v32 =	vsel vm11, v19, v35;
	v17 =	vsel vm15, v15, v16;
	v15 =	vsel vm15, v16, v54  }
0x41b: {  	v18 =	vsel vm15, v60, v40;
	v34 =	vsel vm15, v38, v60;
	v63 =	vsel vm3, v62, v24  }
0x41c: {  	v19 =	vsel vm6, v21, v24;
	v30 =	vsel vm6, v59, v22;
	v16 =	vsel vm7, v15, v55  }
0x41d: {  	vm2 =	vgt.f32 v24, v17;
	v35 =	vsel vm7, v18, v58;
	vm4 =	vgt.f32 v24, v32  }
0x41e: {  	vm7 =	vgt.f32 v24, v57;
	vm5 =	vgt.f32 v24, v16;
	v14 =	vsel vm2, v17, v24  }
0x41f: {  	v19 =	vsel vm2, v19, v17;
	v17 =	vsel vm4, v32, v24;
	v18 =	vsel vm4, v25, v22  }
0x420: {  	v15 =	vsel vm5, v14, v16;
	v14 =	vsel vm5, v16, v24;
	v23 =	vsel vm5, v35, v22  }
0x421: {  	v21 =	vsel vm6, v17, v21;
	v16 =	vsel vm3, v14, v62;
	v14 =	vsel vm3, v29, v22  }
0x422: {  	s13 =	simm.s32 $0x4;
	v18 =	vsel vm6, v18, v59;
	v17 =	vsel vm7, v63, v57;
	v14 =	vsel vm7, v14, v61  }
.LBB2_25:
0x423: {  	s14 =	sadd.s32 $0x1, s13  }
0x424: {  	v36 =	vmov s13;
	s15 =	sadd.s32 $0x2, s13;
	vm6 =	vgt.f32 v24, v33;
	v37 =	vsel vm1, v27, v22;
	s16 =	smov.u32 s13;
	s12 =	sadd.s32 $0x4, s13  }
0x425: {  	p0 =	slt.u32 s13, $0x1C;
	v27 =	vadd.s32 $0x60, v36;
	v36 =	vmov s14;
	v38 =	vsel vm6, v33, v24  }
0x426: {  	s13 =	sadd.s32 $0x3, s16;
	v39 =	vbroadcast v27, $0x0;
	v27 =	vadd.s32 $0x60, v36;
	v36 =	vsel vm6, v31, v22  }
0x427: {  	v40 =	vmov s13;
	v32 =	vsel vm4, v38, v32;
	v27 =	vbroadcast v27, $0x0  }
0x428: {  	v28 =	vsel vm6, v28, v33;
	v40 =	vadd.s32 $0x60, v40;
	v38 =	vor.u32 v39, v4  }
0x429: {  	v41 =	vsel vm2, v34, v22;
	v22 =	vbroadcast v40, $0x0;
	v33 =	vshll.u32 v27, $0x3  }
0x42a: {  	v29 =	vsel vm3, v23, v29;
	v40 =	vmov s15;
	v33 =	vand.u32 $0x7FFFFC00, v33  }
0x42b: {  	v35 =	vsel vm5, v41, v35;
	v23 =	vadd.s32 v4, v33;
	v33 =	vshll.u32 v22, $0x3  }
0x42c: {  	v40 =	vadd.s32 $0x60, v40;
	v23 =	vadd.s32 v27, v23;
	v33 =	vand.u32 $0x7FFFFC00, v33  }
0x42d: {  	v24 =	vsel vm1, v24, v26;
	v26 =	vsel vm6, v37, v31;
	v38 =	vld.idx.msk [tilespmem:v38+s2+$0x0], $0xffff;
	v33 =	vadd.s32 v4, v33  }
0x42e: {  	v30 =	vsel vm2, v30, v34;
	v25 =	vsel vm4, v36, v25;
	v31 =	vadd.s32 v22, v33;
	_ =	sdelay $0x2  }
0x42f: {  	v23 =	vld.idx.msk [tilespmem:v23+s2+$0x0], $0xffff;
	_ =	sdelay $0x1  }
0x430: {  	v33 =	vnsel vm0, $0xFF800000, v38  }
0x431: {  	vm2 =	vgt.f32 v33, v28;
	vm8 =	vgt.f32 v33, v32;
	vm4 =	vgt.f32 v33, v16  }
0x432: {  	vm3 =	vgt.f32 v33, v24;
	vm5 =	vgt.f32 v33, v19;
	v34 =	vsel vm4, v29, v39  }
0x433: {  	vm7 =	vgt.f32 v33, v21;
	v36 =	vsel vm2, v28, v33;
	v37 =	vsel vm4, v16, v33  }
0x434: {  	v36 =	vsel vm8, v36, v32;
	v38 =	vnsel vm0, $0xFF800000, v23;
	v23 =	vbroadcast v40, $0x0  }
0x435: {  	v32 =	vsel vm8, v32, v33;
	v40 =	vsel vm8, v25, v39;
	vm1 =	vgt.f32 v38, v36  }
0x436: {  	v41 =	vsel vm2, v26, v39;
	v42 =	vsel vm5, v19, v33;
	v43 =	vsel vm5, v30, v39  }
0x437: {  	v44 =	vsel vm7, v18, v39;
	v45 =	vsel vm1, v36, v38;
	v46 =	vshll.u32 v23, $0x3  }
0x438: {  	vm6 =	vgt.f32 v33, v15;
	v25 =	vsel vm8, v41, v25;
	v41 =	vand.u32 $0x7FFFFC00, v46  }
0x439: {  	v18 =	vsel vm7, v40, v18;
	v40 =	vsel vm7, v21, v33;
	v41 =	vadd.s32 v4, v41  }
0x43a: {  	v30 =	vsel vm5, v44, v30;
	v46 =	vsel vm3, v24, v33;
	v41 =	vadd.s32 v23, v41  }
0x43b: {  	v21 =	vsel vm7, v32, v21;
	v19 =	vsel vm5, v40, v19;
	v28 =	vsel vm2, v46, v28  }
0x43c: {  	v32 =	vsel vm3, v33, v24;
	vm8 =	vgt.f32 v38, v21;
	vm5 =	vgt.f32 v38, v28;
	v24 =	vld.idx.msk [tilespmem:v31+s2+$0x0], $0xffff  }
0x43d: {  	v40 =	vsel vm5, v28, v38;
	v31 =	vsel vm3, v39, v20;
	v20 =	vsel vm3, v20, v39  }
0x43e: {  	vm7 =	vgt.f32 v38, v32;
	v36 =	vsel vm1, v40, v36;
	v40 =	vsel vm1, v25, v27  }
0x43f: {  	vm9 =	vgt.f32 v33, v17;
	v44 =	vsel vm8, v45, v21;
	vm3 =	vgt.f32 v38, v19;
	v41 =	vld.idx.msk [tilespmem:v41+s2+$0x0], $0xffff  }
0x440: {  	v33 =	vsel vm6, v15, v33;
	v46 =	vsel vm7, v32, v38;
	v45 =	vsel vm7, v27, v31  }
0x441: {  	v40 =	vsel vm8, v40, v18;
	v39 =	vsel vm6, v35, v39;
	v47 =	vsel vm3, v19, v38  }
0x442: {  	v14 =	vsel vm9, v34, v14;
	v21 =	vsel vm8, v21, v38;
	v24 =	vnsel vm0, $0xFF800000, v24  }
0x443: {  	v34 =	vsel vm6, v43, v35;
	v18 =	vsel vm8, v18, v27;
	v29 =	vsel vm4, v39, v29  }
0x444: {  	v17 =	vsel vm9, v37, v17;
	v15 =	vsel vm6, v42, v15;
	v35 =	vsel vm7, v38, v32  }
0x445: {  	vm8 =	vgt.f32 v38, v15;
	vm6 =	vgt.f32 v38, v17;
	v37 =	vnsel vm0, $0xFF800000, v41  }
0x446: {  	v16 =	vsel vm4, v33, v16;
	v32 =	vsel vm3, v30, v27;
	v39 =	vsel vm8, v47, v15  }
0x447: {  	vm11 =	vgt.f32 v38, v16;
	v20 =	vsel vm2, v20, v26;
	v15 =	vsel vm8, v15, v38  }
0x448: {  	v26 =	vsel vm7, v31, v27;
	v15 =	vsel vm11, v15, v16;
	v16 =	vsel vm11, v16, v38  }
0x449: {  	v31 =	vsel vm5, v20, v27;
	v16 =	vsel vm6, v16, v17;
	vm2 =	vgt.f32 v37, v15  }
0x44a: {  	v17 =	vsel vm5, v46, v28;
	vm10 =	vgt.f32 v37, v16;
	v28 =	vsel vm2, v15, v37  }
0x44b: {  	v33 =	vsel vm8, v34, v27;
	vm9 =	vgt.f32 v37, v44;
	v38 =	vsel vm10, v28, v16  }
0x44c: {  	vm7 =	vgt.f32 v37, v36;
	v16 =	vsel vm1, v31, v25;
	v28 =	vsel vm11, v29, v27  }
0x44d: {  	v34 =	vsel vm8, v32, v34;
	vm4 =	vgt.f32 v37, v17;
	v31 =	vsel vm7, v16, v23  }
0x44e: {  	v41 =	vsel vm5, v26, v20;
	v20 =	vsel vm11, v33, v29;
	vm5 =	vgt.f32 v37, v35  }
0x44f: {  	v42 =	vsel vm5, v45, v23;
	v25 =	vsel vm4, v41, v23;
	v29 =	vsel vm2, v20, v23  }
0x450: {  	v27 =	vsel vm5, v23, v45;
	v25 =	vsel vm7, v25, v16;
	v43 =	vsel vm9, v31, v40  }
0x451: {  	v26 =	vsel vm5, v37, v35;
	v16 =	vsel vm9, v44, v37;
	v40 =	vsel vm9, v40, v23  }
0x452: {  	v18 =	vsel vm3, v18, v30;
	vm8 =	vgt.f32 v37, v39;
	v14 =	vsel vm6, v28, v14  }
0x453: {  	v30 =	vsel vm8, v34, v23;
	v28 =	vsel vm8, v39, v37;
	v14 =	vsel vm10, v29, v14  }
0x454: {  	v31 =	vsel vm7, v36, v37;
	v45 =	vsel vm2, v28, v15;
	v29 =	vsel vm2, v30, v20  }
0x455: {  	vm1 =	vgt.f32 v24, v26;
	v15 =	vsel vm3, v21, v19;
	v21 =	vsel vm9, v31, v44  }
0x456: {  	v19 =	vsel vm4, v17, v37;
	v28 =	vsel vm1, v26, v24;
	vm6 =	vgt.f32 v24, v21  }
0x457: {  	v32 =	vsel vm7, v19, v36;
	v19 =	vsel vm6, v21, v24;
	v30 =	vsel vm6, v43, v22  }
0x458: {  	v20 =	vsel vm5, v35, v37;
	vm7 =	vgt.f32 v37, v15;
	vm3 =	vgt.f32 v24, v45  }
0x459: {  	v33 =	vsel vm4, v20, v17;
	v17 =	vsel vm7, v16, v15;
	v15 =	vsel vm7, v15, v37  }
0x45a: {  	v20 =	vsel vm1, v22, v27;
	v16 =	vsel vm8, v15, v39;
	vm2 =	vgt.f32 v24, v17  }
0x45b: {  	v31 =	vsel vm4, v42, v41;
	vm5 =	vgt.f32 v24, v16;
	v15 =	vsel vm2, v17, v24  }
0x45c: {  	v23 =	vsel vm7, v18, v23;
	v15 =	vsel vm5, v15, v16;
	v16 =	vsel vm5, v16, v24  }
.Ltmp11:
0x45d: {  	vm4 =	vgt.f32 v24, v32;
	v35 =	vsel vm8, v23, v34;
	v16 =	vsel vm3, v16, v45;
	(pc) =	sbr.rel @p0 .LBB2_25-.Ltmp11, $4  }
0x45e: {  	v34 =	vsel vm7, v40, v18;
	v19 =	vsel vm2, v19, v17;
	v23 =	vsel vm5, v35, v22  }
0x45f: {  	vm7 =	vgt.f32 v24, v38;
	v18 =	vsel vm3, v29, v22;
	v17 =	vsel vm4, v32, v24  }
0x460: {  	v37 =	vsel vm3, v45, v24;
	v36 =	vsel vm4, v25, v22;
	v14 =	vsel vm7, v18, v14  }
0x461: {  	s13 =	smov.u32 s12;
	v18 =	vsel vm6, v36, v43;
	v21 =	vsel vm6, v17, v21;
	v17 =	vsel vm7, v37, v38  }
0x462: {  	vm0 =	vgt.f32 v24, v33;
	v36 =	vsel vm1, v27, v22;
	v23 =	vsel vm3, v23, v29  }
0x463: {  	v29 =	vsel vm1, v24, v26;
	vm9 =	vge.f32 v10, v8;
	vm10 =	vge.f32 v11, v8  }
0x464: {  	v27 =	vsel vm0, v33, v24;
	v37 =	vsel vm0, v31, v22;
	v26 =	vsel vm0, v36, v31  }
0x465: {  	v24 =	vsel vm2, v30, v34;
	v30 =	vsel vm9, $0x3F800000, v2;
	v31 =	vsel vm10, $0x3F800000, v2  }
0x466: {  	vm11 =	vge.f32 v7, v8;
	v30 =	vadd.f32 v31, v30  }
0x467: {  	v31 =	vsel vm11, $0x3F800000, v2  }
0x468: {  	vm12 =	vge.f32 v6, v8;
	v30 =	vadd.f32 v30, v31  }
0x469: {  	v31 =	vsel vm12, $0x3F800000, v2  }
0x46a: {  	vm13 =	vgt.f32 v9, v8;
	v30 =	vadd.f32 v30, v31  }
0x46b: {  	v31 =	vsel vm13, $0x3F800000, v2  }
0x46c: {  	vm14 =	vgt.f32 v12, v8;
	v30 =	vadd.f32 v31, v30  }
0x46d: {  	v31 =	vsel vm14, $0x3F800000, v2  }
0x46e: {  	vm15 =	vgt.f32 v13, v8;
	v28 =	vsel vm0, v28, v33;
	v30 =	vadd.f32 v31, v30  }
0x46f: {  	v22 =	vsel vm2, v34, v22;
	v27 =	vsel vm4, v27, v32;
	v31 =	vsel vm15, $0x3F800000, v2  }
0x470: {  	s12 =	simm.s32 $0x0;
	v22 =	vsel vm5, v22, v35;
	v25 =	vsel vm4, v37, v25;
	v30 =	vadd.f32 v31, v30  }
.LBB2_27:
0x471: {  	v31 =	vmov s12  }
0x472: {  	v31 =	vadd.s32 $0x80, v31  }
0x473: {  	v31 =	vbroadcast v31, $0x0;
	_ =	sdelay $0x1  }
0x474: {  	v32 =	vand.u32 $0x1C, v31  }
0x475: {  	v32 =	vor.u32 v32, v5;
	_ =	sdelay $0x2  }
0x476: {  	s13 =	sadd.s32 $0x1, s12  }
0x477: {  	v33 =	vmov s13  }
0x478: {  	v33 =	vadd.s32 $0x80, v33;
	v32 =	vld.idx.msk [tilespmem:v32+s2+$0x0], $0xffff  }
0x479: {  	v33 =	vbroadcast v33, $0x0;
	_ =	sdelay $0x1  }
0x47a: {  	s30 =	sadd.s32 $0x2, s12;
	v34 =	vshll.u32 v33, $0x3  }
0x47b: {  	vm0 =	vlt.f32 v30, $4.000000000e+00;
	v59 =	vmov s30;
	v34 =	vand.u32 $0x7FFFFC00, v34  }
0x47c: {  	v36 =	vand.u32 $0x1D, v33;
	v34 =	vadd.s32 v4, v34;
	v32 =	vnsel vm0, $0xFF800000, v32  }
0x47d: {  	v34 =	vor.u32 v36, v34;
	vm2 =	vgt.f32 v32, v29;
	vm3 =	vgt.f32 v32, v28  }
0x47e: {  	vm4 =	vgt.f32 v32, v27;
	vm5 =	vgt.f32 v32, v21;
	vm6 =	vgt.f32 v32, v19  }
0x47f: {  	vm1 =	vgt.f32 v32, v15;
	vm8 =	vgt.f32 v32, v16;
	vm9 =	vgt.f32 v32, v17  }
0x480: {  	v35 =	vsel vm2, v32, v29;
	v58 =	vsel vm2, v31, v20;
	v29 =	vsel vm2, v29, v32  }
0x481: {  	v20 =	vsel vm2, v20, v31;
	v29 =	vsel vm3, v29, v28;
	v28 =	vsel vm3, v28, v32  }
0x482: {  	v20 =	vsel vm3, v20, v26;
	v26 =	vsel vm3, v26, v31;
	v28 =	vsel vm4, v28, v27  }
0x483: {  	v27 =	vsel vm4, v27, v32;
	v26 =	vsel vm4, v26, v25;
	v25 =	vsel vm4, v25, v31  }
0x484: {  	v27 =	vsel vm5, v27, v21;
	v25 =	vsel vm5, v25, v18;
	v21 =	vsel vm5, v21, v32  }
0x485: {  	v34 =	vld.idx.msk [tilespmem:v34+s2+$0x0], $0xffff;
	v18 =	vsel vm5, v18, v31;
	v21 =	vsel vm6, v21, v19;
	v19 =	vsel vm6, v19, v32  }
0x486: {  	v18 =	vsel vm6, v18, v24;
	v24 =	vsel vm6, v24, v31;
	v19 =	vsel vm1, v19, v15  }
0x487: {  	v15 =	vsel vm1, v15, v32;
	v24 =	vsel vm1, v24, v22;
	v22 =	vsel vm1, v22, v31  }
0x488: {  	v15 =	vsel vm8, v15, v16;
	v16 =	vsel vm8, v16, v32;
	v32 =	vadd.s32 $0x80, v59  }
0x489: {  	v22 =	vsel vm8, v22, v23;
	v23 =	vsel vm8, v23, v31;
	v31 =	vbroadcast v32, $0x0  }
0x48a: {  	v16 =	vsel vm9, v16, v17;
	v14 =	vsel vm9, v23, v14;
	v17 =	vnsel vm0, $0xFF800000, v34  }
0x48b: {  	vm10 =	vgt.f32 v17, v35;
	vm11 =	vgt.f32 v17, v29;
	vm12 =	vgt.f32 v17, v28  }
0x48c: {  	vm13 =	vgt.f32 v17, v27;
	vm14 =	vgt.f32 v17, v21;
	vm15 =	vgt.f32 v17, v19  }
0x48d: {  	vm8 =	vgt.f32 v17, v15;
	vm9 =	vgt.f32 v17, v16;
	v23 =	vshll.u32 v31, $0x3  }
0x48e: {  	v32 =	vand.u32 $0x1E, v31;
	v34 =	vsel vm10, v35, v17;
	v60 =	vsel vm10, v58, v33  }
0x48f: {  	v23 =	vand.u32 $0x7FFFFC00, v23;
	v34 =	vsel vm11, v34, v29;
	v29 =	vsel vm11, v29, v17  }
0x490: {  	v35 =	vsel vm10, v17, v35;
	v23 =	vadd.s32 v4, v23;
	v29 =	vsel vm12, v29, v28  }
0x491: {  	v28 =	vsel vm12, v28, v17;
	v23 =	vor.u32 v32, v23;
	v32 =	vsel vm11, v60, v20  }
0x492: {  	v20 =	vsel vm11, v20, v33;
	v28 =	vsel vm13, v28, v27;
	v27 =	vsel vm13, v27, v17  }
0x493: {  	v20 =	vsel vm12, v20, v26;
	v27 =	vsel vm14, v27, v21;
	v21 =	vsel vm14, v21, v17  }
0x494: {  	s31 =	sadd.s32 $0x3, s12;
	v26 =	vsel vm12, v26, v33;
	v21 =	vsel vm15, v21, v19;
	v19 =	vsel vm15, v19, v17  }
0x495: {  	v19 =	vsel vm8, v19, v15;
	v15 =	vsel vm8, v15, v17;
	v17 =	vmov s31  }
0x496: {  	v26 =	vsel vm13, v26, v25;
	v25 =	vsel vm13, v25, v33;
	v17 =	vadd.s32 $0x80, v17;
	v23 =	vld.idx.msk [tilespmem:v23+s2+$0x0], $0xffff  }
0x497: {  	v25 =	vsel vm14, v25, v18;
	v18 =	vsel vm14, v18, v33;
	v17 =	vbroadcast v17, $0x0  }
0x498: {  	v18 =	vsel vm15, v18, v24;
	v24 =	vsel vm15, v24, v33;
	v15 =	vsel vm9, v15, v16  }
0x499: {  	v24 =	vsel vm8, v24, v22;
	v22 =	vsel vm8, v22, v33;
	v16 =	vshll.u32 v17, $0x3  }
0x49a: {  	v36 =	vsel vm10, v33, v58;
	v14 =	vsel vm9, v22, v14;
	v16 =	vand.u32 $0x7FFFFC00, v16  }
0x49b: {  	v22 =	vand.u32 $0x1F, v17;
	v16 =	vadd.s32 v4, v16;
	v23 =	vnsel vm0, $0xFF800000, v23  }
0x49c: {  	v16 =	vor.u32 v22, v16;
	vm10 =	vgt.f32 v23, v35;
	vm11 =	vgt.f32 v23, v34  }
0x49d: {  	vm12 =	vgt.f32 v23, v29;
	vm13 =	vgt.f32 v23, v28;
	vm14 =	vgt.f32 v23, v27  }
0x49e: {  	vm15 =	vgt.f32 v23, v21;
	vm8 =	vgt.f32 v23, v19;
	vm9 =	vgt.f32 v23, v15  }
0x49f: {  	v61 =	vsel vm10, v35, v23;
	v22 =	vsel vm10, v36, v31;
	v36 =	vsel vm10, v31, v36  }
0x4a0: {  	v33 =	vsel vm11, v61, v34;
	v22 =	vsel vm11, v22, v32;
	v34 =	vsel vm11, v34, v23  }
0x4a1: {  	v32 =	vsel vm11, v32, v31;
	v34 =	vsel vm12, v34, v29;
	v29 =	vsel vm12, v29, v23  }
0x4a2: {  	v32 =	vsel vm12, v32, v20;
	v37 =	vsel vm13, v29, v28;
	v28 =	vsel vm13, v28, v23  }
0x4a3: {  	v20 =	vsel vm12, v20, v31;
	v16 =	vld.idx.msk [tilespmem:v16+s2+$0x0], $0xffff;
	v38 =	vsel vm14, v28, v27;
	v27 =	vsel vm14, v27, v23  }
0x4a4: {  	v20 =	vsel vm13, v20, v26;
	v39 =	vsel vm15, v27, v21;
	v21 =	vsel vm15, v21, v23  }
0x4a5: {  	v27 =	vsel vm10, v23, v35;
	v62 =	vsel vm8, v21, v19;
	v19 =	vsel vm8, v19, v23  }
0x4a6: {  	v21 =	vsel vm13, v26, v31;
	v40 =	vsel vm9, v19, v15;
	v15 =	vsel vm14, v25, v31  }
0x4a7: {  	v23 =	vsel vm14, v21, v25;
	v41 =	vsel vm15, v15, v18;
	v15 =	vsel vm15, v18, v31  }
0x4a8: {  	v42 =	vsel vm8, v15, v24;
	v15 =	vsel vm8, v24, v31;
	v31 =	vnsel vm0, $0xFF800000, v16  }
0x4a9: {  	v14 =	vsel vm9, v15, v14;
	vm0 =	vgt.f32 v31, v27;
	vm10 =	vgt.f32 v31, v33  }
0x4aa: {  	vm11 =	vgt.f32 v31, v34;
	vm12 =	vgt.f32 v31, v37;
	vm13 =	vgt.f32 v31, v38  }
0x4ab: {  	vm14 =	vgt.f32 v31, v39;
	vm15 =	vgt.f32 v31, v62;
	vm7 =	vgt.f32 v31, v40  }
0x4ac: {  	v29 =	vsel vm0, v31, v27;
	v15 =	vsel vm0, v27, v31;
	v16 =	vsel vm0, v36, v17  }
0x4ad: {  	v63 =	vsel vm15, v42, v17;
	v28 =	vsel vm10, v15, v33;
	v26 =	vsel vm10, v16, v22  }
0x4ae: {  	v15 =	vsel vm10, v33, v31;
	v16 =	vsel vm11, v34, v31;
	v14 =	vsel vm7, v63, v14  }
0x4af: {  	v27 =	vsel vm11, v15, v34;
	v15 =	vsel vm10, v22, v17;
	v21 =	vsel vm12, v16, v37  }
0x4b0: {  	p0 =	slt.u32 s12, $0x1C;
	v16 =	vsel vm12, v20, v17;
	v25 =	vsel vm11, v15, v32;
	v15 =	vsel vm11, v32, v17  }
.Ltmp12:
0x4b1: {  	v24 =	vsel vm13, v16, v23;
	v16 =	vsel vm13, v23, v17;
	v23 =	vsel vm14, v39, v31;
	(pc) =	sbr.rel @p0 .LBB2_27-.Ltmp12, $4  }
0x4b2: {  	v18 =	vsel vm12, v15, v20;
	v15 =	vsel vm12, v37, v31;
	v20 =	vsel vm0, v17, v36  }
0x4b3: {  	v22 =	vsel vm14, v16, v41;
	v16 =	vsel vm15, v23, v62;
	v23 =	vsel vm14, v41, v17  }
0x4b4: {  	v19 =	vsel vm13, v15, v38;
	v15 =	vsel vm13, v38, v31;
	v31 =	vsel vm15, v62, v31  }
0x4b5: {  	s12 =	sadd.s32 $0x4, s12;
	v23 =	vsel vm15, v23, v42;
	v15 =	vsel vm14, v15, v39;
	v17 =	vsel vm7, v31, v40  }
0x4b6: {  	vm0 =	vge.f32 v10, v9;
	vm1 =	vge.f32 v11, v9  }
0x4b7: {  	v30 =	vsel vm0, $0x3F800000, v2;
	v31 =	vsel vm1, $0x3F800000, v2  }
0x4b8: {  	vm11 =	vge.f32 v7, v9;
	v30 =	vadd.f32 v31, v30  }
0x4b9: {  	v31 =	vsel vm11, $0x3F800000, v2  }
0x4ba: {  	vm12 =	vge.f32 v6, v9;
	v30 =	vadd.f32 v30, v31  }
0x4bb: {  	v31 =	vsel vm12, $0x3F800000, v2  }
0x4bc: {  	vm13 =	vge.f32 v8, v9;
	v30 =	vadd.f32 v30, v31  }
0x4bd: {  	v31 =	vsel vm13, $0x3F800000, v2  }
0x4be: {  	vm14 =	vgt.f32 v12, v9;
	v30 =	vadd.f32 v30, v31  }
0x4bf: {  	v31 =	vsel vm14, $0x3F800000, v2  }
0x4c0: {  	vm15 =	vgt.f32 v13, v9;
	v30 =	vadd.f32 v31, v30  }
0x4c1: {  	v31 =	vsel vm15, $0x3F800000, v2  }
0x4c2: {  	s12 =	simm.s32 $0x0;
	v30 =	vadd.f32 v31, v30  }
.LBB2_29:
0x4c3: {  	v31 =	vmov s12  }
0x4c4: {  	v31 =	vadd.s32 $0xA0, v31  }
0x4c5: {  	v31 =	vbroadcast v31, $0x0;
	_ =	sdelay $0x1  }
0x4c6: {  	v32 =	vand.u32 $0x3C, v31  }
0x4c7: {  	v32 =	vor.u32 v32, v5;
	_ =	sdelay $0x2  }
0x4c8: {  	s13 =	sadd.s32 $0x1, s12  }
0x4c9: {  	v33 =	vmov s13  }
0x4ca: {  	v33 =	vadd.s32 $0xA0, v33;
	v32 =	vld.idx.msk [tilespmem:v32+s2+$0x0], $0xffff  }
0x4cb: {  	v33 =	vbroadcast v33, $0x0;
	_ =	sdelay $0x1  }
0x4cc: {  	s30 =	sadd.s32 $0x2, s12;
	v34 =	vshll.u32 v33, $0x3  }
0x4cd: {  	vm0 =	vlt.f32 v30, $4.000000000e+00;
	v59 =	vmov s30;
	v34 =	vand.u32 $0x7FFFFC00, v34  }
0x4ce: {  	v36 =	vand.u32 $0x3D, v33;
	v34 =	vadd.s32 v4, v34;
	v32 =	vnsel vm0, $0xFF800000, v32  }
0x4cf: {  	v34 =	vor.u32 v36, v34;
	vm2 =	vgt.f32 v32, v29;
	vm3 =	vgt.f32 v32, v28  }
0x4d0: {  	vm4 =	vgt.f32 v32, v27;
	vm5 =	vgt.f32 v32, v21;
	vm6 =	vgt.f32 v32, v19  }
0x4d1: {  	vm1 =	vgt.f32 v32, v15;
	vm8 =	vgt.f32 v32, v16;
	vm9 =	vgt.f32 v32, v17  }
0x4d2: {  	v35 =	vsel vm2, v32, v29;
	v58 =	vsel vm2, v31, v20;
	v29 =	vsel vm2, v29, v32  }
0x4d3: {  	v20 =	vsel vm2, v20, v31;
	v29 =	vsel vm3, v29, v28;
	v28 =	vsel vm3, v28, v32  }
0x4d4: {  	v20 =	vsel vm3, v20, v26;
	v26 =	vsel vm3, v26, v31;
	v28 =	vsel vm4, v28, v27  }
0x4d5: {  	v27 =	vsel vm4, v27, v32;
	v26 =	vsel vm4, v26, v25;
	v25 =	vsel vm4, v25, v31  }
0x4d6: {  	v27 =	vsel vm5, v27, v21;
	v25 =	vsel vm5, v25, v18;
	v21 =	vsel vm5, v21, v32  }
0x4d7: {  	v34 =	vld.idx.msk [tilespmem:v34+s2+$0x0], $0xffff;
	v18 =	vsel vm5, v18, v31;
	v21 =	vsel vm6, v21, v19;
	v19 =	vsel vm6, v19, v32  }
0x4d8: {  	v18 =	vsel vm6, v18, v24;
	v24 =	vsel vm6, v24, v31;
	v19 =	vsel vm1, v19, v15  }
0x4d9: {  	v15 =	vsel vm1, v15, v32;
	v24 =	vsel vm1, v24, v22;
	v22 =	vsel vm1, v22, v31  }
0x4da: {  	v15 =	vsel vm8, v15, v16;
	v16 =	vsel vm8, v16, v32;
	v32 =	vadd.s32 $0xA0, v59  }
0x4db: {  	v22 =	vsel vm8, v22, v23;
	v23 =	vsel vm8, v23, v31;
	v31 =	vbroadcast v32, $0x0  }
0x4dc: {  	v16 =	vsel vm9, v16, v17;
	v14 =	vsel vm9, v23, v14;
	v17 =	vnsel vm0, $0xFF800000, v34  }
0x4dd: {  	vm10 =	vgt.f32 v17, v35;
	vm11 =	vgt.f32 v17, v29;
	vm12 =	vgt.f32 v17, v28  }
0x4de: {  	vm13 =	vgt.f32 v17, v27;
	vm14 =	vgt.f32 v17, v21;
	vm15 =	vgt.f32 v17, v19  }
0x4df: {  	vm8 =	vgt.f32 v17, v15;
	vm9 =	vgt.f32 v17, v16;
	v23 =	vshll.u32 v31, $0x3  }
0x4e0: {  	v32 =	vand.u32 $0x3E, v31;
	v34 =	vsel vm10, v35, v17;
	v60 =	vsel vm10, v58, v33  }
0x4e1: {  	v23 =	vand.u32 $0x7FFFFC00, v23;
	v34 =	vsel vm11, v34, v29;
	v29 =	vsel vm11, v29, v17  }
0x4e2: {  	v35 =	vsel vm10, v17, v35;
	v23 =	vadd.s32 v4, v23;
	v29 =	vsel vm12, v29, v28  }
0x4e3: {  	v28 =	vsel vm12, v28, v17;
	v23 =	vor.u32 v32, v23;
	v32 =	vsel vm11, v60, v20  }
0x4e4: {  	v20 =	vsel vm11, v20, v33;
	v28 =	vsel vm13, v28, v27;
	v27 =	vsel vm13, v27, v17  }
0x4e5: {  	v20 =	vsel vm12, v20, v26;
	v27 =	vsel vm14, v27, v21;
	v21 =	vsel vm14, v21, v17  }
0x4e6: {  	s31 =	sadd.s32 $0x3, s12;
	v26 =	vsel vm12, v26, v33;
	v21 =	vsel vm15, v21, v19;
	v19 =	vsel vm15, v19, v17  }
0x4e7: {  	v19 =	vsel vm8, v19, v15;
	v15 =	vsel vm8, v15, v17;
	v17 =	vmov s31  }
0x4e8: {  	v26 =	vsel vm13, v26, v25;
	v25 =	vsel vm13, v25, v33;
	v17 =	vadd.s32 $0xA0, v17;
	v23 =	vld.idx.msk [tilespmem:v23+s2+$0x0], $0xffff  }
0x4e9: {  	v25 =	vsel vm14, v25, v18;
	v18 =	vsel vm14, v18, v33;
	v17 =	vbroadcast v17, $0x0  }
0x4ea: {  	v18 =	vsel vm15, v18, v24;
	v24 =	vsel vm15, v24, v33;
	v15 =	vsel vm9, v15, v16  }
0x4eb: {  	v24 =	vsel vm8, v24, v22;
	v22 =	vsel vm8, v22, v33;
	v16 =	vshll.u32 v17, $0x3  }
0x4ec: {  	v36 =	vsel vm10, v33, v58;
	v14 =	vsel vm9, v22, v14;
	v16 =	vand.u32 $0x7FFFFC00, v16  }
0x4ed: {  	v22 =	vand.u32 $0x3F, v17;
	v16 =	vadd.s32 v4, v16;
	v23 =	vnsel vm0, $0xFF800000, v23  }
0x4ee: {  	v16 =	vor.u32 v22, v16;
	vm10 =	vgt.f32 v23, v35;
	vm11 =	vgt.f32 v23, v34  }
0x4ef: {  	vm12 =	vgt.f32 v23, v29;
	vm13 =	vgt.f32 v23, v28;
	vm14 =	vgt.f32 v23, v27  }
0x4f0: {  	vm15 =	vgt.f32 v23, v21;
	vm8 =	vgt.f32 v23, v19;
	vm9 =	vgt.f32 v23, v15  }
0x4f1: {  	v61 =	vsel vm10, v35, v23;
	v22 =	vsel vm10, v36, v31;
	v36 =	vsel vm10, v31, v36  }
0x4f2: {  	v33 =	vsel vm11, v61, v34;
	v22 =	vsel vm11, v22, v32;
	v34 =	vsel vm11, v34, v23  }
0x4f3: {  	v32 =	vsel vm11, v32, v31;
	v34 =	vsel vm12, v34, v29;
	v29 =	vsel vm12, v29, v23  }
0x4f4: {  	v32 =	vsel vm12, v32, v20;
	v37 =	vsel vm13, v29, v28;
	v28 =	vsel vm13, v28, v23  }
0x4f5: {  	v20 =	vsel vm12, v20, v31;
	v16 =	vld.idx.msk [tilespmem:v16+s2+$0x0], $0xffff;
	v38 =	vsel vm14, v28, v27;
	v27 =	vsel vm14, v27, v23  }
0x4f6: {  	v20 =	vsel vm13, v20, v26;
	v39 =	vsel vm15, v27, v21;
	v21 =	vsel vm15, v21, v23  }
0x4f7: {  	v27 =	vsel vm10, v23, v35;
	v62 =	vsel vm8, v21, v19;
	v19 =	vsel vm8, v19, v23  }
0x4f8: {  	v21 =	vsel vm13, v26, v31;
	v40 =	vsel vm9, v19, v15;
	v15 =	vsel vm14, v25, v31  }
0x4f9: {  	v23 =	vsel vm14, v21, v25;
	v41 =	vsel vm15, v15, v18;
	v15 =	vsel vm15, v18, v31  }
0x4fa: {  	v42 =	vsel vm8, v15, v24;
	v15 =	vsel vm8, v24, v31;
	v31 =	vnsel vm0, $0xFF800000, v16  }
0x4fb: {  	v14 =	vsel vm9, v15, v14;
	vm0 =	vgt.f32 v31, v27;
	vm10 =	vgt.f32 v31, v33  }
0x4fc: {  	vm11 =	vgt.f32 v31, v34;
	vm12 =	vgt.f32 v31, v37;
	vm13 =	vgt.f32 v31, v38  }
0x4fd: {  	vm14 =	vgt.f32 v31, v39;
	vm15 =	vgt.f32 v31, v62;
	vm7 =	vgt.f32 v31, v40  }
0x4fe: {  	v29 =	vsel vm0, v31, v27;
	v15 =	vsel vm0, v27, v31;
	v16 =	vsel vm0, v36, v17  }
0x4ff: {  	v63 =	vsel vm15, v42, v17;
	v28 =	vsel vm10, v15, v33;
	v26 =	vsel vm10, v16, v22  }
0x500: {  	v15 =	vsel vm10, v33, v31;
	v16 =	vsel vm11, v34, v31;
	v14 =	vsel vm7, v63, v14  }
0x501: {  	v27 =	vsel vm11, v15, v34;
	v15 =	vsel vm10, v22, v17;
	v21 =	vsel vm12, v16, v37  }
0x502: {  	p0 =	slt.u32 s12, $0x1C;
	v16 =	vsel vm12, v20, v17;
	v25 =	vsel vm11, v15, v32;
	v15 =	vsel vm11, v32, v17  }
.Ltmp13:
0x503: {  	v24 =	vsel vm13, v16, v23;
	v16 =	vsel vm13, v23, v17;
	v23 =	vsel vm14, v39, v31;
	(pc) =	sbr.rel @p0 .LBB2_29-.Ltmp13, $4  }
0x504: {  	v18 =	vsel vm12, v15, v20;
	v15 =	vsel vm12, v37, v31;
	v20 =	vsel vm0, v17, v36  }
0x505: {  	v22 =	vsel vm14, v16, v41;
	v16 =	vsel vm15, v23, v62;
	v23 =	vsel vm14, v41, v17  }
0x506: {  	v19 =	vsel vm13, v15, v38;
	v15 =	vsel vm13, v38, v31;
	v31 =	vsel vm15, v62, v31  }
0x507: {  	s12 =	sadd.s32 $0x4, s12;
	v23 =	vsel vm15, v23, v42;
	v15 =	vsel vm14, v15, v39;
	v17 =	vsel vm7, v31, v40  }
0x508: {  	vm0 =	vge.f32 v10, v12;
	vm1 =	vge.f32 v11, v12  }
0x509: {  	v30 =	vsel vm0, $0x3F800000, v2;
	v31 =	vsel vm1, $0x3F800000, v2  }
0x50a: {  	vm11 =	vge.f32 v7, v12;
	v30 =	vadd.f32 v31, v30  }
0x50b: {  	v31 =	vsel vm11, $0x3F800000, v2  }
0x50c: {  	vm12 =	vge.f32 v6, v12;
	v30 =	vadd.f32 v30, v31  }
0x50d: {  	v31 =	vsel vm12, $0x3F800000, v2  }
0x50e: {  	vm13 =	vge.f32 v8, v12;
	v30 =	vadd.f32 v30, v31  }
0x50f: {  	v31 =	vsel vm13, $0x3F800000, v2  }
0x510: {  	vm14 =	vge.f32 v9, v12;
	v30 =	vadd.f32 v30, v31  }
0x511: {  	v31 =	vsel vm14, $0x3F800000, v2  }
0x512: {  	vm15 =	vgt.f32 v13, v12;
	v30 =	vadd.f32 v30, v31  }
0x513: {  	v31 =	vsel vm15, $0x3F800000, v2  }
0x514: {  	s12 =	simm.s32 $0x0;
	v30 =	vadd.f32 v31, v30  }
.LBB2_31:
0x515: {  	v31 =	vmov s12  }
0x516: {  	v31 =	vadd.s32 $0xC0, v31  }
0x517: {  	v31 =	vbroadcast v31, $0x0;
	_ =	sdelay $0x1  }
0x518: {  	v32 =	vand.u32 $0x5C, v31  }
0x519: {  	v32 =	vor.u32 v32, v5;
	_ =	sdelay $0x2  }
0x51a: {  	s13 =	sadd.s32 $0x1, s12  }
0x51b: {  	v33 =	vmov s13  }
0x51c: {  	v33 =	vadd.s32 $0xC0, v33;
	v32 =	vld.idx.msk [tilespmem:v32+s2+$0x0], $0xffff  }
0x51d: {  	v33 =	vbroadcast v33, $0x0;
	_ =	sdelay $0x1  }
0x51e: {  	s30 =	sadd.s32 $0x2, s12;
	v34 =	vshll.u32 v33, $0x3  }
0x51f: {  	vm0 =	vlt.f32 v30, $4.000000000e+00;
	v59 =	vmov s30;
	v34 =	vand.u32 $0x7FFFFC00, v34  }
0x520: {  	v36 =	vand.u32 $0x5D, v33;
	v34 =	vadd.s32 v4, v34;
	v32 =	vnsel vm0, $0xFF800000, v32  }
0x521: {  	v34 =	vor.u32 v36, v34;
	vm2 =	vgt.f32 v32, v29;
	vm3 =	vgt.f32 v32, v28  }
0x522: {  	vm4 =	vgt.f32 v32, v27;
	vm5 =	vgt.f32 v32, v21;
	vm6 =	vgt.f32 v32, v19  }
0x523: {  	vm1 =	vgt.f32 v32, v15;
	vm8 =	vgt.f32 v32, v16;
	vm9 =	vgt.f32 v32, v17  }
0x524: {  	v35 =	vsel vm2, v32, v29;
	v58 =	vsel vm2, v31, v20;
	v29 =	vsel vm2, v29, v32  }
0x525: {  	v20 =	vsel vm2, v20, v31;
	v29 =	vsel vm3, v29, v28;
	v28 =	vsel vm3, v28, v32  }
0x526: {  	v20 =	vsel vm3, v20, v26;
	v26 =	vsel vm3, v26, v31;
	v28 =	vsel vm4, v28, v27  }
0x527: {  	v27 =	vsel vm4, v27, v32;
	v26 =	vsel vm4, v26, v25;
	v25 =	vsel vm4, v25, v31  }
0x528: {  	v27 =	vsel vm5, v27, v21;
	v25 =	vsel vm5, v25, v18;
	v21 =	vsel vm5, v21, v32  }
0x529: {  	v34 =	vld.idx.msk [tilespmem:v34+s2+$0x0], $0xffff;
	v18 =	vsel vm5, v18, v31;
	v21 =	vsel vm6, v21, v19;
	v19 =	vsel vm6, v19, v32  }
0x52a: {  	v18 =	vsel vm6, v18, v24;
	v24 =	vsel vm6, v24, v31;
	v19 =	vsel vm1, v19, v15  }
0x52b: {  	v15 =	vsel vm1, v15, v32;
	v24 =	vsel vm1, v24, v22;
	v22 =	vsel vm1, v22, v31  }
0x52c: {  	v15 =	vsel vm8, v15, v16;
	v16 =	vsel vm8, v16, v32;
	v32 =	vadd.s32 $0xC0, v59  }
0x52d: {  	v22 =	vsel vm8, v22, v23;
	v23 =	vsel vm8, v23, v31;
	v31 =	vbroadcast v32, $0x0  }
0x52e: {  	v16 =	vsel vm9, v16, v17;
	v14 =	vsel vm9, v23, v14;
	v17 =	vnsel vm0, $0xFF800000, v34  }
0x52f: {  	vm10 =	vgt.f32 v17, v35;
	vm11 =	vgt.f32 v17, v29;
	vm12 =	vgt.f32 v17, v28  }
0x530: {  	vm13 =	vgt.f32 v17, v27;
	vm14 =	vgt.f32 v17, v21;
	vm15 =	vgt.f32 v17, v19  }
0x531: {  	vm8 =	vgt.f32 v17, v15;
	vm9 =	vgt.f32 v17, v16;
	v23 =	vshll.u32 v31, $0x3  }
0x532: {  	v32 =	vand.u32 $0x5E, v31;
	v34 =	vsel vm10, v35, v17;
	v60 =	vsel vm10, v58, v33  }
0x533: {  	v23 =	vand.u32 $0x7FFFFC00, v23;
	v34 =	vsel vm11, v34, v29;
	v29 =	vsel vm11, v29, v17  }
0x534: {  	v35 =	vsel vm10, v17, v35;
	v23 =	vadd.s32 v4, v23;
	v29 =	vsel vm12, v29, v28  }
0x535: {  	v28 =	vsel vm12, v28, v17;
	v23 =	vor.u32 v32, v23;
	v32 =	vsel vm11, v60, v20  }
0x536: {  	v20 =	vsel vm11, v20, v33;
	v28 =	vsel vm13, v28, v27;
	v27 =	vsel vm13, v27, v17  }
0x537: {  	v20 =	vsel vm12, v20, v26;
	v27 =	vsel vm14, v27, v21;
	v21 =	vsel vm14, v21, v17  }
0x538: {  	s31 =	sadd.s32 $0x3, s12;
	v26 =	vsel vm12, v26, v33;
	v21 =	vsel vm15, v21, v19;
	v19 =	vsel vm15, v19, v17  }
0x539: {  	v19 =	vsel vm8, v19, v15;
	v15 =	vsel vm8, v15, v17;
	v17 =	vmov s31  }
0x53a: {  	v26 =	vsel vm13, v26, v25;
	v25 =	vsel vm13, v25, v33;
	v17 =	vadd.s32 $0xC0, v17;
	v23 =	vld.idx.msk [tilespmem:v23+s2+$0x0], $0xffff  }
0x53b: {  	v25 =	vsel vm14, v25, v18;
	v18 =	vsel vm14, v18, v33;
	v17 =	vbroadcast v17, $0x0  }
0x53c: {  	v18 =	vsel vm15, v18, v24;
	v24 =	vsel vm15, v24, v33;
	v15 =	vsel vm9, v15, v16  }
0x53d: {  	v24 =	vsel vm8, v24, v22;
	v22 =	vsel vm8, v22, v33;
	v16 =	vshll.u32 v17, $0x3  }
0x53e: {  	v36 =	vsel vm10, v33, v58;
	v14 =	vsel vm9, v22, v14;
	v16 =	vand.u32 $0x7FFFFC00, v16  }
0x53f: {  	v22 =	vand.u32 $0x5F, v17;
	v16 =	vadd.s32 v4, v16;
	v23 =	vnsel vm0, $0xFF800000, v23  }
0x540: {  	v16 =	vor.u32 v22, v16;
	vm10 =	vgt.f32 v23, v35;
	vm11 =	vgt.f32 v23, v34  }
0x541: {  	vm12 =	vgt.f32 v23, v29;
	vm13 =	vgt.f32 v23, v28;
	vm14 =	vgt.f32 v23, v27  }
0x542: {  	vm15 =	vgt.f32 v23, v21;
	vm8 =	vgt.f32 v23, v19;
	vm9 =	vgt.f32 v23, v15  }
0x543: {  	v61 =	vsel vm10, v35, v23;
	v22 =	vsel vm10, v36, v31;
	v36 =	vsel vm10, v31, v36  }
0x544: {  	v33 =	vsel vm11, v61, v34;
	v22 =	vsel vm11, v22, v32;
	v34 =	vsel vm11, v34, v23  }
0x545: {  	v32 =	vsel vm11, v32, v31;
	v34 =	vsel vm12, v34, v29;
	v29 =	vsel vm12, v29, v23  }
0x546: {  	v32 =	vsel vm12, v32, v20;
	v37 =	vsel vm13, v29, v28;
	v28 =	vsel vm13, v28, v23  }
0x547: {  	v20 =	vsel vm12, v20, v31;
	v16 =	vld.idx.msk [tilespmem:v16+s2+$0x0], $0xffff;
	v38 =	vsel vm14, v28, v27;
	v27 =	vsel vm14, v27, v23  }
0x548: {  	v20 =	vsel vm13, v20, v26;
	v39 =	vsel vm15, v27, v21;
	v21 =	vsel vm15, v21, v23  }
0x549: {  	v27 =	vsel vm10, v23, v35;
	v62 =	vsel vm8, v21, v19;
	v19 =	vsel vm8, v19, v23  }
0x54a: {  	v21 =	vsel vm13, v26, v31;
	v40 =	vsel vm9, v19, v15;
	v15 =	vsel vm14, v25, v31  }
0x54b: {  	v23 =	vsel vm14, v21, v25;
	v41 =	vsel vm15, v15, v18;
	v15 =	vsel vm15, v18, v31  }
0x54c: {  	v42 =	vsel vm8, v15, v24;
	v15 =	vsel vm8, v24, v31;
	v31 =	vnsel vm0, $0xFF800000, v16  }
0x54d: {  	v14 =	vsel vm9, v15, v14;
	vm0 =	vgt.f32 v31, v27;
	vm10 =	vgt.f32 v31, v33  }
0x54e: {  	vm11 =	vgt.f32 v31, v34;
	vm12 =	vgt.f32 v31, v37;
	vm13 =	vgt.f32 v31, v38  }
0x54f: {  	vm14 =	vgt.f32 v31, v39;
	vm15 =	vgt.f32 v31, v62;
	vm7 =	vgt.f32 v31, v40  }
0x550: {  	v29 =	vsel vm0, v31, v27;
	v15 =	vsel vm0, v27, v31;
	v16 =	vsel vm0, v36, v17  }
0x551: {  	v63 =	vsel vm15, v42, v17;
	v28 =	vsel vm10, v15, v33;
	v26 =	vsel vm10, v16, v22  }
0x552: {  	v15 =	vsel vm10, v33, v31;
	v16 =	vsel vm11, v34, v31;
	v14 =	vsel vm7, v63, v14  }
0x553: {  	v27 =	vsel vm11, v15, v34;
	v15 =	vsel vm10, v22, v17;
	v21 =	vsel vm12, v16, v37  }
0x554: {  	p0 =	slt.u32 s12, $0x1C;
	v16 =	vsel vm12, v20, v17;
	v25 =	vsel vm11, v15, v32;
	v15 =	vsel vm11, v32, v17  }
.Ltmp14:
0x555: {  	v24 =	vsel vm13, v16, v23;
	v16 =	vsel vm13, v23, v17;
	v23 =	vsel vm14, v39, v31;
	(pc) =	sbr.rel @p0 .LBB2_31-.Ltmp14, $4  }
0x556: {  	v18 =	vsel vm12, v15, v20;
	v15 =	vsel vm12, v37, v31;
	v20 =	vsel vm0, v17, v36  }
0x557: {  	v22 =	vsel vm14, v16, v41;
	v16 =	vsel vm15, v23, v62;
	v23 =	vsel vm14, v41, v17  }
0x558: {  	v19 =	vsel vm13, v15, v38;
	v15 =	vsel vm13, v38, v31;
	v31 =	vsel vm15, v62, v31  }
0x559: {  	s12 =	sadd.s32 $0x4, s12;
	v23 =	vsel vm15, v23, v42;
	v15 =	vsel vm14, v15, v39;
	v17 =	vsel vm7, v31, v40  }
0x55a: {  	vm0 =	vge.f32 v10, v13;
	vm1 =	vge.f32 v11, v13  }
0x55b: {  	v10 =	vsel vm0, $0x3F800000, v2;
	v11 =	vsel vm1, $0x3F800000, v2  }
0x55c: {  	vm11 =	vge.f32 v7, v13;
	v10 =	vadd.f32 v11, v10  }
0x55d: {  	v7 =	vsel vm11, $0x3F800000, v2  }
0x55e: {  	vm12 =	vge.f32 v6, v13;
	v7 =	vadd.f32 v10, v7  }
0x55f: {  	v6 =	vsel vm12, $0x3F800000, v2  }
0x560: {  	vm13 =	vge.f32 v8, v13;
	v6 =	vadd.f32 v7, v6  }
0x561: {  	v7 =	vsel vm13, $0x3F800000, v2  }
0x562: {  	vm14 =	vge.f32 v9, v13;
	v6 =	vadd.f32 v6, v7  }
0x563: {  	v7 =	vsel vm14, $0x3F800000, v2  }
0x564: {  	vm15 =	vge.f32 v12, v13;
	v6 =	vadd.f32 v6, v7  }
0x565: {  	v7 =	vsel vm15, $0x3F800000, v2  }
0x566: {  	s12 =	simm.s32 $0x0;
	v6 =	vadd.f32 v6, v7  }
.LBB2_33:
0x567: {  	v7 =	vmov s12  }
0x568: {  	v7 =	vadd.s32 $0xE0, v7  }
0x569: {  	v7 =	vbroadcast v7, $0x0  }
0x56a: {  	s13 =	sadd.s32 $0x1, s12  }
0x56b: {  	v9 =	vmov s13;
	v8 =	vand.u32 $0x7C, v7  }
0x56c: {  	v9 =	vadd.s32 $0xE0, v9;
	v8 =	vor.u32 v8, v5  }
0x56d: {  	v9 =	vbroadcast v9, $0x0;
	_ =	sdelay $0x1  }
0x56e: {  	v10 =	vshll.u32 v9, $0x3  }
0x56f: {  	v10 =	vand.u32 $0x7FFFFC00, v10  }
0x570: {  	v12 =	vand.u32 $0x7D, v9;
	v10 =	vadd.s32 v4, v10;
	v8 =	vld.idx.msk [tilespmem:v8+s2+$0x0], $0xffff  }
0x571: {  	v10 =	vor.u32 v12, v10;
	_ =	sdelay $0x2  }
0x572: {  	vm0 =	vlt.f32 v6, $4.000000000e+00  }
0x573: {  	v8 =	vnsel vm0, $0xFF800000, v8  }
0x574: {  	v10 =	vld.idx.msk [tilespmem:v10+s2+$0x0], $0xffff;
	vm2 =	vgt.f32 v8, v29;
	vm3 =	vgt.f32 v8, v28;
	vm4 =	vgt.f32 v8, v27  }
0x575: {  	vm5 =	vgt.f32 v8, v21;
	vm6 =	vgt.f32 v8, v19;
	vm1 =	vgt.f32 v8, v15  }
0x576: {  	vm8 =	vgt.f32 v8, v16;
	vm9 =	vgt.f32 v8, v17;
	v11 =	vsel vm2, v8, v29  }
0x577: {  	v12 =	vsel vm2, v7, v20;
	v13 =	vsel vm2, v29, v8;
	v20 =	vsel vm2, v20, v7  }
0x578: {  	v13 =	vsel vm3, v13, v28;
	v20 =	vsel vm3, v20, v26;
	v28 =	vsel vm3, v28, v8  }
0x579: {  	v26 =	vsel vm3, v26, v7;
	v10 =	vnsel vm0, $0xFF800000, v10;
	v28 =	vsel vm4, v28, v27  }
0x57a: {  	v27 =	vsel vm4, v27, v8;
	v26 =	vsel vm4, v26, v25;
	v25 =	vsel vm4, v25, v7  }
0x57b: {  	vm10 =	vgt.f32 v10, v11;
	vm11 =	vgt.f32 v10, v13;
	v27 =	vsel vm5, v27, v21  }
0x57c: {  	v25 =	vsel vm5, v25, v18;
	v21 =	vsel vm5, v21, v8;
	v18 =	vsel vm5, v18, v7  }
0x57d: {  	vm12 =	vgt.f32 v10, v28;
	v21 =	vsel vm6, v21, v19;
	v18 =	vsel vm6, v18, v24  }
0x57e: {  	v19 =	vsel vm6, v19, v8;
	v24 =	vsel vm6, v24, v7;
	vm13 =	vgt.f32 v10, v27  }
0x57f: {  	v19 =	vsel vm1, v19, v15;
	v15 =	vsel vm1, v15, v8;
	v8 =	vsel vm8, v16, v8  }
0x580: {  	s30 =	sadd.s32 $0x2, s12;
	v24 =	vsel vm1, v24, v22;
	v22 =	vsel vm1, v22, v7;
	v7 =	vsel vm8, v23, v7  }
0x581: {  	vm14 =	vgt.f32 v10, v21;
	v15 =	vsel vm8, v15, v16;
	v16 =	vmov s30  }
0x582: {  	v22 =	vsel vm8, v22, v23;
	v8 =	vsel vm9, v8, v17;
	v16 =	vadd.s32 $0xE0, v16  }
0x583: {  	v7 =	vsel vm9, v7, v14;
	v23 =	vsel vm10, v11, v10;
	v16 =	vbroadcast v16, $0x0  }
0x584: {  	vm15 =	vgt.f32 v10, v19;
	v23 =	vsel vm11, v23, v13;
	v13 =	vsel vm11, v13, v10  }
0x585: {  	v13 =	vsel vm12, v13, v28;
	v28 =	vsel vm12, v28, v10;
	v14 =	vshll.u32 v16, $0x3  }
0x586: {  	v11 =	vsel vm10, v10, v11;
	v28 =	vsel vm13, v28, v27;
	v14 =	vand.u32 $0x7FFFFC00, v14  }
0x587: {  	v27 =	vsel vm13, v27, v10;
	v17 =	vand.u32 $0x7E, v16;
	v14 =	vadd.s32 v4, v14  }
0x588: {  	v27 =	vsel vm14, v27, v21;
	v21 =	vsel vm14, v21, v10;
	v14 =	vor.u32 v17, v14  }
0x589: {  	vm8 =	vgt.f32 v10, v15;
	v21 =	vsel vm15, v21, v19;
	v19 =	vsel vm15, v19, v10  }
0x58a: {  	s31 =	sadd.s32 $0x3, s12;
	vm9 =	vgt.f32 v10, v8;
	v10 =	vsel vm8, v15, v10;
	v19 =	vsel vm8, v19, v15  }
0x58b: {  	v15 =	vmov s31;
	v8 =	vsel vm9, v10, v8;
	v17 =	vsel vm10, v12, v9  }
0x58c: {  	v15 =	vadd.s32 $0xE0, v15;
	v17 =	vsel vm11, v17, v20;
	v20 =	vsel vm11, v20, v9  }
0x58d: {  	v30 =	vbroadcast v15, $0x0;
	v20 =	vsel vm12, v20, v26;
	v26 =	vsel vm12, v26, v9;
	v14 =	vld.idx.msk [tilespmem:v14+s2+$0x0], $0xffff  }
0x58e: {  	v12 =	vsel vm10, v9, v12;
	v26 =	vsel vm13, v26, v25;
	v25 =	vsel vm13, v25, v9  }
0x58f: {  	v51 =	vshll.u32 v30, $0x3;
	v25 =	vsel vm14, v25, v18;
	v18 =	vsel vm14, v18, v9  }
0x590: {  	v18 =	vsel vm15, v18, v24;
	v24 =	vsel vm15, v24, v9;
	v9 =	vsel vm8, v22, v9  }
0x591: {  	v52 =	vand.u32 $0x7F, v30;
	v7 =	vsel vm9, v9, v7;
	v9 =	vand.u32 $0x7FFFFC00, v51  }
0x592: {  	v24 =	vsel vm8, v24, v22;
	v9 =	vadd.s32 v4, v9;
	v14 =	vnsel vm0, $0xFF800000, v14  }
0x593: {  	v9 =	vor.u32 v52, v9;
	vm10 =	vgt.f32 v14, v11;
	vm11 =	vgt.f32 v14, v23  }
0x594: {  	vm12 =	vgt.f32 v14, v13;
	vm13 =	vgt.f32 v14, v28;
	vm14 =	vgt.f32 v14, v27  }
0x595: {  	vm15 =	vgt.f32 v14, v21;
	vm8 =	vgt.f32 v14, v19;
	vm9 =	vgt.f32 v14, v8  }
0x596: {  	v15 =	vsel vm10, v11, v14;
	v53 =	vsel vm10, v12, v16;
	v22 =	vsel vm11, v23, v14  }
0x597: {  	v11 =	vsel vm10, v14, v11;
	v12 =	vsel vm10, v16, v12;
	v15 =	vsel vm11, v15, v23  }
0x598: {  	v10 =	vsel vm11, v53, v17;
	v22 =	vsel vm12, v22, v13;
	v17 =	vsel vm11, v17, v16  }
0x599: {  	v13 =	vsel vm12, v13, v14;
	v23 =	vsel vm13, v28, v14;
	v17 =	vsel vm12, v17, v20  }
0x59a: {  	v9 =	vld.idx.msk [tilespmem:v9+s2+$0x0], $0xffff;
	v23 =	vsel vm14, v23, v27;
	v27 =	vsel vm14, v27, v14;
	v20 =	vsel vm12, v20, v16  }
0x59b: {  	v31 =	vsel vm15, v27, v21;
	v21 =	vsel vm15, v21, v14;
	v14 =	vsel vm8, v19, v14  }
0x59c: {  	v32 =	vsel vm8, v21, v19;
	v19 =	vsel vm13, v20, v26;
	v20 =	vsel vm13, v26, v16  }
0x59d: {  	v8 =	vsel vm9, v14, v8;
	v14 =	vsel vm14, v20, v25;
	v20 =	vsel vm14, v25, v16  }
0x59e: {  	v13 =	vsel vm13, v13, v28;
	v33 =	vsel vm15, v20, v18;
	v18 =	vsel vm15, v18, v16  }
0x59f: {  	v16 =	vsel vm8, v24, v16;
	v9 =	vnsel vm0, $0xFF800000, v9;
	v34 =	vsel vm8, v18, v24  }
0x5a0: {  	v7 =	vsel vm9, v16, v7;
	vm0 =	vgt.f32 v9, v11;
	vm10 =	vgt.f32 v9, v15  }
0x5a1: {  	vm11 =	vgt.f32 v9, v22;
	vm12 =	vgt.f32 v9, v13;
	vm13 =	vgt.f32 v9, v23  }
0x5a2: {  	vm14 =	vgt.f32 v9, v31;
	vm15 =	vgt.f32 v9, v32;
	vm7 =	vgt.f32 v9, v8  }
0x5a3: {  	v29 =	vsel vm0, v9, v11;
	v11 =	vsel vm0, v11, v9;
	v16 =	vsel vm0, v12, v30  }
0x5a4: {  	v54 =	vsel vm10, v15, v9;
	v55 =	vsel vm11, v22, v9;
	v56 =	vsel vm11, v17, v30  }
0x5a5: {  	v57 =	vsel vm12, v13, v9;
	v58 =	vsel vm12, v19, v30;
	v59 =	vsel vm13, v23, v9  }
0x5a6: {  	v60 =	vsel vm13, v14, v30;
	v61 =	vsel vm14, v31, v9;
	v20 =	vsel vm0, v30, v12  }
0x5a7: {  	p0 =	slt.u32 s12, $0x1C;
	v62 =	vsel vm14, v33, v30;
	v9 =	vsel vm15, v32, v9;
	v63 =	vsel vm15, v34, v30  }
.Ltmp15:
0x5a8: {  	v28 =	vsel vm10, v11, v15;
	v26 =	vsel vm10, v16, v10;
	v27 =	vsel vm11, v54, v22;
	(pc) =	sbr.rel @p0 .LBB2_33-.Ltmp15, $4  }
0x5a9: {  	v10 =	vsel vm10, v10, v30;
	v21 =	vsel vm12, v55, v13;
	v18 =	vsel vm12, v56, v19  }
0x5aa: {  	v19 =	vsel vm13, v57, v23;
	v24 =	vsel vm13, v58, v14;
	v15 =	vsel vm14, v59, v31  }
0x5ab: {  	v22 =	vsel vm14, v60, v33;
	v16 =	vsel vm15, v61, v32;
	v23 =	vsel vm15, v62, v34  }
0x5ac: {  	s12 =	sadd.s32 $0x4, s12;
	v14 =	vsel vm7, v63, v7;
	v25 =	vsel vm11, v10, v17;
	v17 =	vsel vm7, v9, v8  }
0x5ad: {  	v4 =	vsub.f32 $0.0e+00, v29;
	_ =	sdelay $0x1  }
0x5ae: {  	v4 =	vmul.f32 $1.442695020e+00, v4;
	_ =	sdelay $0x1  }
0x5af: {  	(erf) = vpow2.f32 v4;
	_ =	sdelay $0x8  }
0x5b0: {  	v5 =	vsub.f32 $0.0e+00, v28;
	v4 =	vpop (erf)  }
0x5b1: {  	v4 =	vadd.f32 $1.000000000e+00, v4  }
0x5b2: {  	v5 =	vmul.f32 $1.442695020e+00, v5  }
0x5b3: {  	(erf) = vrcp.f32 v4  }
0x5b4: {  	(erf) = vpow2.f32 v5;
	_ =	sdelay $0x7  }
0x5b5: {  	v4 =	vpop (erf)  }
0x5b6: {  	v6 =	vsub.f32 $0.0e+00, v27;
	v5 =	vpop (erf)  }
0x5b7: {  	v5 =	vadd.f32 $1.000000000e+00, v5  }
0x5b8: {  	v6 =	vmul.f32 $1.442695020e+00, v6  }
0x5b9: {  	(erf) = vrcp.f32 v5  }
0x5ba: {  	(erf) = vpow2.f32 v6;
	_ =	sdelay $0x7  }
0x5bb: {  	v5 =	vpop (erf)  }
0x5bc: {  	v7 =	vsub.f32 $0.0e+00, v21;
	v6 =	vpop (erf)  }
0x5bd: {  	v6 =	vadd.f32 $1.000000000e+00, v6  }
0x5be: {  	v7 =	vmul.f32 $1.442695020e+00, v7  }
0x5bf: {  	(erf) = vrcp.f32 v6  }
0x5c0: {  	(erf) = vpow2.f32 v7;
	_ =	sdelay $0x7  }
0x5c1: {  	v6 =	vpop (erf)  }
0x5c2: {  	v8 =	vsub.f32 $0.0e+00, v19;
	v7 =	vpop (erf)  }
0x5c3: {  	v7 =	vadd.f32 $1.000000000e+00, v7  }
0x5c4: {  	v8 =	vmul.f32 $1.442695020e+00, v8  }
0x5c5: {  	(erf) = vrcp.f32 v7  }
0x5c6: {  	(erf) = vpow2.f32 v8;
	_ =	sdelay $0x7  }
0x5c7: {  	v7 =	vpop (erf)  }
0x5c8: {  	v9 =	vsub.f32 $0.0e+00, v15;
	v8 =	vpop (erf)  }
0x5c9: {  	v8 =	vadd.f32 $1.000000000e+00, v8  }
0x5ca: {  	v9 =	vmul.f32 $1.442695020e+00, v9  }
0x5cb: {  	(erf) = vrcp.f32 v8  }
0x5cc: {  	(erf) = vpow2.f32 v9;
	_ =	sdelay $0x7  }
0x5cd: {  	v8 =	vpop (erf)  }
0x5ce: {  	v10 =	vsub.f32 $0.0e+00, v16;
	v9 =	vpop (erf)  }
0x5cf: {  	v9 =	vadd.f32 $1.000000000e+00, v9  }
0x5d0: {  	v10 =	vmul.f32 $1.442695020e+00, v10  }
0x5d1: {  	(erf) = vrcp.f32 v9  }
0x5d2: {  	(erf) = vpow2.f32 v10;
	_ =	sdelay $0x7  }
0x5d3: {  	v9 =	vpop (erf)  }
0x5d4: {  	v11 =	vsub.f32 $0.0e+00, v17;
	v10 =	vpop (erf)  }
0x5d5: {  	v10 =	vadd.f32 $1.000000000e+00, v10  }
0x5d6: {  	v11 =	vmul.f32 $1.442695020e+00, v11  }
0x5d7: {  	(erf) = vrcp.f32 v10  }
0x5d8: {  	(erf) = vpow2.f32 v11;
	_ =	sdelay $0x7  }
0x5d9: {  	v10 =	vpop (erf)  }
0x5da: {  	v11 =	vpop (erf)  }
0x5db: {  	v12 =	vadd.f32 v5, v4;
	v11 =	vadd.f32 $1.000000000e+00, v11;
	_ =	sdelay $0x1  }
0x5dc: {  	v50 =	vadd.f32 v6, v12;
	(erf) = vrcp.f32 v11;
	_ =	sdelay $0x1  }
0x5dd: {  	v11 =	vadd.f32 v7, v50;
	_ =	sdelay $0x1  }
0x5de: {  	v11 =	vadd.f32 v8, v11;
	_ =	sdelay $0x1  }
0x5df: {  	v11 =	vadd.f32 v9, v11;
	_ =	sdelay $0x1  }
0x5e0: {  	v11 =	vadd.f32 v10, v11  }
0x5e1: {  	v51 =	vpop (erf)  }
0x5e2: {  	v11 =	vadd.f32 v51, v11;
	_ =	sdelay $0x1  }
0x5e3: {  	v11 =	vadd.f32 $9.999999680e-21, v11;
	_ =	sdelay $0x1  }
0x5e4: {  	(erf) = vrcp.f32 v11;
	_ =	sdelay $0x7  }
0x5e5: {  	v3 =	vshll.u32 v3, $0x7  }
0x5e6: {  	v11 =	vpop (erf)  }
0x5e7: {  	v13 =	vor.u32 $0x1, v3;
	v11 =	vmul.f32 $2.500000000e+00, v11;
	_ =	sdelay $0x1  }
0x5e8: {  	v52 =	vor.u32 $0x2, v3;
	v4 =	vmul.f32 v11, v4  }
0x5e9: {  	[tilespmem:v3+s8+$0x0] =	vst.idx.msk $0xffff, v20  }
0x5ea: {  	v54 =	vor.u32 $0x3, v3;
	v53 =	vmul.f32 v11, v5;
	[tilespmem:v3+s9+$0x0] =	vst.idx.msk $0xffff, v4  }
0x5eb: {  	[tilespmem:v13+s8+$0x0] =	vst.idx.msk $0xffff, v26  }
0x5ec: {  	v56 =	vor.u32 $0x4, v3;
	v55 =	vmul.f32 v11, v6;
	[tilespmem:v13+s9+$0x0] =	vst.idx.msk $0xffff, v53  }
0x5ed: {  	[tilespmem:v52+s8+$0x0] =	vst.idx.msk $0xffff, v25  }
0x5ee: {  	v58 =	vor.u32 $0x5, v3;
	v57 =	vmul.f32 v11, v7;
	[tilespmem:v52+s9+$0x0] =	vst.idx.msk $0xffff, v55  }
0x5ef: {  	[tilespmem:v54+s8+$0x0] =	vst.idx.msk $0xffff, v18  }
0x5f0: {  	v60 =	vor.u32 $0x6, v3;
	v59 =	vmul.f32 v11, v8;
	[tilespmem:v54+s9+$0x0] =	vst.idx.msk $0xffff, v57  }
0x5f1: {  	[tilespmem:v56+s8+$0x0] =	vst.idx.msk $0xffff, v24  }
0x5f2: {  	s11 =	sadd.s32 $0x1, s11;
	v61 =	vmul.f32 v11, v9;
	v3 =	vor.u32 $0x7, v3;
	[tilespmem:v56+s9+$0x0] =	vst.idx.msk $0xffff, v59  }
0x5f3: {  	p0 =	sne.s32 s11, $0xB;
	[tilespmem:v58+s8+$0x0] =	vst.idx.msk $0xffff, v22  }
.Ltmp16:
0x5f4: {  	v62 =	vmul.f32 v11, v10;
	[tilespmem:v58+s9+$0x0] =	vst.idx.msk $0xffff, v61;
	(pc) =	sbr.rel @p0 .LBB2_2-.Ltmp16, $4  }
0x5f5: {  	[tilespmem:v60+s8+$0x0] =	vst.idx.msk $0xffff, v23  }
0x5f6: {  	v63 =	vmul.f32 v11, v51;
	[tilespmem:v60+s9+$0x0] =	vst.idx.msk $0xffff, v62  }
0x5f7: {  	[tilespmem:v3+s8+$0x0] =	vst.idx.msk $0xffff, v14  }
0x5f8: {  	[tilespmem:v3+s9+$0x0] =	vst.idx.msk $0xffff, v63  }
0x5f9: {  	[hbm4b:s4+s2] =	stream.linear.scatter [tilespmem:s8], [sflag:$0x1], $0x5800, $0x38;
	[tilespmem:$0x16000] =	vst v63  }
0x5fa: {  	s10 =	sadd.s32 $0x1, s10;
	_ =	swait.ge [sflag:s7], $0x5800  }
0x5fb: {  	p0 =	sne.s32 s10, s6;
	[sflag:s7] =	ssyncset.done $0x0  }
.Ltmp17:
0x5fc: {  	[sflag:s7] =	ssyncadd.s32 $0xFFFFA800;
	(pc) =	sbr.rel @p0 .LBB2_1-.Ltmp17, $4  }
0x5fd: {  	[hbm4b:s5+s2] =	stream.linear.scatter [tilespmem:s9], [sflag:$0x1], $0x5800, $0x38;
	[tilespmem:$0x16000] =	vst v63  }
0x5fe: {  	_ =	swait.ge [sflag:s7], $0x5800  }
0x5ff: {  	[sflag:s7] =	ssyncset.done $0x0  }
0x600: {  	[sflag:s7] =	ssyncadd.s32 $0xFFFFA800  }
0x601: {  	_ =	sfence.sel $0x180000  }
0x602: {  	[bflag:$0x0] =	sbarrier.arrive $0xFFFF  }
0x603: {  	p0 =	sne.s32 s0, $0x0;
	_ =	strace $0x90000047  }
0x604: {  	s0 =	sadd.s32 @!p0 $0x100000, s1;
	[bflag:$0x2] =	sbarrier.arrive $0xFFFF  }
0x605: {  	[sflag:s0] =	ssyncadd.tile.s32 @!p0 $0x1;
	_ =	shalt  }
.Lfunc_end2:
_tile_overlayer_lowered:
.L_overlay_start_2:
0x606: {  	(tag) =	ssettag $0x2  }
0x607: {  	s0 =	rddreg [dreg:$0x0];
	s2 =	stileid.u32  }
0x608: {  	s1 =	rddreg [dreg:$0x1];
	p0 =	sne.s32 s2, $0x0  }
0x609: {  	s3 =	rddreg [dreg:$0x2];
	[bflag:$0x3] =	sbarrier.arrive $0xFFFF;
	s2 =	simm.s32 @!p0 $0x1C01  }
0x60a: {  	[timem:s3], [sflag:s2] =	dma.local @!p0 [hbm:s0], s1  }
0x60b: {  	s0 =	simm.s32 @!p0 $0x1  }
0x60c: {  	_ =	swait.ge @!p0 [sflag:s0], s1  }
0x60d: {  	s1 =	ssub.s32 @!p0 $0x0, s1;
	[sflag:s0] =	ssyncset.done @!p0 $0x0  }
0x60e: {  	[sflag:s0] =	ssyncadd.s32 @!p0 s1  }
0x60f: {  	[bflag:$0x3] =	sbarrier.arrive $0xFFFF  }
0x610: {  	_ =	shalt  }

</sc_bundles>
